<compile_context>
chip_gen: v7x
topology: tpu7x:2x2x1
jax: 0.10.2.dev20260603
libtpu: 0.0.44.dev20260713+nightly
codegen_flags: <defaults>
</compile_context>

<pallas_src>
import functools

import jax
import jax.numpy as jnp
from jax import lax
from jax.experimental import pallas as pl
from jax.experimental.pallas import tpu as pltpu
from jax.experimental.pallas import tpu_sc as plsc

N = 10000
E = 320000
D = 128
H = 16
G = 64

NPAD = 10240
ET = E + N
NT = 32
BLK = 128
NB = 82
EPAD = NT * NB * BLK
SLICE = NPAD // 16
NEG = -1e30



def _prep_body(x_ref, ei_ref, eac_ref, W1_ref, as1_ref, ad1_ref, cs1_ref,
               cs2_ref, h1_ref, ss1_ref, sd1_ref, et1_ref, et2_ref,
               src_ref, dst_ref, m1_ref, met2_ref):
    f32 = jnp.float32
    h = jnp.dot(x_ref[...], W1_ref[...], preferred_element_type=f32)
    h1_ref[0:N, :] = h
    h1_ref[N:NPAD, :] = jnp.zeros((NPAD - N, H), f32)
    ss = jnp.sum(h * as1_ref[...], axis=1, keepdims=True)
    sd = jnp.sum(h * ad1_ref[...], axis=1, keepdims=True)
    ss1_ref[0:N, :] = ss
    ss1_ref[N:NPAD, :] = jnp.zeros((NPAD - N, 1), f32)
    sd1_ref[0:N, :] = sd
    sd1_ref[N:NPAD, :] = jnp.zeros((NPAD - N, 1), f32)

    erows = E // BLK
    lrows = EPAD // BLK - erows
    idx = (lax.broadcasted_iota(jnp.int32, (EPAD // BLK, BLK), 0) * BLK
           + lax.broadcasted_iota(jnp.int32, (EPAD // BLK, BLK), 1))

    zrows = jnp.zeros((lrows, BLK), jnp.int32)
    loopidx = jnp.where((idx >= E) & (idx < ET), idx - E, 0)
    src_ref[...] = jnp.where(
        idx < E, jnp.concatenate([ei_ref[0], zrows], axis=0), loopidx)
    dst_ref[...] = jnp.where(
        idx < E, jnp.concatenate([ei_ref[1], zrows], axis=0), loopidx)

    ea = eac_ref[...]
    mea = jnp.mean(ea, axis=(1, 2), keepdims=True)

    def edge_term(cs):
        v = jnp.sum(ea * cs, axis=0)
        lt = jnp.sum(mea * cs, axis=0)
        full = jnp.concatenate(
            [v, jnp.broadcast_to(lt, (lrows, BLK))], axis=0)
        return jnp.where(idx < ET, full, NEG)

    et1 = edge_term(cs1_ref[...])
    et2 = edge_term(cs2_ref[...])
    et1_ref[...] = et1
    et2_ref[...] = et2

    b1 = jnp.max(ss) + jnp.max(sd) + jnp.max(et1)
    m1 = jnp.maximum(b1, 0.2 * b1)
    m1_ref[...] = jnp.broadcast_to(m1, (8, 128))
    met2_ref[...] = jnp.broadcast_to(jnp.max(et2), (8, 128))


def _mid_body(o1_ref, s1_ref, b1_ref, g1_ref, bt1_ref, W2_ref, as2_ref,
              ad2_ref, met2_ref, h2_ref, ss2_ref, sd2_ref, m2_ref):
    f32 = jnp.float32
    den = jnp.maximum(s1_ref[0] + s1_ref[1], 1e-30)
    o = (o1_ref[0] + o1_ref[1]) / den
    y = jnp.maximum(o + b1_ref[...], 0.0)
    rows = lax.broadcasted_iota(jnp.int32, (NPAD, 1), 0)
    mask = (rows < N).astype(f32)
    ym = y * mask
    mu = jnp.sum(ym, axis=0, keepdims=True) / N
    va = jnp.sum(((y - mu) ** 2) * mask, axis=0, keepdims=True) / N
    hbn = (y - mu) / jnp.sqrt(va + 1e-5) * g1_ref[...] + bt1_ref[...]
    h2 = jnp.dot(hbn, W2_ref[...], preferred_element_type=f32) * mask
    h2_ref[...] = h2
    ss = jnp.sum(h2 * as2_ref[...], axis=1, keepdims=True)
    sd = jnp.sum(h2 * ad2_ref[...], axis=1, keepdims=True)
    ss2_ref[...] = ss
    sd2_ref[...] = sd
    b2 = jnp.max(ss) + jnp.max(sd) + jnp.max(met2_ref[...])
    m2 = jnp.maximum(b2, 0.2 * b2)
    m2_ref[...] = jnp.broadcast_to(m2, (8, 128))


def _tail_body(o2_ref, s2_ref, b2_ref, bp_ref, gl1_ref, bl1_ref, Wl1_ref,
               bll1_ref, gl2_ref, bl2_ref, Wl2_ref, bll2_ref, gl3_ref,
               bl3_ref, Wl3_ref, bll3_ref, Wo_ref, bo_ref, out_ref):
    f32 = jnp.float32
    den = jnp.maximum(s2_ref[0] + s2_ref[1], 1e-30)
    o = (o2_ref[0] + o2_ref[1]) / den
    y = jnp.maximum(o + b2_ref[...], 0.0)
    rows = lax.broadcasted_iota(jnp.int32, (NPAD, 1), 0)
    mask = (rows < N).astype(f32)
    y = y * mask
    gi = lax.broadcasted_iota(jnp.int32, (1, G), 1)
    oh = (bp_ref[...] == gi).astype(f32)
    dn = (((0,), (0,)), ((), ()))
    cnt = jnp.maximum(
        lax.dot_general(oh, mask, dn, preferred_element_type=f32), 1.0)
    xe = lax.dot_general(oh, y, dn, preferred_element_type=f32) / cnt

    def bn(z, g, b):
        mu = jnp.mean(z, axis=0, keepdims=True)
        va = jnp.mean((z - mu) ** 2, axis=0, keepdims=True)
        return (z - mu) / jnp.sqrt(va + 1e-5) * g + b

    z = bn(xe, gl1_ref[...], bl1_ref[...])
    z = jnp.maximum(
        jnp.dot(z, Wl1_ref[...], preferred_element_type=f32)
        + bll1_ref[...], 0.0)
    z = bn(jnp.concatenate([z, xe], axis=1), gl2_ref[...], bl2_ref[...])
    z = jnp.maximum(
        jnp.dot(z, Wl2_ref[...], preferred_element_type=f32)
        + bll2_ref[...], 0.0)
    z = bn(jnp.concatenate([z, xe], axis=1), gl3_ref[...], bl3_ref[...])
    z = jnp.maximum(
        jnp.dot(z, Wl3_ref[...], preferred_element_type=f32)
        + bll3_ref[...], 0.0)
    out_ref[...] = (jnp.dot(z, Wo_ref[...], preferred_element_type=f32)
                    + bo_ref[...])


_prep = pl.pallas_call(
    _prep_body,
    out_shape=[
        jax.ShapeDtypeStruct((NPAD, H), jnp.float32),
        jax.ShapeDtypeStruct((NPAD, 1), jnp.float32),
        jax.ShapeDtypeStruct((NPAD, 1), jnp.float32),
        jax.ShapeDtypeStruct((EPAD // BLK, BLK), jnp.float32),
        jax.ShapeDtypeStruct((EPAD // BLK, BLK), jnp.float32),
        jax.ShapeDtypeStruct((EPAD // BLK, BLK), jnp.int32),
        jax.ShapeDtypeStruct((EPAD // BLK, BLK), jnp.int32),
        jax.ShapeDtypeStruct((8, 128), jnp.float32),
        jax.ShapeDtypeStruct((8, 128), jnp.float32),
    ])

_mid = pl.pallas_call(
    _mid_body,
    out_shape=[
        jax.ShapeDtypeStruct((NPAD, H), jnp.float32),
        jax.ShapeDtypeStruct((NPAD, 1), jnp.float32),
        jax.ShapeDtypeStruct((NPAD, 1), jnp.float32),
        jax.ShapeDtypeStruct((8, 128), jnp.float32),
    ])

_tail = pl.pallas_call(
    _tail_body,
    out_shape=jax.ShapeDtypeStruct((G, 1), jnp.float32))



def _gat_body(src_hbm, dst_hbm, et_hbm, ss_hbm, sd_hbm, m_hbm, h_hbm,
              out_hbm, ssum_hbm,
              src_v, dst_v, et_v, ss_v, sd_v, m_v, rows_a, rows_b, w_a,
              w_b, zb_v, ob_v, out_sh, ssum_sh, gsem_a, gsem_b,
              osem_a, osem_b, wsem_a, wsem_b):
    cid = lax.axis_index("c")
    sid = lax.axis_index("s")
    wid = cid * 16 + sid
    pltpu.sync_copy(src_hbm.at[wid], src_v)
    pltpu.async_copy(h_hbm.at[src_v.at[0]], rows_a, gsem_a)
    pltpu.sync_copy(dst_hbm.at[wid], dst_v)
    pltpu.sync_copy(et_hbm.at[wid], et_v)
    pltpu.sync_copy(ss_hbm, ss_v)
    pltpu.sync_copy(sd_hbm, sd_v)
    pltpu.sync_copy(m_hbm, m_v)

    def zloop(i, c):
        ob_v[i, :] = jnp.zeros((16,), jnp.float32)
        return c
    lax.fori_loop(0, SLICE, zloop, 0)

    def zloop2(i, c):
        zb_v[pl.ds(i * 16, 16)] = jnp.zeros((16,), jnp.float32)
        return c
    lax.fori_loop(0, SLICE // 16, zloop2, 0)
    pltpu.sync_copy(ob_v, out_sh.at[pl.ds(sid * SLICE, SLICE)])
    pltpu.sync_copy(zb_v, ssum_sh.at[pl.ds(sid * SLICE, SLICE)])
    plsc.subcore_barrier()

    mvec = m_v[...]
    bufs = ((rows_a, gsem_a, w_a, osem_a, wsem_a),
            (rows_b, gsem_b, w_b, osem_b, wsem_b))

    def pair(g, c):
        for i in range(2):
            rv, gs, wv, osem, wsem = bufs[i]
            orv, ogs, owv, oosem, owsem = bufs[1 - i]
            b = g * 2 + i

            @pl.when(b + 1 < NB)
            def _():
                pltpu.async_copy(h_hbm.at[src_v.at[b + 1]], orv, ogs)
            pltpu.make_async_copy(h_hbm.at[src_v.at[b]], rv, gs).wait()

            @plsc.parallel_loop(0, BLK // 16, unroll=4)
            def vec(j):
                s16 = src_v[b, pl.ds(j * 16, 16)]
                d16 = dst_v[b, pl.ds(j * 16, 16)]
                a = (plsc.load_gather(ss_v, [s16])
                     + plsc.load_gather(sd_v, [d16])
                     + et_v[b, pl.ds(j * 16, 16)])
                a = jnp.maximum(a, 0.2 * a)
                p16 = jnp.exp(a - mvec)
                wv[pl.ds(j * 16, 16)] = p16
                for t in range(16):
                    e = j * 16 + t
                    we = plsc.load_gather(
                        wv, [jnp.full((16,), e, jnp.int32)])
                    rv[e, :] = rv[e, :] * we
            pltpu.sync_copy(rv, out_sh.at[dst_v.at[b]], add=True)
            pltpu.sync_copy(wv, ssum_sh.at[dst_v.at[b]], add=True)
        return c
    lax.fori_loop(0, NB // 2, pair, 0)

    plsc.subcore_barrier()
    pltpu.sync_copy(out_sh.at[pl.ds(sid * SLICE, SLICE)], ob_v)
    pltpu.sync_copy(ob_v, out_hbm.at[cid, pl.ds(sid * SLICE, SLICE)])
    pltpu.sync_copy(ssum_sh.at[pl.ds(sid * SLICE, SLICE)], zb_v)
    pltpu.sync_copy(zb_v, ssum_hbm.at[cid, pl.ds(sid * SLICE, SLICE)])


@functools.lru_cache(maxsize=None)
def _sc_kernels():
    mesh = plsc.VectorSubcoreMesh(core_axis_name="c", subcore_axis_name="s")
    params = pltpu.CompilerParams(needs_layout_passes=False,
                                  use_tc_tiling_on_sc=False)
    gat = pl.kernel(
        _gat_body,
        compiler_params=params,
        out_type=[
            jax.ShapeDtypeStruct((2, NPAD, H), jnp.float32),
            jax.ShapeDtypeStruct((2, NPAD), jnp.float32),
        ],
        mesh=mesh,
        scratch_types=[
            pltpu.VMEM((NB, BLK), jnp.int32),
            pltpu.VMEM((NB, BLK), jnp.int32),
            pltpu.VMEM((NB, BLK), jnp.float32),
            pltpu.VMEM((NPAD,), jnp.float32),
            pltpu.VMEM((NPAD,), jnp.float32),
            pltpu.VMEM((16,), jnp.float32),
            pltpu.VMEM((BLK, H), jnp.float32),
            pltpu.VMEM((BLK, H), jnp.float32),
            pltpu.VMEM((BLK,), jnp.float32),
            pltpu.VMEM((BLK,), jnp.float32),
            pltpu.VMEM((SLICE,), jnp.float32),
            pltpu.VMEM((SLICE, H), jnp.float32),
            pltpu.VMEM_SHARED((NPAD, H), jnp.float32),
            pltpu.VMEM_SHARED((NPAD,), jnp.float32),
            pltpu.SemaphoreType.DMA,
            pltpu.SemaphoreType.DMA,
            pltpu.SemaphoreType.DMA,
            pltpu.SemaphoreType.DMA,
            pltpu.SemaphoreType.DMA,
            pltpu.SemaphoreType.DMA,
        ])
    return gat



def kernel(x, edge_index, edge_attr, batch, W1, as1, ad1, We1, ae1, b1, g1,
           bt1, W2, as2, ad2, We2, ae2, b2, gl1, bl1, Wl1, bll1, gl2, bl2,
           Wl2, bll2, gl3, bl3, Wl3, bll3, Wo, bo):
    r2 = lambda v: v.reshape(1, -1)
    ei = edge_index.astype(jnp.int32).reshape(2, E // BLK, BLK)
    eac = edge_attr.T.reshape(2, E // BLK, BLK)
    cs1 = (We1 @ ae1).reshape(2, 1, 1)
    cs2 = (We2 @ ae2).reshape(2, 1, 1)

    _gat = _sc_kernels()
    h1, ss1, sd1, et1, et2, src_o, dst_o, m1, met2 = _prep(
        x, ei, eac, W1, r2(as1), r2(ad1), cs1, cs2)
    ss1 = ss1.reshape(NPAD)
    sd1 = sd1.reshape(NPAD)
    et1t = et1.reshape(NT, NB, BLK)
    et2t = et2.reshape(NT, NB, BLK)
    src_t = src_o.reshape(NT, NB, BLK)
    dst_t = dst_o.reshape(NT, NB, BLK)
    m1v = m1[0, :16].reshape(16)

    out1, ssum1 = _gat(src_t, dst_t, et1t, ss1, sd1, m1v, h1)
    h2, ss2, sd2, m2 = _mid(
        out1, ssum1.reshape(2, NPAD, 1), r2(b1), r2(g1), r2(bt1), W2,
        r2(as2), r2(ad2), met2)
    m2v = m2[0, :16].reshape(16)

    out2, ssum2 = _gat(src_t, dst_t, et2t, ss2.reshape(NPAD),
                       sd2.reshape(NPAD), m2v, h2)

    bp = jnp.pad(batch.astype(jnp.int32), (0, NPAD - N),
                 constant_values=G).reshape(NPAD, 1)
    return _tail(out2, ssum2.reshape(2, NPAD, 1), r2(b2), bp, r2(gl1),
                 r2(bl1), Wl1, r2(bll1), r2(gl2), r2(bl2), Wl2, r2(bll2),
                 r2(gl3), r2(bl3), Wl3, r2(bll3), Wo, r2(bo))

# --- scband reference (transcript-rebuilt; emitter-appended) ---
"""Pipeline reference for scband-gat-d2-rl-critic-33844342293319 (READ-ONLY COPY).

The authoritative reference and input builder live on the scoring server;
editing this copy changes nothing except your own understanding.
"""

import jax, jax.numpy as jnp
import numpy as np

N = 10000
E = 320000
D = 128
H = 16
G = 64

def setup_inputs(seed: int = 0):
    key = jax.random.key(seed)
    ks = jax.random.split(key, 24)
    def rn(i, shape, s=0.1):
        return jax.random.normal(ks[i], shape, jnp.float32) * s
    inp = {}
    inp['x'] = jax.random.normal(ks[0], (N, D), jnp.float32)
    inp['edge_index'] = jax.random.randint(ks[1], (2, E), 0, N)
    inp['edge_attr'] = jax.random.normal(ks[2], (E, 2), jnp.float32)
    inp['batch'] = jnp.sort(jax.random.randint(ks[3], (N,), 0, G))
    inp['W1'] = rn(4, (D, H)); inp['as1'] = rn(5, (H,)); inp['ad1'] = rn(6, (H,))
    inp['We1'] = rn(7, (2, H)); inp['ae1'] = rn(8, (H,)); inp['b1'] = jnp.zeros((H,), jnp.float32)
    inp['g1'] = jnp.ones((H,), jnp.float32); inp['bt1'] = jnp.zeros((H,), jnp.float32)
    inp['W2'] = rn(9, (H, H)); inp['as2'] = rn(10, (H,)); inp['ad2'] = rn(11, (H,))
    inp['We2'] = rn(12, (2, H)); inp['ae2'] = rn(13, (H,)); inp['b2'] = jnp.zeros((H,), jnp.float32)
    inp['gl1'] = jnp.ones((H,), jnp.float32); inp['bl1'] = jnp.zeros((H,), jnp.float32)
    inp['Wl1'] = rn(14, (H, H)); inp['bll1'] = jnp.zeros((H,), jnp.float32)
    inp['gl2'] = jnp.ones((2 * H,), jnp.float32); inp['bl2'] = jnp.zeros((2 * H,), jnp.float32)
    inp['Wl2'] = rn(15, (2 * H, H)); inp['bll2'] = jnp.zeros((H,), jnp.float32)
    inp['gl3'] = jnp.ones((2 * H,), jnp.float32); inp['bl3'] = jnp.zeros((2 * H,), jnp.float32)
    inp['Wl3'] = rn(16, (2 * H, H)); inp['bll3'] = jnp.zeros((H,), jnp.float32)
    inp['Wo'] = rn(17, (H, 1)); inp['bo'] = jnp.zeros((1,), jnp.float32)
    return inp

def _gat(h_in, edge_index, edge_attr, W, a_s, a_d, We, a_e, b):
    loop = jnp.arange(N)
    src = jnp.concatenate([edge_index[0], loop])
    dst = jnp.concatenate([edge_index[1], loop])
    ea = jnp.concatenate([edge_attr, jnp.broadcast_to(jnp.mean(edge_attr, axis=0), (N, edge_attr.shape[1]))], axis=0)
    h = h_in @ W
    alpha = (h * a_s).sum(-1)[src] + (h * a_d).sum(-1)[dst] + ((ea @ We) * a_e).sum(-1)
    alpha = jax.nn.leaky_relu(alpha, 0.2)
    m = jax.ops.segment_max(alpha, dst, num_segments=N)
    e = jnp.exp(alpha - m[dst])
    s = jax.ops.segment_sum(e, dst, num_segments=N)
    coef = e / (s[dst] + 1e-16)
    return jax.ops.segment_sum(coef[:, None] * h[src], dst, num_segments=N) + b

def _bn(z, g, b):
    mu = z.mean(0)
    va = z.var(0)
    return (z - mu) / jnp.sqrt(va + 1e-5) * g + b

def reference(x, edge_index, edge_attr, batch, W1, as1, ad1, We1, ae1, b1, g1, bt1, W2, as2, ad2, We2, ae2, b2, gl1, bl1, Wl1, bll1, gl2, bl2, Wl2, bll2, gl3, bl3, Wl3, bll3, Wo, bo):
    h = jax.nn.relu(_gat(x, edge_index, edge_attr, W1, as1, ad1, We1, ae1, b1))
    h = _bn(h, g1, bt1)
    h = jax.nn.relu(_gat(h, edge_index, edge_attr, W2, as2, ad2, We2, ae2, b2))
    cnt = jnp.clip(jax.ops.segment_sum(jnp.ones((N,), jnp.float32), batch, num_segments=G), 1.0)
    xe = jax.ops.segment_sum(h, batch, num_segments=G) / cnt[:, None]
    z = _bn(xe, gl1, bl1)
    z = jax.nn.relu(z @ Wl1 + bll1)
    z = _bn(jnp.concatenate([z, xe], axis=1), gl2, bl2)
    z = jax.nn.relu(z @ Wl2 + bll2)
    z = _bn(jnp.concatenate([z, xe], axis=1), gl3, bl3)
    z = jax.nn.relu(z @ Wl3 + bll3)
    return z @ Wo + bo

if __name__ == "__main__":
    import jax
    _d = setup_inputs()
    print(jax.jit(kernel)(*tuple(_d.values())))

</pallas_src>

<mosaic_0001>
#map = affine_map<(d0, d1) -> (0, 0, 0)>
#map1 = affine_map<(d0, d1) -> (0)>
#map2 = affine_map<(d0, d1) -> (0, 0)>
module attributes {stable_mosaic.version = 14 : i64} {
  func.func @_gat_body(%arg0: i32, %arg1: i32, %arg2: memref<32x82x128xi32, #tpu.memory_space<hbm>>, %arg3: memref<32x82x128xi32, #tpu.memory_space<hbm>>, %arg4: memref<32x82x128xf32, #tpu.memory_space<hbm>>, %arg5: memref<10240xf32, #tpu.memory_space<hbm>>, %arg6: memref<10240xf32, #tpu.memory_space<hbm>>, %arg7: memref<16xf32, #tpu.memory_space<hbm>>, %arg8: memref<10240x16xf32, #tpu.memory_space<hbm>>, %arg9: memref<2x10240x16xf32, #tpu.memory_space<hbm>>, %arg10: memref<2x10240xf32, #tpu.memory_space<hbm>>, %arg11: memref<82x128xi32, #tpu.memory_space<vmem>>, %arg12: memref<82x128xi32, #tpu.memory_space<vmem>>, %arg13: memref<82x128xf32, #tpu.memory_space<vmem>>, %arg14: memref<10240xf32, #tpu.memory_space<vmem>>, %arg15: memref<10240xf32, #tpu.memory_space<vmem>>, %arg16: memref<16xf32, #tpu.memory_space<vmem>>, %arg17: memref<128x16xf32, #tpu.memory_space<vmem>>, %arg18: memref<128x16xf32, #tpu.memory_space<vmem>>, %arg19: memref<128xf32, #tpu.memory_space<vmem>>, %arg20: memref<128xf32, #tpu.memory_space<vmem>>, %arg21: memref<640xf32, #tpu.memory_space<vmem>>, %arg22: memref<640x16xf32, #tpu.memory_space<vmem>>, %arg23: memref<10240x16xf32, #tpu.memory_space<vmem_shared>>, %arg24: memref<10240xf32, #tpu.memory_space<vmem_shared>>, %arg25: memref<!tpu.dma_semaphore, #tpu.memory_space<semaphore_mem>>, %arg26: memref<!tpu.dma_semaphore, #tpu.memory_space<semaphore_mem>>, %arg27: memref<!tpu.dma_semaphore, #tpu.memory_space<semaphore_mem>>, %arg28: memref<!tpu.dma_semaphore, #tpu.memory_space<semaphore_mem>>, %arg29: memref<!tpu.dma_semaphore, #tpu.memory_space<semaphore_mem>>, %arg30: memref<!tpu.dma_semaphore, #tpu.memory_space<semaphore_mem>>) attributes {dimension_semantics = [#tpu.dimension_semantics<core_parallel>, #tpu.dimension_semantics<subcore_parallel>], iteration_bounds = array<i64: 2, 16>, scalar_prefetch = 0 : i64, scratch_operands = 20 : i64, tpu.core_type = #tpu.core_type<sc_vector_subcore>, window_params = [{transform_indices = #map}, {transform_indices = #map}, {transform_indices = #map}, {transform_indices = #map1}, {transform_indices = #map1}, {transform_indices = #map1}, {transform_indices = #map2}, {transform_indices = #map}, {transform_indices = #map2}]} {
    %mul3A = arith.constant 16 : i32
    %mul3A_0 = arith.muli %arg0, %mul3A : i32
    %add3A = arith.addi %mul3A_0, %arg1 : i32
    "tpu.region"() ({
      %run_scoped3A = tpu.sem_alloc : memref<!tpu.dma_semaphore, #tpu.memory_space<semaphore_mem>>
      %dma_start3A_38 = arith.constant 0 : i32
      %dma_start3A_39 = arith.constant 0 : i32
      %dma_start3A_40 = tpu.memref_slice %arg2[%add3A, %dma_start3A_38, %dma_start3A_39] : memref<32x82x128xi32, #tpu.memory_space<hbm>> -> memref<1x82x128xi32, #tpu.memory_space<hbm>>
      %dma_start3A_41 = tpu.memref_squeeze %dma_start3A_40 : memref<1x82x128xi32, #tpu.memory_space<hbm>> -> memref<82x128xi32, #tpu.memory_space<hbm>>
      %dma_start3A_42 = arith.constant 0 : i32
      %dma_start3A_43 = arith.constant 0 : i32
      %dma_start3A_44 = tpu.memref_slice %arg2[%add3A, %dma_start3A_42, %dma_start3A_43] : memref<32x82x128xi32, #tpu.memory_space<hbm>> -> memref<1x82x128xi32, #tpu.memory_space<hbm>>
      %dma_start3A_45 = tpu.memref_squeeze %dma_start3A_44 : memref<1x82x128xi32, #tpu.memory_space<hbm>> -> memref<82x128xi32, #tpu.memory_space<hbm>>
      tpu.enqueue_dma source(%dma_start3A_45 : memref<82x128xi32, #tpu.memory_space<hbm>>) target(%arg11 : memref<82x128xi32, #tpu.memory_space<vmem>>) target_semaphore(%run_scoped3A : memref<!tpu.dma_semaphore, #tpu.memory_space<semaphore_mem>>)
      %dma_wait3A = arith.constant 0 : i32
      %dma_wait3A_46 = arith.constant 0 : i32
      %dma_wait3A_47 = tpu.memref_slice %arg2[%add3A, %dma_wait3A, %dma_wait3A_46] : memref<32x82x128xi32, #tpu.memory_space<hbm>> -> memref<1x82x128xi32, #tpu.memory_space<hbm>>
      %dma_wait3A_48 = tpu.memref_squeeze %dma_wait3A_47 : memref<1x82x128xi32, #tpu.memory_space<hbm>> -> memref<82x128xi32, #tpu.memory_space<hbm>>
      %dma_wait3A_49 = arith.constant 0 : i32
      %dma_wait3A_50 = arith.constant 0 : i32
      %dma_wait3A_51 = tpu.memref_slice %arg2[%add3A, %dma_wait3A_49, %dma_wait3A_50] : memref<32x82x128xi32, #tpu.memory_space<hbm>> -> memref<1x82x128xi32, #tpu.memory_space<hbm>>
      %dma_wait3A_52 = tpu.memref_squeeze %dma_wait3A_51 : memref<1x82x128xi32, #tpu.memory_space<hbm>> -> memref<82x128xi32, #tpu.memory_space<hbm>>
      tpu.wait_dma2 semaphore(%run_scoped3A : memref<!tpu.dma_semaphore, #tpu.memory_space<semaphore_mem>>) src(%dma_wait3A_52 : memref<82x128xi32, #tpu.memory_space<hbm>>) dst(%arg11 : memref<82x128xi32, #tpu.memory_space<vmem>>)
      tpu.yield
    }) : () -> ()
    %dma_start3A = arith.constant 0 : i32
    %dma_start3A_1 = arith.constant 0 : i32
    %dma_start3A_2 = tpu.memref_slice %arg11[%dma_start3A, %dma_start3A_1] : memref<82x128xi32, #tpu.memory_space<vmem>> -> memref<1x128xi32, #tpu.memory_space<vmem>>
    %dma_start3A_3 = tpu.memref_squeeze %dma_start3A_2 : memref<1x128xi32, #tpu.memory_space<vmem>> -> memref<128xi32, #tpu.memory_space<vmem>>
    %dma_start3A_4 = arith.constant 0 : i32
    %dma_start3A_5 = arith.constant 0 : i32
    %dma_start3A_6 = tpu.memref_slice %arg8[%dma_start3A_4, %dma_start3A_5] : memref<10240x16xf32, #tpu.memory_space<hbm>> -> memref<10240x16xf32, #tpu.memory_space<hbm>>
    tpu.enqueue_indirect_dma source(%dma_start3A_6 : memref<10240x16xf32, #tpu.memory_space<hbm>>) target(%arg17 : memref<128x16xf32, #tpu.memory_space<vmem>>) offsets(%dma_start3A_3 : memref<128xi32, #tpu.memory_space<vmem>>) semaphore(%arg25 : memref<!tpu.dma_semaphore, #tpu.memory_space<semaphore_mem>>)
    "tpu.region"() ({
      %run_scoped3A = tpu.sem_alloc : memref<!tpu.dma_semaphore, #tpu.memory_space<semaphore_mem>>
      %dma_start3A_38 = arith.constant 0 : i32
      %dma_start3A_39 = arith.constant 0 : i32
      %dma_start3A_40 = tpu.memref_slice %arg3[%add3A, %dma_start3A_38, %dma_start3A_39] : memref<32x82x128xi32, #tpu.memory_space<hbm>> -> memref<1x82x128xi32, #tpu.memory_space<hbm>>
      %dma_start3A_41 = tpu.memref_squeeze %dma_start3A_40 : memref<1x82x128xi32, #tpu.memory_space<hbm>> -> memref<82x128xi32, #tpu.memory_space<hbm>>
      %dma_start3A_42 = arith.constant 0 : i32
      %dma_start3A_43 = arith.constant 0 : i32
      %dma_start3A_44 = tpu.memref_slice %arg3[%add3A, %dma_start3A_42, %dma_start3A_43] : memref<32x82x128xi32, #tpu.memory_space<hbm>> -> memref<1x82x128xi32, #tpu.memory_space<hbm>>
      %dma_start3A_45 = tpu.memref_squeeze %dma_start3A_44 : memref<1x82x128xi32, #tpu.memory_space<hbm>> -> memref<82x128xi32, #tpu.memory_space<hbm>>
      tpu.enqueue_dma source(%dma_start3A_45 : memref<82x128xi32, #tpu.memory_space<hbm>>) target(%arg12 : memref<82x128xi32, #tpu.memory_space<vmem>>) target_semaphore(%run_scoped3A : memref<!tpu.dma_semaphore, #tpu.memory_space<semaphore_mem>>)
      %dma_wait3A = arith.constant 0 : i32
      %dma_wait3A_46 = arith.constant 0 : i32
      %dma_wait3A_47 = tpu.memref_slice %arg3[%add3A, %dma_wait3A, %dma_wait3A_46] : memref<32x82x128xi32, #tpu.memory_space<hbm>> -> memref<1x82x128xi32, #tpu.memory_space<hbm>>
      %dma_wait3A_48 = tpu.memref_squeeze %dma_wait3A_47 : memref<1x82x128xi32, #tpu.memory_space<hbm>> -> memref<82x128xi32, #tpu.memory_space<hbm>>
      %dma_wait3A_49 = arith.constant 0 : i32
      %dma_wait3A_50 = arith.constant 0 : i32
      %dma_wait3A_51 = tpu.memref_slice %arg3[%add3A, %dma_wait3A_49, %dma_wait3A_50] : memref<32x82x128xi32, #tpu.memory_space<hbm>> -> memref<1x82x128xi32, #tpu.memory_space<hbm>>
      %dma_wait3A_52 = tpu.memref_squeeze %dma_wait3A_51 : memref<1x82x128xi32, #tpu.memory_space<hbm>> -> memref<82x128xi32, #tpu.memory_space<hbm>>
      tpu.wait_dma2 semaphore(%run_scoped3A : memref<!tpu.dma_semaphore, #tpu.memory_space<semaphore_mem>>) src(%dma_wait3A_52 : memref<82x128xi32, #tpu.memory_space<hbm>>) dst(%arg12 : memref<82x128xi32, #tpu.memory_space<vmem>>)
      tpu.yield
    }) : () -> ()
    "tpu.region"() ({
      %run_scoped3A = tpu.sem_alloc : memref<!tpu.dma_semaphore, #tpu.memory_space<semaphore_mem>>
      %dma_start3A_38 = arith.constant 0 : i32
      %dma_start3A_39 = arith.constant 0 : i32
      %dma_start3A_40 = tpu.memref_slice %arg4[%add3A, %dma_start3A_38, %dma_start3A_39] : memref<32x82x128xf32, #tpu.memory_space<hbm>> -> memref<1x82x128xf32, #tpu.memory_space<hbm>>
      %dma_start3A_41 = tpu.memref_squeeze %dma_start3A_40 : memref<1x82x128xf32, #tpu.memory_space<hbm>> -> memref<82x128xf32, #tpu.memory_space<hbm>>
      %dma_start3A_42 = arith.constant 0 : i32
      %dma_start3A_43 = arith.constant 0 : i32
      %dma_start3A_44 = tpu.memref_slice %arg4[%add3A, %dma_start3A_42, %dma_start3A_43] : memref<32x82x128xf32, #tpu.memory_space<hbm>> -> memref<1x82x128xf32, #tpu.memory_space<hbm>>
      %dma_start3A_45 = tpu.memref_squeeze %dma_start3A_44 : memref<1x82x128xf32, #tpu.memory_space<hbm>> -> memref<82x128xf32, #tpu.memory_space<hbm>>
      tpu.enqueue_dma source(%dma_start3A_45 : memref<82x128xf32, #tpu.memory_space<hbm>>) target(%arg13 : memref<82x128xf32, #tpu.memory_space<vmem>>) target_semaphore(%run_scoped3A : memref<!tpu.dma_semaphore, #tpu.memory_space<semaphore_mem>>)
      %dma_wait3A = arith.constant 0 : i32
      %dma_wait3A_46 = arith.constant 0 : i32
      %dma_wait3A_47 = tpu.memref_slice %arg4[%add3A, %dma_wait3A, %dma_wait3A_46] : memref<32x82x128xf32, #tpu.memory_space<hbm>> -> memref<1x82x128xf32, #tpu.memory_space<hbm>>
      %dma_wait3A_48 = tpu.memref_squeeze %dma_wait3A_47 : memref<1x82x128xf32, #tpu.memory_space<hbm>> -> memref<82x128xf32, #tpu.memory_space<hbm>>
      %dma_wait3A_49 = arith.constant 0 : i32
      %dma_wait3A_50 = arith.constant 0 : i32
      %dma_wait3A_51 = tpu.memref_slice %arg4[%add3A, %dma_wait3A_49, %dma_wait3A_50] : memref<32x82x128xf32, #tpu.memory_space<hbm>> -> memref<1x82x128xf32, #tpu.memory_space<hbm>>
      %dma_wait3A_52 = tpu.memref_squeeze %dma_wait3A_51 : memref<1x82x128xf32, #tpu.memory_space<hbm>> -> memref<82x128xf32, #tpu.memory_space<hbm>>
      tpu.wait_dma2 semaphore(%run_scoped3A : memref<!tpu.dma_semaphore, #tpu.memory_space<semaphore_mem>>) src(%dma_wait3A_52 : memref<82x128xf32, #tpu.memory_space<hbm>>) dst(%arg13 : memref<82x128xf32, #tpu.memory_space<vmem>>)
      tpu.yield
    }) : () -> ()
    "tpu.region"() ({
      %run_scoped3A = tpu.sem_alloc : memref<!tpu.dma_semaphore, #tpu.memory_space<semaphore_mem>>
      tpu.enqueue_dma source(%arg5 : memref<10240xf32, #tpu.memory_space<hbm>>) target(%arg14 : memref<10240xf32, #tpu.memory_space<vmem>>) target_semaphore(%run_scoped3A : memref<!tpu.dma_semaphore, #tpu.memory_space<semaphore_mem>>)
      tpu.wait_dma2 semaphore(%run_scoped3A : memref<!tpu.dma_semaphore, #tpu.memory_space<semaphore_mem>>) src(%arg5 : memref<10240xf32, #tpu.memory_space<hbm>>) dst(%arg14 : memref<10240xf32, #tpu.memory_space<vmem>>)
      tpu.yield
    }) : () -> ()
    "tpu.region"() ({
      %run_scoped3A = tpu.sem_alloc : memref<!tpu.dma_semaphore, #tpu.memory_space<semaphore_mem>>
      tpu.enqueue_dma source(%arg6 : memref<10240xf32, #tpu.memory_space<hbm>>) target(%arg15 : memref<10240xf32, #tpu.memory_space<vmem>>) target_semaphore(%run_scoped3A : memref<!tpu.dma_semaphore, #tpu.memory_space<semaphore_mem>>)
      tpu.wait_dma2 semaphore(%run_scoped3A : memref<!tpu.dma_semaphore, #tpu.memory_space<semaphore_mem>>) src(%arg6 : memref<10240xf32, #tpu.memory_space<hbm>>) dst(%arg15 : memref<10240xf32, #tpu.memory_space<vmem>>)
      tpu.yield
    }) : () -> ()
    "tpu.region"() ({
      %run_scoped3A = tpu.sem_alloc : memref<!tpu.dma_semaphore, #tpu.memory_space<semaphore_mem>>
      tpu.enqueue_dma source(%arg7 : memref<16xf32, #tpu.memory_space<hbm>>) target(%arg16 : memref<16xf32, #tpu.memory_space<vmem>>) target_semaphore(%run_scoped3A : memref<!tpu.dma_semaphore, #tpu.memory_space<semaphore_mem>>)
      tpu.wait_dma2 semaphore(%run_scoped3A : memref<!tpu.dma_semaphore, #tpu.memory_space<semaphore_mem>>) src(%arg7 : memref<16xf32, #tpu.memory_space<hbm>>) dst(%arg16 : memref<16xf32, #tpu.memory_space<vmem>>)
      tpu.yield
    }) : () -> ()
    %scan3A = arith.constant 0 : i32
    %scan3A_7 = arith.constant 0 : i32
    %scan3A_8 = arith.constant 640 : i32
    %scan3A_9 = arith.addi %scan3A_7, %scan3A_8 : i32
    %scan3A_10 = arith.constant 1 : i32
    scf.for %scan3A_38 = %scan3A_7 to %scan3A_9 step %scan3A_10  : i32 {
      %broadcast_in_dim3A = arith.constant 0.000000e+00 : f32
      %broadcast_in_dim3A_39 = vector.broadcast %broadcast_in_dim3A : f32 to vector<16xf32>
      %swap3A = arith.index_cast %scan3A_38 : i32 to index
      %swap3A_40 = arith.constant 0 : index
      %swap3A_41 = tpu.vector_load %arg22[%swap3A, %swap3A_40] {strides = array<i32>} : memref<640x16xf32, #tpu.memory_space<vmem>>, vector<16xf32>,
      tpu.vector_store %arg22[%swap3A, %swap3A_40], %broadcast_in_dim3A_39 {strides = array<i32>} : memref<640x16xf32, #tpu.memory_space<vmem>>, vector<16xf32>,
    }
    %scan3A_11 = arith.constant 640 : i32
    %scan3A_12 = arith.constant 0 : i32
    %scan3A_13 = arith.constant 0 : i32
    %scan3A_14 = arith.constant 40 : i32
    %scan3A_15 = arith.addi %scan3A_13, %scan3A_14 : i32
    %scan3A_16 = arith.constant 1 : i32
    scf.for %scan3A_38 = %scan3A_13 to %scan3A_15 step %scan3A_16  : i32 {
      %broadcast_in_dim3A = arith.constant 0.000000e+00 : f32
      %broadcast_in_dim3A_39 = vector.broadcast %broadcast_in_dim3A : f32 to vector<16xf32>
      %mul3A_40 = arith.constant 16 : i32
      %mul3A_41 = arith.muli %scan3A_38, %mul3A_40 : i32
      %swap3A = arith.index_cast %mul3A_41 : i32 to index
      %swap3A_42 = tpu.vector_load %arg21[%swap3A] {strides = array<i32>} : memref<640xf32, #tpu.memory_space<vmem>>, vector<16xf32>,
      tpu.vector_store %arg21[%swap3A], %broadcast_in_dim3A_39 {strides = array<i32>} : memref<640xf32, #tpu.memory_space<vmem>>, vector<16xf32>,
    }
    %scan3A_17 = arith.constant 40 : i32
    %mul3A_18 = arith.constant 640 : i32
    %mul3A_19 = arith.muli %arg1, %mul3A_18 : i32
    "tpu.region"() ({
      %run_scoped3A = tpu.sem_alloc : memref<!tpu.dma_semaphore, #tpu.memory_space<semaphore_mem>>
      %dma_start3A_38 = arith.constant 0 : i32
      %dma_start3A_39 = tpu.memref_slice %arg23[%mul3A_19, %dma_start3A_38] : memref<10240x16xf32, #tpu.memory_space<vmem_shared>> -> memref<640x16xf32, #tpu.memory_space<vmem_shared>>
      %dma_start3A_40 = arith.constant 0 : i32
      %dma_start3A_41 = tpu.memref_slice %arg23[%mul3A_19, %dma_start3A_40] : memref<10240x16xf32, #tpu.memory_space<vmem_shared>> -> memref<640x16xf32, #tpu.memory_space<vmem_shared>>
      tpu.enqueue_dma source(%arg22 : memref<640x16xf32, #tpu.memory_space<vmem>>) target(%dma_start3A_41 : memref<640x16xf32, #tpu.memory_space<vmem_shared>>) target_semaphore(%run_scoped3A : memref<!tpu.dma_semaphore, #tpu.memory_space<semaphore_mem>>)
      %dma_wait3A = arith.constant 0 : i32
      %dma_wait3A_42 = tpu.memref_slice %arg23[%mul3A_19, %dma_wait3A] : memref<10240x16xf32, #tpu.memory_space<vmem_shared>> -> memref<640x16xf32, #tpu.memory_space<vmem_shared>>
      %dma_wait3A_43 = arith.constant 0 : i32
      %dma_wait3A_44 = tpu.memref_slice %arg23[%mul3A_19, %dma_wait3A_43] : memref<10240x16xf32, #tpu.memory_space<vmem_shared>> -> memref<640x16xf32, #tpu.memory_space<vmem_shared>>
      tpu.wait_dma2 semaphore(%run_scoped3A : memref<!tpu.dma_semaphore, #tpu.memory_space<semaphore_mem>>) src(%arg22 : memref<640x16xf32, #tpu.memory_space<vmem>>) dst(%dma_wait3A_44 : memref<640x16xf32, #tpu.memory_space<vmem_shared>>)
      tpu.yield
    }) : () -> ()
    %mul3A_20 = arith.constant 640 : i32
    %mul3A_21 = arith.muli %arg1, %mul3A_20 : i32
    "tpu.region"() ({
      %run_scoped3A = tpu.sem_alloc : memref<!tpu.dma_semaphore, #tpu.memory_space<semaphore_mem>>
      %dma_start3A_38 = tpu.memref_slice %arg24[%mul3A_21] : memref<10240xf32, #tpu.memory_space<vmem_shared>> -> memref<640xf32, #tpu.memory_space<vmem_shared>>
      %dma_start3A_39 = tpu.memref_slice %arg24[%mul3A_21] : memref<10240xf32, #tpu.memory_space<vmem_shared>> -> memref<640xf32, #tpu.memory_space<vmem_shared>>
      tpu.enqueue_dma source(%arg21 : memref<640xf32, #tpu.memory_space<vmem>>) target(%dma_start3A_39 : memref<640xf32, #tpu.memory_space<vmem_shared>>) target_semaphore(%run_scoped3A : memref<!tpu.dma_semaphore, #tpu.memory_space<semaphore_mem>>)
      %dma_wait3A = tpu.memref_slice %arg24[%mul3A_21] : memref<10240xf32, #tpu.memory_space<vmem_shared>> -> memref<640xf32, #tpu.memory_space<vmem_shared>>
      %dma_wait3A_40 = tpu.memref_slice %arg24[%mul3A_21] : memref<10240xf32, #tpu.memory_space<vmem_shared>> -> memref<640xf32, #tpu.memory_space<vmem_shared>>
      tpu.wait_dma2 semaphore(%run_scoped3A : memref<!tpu.dma_semaphore, #tpu.memory_space<semaphore_mem>>) src(%arg21 : memref<640xf32, #tpu.memory_space<vmem>>) dst(%dma_wait3A_40 : memref<640xf32, #tpu.memory_space<vmem_shared>>)
      tpu.yield
    }) : () -> ()
    %barrier3A = arith.constant 0 : index
    tpu.barrier barrier_id(%barrier3A)
    %get3A = arith.constant 0 : index
    %get3A_22 = tpu.vector_load %arg16[%get3A] {strides = array<i32>} : memref<16xf32, #tpu.memory_space<vmem>>, vector<16xf32>,
    %scan3A_23 = arith.constant 0 : i32
    %scan3A_24 = arith.constant 0 : i32
    %scan3A_25 = arith.constant 41 : i32
    %scan3A_26 = arith.addi %scan3A_24, %scan3A_25 : i32
    %scan3A_27 = arith.constant 1 : i32
    scf.for %scan3A_38 = %scan3A_24 to %scan3A_26 step %scan3A_27  : i32 {
      %mul3A_39 = arith.constant 2 : i32
      %mul3A_40 = arith.muli %scan3A_38, %mul3A_39 : i32
      %add3A_41 = arith.constant 0 : i32
      %add3A_42 = arith.addi %mul3A_40, %add3A_41 : i32
      %add3A_43 = arith.constant 1 : i32
      %add3A_44 = arith.addi %add3A_42, %add3A_43 : i32
      %lt3A = arith.constant 82 : i32
      %lt3A_45 = arith.cmpi slt, %add3A_44, %lt3A : i32
      %convert_element_type3A = arith.extui %lt3A_45 : i1 to i32
      %cond3A = arith.constant 0 : i32
      %cond3A_46 = arith.cmpi ne, %convert_element_type3A, %cond3A : i32
      scf.if %cond3A_46 {
        %add3A_74 = arith.constant 1 : i32
        %add3A_75 = arith.addi %add3A_42, %add3A_74 : i32
        %dma_start3A_76 = arith.constant 0 : i32
        %dma_start3A_77 = tpu.memref_slice %arg11[%add3A_75, %dma_start3A_76] : memref<82x128xi32, #tpu.memory_space<vmem>> -> memref<1x128xi32, #tpu.memory_space<vmem>>
        %dma_start3A_78 = tpu.memref_squeeze %dma_start3A_77 : memref<1x128xi32, #tpu.memory_space<vmem>> -> memref<128xi32, #tpu.memory_space<vmem>>
        %dma_start3A_79 = arith.constant 0 : i32
        %dma_start3A_80 = arith.constant 0 : i32
        %dma_start3A_81 = tpu.memref_slice %arg8[%dma_start3A_79, %dma_start3A_80] : memref<10240x16xf32, #tpu.memory_space<hbm>> -> memref<10240x16xf32, #tpu.memory_space<hbm>>
        tpu.enqueue_indirect_dma source(%dma_start3A_81 : memref<10240x16xf32, #tpu.memory_space<hbm>>) target(%arg18 : memref<128x16xf32, #tpu.memory_space<vmem>>) offsets(%dma_start3A_78 : memref<128xi32, #tpu.memory_space<vmem>>) semaphore(%arg26 : memref<!tpu.dma_semaphore, #tpu.memory_space<semaphore_mem>>)
      } else {
      }
      %dma_wait3A = arith.constant 0 : i32
      %dma_wait3A_47 = tpu.memref_slice %arg11[%add3A_42, %dma_wait3A] : memref<82x128xi32, #tpu.memory_space<vmem>> -> memref<1x128xi32, #tpu.memory_space<vmem>>
      %dma_wait3A_48 = tpu.memref_squeeze %dma_wait3A_47 : memref<1x128xi32, #tpu.memory_space<vmem>> -> memref<128xi32, #tpu.memory_space<vmem>>
      %dma_wait3A_49 = arith.constant 0 : i32
      %dma_wait3A_50 = arith.constant 0 : i32
      %dma_wait3A_51 = tpu.memref_slice %arg8[%dma_wait3A_49, %dma_wait3A_50] : memref<10240x16xf32, #tpu.memory_space<hbm>> -> memref<10240x16xf32, #tpu.memory_space<hbm>>
      tpu.wait_indirect_dma semaphore(%arg25 : memref<!tpu.dma_semaphore, #tpu.memory_space<semaphore_mem>>) src(%dma_wait3A_51 : memref<10240x16xf32, #tpu.memory_space<hbm>>) dst(%arg17 : memref<128x16xf32, #tpu.memory_space<vmem>>)
      %parallel_loop3A = arith.constant 0 : i32
      %parallel_loop3A_52 = arith.constant 8 : i32
      %parallel_loop3A_53 = arith.constant 1 : i32
      scf.for %parallel_loop3A_74 = %parallel_loop3A to %parallel_loop3A_52 step %parallel_loop3A_53  : i32 {
        %parallel_loop3A_75 = arith.constant 16 : i32
        %parallel_loop3A_76 = arith.muli %parallel_loop3A_74, %parallel_loop3A_75 : i32
        %parallel_loop3A_77 = arith.index_cast %add3A_42 : i32 to index
        %parallel_loop3A_78 = arith.index_cast %parallel_loop3A_76 : i32 to index
        %parallel_loop3A_79 = tpu.vector_load %arg11[%parallel_loop3A_77, %parallel_loop3A_78] {strides = array<i32>} : memref<82x128xi32, #tpu.memory_space<vmem>>, vector<16xi32>,
        %parallel_loop3A_80 = arith.constant 16 : i32
        %parallel_loop3A_81 = arith.muli %parallel_loop3A_74, %parallel_loop3A_80 : i32
        %parallel_loop3A_82 = arith.index_cast %add3A_42 : i32 to index
        %parallel_loop3A_83 = arith.index_cast %parallel_loop3A_81 : i32 to index
        %parallel_loop3A_84 = tpu.vector_load %arg12[%parallel_loop3A_82, %parallel_loop3A_83] {strides = array<i32>} : memref<82x128xi32, #tpu.memory_space<vmem>>, vector<16xi32>,
        %parallel_loop3A_85 = tpu.vector_load_idx %arg14[%parallel_loop3A_79] : memref<10240xf32, #tpu.memory_space<vmem>>[vector<16xi32>], vector<16xf32>,
        %parallel_loop3A_86 = tpu.vector_load_idx %arg15[%parallel_loop3A_84] : memref<10240xf32, #tpu.memory_space<vmem>>[vector<16xi32>], vector<16xf32>,
        %parallel_loop3A_87 = arith.addf %parallel_loop3A_85, %parallel_loop3A_86 : vector<16xf32>
        %parallel_loop3A_88 = arith.constant 16 : i32
        %parallel_loop3A_89 = arith.muli %parallel_loop3A_74, %parallel_loop3A_88 : i32
        %parallel_loop3A_90 = arith.index_cast %add3A_42 : i32 to index
        %parallel_loop3A_91 = arith.index_cast %parallel_loop3A_89 : i32 to index
        %parallel_loop3A_92 = tpu.vector_load %arg13[%parallel_loop3A_90, %parallel_loop3A_91] {strides = array<i32>} : memref<82x128xf32, #tpu.memory_space<vmem>>, vector<16xf32>,
        %parallel_loop3A_93 = arith.addf %parallel_loop3A_87, %parallel_loop3A_92 : vector<16xf32>
        %parallel_loop3A_94 = arith.constant 2.000000e-01 : f32
        %parallel_loop3A_95 = vector.broadcast %parallel_loop3A_94 : f32 to vector<16xf32>
        %parallel_loop3A_96 = arith.mulf %parallel_loop3A_95, %parallel_loop3A_93 : vector<16xf32>
        %parallel_loop3A_97 = arith.maximumf %parallel_loop3A_93, %parallel_loop3A_96 : vector<16xf32>
        %parallel_loop3A_98 = arith.subf %parallel_loop3A_97, %get3A_22 : vector<16xf32>
        %parallel_loop3A_99 = math.exp %parallel_loop3A_98 : vector<16xf32>
        %parallel_loop3A_100 = arith.constant 16 : i32
        %parallel_loop3A_101 = arith.muli %parallel_loop3A_74, %parallel_loop3A_100 : i32
        %parallel_loop3A_102 = arith.index_cast %parallel_loop3A_101 : i32 to index
        %parallel_loop3A_103 = tpu.vector_load %arg19[%parallel_loop3A_102] {strides = array<i32>} : memref<128xf32, #tpu.memory_space<vmem>>, vector<16xf32>,
        tpu.vector_store %arg19[%parallel_loop3A_102], %parallel_loop3A_99 {strides = array<i32>} : memref<128xf32, #tpu.memory_space<vmem>>, vector<16xf32>,
        %parallel_loop3A_104 = arith.constant 16 : i32
        %parallel_loop3A_105 = arith.muli %parallel_loop3A_74, %parallel_loop3A_104 : i32
        %parallel_loop3A_106 = arith.constant 0 : i32
        %parallel_loop3A_107 = arith.addi %parallel_loop3A_105, %parallel_loop3A_106 : i32
        %parallel_loop3A_108 = vector.broadcast %parallel_loop3A_107 : i32 to vector<16xi32>
        %parallel_loop3A_109 = tpu.vector_load_idx %arg19[%parallel_loop3A_108] : memref<128xf32, #tpu.memory_space<vmem>>[vector<16xi32>], vector<16xf32>,
        %parallel_loop3A_110 = arith.index_cast %parallel_loop3A_107 : i32 to index
        %parallel_loop3A_111 = arith.constant 0 : index
        %parallel_loop3A_112 = tpu.vector_load %arg17[%parallel_loop3A_110, %parallel_loop3A_111] {strides = array<i32>} : memref<128x16xf32, #tpu.memory_space<vmem>>, vector<16xf32>,
        %parallel_loop3A_113 = arith.mulf %parallel_loop3A_112, %parallel_loop3A_109 : vector<16xf32>
        %parallel_loop3A_114 = arith.index_cast %parallel_loop3A_107 : i32 to index
        %parallel_loop3A_115 = arith.constant 0 : index
        %parallel_loop3A_116 = tpu.vector_load %arg17[%parallel_loop3A_114, %parallel_loop3A_115] {strides = array<i32>} : memref<128x16xf32, #tpu.memory_space<vmem>>, vector<16xf32>,
        tpu.vector_store %arg17[%parallel_loop3A_114, %parallel_loop3A_115], %parallel_loop3A_113 {strides = array<i32>} : memref<128x16xf32, #tpu.memory_space<vmem>>, vector<16xf32>,
        %parallel_loop3A_117 = arith.constant 16 : i32
        %parallel_loop3A_118 = arith.muli %parallel_loop3A_74, %parallel_loop3A_117 : i32
        %parallel_loop3A_119 = arith.constant 1 : i32
        %parallel_loop3A_120 = arith.addi %parallel_loop3A_118, %parallel_loop3A_119 : i32
        %parallel_loop3A_121 = vector.broadcast %parallel_loop3A_120 : i32 to vector<16xi32>
        %parallel_loop3A_122 = tpu.vector_load_idx %arg19[%parallel_loop3A_121] : memref<128xf32, #tpu.memory_space<vmem>>[vector<16xi32>], vector<16xf32>,
        %parallel_loop3A_123 = arith.index_cast %parallel_loop3A_120 : i32 to index
        %parallel_loop3A_124 = arith.constant 0 : index
        %parallel_loop3A_125 = tpu.vector_load %arg17[%parallel_loop3A_123, %parallel_loop3A_124] {strides = array<i32>} : memref<128x16xf32, #tpu.memory_space<vmem>>, vector<16xf32>,
        %parallel_loop3A_126 = arith.mulf %parallel_loop3A_125, %parallel_loop3A_122 : vector<16xf32>
        %parallel_loop3A_127 = arith.index_cast %parallel_loop3A_120 : i32 to index
        %parallel_loop3A_128 = arith.constant 0 : index
        %parallel_loop3A_129 = tpu.vector_load %arg17[%parallel_loop3A_127, %parallel_loop3A_128] {strides = array<i32>} : memref<128x16xf32, #tpu.memory_space<vmem>>, vector<16xf32>,
        tpu.vector_store %arg17[%parallel_loop3A_127, %parallel_loop3A_128], %parallel_loop3A_126 {strides = array<i32>} : memref<128x16xf32, #tpu.memory_space<vmem>>, vector<16xf32>,
        %parallel_loop3A_130 = arith.constant 16 : i32
        %parallel_loop3A_131 = arith.muli %parallel_loop3A_74, %parallel_loop3A_130 : i32
        %parallel_loop3A_132 = arith.constant 2 : i32
        %parallel_loop3A_133 = arith.addi %parallel_loop3A_131, %parallel_loop3A_132 : i32
        %parallel_loop3A_134 = vector.broadcast %parallel_loop3A_133 : i32 to vector<16xi32>
        %parallel_loop3A_135 = tpu.vector_load_idx %arg19[%parallel_loop3A_134] : memref<128xf32, #tpu.memory_space<vmem>>[vector<16xi32>], vector<16xf32>,
        %parallel_loop3A_136 = arith.index_cast %parallel_loop3A_133 : i32 to index
        %parallel_loop3A_137 = arith.constant 0 : index
        %parallel_loop3A_138 = tpu.vector_load %arg17[%parallel_loop3A_136, %parallel_loop3A_137] {strides = array<i32>} : memref<128x16xf32, #tpu.memory_space<vmem>>, vector<16xf32>,
        %parallel_loop3A_139 = arith.mulf %parallel_loop3A_138, %parallel_loop3A_135 : vector<16xf32>
        %parallel_loop3A_140 = arith.index_cast %parallel_loop3A_133 : i32 to index
        %parallel_loop3A_141 = arith.constant 0 : index
        %parallel_loop3A_142 = tpu.vector_load %arg17[%parallel_loop3A_140, %parallel_loop3A_141] {strides = array<i32>} : memref<128x16xf32, #tpu.memory_space<vmem>>, vector<16xf32>,
        tpu.vector_store %arg17[%parallel_loop3A_140, %parallel_loop3A_141], %parallel_loop3A_139 {strides = array<i32>} : memref<128x16xf32, #tpu.memory_space<vmem>>, vector<16xf32>,
        %parallel_loop3A_143 = arith.constant 16 : i32
        %parallel_loop3A_144 = arith.muli %parallel_loop3A_74, %parallel_loop3A_143 : i32
        %parallel_loop3A_145 = arith.constant 3 : i32
        %parallel_loop3A_146 = arith.addi %parallel_loop3A_144, %parallel_loop3A_145 : i32
        %parallel_loop3A_147 = vector.broadcast %parallel_loop3A_146 : i32 to vector<16xi32>
        %parallel_loop3A_148 = tpu.vector_load_idx %arg19[%parallel_loop3A_147] : memref<128xf32, #tpu.memory_space<vmem>>[vector<16xi32>], vector<16xf32>,
        %parallel_loop3A_149 = arith.index_cast %parallel_loop3A_146 : i32 to index
        %parallel_loop3A_150 = arith.constant 0 : index
        %parallel_loop3A_151 = tpu.vector_load %arg17[%parallel_loop3A_149, %parallel_loop3A_150] {strides = array<i32>} : memref<128x16xf32, #tpu.memory_space<vmem>>, vector<16xf32>,
        %parallel_loop3A_152 = arith.mulf %parallel_loop3A_151, %parallel_loop3A_148 : vector<16xf32>
        %parallel_loop3A_153 = arith.index_cast %parallel_loop3A_146 : i32 to index
        %parallel_loop3A_154 = arith.constant 0 : index
        %parallel_loop3A_155 = tpu.vector_load %arg17[%parallel_loop3A_153, %parallel_loop3A_154] {strides = array<i32>} : memref<128x16xf32, #tpu.memory_space<vmem>>, vector<16xf32>,
        tpu.vector_store %arg17[%parallel_loop3A_153, %parallel_loop3A_154], %parallel_loop3A_152 {strides = array<i32>} : memref<128x16xf32, #tpu.memory_space<vmem>>, vector<16xf32>,
        %parallel_loop3A_156 = arith.constant 16 : i32
        %parallel_loop3A_157 = arith.muli %parallel_loop3A_74, %parallel_loop3A_156 : i32
        %parallel_loop3A_158 = arith.constant 4 : i32
        %parallel_loop3A_159 = arith.addi %parallel_loop3A_157, %parallel_loop3A_158 : i32
        %parallel_loop3A_160 = vector.broadcast %parallel_loop3A_159 : i32 to vector<16xi32>
        %parallel_loop3A_161 = tpu.vector_load_idx %arg19[%parallel_loop3A_160] : memref<128xf32, #tpu.memory_space<vmem>>[vector<16xi32>], vector<16xf32>,
        %parallel_loop3A_162 = arith.index_cast %parallel_loop3A_159 : i32 to index
        %parallel_loop3A_163 = arith.constant 0 : index
        %parallel_loop3A_164 = tpu.vector_load %arg17[%parallel_loop3A_162, %parallel_loop3A_163] {strides = array<i32>} : memref<128x16xf32, #tpu.memory_space<vmem>>, vector<16xf32>,
        %parallel_loop3A_165 = arith.mulf %parallel_loop3A_164, %parallel_loop3A_161 : vector<16xf32>
        %parallel_loop3A_166 = arith.index_cast %parallel_loop3A_159 : i32 to index
        %parallel_loop3A_167 = arith.constant 0 : index
        %parallel_loop3A_168 = tpu.vector_load %arg17[%parallel_loop3A_166, %parallel_loop3A_167] {strides = array<i32>} : memref<128x16xf32, #tpu.memory_space<vmem>>, vector<16xf32>,
        tpu.vector_store %arg17[%parallel_loop3A_166, %parallel_loop3A_167], %parallel_loop3A_165 {strides = array<i32>} : memref<128x16xf32, #tpu.memory_space<vmem>>, vector<16xf32>,
        %parallel_loop3A_169 = arith.constant 16 : i32
        %parallel_loop3A_170 = arith.muli %parallel_loop3A_74, %parallel_loop3A_169 : i32
        %parallel_loop3A_171 = arith.constant 5 : i32
        %parallel_loop3A_172 = arith.addi %parallel_loop3A_170, %parallel_loop3A_171 : i32
        %parallel_loop3A_173 = vector.broadcast %parallel_loop3A_172 : i32 to vector<16xi32>
        %parallel_loop3A_174 = tpu.vector_load_idx %arg19[%parallel_loop3A_173] : memref<128xf32, #tpu.memory_space<vmem>>[vector<16xi32>], vector<16xf32>,
        %parallel_loop3A_175 = arith.index_cast %parallel_loop3A_172 : i32 to index
        %parallel_loop3A_176 = arith.constant 0 : index
        %parallel_loop3A_177 = tpu.vector_load %arg17[%parallel_loop3A_175, %parallel_loop3A_176] {strides = array<i32>} : memref<128x16xf32, #tpu.memory_space<vmem>>, vector<16xf32>,
        %parallel_loop3A_178 = arith.mulf %parallel_loop3A_177, %parallel_loop3A_174 : vector<16xf32>
        %parallel_loop3A_179 = arith.index_cast %parallel_loop3A_172 : i32 to index
        %parallel_loop3A_180 = arith.constant 0 : index
        %parallel_loop3A_181 = tpu.vector_load %arg17[%parallel_loop3A_179, %parallel_loop3A_180] {strides = array<i32>} : memref<128x16xf32, #tpu.memory_space<vmem>>, vector<16xf32>,
        tpu.vector_store %arg17[%parallel_loop3A_179, %parallel_loop3A_180], %parallel_loop3A_178 {strides = array<i32>} : memref<128x16xf32, #tpu.memory_space<vmem>>, vector<16xf32>,
        %parallel_loop3A_182 = arith.constant 16 : i32
        %parallel_loop3A_183 = arith.muli %parallel_loop3A_74, %parallel_loop3A_182 : i32
        %parallel_loop3A_184 = arith.constant 6 : i32
        %parallel_loop3A_185 = arith.addi %parallel_loop3A_183, %parallel_loop3A_184 : i32
        %parallel_loop3A_186 = vector.broadcast %parallel_loop3A_185 : i32 to vector<16xi32>
        %parallel_loop3A_187 = tpu.vector_load_idx %arg19[%parallel_loop3A_186] : memref<128xf32, #tpu.memory_space<vmem>>[vector<16xi32>], vector<16xf32>,
        %parallel_loop3A_188 = arith.index_cast %parallel_loop3A_185 : i32 to index
        %parallel_loop3A_189 = arith.constant 0 : index
        %parallel_loop3A_190 = tpu.vector_load %arg17[%parallel_loop3A_188, %parallel_loop3A_189] {strides = array<i32>} : memref<128x16xf32, #tpu.memory_space<vmem>>, vector<16xf32>,
        %parallel_loop3A_191 = arith.mulf %parallel_loop3A_190, %parallel_loop3A_187 : vector<16xf32>
        %parallel_loop3A_192 = arith.index_cast %parallel_loop3A_185 : i32 to index
        %parallel_loop3A_193 = arith.constant 0 : index
        %parallel_loop3A_194 = tpu.vector_load %arg17[%parallel_loop3A_192, %parallel_loop3A_193] {strides = array<i32>} : memref<128x16xf32, #tpu.memory_space<vmem>>, vector<16xf32>,
        tpu.vector_store %arg17[%parallel_loop3A_192, %parallel_loop3A_193], %parallel_loop3A_191 {strides = array<i32>} : memref<128x16xf32, #tpu.memory_space<vmem>>, vector<16xf32>,
        %parallel_loop3A_195 = arith.constant 16 : i32
        %parallel_loop3A_196 = arith.muli %parallel_loop3A_74, %parallel_loop3A_195 : i32
        %parallel_loop3A_197 = arith.constant 7 : i32
        %parallel_loop3A_198 = arith.addi %parallel_loop3A_196, %parallel_loop3A_197 : i32
        %parallel_loop3A_199 = vector.broadcast %parallel_loop3A_198 : i32 to vector<16xi32>
        %parallel_loop3A_200 = tpu.vector_load_idx %arg19[%parallel_loop3A_199] : memref<128xf32, #tpu.memory_space<vmem>>[vector<16xi32>], vector<16xf32>,
        %parallel_loop3A_201 = arith.index_cast %parallel_loop3A_198 : i32 to index
        %parallel_loop3A_202 = arith.constant 0 : index
        %parallel_loop3A_203 = tpu.vector_load %arg17[%parallel_loop3A_201, %parallel_loop3A_202] {strides = array<i32>} : memref<128x16xf32, #tpu.memory_space<vmem>>, vector<16xf32>,
        %parallel_loop3A_204 = arith.mulf %parallel_loop3A_203, %parallel_loop3A_200 : vector<16xf32>
        %parallel_loop3A_205 = arith.index_cast %parallel_loop3A_198 : i32 to index
        %parallel_loop3A_206 = arith.constant 0 : index
        %parallel_loop3A_207 = tpu.vector_load %arg17[%parallel_loop3A_205, %parallel_loop3A_206] {strides = array<i32>} : memref<128x16xf32, #tpu.memory_space<vmem>>, vector<16xf32>,
        tpu.vector_store %arg17[%parallel_loop3A_205, %parallel_loop3A_206], %parallel_loop3A_204 {strides = array<i32>} : memref<128x16xf32, #tpu.memory_space<vmem>>, vector<16xf32>,
        %parallel_loop3A_208 = arith.constant 16 : i32
        %parallel_loop3A_209 = arith.muli %parallel_loop3A_74, %parallel_loop3A_208 : i32
        %parallel_loop3A_210 = arith.constant 8 : i32
        %parallel_loop3A_211 = arith.addi %parallel_loop3A_209, %parallel_loop3A_210 : i32
        %parallel_loop3A_212 = vector.broadcast %parallel_loop3A_211 : i32 to vector<16xi32>
        %parallel_loop3A_213 = tpu.vector_load_idx %arg19[%parallel_loop3A_212] : memref<128xf32, #tpu.memory_space<vmem>>[vector<16xi32>], vector<16xf32>,
        %parallel_loop3A_214 = arith.index_cast %parallel_loop3A_211 : i32 to index
        %parallel_loop3A_215 = arith.constant 0 : index
        %parallel_loop3A_216 = tpu.vector_load %arg17[%parallel_loop3A_214, %parallel_loop3A_215] {strides = array<i32>} : memref<128x16xf32, #tpu.memory_space<vmem>>, vector<16xf32>,
        %parallel_loop3A_217 = arith.mulf %parallel_loop3A_216, %parallel_loop3A_213 : vector<16xf32>
        %parallel_loop3A_218 = arith.index_cast %parallel_loop3A_211 : i32 to index
        %parallel_loop3A_219 = arith.constant 0 : index
        %parallel_loop3A_220 = tpu.vector_load %arg17[%parallel_loop3A_218, %parallel_loop3A_219] {strides = array<i32>} : memref<128x16xf32, #tpu.memory_space<vmem>>, vector<16xf32>,
        tpu.vector_store %arg17[%parallel_loop3A_218, %parallel_loop3A_219], %parallel_loop3A_217 {strides = array<i32>} : memref<128x16xf32, #tpu.memory_space<vmem>>, vector<16xf32>,
        %parallel_loop3A_221 = arith.constant 16 : i32
        %parallel_loop3A_222 = arith.muli %parallel_loop3A_74, %parallel_loop3A_221 : i32
        %parallel_loop3A_223 = arith.constant 9 : i32
        %parallel_loop3A_224 = arith.addi %parallel_loop3A_222, %parallel_loop3A_223 : i32
        %parallel_loop3A_225 = vector.broadcast %parallel_loop3A_224 : i32 to vector<16xi32>
        %parallel_loop3A_226 = tpu.vector_load_idx %arg19[%parallel_loop3A_225] : memref<128xf32, #tpu.memory_space<vmem>>[vector<16xi32>], vector<16xf32>,
        %parallel_loop3A_227 = arith.index_cast %parallel_loop3A_224 : i32 to index
        %parallel_loop3A_228 = arith.constant 0 : index
        %parallel_loop3A_229 = tpu.vector_load %arg17[%parallel_loop3A_227, %parallel_loop3A_228] {strides = array<i32>} : memref<128x16xf32, #tpu.memory_space<vmem>>, vector<16xf32>,
        %parallel_loop3A_230 = arith.mulf %parallel_loop3A_229, %parallel_loop3A_226 : vector<16xf32>
        %parallel_loop3A_231 = arith.index_cast %parallel_loop3A_224 : i32 to index
        %parallel_loop3A_232 = arith.constant 0 : index
        %parallel_loop3A_233 = tpu.vector_load %arg17[%parallel_loop3A_231, %parallel_loop3A_232] {strides = array<i32>} : memref<128x16xf32, #tpu.memory_space<vmem>>, vector<16xf32>,
        tpu.vector_store %arg17[%parallel_loop3A_231, %parallel_loop3A_232], %parallel_loop3A_230 {strides = array<i32>} : memref<128x16xf32, #tpu.memory_space<vmem>>, vector<16xf32>,
        %parallel_loop3A_234 = arith.constant 16 : i32
        %parallel_loop3A_235 = arith.muli %parallel_loop3A_74, %parallel_loop3A_234 : i32
        %parallel_loop3A_236 = arith.constant 10 : i32
        %parallel_loop3A_237 = arith.addi %parallel_loop3A_235, %parallel_loop3A_236 : i32
        %parallel_loop3A_238 = vector.broadcast %parallel_loop3A_237 : i32 to vector<16xi32>
        %parallel_loop3A_239 = tpu.vector_load_idx %arg19[%parallel_loop3A_238] : memref<128xf32, #tpu.memory_space<vmem>>[vector<16xi32>], vector<16xf32>,
        %parallel_loop3A_240 = arith.index_cast %parallel_loop3A_237 : i32 to index
        %parallel_loop3A_241 = arith.constant 0 : index
        %parallel_loop3A_242 = tpu.vector_load %arg17[%parallel_loop3A_240, %parallel_loop3A_241] {strides = array<i32>} : memref<128x16xf32, #tpu.memory_space<vmem>>, vector<16xf32>,
        %parallel_loop3A_243 = arith.mulf %parallel_loop3A_242, %parallel_loop3A_239 : vector<16xf32>
        %parallel_loop3A_244 = arith.index_cast %parallel_loop3A_237 : i32 to index
        %parallel_loop3A_245 = arith.constant 0 : index
        %parallel_loop3A_246 = tpu.vector_load %arg17[%parallel_loop3A_244, %parallel_loop3A_245] {strides = array<i32>} : memref<128x16xf32, #tpu.memory_space<vmem>>, vector<16xf32>,
        tpu.vector_store %arg17[%parallel_loop3A_244, %parallel_loop3A_245], %parallel_loop3A_243 {strides = array<i32>} : memref<128x16xf32, #tpu.memory_space<vmem>>, vector<16xf32>,
        %parallel_loop3A_247 = arith.constant 16 : i32
        %parallel_loop3A_248 = arith.muli %parallel_loop3A_74, %parallel_loop3A_247 : i32
        %parallel_loop3A_249 = arith.constant 11 : i32
        %parallel_loop3A_250 = arith.addi %parallel_loop3A_248, %parallel_loop3A_249 : i32
        %parallel_loop3A_251 = vector.broadcast %parallel_loop3A_250 : i32 to vector<16xi32>
        %parallel_loop3A_252 = tpu.vector_load_idx %arg19[%parallel_loop3A_251] : memref<128xf32, #tpu.memory_space<vmem>>[vector<16xi32>], vector<16xf32>,
        %parallel_loop3A_253 = arith.index_cast %parallel_loop3A_250 : i32 to index
        %parallel_loop3A_254 = arith.constant 0 : index
        %parallel_loop3A_255 = tpu.vector_load %arg17[%parallel_loop3A_253, %parallel_loop3A_254] {strides = array<i32>} : memref<128x16xf32, #tpu.memory_space<vmem>>, vector<16xf32>,
        %parallel_loop3A_256 = arith.mulf %parallel_loop3A_255, %parallel_loop3A_252 : vector<16xf32>
        %parallel_loop3A_257 = arith.index_cast %parallel_loop3A_250 : i32 to index
        %parallel_loop3A_258 = arith.constant 0 : index
        %parallel_loop3A_259 = tpu.vector_load %arg17[%parallel_loop3A_257, %parallel_loop3A_258] {strides = array<i32>} : memref<128x16xf32, #tpu.memory_space<vmem>>, vector<16xf32>,
        tpu.vector_store %arg17[%parallel_loop3A_257, %parallel_loop3A_258], %parallel_loop3A_256 {strides = array<i32>} : memref<128x16xf32, #tpu.memory_space<vmem>>, vector<16xf32>,
        %parallel_loop3A_260 = arith.constant 16 : i32
        %parallel_loop3A_261 = arith.muli %parallel_loop3A_74, %parallel_loop3A_260 : i32
        %parallel_loop3A_262 = arith.constant 12 : i32
        %parallel_loop3A_263 = arith.addi %parallel_loop3A_261, %parallel_loop3A_262 : i32
        %parallel_loop3A_264 = vector.broadcast %parallel_loop3A_263 : i32 to vector<16xi32>
        %parallel_loop3A_265 = tpu.vector_load_idx %arg19[%parallel_loop3A_264] : memref<128xf32, #tpu.memory_space<vmem>>[vector<16xi32>], vector<16xf32>,
        %parallel_loop3A_266 = arith.index_cast %parallel_loop3A_263 : i32 to index
        %parallel_loop3A_267 = arith.constant 0 : index
        %parallel_loop3A_268 = tpu.vector_load %arg17[%parallel_loop3A_266, %parallel_loop3A_267] {strides = array<i32>} : memref<128x16xf32, #tpu.memory_space<vmem>>, vector<16xf32>,
        %parallel_loop3A_269 = arith.mulf %parallel_loop3A_268, %parallel_loop3A_265 : vector<16xf32>
        %parallel_loop3A_270 = arith.index_cast %parallel_loop3A_263 : i32 to index
        %parallel_loop3A_271 = arith.constant 0 : index
        %parallel_loop3A_272 = tpu.vector_load %arg17[%parallel_loop3A_270, %parallel_loop3A_271] {strides = array<i32>} : memref<128x16xf32, #tpu.memory_space<vmem>>, vector<16xf32>,
        tpu.vector_store %arg17[%parallel_loop3A_270, %parallel_loop3A_271], %parallel_loop3A_269 {strides = array<i32>} : memref<128x16xf32, #tpu.memory_space<vmem>>, vector<16xf32>,
        %parallel_loop3A_273 = arith.constant 16 : i32
        %parallel_loop3A_274 = arith.muli %parallel_loop3A_74, %parallel_loop3A_273 : i32
        %parallel_loop3A_275 = arith.constant 13 : i32
        %parallel_loop3A_276 = arith.addi %parallel_loop3A_274, %parallel_loop3A_275 : i32
        %parallel_loop3A_277 = vector.broadcast %parallel_loop3A_276 : i32 to vector<16xi32>
        %parallel_loop3A_278 = tpu.vector_load_idx %arg19[%parallel_loop3A_277] : memref<128xf32, #tpu.memory_space<vmem>>[vector<16xi32>], vector<16xf32>,
        %parallel_loop3A_279 = arith.index_cast %parallel_loop3A_276 : i32 to index
        %parallel_loop3A_280 = arith.constant 0 : index
        %parallel_loop3A_281 = tpu.vector_load %arg17[%parallel_loop3A_279, %parallel_loop3A_280] {strides = array<i32>} : memref<128x16xf32, #tpu.memory_space<vmem>>, vector<16xf32>,
        %parallel_loop3A_282 = arith.mulf %parallel_loop3A_281, %parallel_loop3A_278 : vector<16xf32>
        %parallel_loop3A_283 = arith.index_cast %parallel_loop3A_276 : i32 to index
        %parallel_loop3A_284 = arith.constant 0 : index
        %parallel_loop3A_285 = tpu.vector_load %arg17[%parallel_loop3A_283, %parallel_loop3A_284] {strides = array<i32>} : memref<128x16xf32, #tpu.memory_space<vmem>>, vector<16xf32>,
        tpu.vector_store %arg17[%parallel_loop3A_283, %parallel_loop3A_284], %parallel_loop3A_282 {strides = array<i32>} : memref<128x16xf32, #tpu.memory_space<vmem>>, vector<16xf32>,
        %parallel_loop3A_286 = arith.constant 16 : i32
        %parallel_loop3A_287 = arith.muli %parallel_loop3A_74, %parallel_loop3A_286 : i32
        %parallel_loop3A_288 = arith.constant 14 : i32
        %parallel_loop3A_289 = arith.addi %parallel_loop3A_287, %parallel_loop3A_288 : i32
        %parallel_loop3A_290 = vector.broadcast %parallel_loop3A_289 : i32 to vector<16xi32>
        %parallel_loop3A_291 = tpu.vector_load_idx %arg19[%parallel_loop3A_290] : memref<128xf32, #tpu.memory_space<vmem>>[vector<16xi32>], vector<16xf32>,
        %parallel_loop3A_292 = arith.index_cast %parallel_loop3A_289 : i32 to index
        %parallel_loop3A_293 = arith.constant 0 : index
        %parallel_loop3A_294 = tpu.vector_load %arg17[%parallel_loop3A_292, %parallel_loop3A_293] {strides = array<i32>} : memref<128x16xf32, #tpu.memory_space<vmem>>, vector<16xf32>,
        %parallel_loop3A_295 = arith.mulf %parallel_loop3A_294, %parallel_loop3A_291 : vector<16xf32>
        %parallel_loop3A_296 = arith.index_cast %parallel_loop3A_289 : i32 to index
        %parallel_loop3A_297 = arith.constant 0 : index
        %parallel_loop3A_298 = tpu.vector_load %arg17[%parallel_loop3A_296, %parallel_loop3A_297] {strides = array<i32>} : memref<128x16xf32, #tpu.memory_space<vmem>>, vector<16xf32>,
        tpu.vector_store %arg17[%parallel_loop3A_296, %parallel_loop3A_297], %parallel_loop3A_295 {strides = array<i32>} : memref<128x16xf32, #tpu.memory_space<vmem>>, vector<16xf32>,
        %parallel_loop3A_299 = arith.constant 16 : i32
        %parallel_loop3A_300 = arith.muli %parallel_loop3A_74, %parallel_loop3A_299 : i32
        %parallel_loop3A_301 = arith.constant 15 : i32
        %parallel_loop3A_302 = arith.addi %parallel_loop3A_300, %parallel_loop3A_301 : i32
        %parallel_loop3A_303 = vector.broadcast %parallel_loop3A_302 : i32 to vector<16xi32>
        %parallel_loop3A_304 = tpu.vector_load_idx %arg19[%parallel_loop3A_303] : memref<128xf32, #tpu.memory_space<vmem>>[vector<16xi32>], vector<16xf32>,
        %parallel_loop3A_305 = arith.index_cast %parallel_loop3A_302 : i32 to index
        %parallel_loop3A_306 = arith.constant 0 : index
        %parallel_loop3A_307 = tpu.vector_load %arg17[%parallel_loop3A_305, %parallel_loop3A_306] {strides = array<i32>} : memref<128x16xf32, #tpu.memory_space<vmem>>, vector<16xf32>,
        %parallel_loop3A_308 = arith.mulf %parallel_loop3A_307, %parallel_loop3A_304 : vector<16xf32>
        %parallel_loop3A_309 = arith.index_cast %parallel_loop3A_302 : i32 to index
        %parallel_loop3A_310 = arith.constant 0 : index
        %parallel_loop3A_311 = tpu.vector_load %arg17[%parallel_loop3A_309, %parallel_loop3A_310] {strides = array<i32>} : memref<128x16xf32, #tpu.memory_space<vmem>>, vector<16xf32>,
        tpu.vector_store %arg17[%parallel_loop3A_309, %parallel_loop3A_310], %parallel_loop3A_308 {strides = array<i32>} : memref<128x16xf32, #tpu.memory_space<vmem>>, vector<16xf32>,
      } {sc.loop_unroll_factor = 4 : i64, sc.parallel_access}
      "tpu.region"() ({
        %run_scoped3A = tpu.sem_alloc : memref<!tpu.dma_semaphore, #tpu.memory_space<semaphore_mem>>
        %dma_start3A_74 = arith.constant 0 : i32
        %dma_start3A_75 = tpu.memref_slice %arg12[%add3A_42, %dma_start3A_74] : memref<82x128xi32, #tpu.memory_space<vmem>> -> memref<1x128xi32, #tpu.memory_space<vmem>>
        %dma_start3A_76 = tpu.memref_squeeze %dma_start3A_75 : memref<1x128xi32, #tpu.memory_space<vmem>> -> memref<128xi32, #tpu.memory_space<vmem>>
        %dma_start3A_77 = arith.constant 0 : i32
        %dma_start3A_78 = arith.constant 0 : i32
        %dma_start3A_79 = tpu.memref_slice %arg23[%dma_start3A_77, %dma_start3A_78] : memref<10240x16xf32, #tpu.memory_space<vmem_shared>> -> memref<10240x16xf32, #tpu.memory_space<vmem_shared>>
        tpu.enqueue_indirect_dma source(%arg17 : memref<128x16xf32, #tpu.memory_space<vmem>>) target(%dma_start3A_79 : memref<10240x16xf32, #tpu.memory_space<vmem_shared>>) offsets(%dma_start3A_76 : memref<128xi32, #tpu.memory_space<vmem>>) semaphore(%run_scoped3A : memref<!tpu.dma_semaphore, #tpu.memory_space<semaphore_mem>>) {add = true}
        %dma_wait3A_80 = arith.constant 0 : i32
        %dma_wait3A_81 = tpu.memref_slice %arg12[%add3A_42, %dma_wait3A_80] : memref<82x128xi32, #tpu.memory_space<vmem>> -> memref<1x128xi32, #tpu.memory_space<vmem>>
        %dma_wait3A_82 = tpu.memref_squeeze %dma_wait3A_81 : memref<1x128xi32, #tpu.memory_space<vmem>> -> memref<128xi32, #tpu.memory_space<vmem>>
        %dma_wait3A_83 = arith.constant 0 : i32
        %dma_wait3A_84 = arith.constant 0 : i32
        %dma_wait3A_85 = tpu.memref_slice %arg23[%dma_wait3A_83, %dma_wait3A_84] : memref<10240x16xf32, #tpu.memory_space<vmem_shared>> -> memref<10240x16xf32, #tpu.memory_space<vmem_shared>>
        tpu.wait_indirect_dma semaphore(%run_scoped3A : memref<!tpu.dma_semaphore, #tpu.memory_space<semaphore_mem>>) src(%arg17 : memref<128x16xf32, #tpu.memory_space<vmem>>) dst(%dma_wait3A_85 : memref<10240x16xf32, #tpu.memory_space<vmem_shared>>)
        tpu.yield
      }) : () -> ()
      "tpu.region"() ({
        %run_scoped3A = tpu.sem_alloc : memref<!tpu.dma_semaphore, #tpu.memory_space<semaphore_mem>>
        %dma_start3A_74 = arith.constant 0 : i32
        %dma_start3A_75 = tpu.memref_slice %arg12[%add3A_42, %dma_start3A_74] : memref<82x128xi32, #tpu.memory_space<vmem>> -> memref<1x128xi32, #tpu.memory_space<vmem>>
        %dma_start3A_76 = tpu.memref_squeeze %dma_start3A_75 : memref<1x128xi32, #tpu.memory_space<vmem>> -> memref<128xi32, #tpu.memory_space<vmem>>
        %dma_start3A_77 = arith.constant 0 : i32
        %dma_start3A_78 = tpu.memref_slice %arg24[%dma_start3A_77] : memref<10240xf32, #tpu.memory_space<vmem_shared>> -> memref<10240xf32, #tpu.memory_space<vmem_shared>>
        tpu.enqueue_indirect_dma source(%arg19 : memref<128xf32, #tpu.memory_space<vmem>>) target(%dma_start3A_78 : memref<10240xf32, #tpu.memory_space<vmem_shared>>) offsets(%dma_start3A_76 : memref<128xi32, #tpu.memory_space<vmem>>) semaphore(%run_scoped3A : memref<!tpu.dma_semaphore, #tpu.memory_space<semaphore_mem>>) {add = true}
        %dma_wait3A_79 = arith.constant 0 : i32
        %dma_wait3A_80 = tpu.memref_slice %arg12[%add3A_42, %dma_wait3A_79] : memref<82x128xi32, #tpu.memory_space<vmem>> -> memref<1x128xi32, #tpu.memory_space<vmem>>
        %dma_wait3A_81 = tpu.memref_squeeze %dma_wait3A_80 : memref<1x128xi32, #tpu.memory_space<vmem>> -> memref<128xi32, #tpu.memory_space<vmem>>
        %dma_wait3A_82 = arith.constant 0 : i32
        %dma_wait3A_83 = tpu.memref_slice %arg24[%dma_wait3A_82] : memref<10240xf32, #tpu.memory_space<vmem_shared>> -> memref<10240xf32, #tpu.memory_space<vmem_shared>>
        tpu.wait_indirect_dma semaphore(%run_scoped3A : memref<!tpu.dma_semaphore, #tpu.memory_space<semaphore_mem>>) src(%arg19 : memref<128xf32, #tpu.memory_space<vmem>>) dst(%dma_wait3A_83 : memref<10240xf32, #tpu.memory_space<vmem_shared>>)
        tpu.yield
      }) : () -> ()
      %mul3A_54 = arith.constant 2 : i32
      %mul3A_55 = arith.muli %scan3A_38, %mul3A_54 : i32
      %add3A_56 = arith.constant 1 : i32
      %add3A_57 = arith.addi %mul3A_55, %add3A_56 : i32
      %add3A_58 = arith.constant 1 : i32
      %add3A_59 = arith.addi %add3A_57, %add3A_58 : i32
      %lt3A_60 = arith.constant 82 : i32
      %lt3A_61 = arith.cmpi slt, %add3A_59, %lt3A_60 : i32
      %convert_element_type3A_62 = arith.extui %lt3A_61 : i1 to i32
      %cond3A_63 = arith.constant 0 : i32
      %cond3A_64 = arith.cmpi ne, %convert_element_type3A_62, %cond3A_63 : i32
      scf.if %cond3A_64 {
        %add3A_74 = arith.constant 1 : i32
        %add3A_75 = arith.addi %add3A_57, %add3A_74 : i32
        %dma_start3A_76 = arith.constant 0 : i32
        %dma_start3A_77 = tpu.memref_slice %arg11[%add3A_75, %dma_start3A_76] : memref<82x128xi32, #tpu.memory_space<vmem>> -> memref<1x128xi32, #tpu.memory_space<vmem>>
        %dma_start3A_78 = tpu.memref_squeeze %dma_start3A_77 : memref<1x128xi32, #tpu.memory_space<vmem>> -> memref<128xi32, #tpu.memory_space<vmem>>
        %dma_start3A_79 = arith.constant 0 : i32
        %dma_start3A_80 = arith.constant 0 : i32
        %dma_start3A_81 = tpu.memref_slice %arg8[%dma_start3A_79, %dma_start3A_80] : memref<10240x16xf32, #tpu.memory_space<hbm>> -> memref<10240x16xf32, #tpu.memory_space<hbm>>
        tpu.enqueue_indirect_dma source(%dma_start3A_81 : memref<10240x16xf32, #tpu.memory_space<hbm>>) target(%arg17 : memref<128x16xf32, #tpu.memory_space<vmem>>) offsets(%dma_start3A_78 : memref<128xi32, #tpu.memory_space<vmem>>) semaphore(%arg25 : memref<!tpu.dma_semaphore, #tpu.memory_space<semaphore_mem>>)
      } else {
      }
      %dma_wait3A_65 = arith.constant 0 : i32
      %dma_wait3A_66 = tpu.memref_slice %arg11[%add3A_57, %dma_wait3A_65] : memref<82x128xi32, #tpu.memory_space<vmem>> -> memref<1x128xi32, #tpu.memory_space<vmem>>
      %dma_wait3A_67 = tpu.memref_squeeze %dma_wait3A_66 : memref<1x128xi32, #tpu.memory_space<vmem>> -> memref<128xi32, #tpu.memory_space<vmem>>
      %dma_wait3A_68 = arith.constant 0 : i32
      %dma_wait3A_69 = arith.constant 0 : i32
      %dma_wait3A_70 = tpu.memref_slice %arg8[%dma_wait3A_68, %dma_wait3A_69] : memref<10240x16xf32, #tpu.memory_space<hbm>> -> memref<10240x16xf32, #tpu.memory_space<hbm>>
      tpu.wait_indirect_dma semaphore(%arg26 : memref<!tpu.dma_semaphore, #tpu.memory_space<semaphore_mem>>) src(%dma_wait3A_70 : memref<10240x16xf32, #tpu.memory_space<hbm>>) dst(%arg18 : memref<128x16xf32, #tpu.memory_space<vmem>>)
      %parallel_loop3A_71 = arith.constant 0 : i32
      %parallel_loop3A_72 = arith.constant 8 : i32
      %parallel_loop3A_73 = arith.constant 1 : i32
      scf.for %parallel_loop3A_74 = %parallel_loop3A_71 to %parallel_loop3A_72 step %parallel_loop3A_73  : i32 {
        %parallel_loop3A_75 = arith.constant 16 : i32
        %parallel_loop3A_76 = arith.muli %parallel_loop3A_74, %parallel_loop3A_75 : i32
        %parallel_loop3A_77 = arith.index_cast %add3A_57 : i32 to index
        %parallel_loop3A_78 = arith.index_cast %parallel_loop3A_76 : i32 to index
        %parallel_loop3A_79 = tpu.vector_load %arg11[%parallel_loop3A_77, %parallel_loop3A_78] {strides = array<i32>} : memref<82x128xi32, #tpu.memory_space<vmem>>, vector<16xi32>,
        %parallel_loop3A_80 = arith.constant 16 : i32
        %parallel_loop3A_81 = arith.muli %parallel_loop3A_74, %parallel_loop3A_80 : i32
        %parallel_loop3A_82 = arith.index_cast %add3A_57 : i32 to index
        %parallel_loop3A_83 = arith.index_cast %parallel_loop3A_81 : i32 to index
        %parallel_loop3A_84 = tpu.vector_load %arg12[%parallel_loop3A_82, %parallel_loop3A_83] {strides = array<i32>} : memref<82x128xi32, #tpu.memory_space<vmem>>, vector<16xi32>,
        %parallel_loop3A_85 = tpu.vector_load_idx %arg14[%parallel_loop3A_79] : memref<10240xf32, #tpu.memory_space<vmem>>[vector<16xi32>], vector<16xf32>,
        %parallel_loop3A_86 = tpu.vector_load_idx %arg15[%parallel_loop3A_84] : memref<10240xf32, #tpu.memory_space<vmem>>[vector<16xi32>], vector<16xf32>,
        %parallel_loop3A_87 = arith.addf %parallel_loop3A_85, %parallel_loop3A_86 : vector<16xf32>
        %parallel_loop3A_88 = arith.constant 16 : i32
        %parallel_loop3A_89 = arith.muli %parallel_loop3A_74, %parallel_loop3A_88 : i32
        %parallel_loop3A_90 = arith.index_cast %add3A_57 : i32 to index
        %parallel_loop3A_91 = arith.index_cast %parallel_loop3A_89 : i32 to index
        %parallel_loop3A_92 = tpu.vector_load %arg13[%parallel_loop3A_90, %parallel_loop3A_91] {strides = array<i32>} : memref<82x128xf32, #tpu.memory_space<vmem>>, vector<16xf32>,
        %parallel_loop3A_93 = arith.addf %parallel_loop3A_87, %parallel_loop3A_92 : vector<16xf32>
        %parallel_loop3A_94 = arith.constant 2.000000e-01 : f32
        %parallel_loop3A_95 = vector.broadcast %parallel_loop3A_94 : f32 to vector<16xf32>
        %parallel_loop3A_96 = arith.mulf %parallel_loop3A_95, %parallel_loop3A_93 : vector<16xf32>
        %parallel_loop3A_97 = arith.maximumf %parallel_loop3A_93, %parallel_loop3A_96 : vector<16xf32>
        %parallel_loop3A_98 = arith.subf %parallel_loop3A_97, %get3A_22 : vector<16xf32>
        %parallel_loop3A_99 = math.exp %parallel_loop3A_98 : vector<16xf32>
        %parallel_loop3A_100 = arith.constant 16 : i32
        %parallel_loop3A_101 = arith.muli %parallel_loop3A_74, %parallel_loop3A_100 : i32
        %parallel_loop3A_102 = arith.index_cast %parallel_loop3A_101 : i32 to index
        %parallel_loop3A_103 = tpu.vector_load %arg20[%parallel_loop3A_102] {strides = array<i32>} : memref<128xf32, #tpu.memory_space<vmem>>, vector<16xf32>,
        tpu.vector_store %arg20[%parallel_loop3A_102], %parallel_loop3A_99 {strides = array<i32>} : memref<128xf32, #tpu.memory_space<vmem>>, vector<16xf32>,
        %parallel_loop3A_104 = arith.constant 16 : i32
        %parallel_loop3A_105 = arith.muli %parallel_loop3A_74, %parallel_loop3A_104 : i32
        %parallel_loop3A_106 = arith.constant 0 : i32
        %parallel_loop3A_107 = arith.addi %parallel_loop3A_105, %parallel_loop3A_106 : i32
        %parallel_loop3A_108 = vector.broadcast %parallel_loop3A_107 : i32 to vector<16xi32>
        %parallel_loop3A_109 = tpu.vector_load_idx %arg20[%parallel_loop3A_108] : memref<128xf32, #tpu.memory_space<vmem>>[vector<16xi32>], vector<16xf32>,
        %parallel_loop3A_110 = arith.index_cast %parallel_loop3A_107 : i32 to index
        %parallel_loop3A_111 = arith.constant 0 : index
        %parallel_loop3A_112 = tpu.vector_load %arg18[%parallel_loop3A_110, %parallel_loop3A_111] {strides = array<i32>} : memref<128x16xf32, #tpu.memory_space<vmem>>, vector<16xf32>,
        %parallel_loop3A_113 = arith.mulf %parallel_loop3A_112, %parallel_loop3A_109 : vector<16xf32>
        %parallel_loop3A_114 = arith.index_cast %parallel_loop3A_107 : i32 to index
        %parallel_loop3A_115 = arith.constant 0 : index
        %parallel_loop3A_116 = tpu.vector_load %arg18[%parallel_loop3A_114, %parallel_loop3A_115] {strides = array<i32>} : memref<128x16xf32, #tpu.memory_space<vmem>>, vector<16xf32>,
        tpu.vector_store %arg18[%parallel_loop3A_114, %parallel_loop3A_115], %parallel_loop3A_113 {strides = array<i32>} : memref<128x16xf32, #tpu.memory_space<vmem>>, vector<16xf32>,
        %parallel_loop3A_117 = arith.constant 16 : i32
        %parallel_loop3A_118 = arith.muli %parallel_loop3A_74, %parallel_loop3A_117 : i32
        %parallel_loop3A_119 = arith.constant 1 : i32
        %parallel_loop3A_120 = arith.addi %parallel_loop3A_118, %parallel_loop3A_119 : i32
        %parallel_loop3A_121 = vector.broadcast %parallel_loop3A_120 : i32 to vector<16xi32>
        %parallel_loop3A_122 = tpu.vector_load_idx %arg20[%parallel_loop3A_121] : memref<128xf32, #tpu.memory_space<vmem>>[vector<16xi32>], vector<16xf32>,
        %parallel_loop3A_123 = arith.index_cast %parallel_loop3A_120 : i32 to index
        %parallel_loop3A_124 = arith.constant 0 : index
        %parallel_loop3A_125 = tpu.vector_load %arg18[%parallel_loop3A_123, %parallel_loop3A_124] {strides = array<i32>} : memref<128x16xf32, #tpu.memory_space<vmem>>, vector<16xf32>,
        %parallel_loop3A_126 = arith.mulf %parallel_loop3A_125, %parallel_loop3A_122 : vector<16xf32>
        %parallel_loop3A_127 = arith.index_cast %parallel_loop3A_120 : i32 to index
        %parallel_loop3A_128 = arith.constant 0 : index
        %parallel_loop3A_129 = tpu.vector_load %arg18[%parallel_loop3A_127, %parallel_loop3A_128] {strides = array<i32>} : memref<128x16xf32, #tpu.memory_space<vmem>>, vector<16xf32>,
        tpu.vector_store %arg18[%parallel_loop3A_127, %parallel_loop3A_128], %parallel_loop3A_126 {strides = array<i32>} : memref<128x16xf32, #tpu.memory_space<vmem>>, vector<16xf32>,
        %parallel_loop3A_130 = arith.constant 16 : i32
        %parallel_loop3A_131 = arith.muli %parallel_loop3A_74, %parallel_loop3A_130 : i32
        %parallel_loop3A_132 = arith.constant 2 : i32
        %parallel_loop3A_133 = arith.addi %parallel_loop3A_131, %parallel_loop3A_132 : i32
        %parallel_loop3A_134 = vector.broadcast %parallel_loop3A_133 : i32 to vector<16xi32>
        %parallel_loop3A_135 = tpu.vector_load_idx %arg20[%parallel_loop3A_134] : memref<128xf32, #tpu.memory_space<vmem>>[vector<16xi32>], vector<16xf32>,
        %parallel_loop3A_136 = arith.index_cast %parallel_loop3A_133 : i32 to index
        %parallel_loop3A_137 = arith.constant 0 : index
        %parallel_loop3A_138 = tpu.vector_load %arg18[%parallel_loop3A_136, %parallel_loop3A_137] {strides = array<i32>} : memref<128x16xf32, #tpu.memory_space<vmem>>, vector<16xf32>,
        %parallel_loop3A_139 = arith.mulf %parallel_loop3A_138, %parallel_loop3A_135 : vector<16xf32>
        %parallel_loop3A_140 = arith.index_cast %parallel_loop3A_133 : i32 to index
        %parallel_loop3A_141 = arith.constant 0 : index
        %parallel_loop3A_142 = tpu.vector_load %arg18[%parallel_loop3A_140, %parallel_loop3A_141] {strides = array<i32>} : memref<128x16xf32, #tpu.memory_space<vmem>>, vector<16xf32>,
        tpu.vector_store %arg18[%parallel_loop3A_140, %parallel_loop3A_141], %parallel_loop3A_139 {strides = array<i32>} : memref<128x16xf32, #tpu.memory_space<vmem>>, vector<16xf32>,
        %parallel_loop3A_143 = arith.constant 16 : i32
        %parallel_loop3A_144 = arith.muli %parallel_loop3A_74, %parallel_loop3A_143 : i32
        %parallel_loop3A_145 = arith.constant 3 : i32
        %parallel_loop3A_146 = arith.addi %parallel_loop3A_144, %parallel_loop3A_145 : i32
        %parallel_loop3A_147 = vector.broadcast %parallel_loop3A_146 : i32 to vector<16xi32>
        %parallel_loop3A_148 = tpu.vector_load_idx %arg20[%parallel_loop3A_147] : memref<128xf32, #tpu.memory_space<vmem>>[vector<16xi32>], vector<16xf32>,
        %parallel_loop3A_149 = arith.index_cast %parallel_loop3A_146 : i32 to index
        %parallel_loop3A_150 = arith.constant 0 : index
        %parallel_loop3A_151 = tpu.vector_load %arg18[%parallel_loop3A_149, %parallel_loop3A_150] {strides = array<i32>} : memref<128x16xf32, #tpu.memory_space<vmem>>, vector<16xf32>,
        %parallel_loop3A_152 = arith.mulf %parallel_loop3A_151, %parallel_loop3A_148 : vector<16xf32>
        %parallel_loop3A_153 = arith.index_cast %parallel_loop3A_146 : i32 to index
        %parallel_loop3A_154 = arith.constant 0 : index
        %parallel_loop3A_155 = tpu.vector_load %arg18[%parallel_loop3A_153, %parallel_loop3A_154] {strides = array<i32>} : memref<128x16xf32, #tpu.memory_space<vmem>>, vector<16xf32>,
        tpu.vector_store %arg18[%parallel_loop3A_153, %parallel_loop3A_154], %parallel_loop3A_152 {strides = array<i32>} : memref<128x16xf32, #tpu.memory_space<vmem>>, vector<16xf32>,
        %parallel_loop3A_156 = arith.constant 16 : i32
        %parallel_loop3A_157 = arith.muli %parallel_loop3A_74, %parallel_loop3A_156 : i32
        %parallel_loop3A_158 = arith.constant 4 : i32
        %parallel_loop3A_159 = arith.addi %parallel_loop3A_157, %parallel_loop3A_158 : i32
        %parallel_loop3A_160 = vector.broadcast %parallel_loop3A_159 : i32 to vector<16xi32>
        %parallel_loop3A_161 = tpu.vector_load_idx %arg20[%parallel_loop3A_160] : memref<128xf32, #tpu.memory_space<vmem>>[vector<16xi32>], vector<16xf32>,
        %parallel_loop3A_162 = arith.index_cast %parallel_loop3A_159 : i32 to index
        %parallel_loop3A_163 = arith.constant 0 : index
        %parallel_loop3A_164 = tpu.vector_load %arg18[%parallel_loop3A_162, %parallel_loop3A_163] {strides = array<i32>} : memref<128x16xf32, #tpu.memory_space<vmem>>, vector<16xf32>,
        %parallel_loop3A_165 = arith.mulf %parallel_loop3A_164, %parallel_loop3A_161 : vector<16xf32>
        %parallel_loop3A_166 = arith.index_cast %parallel_loop3A_159 : i32 to index
        %parallel_loop3A_167 = arith.constant 0 : index
        %parallel_loop3A_168 = tpu.vector_load %arg18[%parallel_loop3A_166, %parallel_loop3A_167] {strides = array<i32>} : memref<128x16xf32, #tpu.memory_space<vmem>>, vector<16xf32>,
        tpu.vector_store %arg18[%parallel_loop3A_166, %parallel_loop3A_167], %parallel_loop3A_165 {strides = array<i32>} : memref<128x16xf32, #tpu.memory_space<vmem>>, vector<16xf32>,
        %parallel_loop3A_169 = arith.constant 16 : i32
        %parallel_loop3A_170 = arith.muli %parallel_loop3A_74, %parallel_loop3A_169 : i32
        %parallel_loop3A_171 = arith.constant 5 : i32
        %parallel_loop3A_172 = arith.addi %parallel_loop3A_170, %parallel_loop3A_171 : i32
        %parallel_loop3A_173 = vector.broadcast %parallel_loop3A_172 : i32 to vector<16xi32>
        %parallel_loop3A_174 = tpu.vector_load_idx %arg20[%parallel_loop3A_173] : memref<128xf32, #tpu.memory_space<vmem>>[vector<16xi32>], vector<16xf32>,
        %parallel_loop3A_175 = arith.index_cast %parallel_loop3A_172 : i32 to index
        %parallel_loop3A_176 = arith.constant 0 : index
        %parallel_loop3A_177 = tpu.vector_load %arg18[%parallel_loop3A_175, %parallel_loop3A_176] {strides = array<i32>} : memref<128x16xf32, #tpu.memory_space<vmem>>, vector<16xf32>,
        %parallel_loop3A_178 = arith.mulf %parallel_loop3A_177, %parallel_loop3A_174 : vector<16xf32>
        %parallel_loop3A_179 = arith.index_cast %parallel_loop3A_172 : i32 to index
        %parallel_loop3A_180 = arith.constant 0 : index
        %parallel_loop3A_181 = tpu.vector_load %arg18[%parallel_loop3A_179, %parallel_loop3A_180] {strides = array<i32>} : memref<128x16xf32, #tpu.memory_space<vmem>>, vector<16xf32>,
        tpu.vector_store %arg18[%parallel_loop3A_179, %parallel_loop3A_180], %parallel_loop3A_178 {strides = array<i32>} : memref<128x16xf32, #tpu.memory_space<vmem>>, vector<16xf32>,
        %parallel_loop3A_182 = arith.constant 16 : i32
        %parallel_loop3A_183 = arith.muli %parallel_loop3A_74, %parallel_loop3A_182 : i32
        %parallel_loop3A_184 = arith.constant 6 : i32
        %parallel_loop3A_185 = arith.addi %parallel_loop3A_183, %parallel_loop3A_184 : i32
        %parallel_loop3A_186 = vector.broadcast %parallel_loop3A_185 : i32 to vector<16xi32>
        %parallel_loop3A_187 = tpu.vector_load_idx %arg20[%parallel_loop3A_186] : memref<128xf32, #tpu.memory_space<vmem>>[vector<16xi32>], vector<16xf32>,
        %parallel_loop3A_188 = arith.index_cast %parallel_loop3A_185 : i32 to index
        %parallel_loop3A_189 = arith.constant 0 : index
        %parallel_loop3A_190 = tpu.vector_load %arg18[%parallel_loop3A_188, %parallel_loop3A_189] {strides = array<i32>} : memref<128x16xf32, #tpu.memory_space<vmem>>, vector<16xf32>,
        %parallel_loop3A_191 = arith.mulf %parallel_loop3A_190, %parallel_loop3A_187 : vector<16xf32>
        %parallel_loop3A_192 = arith.index_cast %parallel_loop3A_185 : i32 to index
        %parallel_loop3A_193 = arith.constant 0 : index
        %parallel_loop3A_194 = tpu.vector_load %arg18[%parallel_loop3A_192, %parallel_loop3A_193] {strides = array<i32>} : memref<128x16xf32, #tpu.memory_space<vmem>>, vector<16xf32>,
        tpu.vector_store %arg18[%parallel_loop3A_192, %parallel_loop3A_193], %parallel_loop3A_191 {strides = array<i32>} : memref<128x16xf32, #tpu.memory_space<vmem>>, vector<16xf32>,
        %parallel_loop3A_195 = arith.constant 16 : i32
        %parallel_loop3A_196 = arith.muli %parallel_loop3A_74, %parallel_loop3A_195 : i32
        %parallel_loop3A_197 = arith.constant 7 : i32
        %parallel_loop3A_198 = arith.addi %parallel_loop3A_196, %parallel_loop3A_197 : i32
        %parallel_loop3A_199 = vector.broadcast %parallel_loop3A_198 : i32 to vector<16xi32>
        %parallel_loop3A_200 = tpu.vector_load_idx %arg20[%parallel_loop3A_199] : memref<128xf32, #tpu.memory_space<vmem>>[vector<16xi32>], vector<16xf32>,
        %parallel_loop3A_201 = arith.index_cast %parallel_loop3A_198 : i32 to index
        %parallel_loop3A_202 = arith.constant 0 : index
        %parallel_loop3A_203 = tpu.vector_load %arg18[%parallel_loop3A_201, %parallel_loop3A_202] {strides = array<i32>} : memref<128x16xf32, #tpu.memory_space<vmem>>, vector<16xf32>,
        %parallel_loop3A_204 = arith.mulf %parallel_loop3A_203, %parallel_loop3A_200 : vector<16xf32>
        %parallel_loop3A_205 = arith.index_cast %parallel_loop3A_198 : i32 to index
        %parallel_loop3A_206 = arith.constant 0 : index
        %parallel_loop3A_207 = tpu.vector_load %arg18[%parallel_loop3A_205, %parallel_loop3A_206] {strides = array<i32>} : memref<128x16xf32, #tpu.memory_space<vmem>>, vector<16xf32>,
        tpu.vector_store %arg18[%parallel_loop3A_205, %parallel_loop3A_206], %parallel_loop3A_204 {strides = array<i32>} : memref<128x16xf32, #tpu.memory_space<vmem>>, vector<16xf32>,
        %parallel_loop3A_208 = arith.constant 16 : i32
        %parallel_loop3A_209 = arith.muli %parallel_loop3A_74, %parallel_loop3A_208 : i32
        %parallel_loop3A_210 = arith.constant 8 : i32
        %parallel_loop3A_211 = arith.addi %parallel_loop3A_209, %parallel_loop3A_210 : i32
        %parallel_loop3A_212 = vector.broadcast %parallel_loop3A_211 : i32 to vector<16xi32>
        %parallel_loop3A_213 = tpu.vector_load_idx %arg20[%parallel_loop3A_212] : memref<128xf32, #tpu.memory_space<vmem>>[vector<16xi32>], vector<16xf32>,
        %parallel_loop3A_214 = arith.index_cast %parallel_loop3A_211 : i32 to index
        %parallel_loop3A_215 = arith.constant 0 : index
        %parallel_loop3A_216 = tpu.vector_load %arg18[%parallel_loop3A_214, %parallel_loop3A_215] {strides = array<i32>} : memref<128x16xf32, #tpu.memory_space<vmem>>, vector<16xf32>,
        %parallel_loop3A_217 = arith.mulf %parallel_loop3A_216, %parallel_loop3A_213 : vector<16xf32>
        %parallel_loop3A_218 = arith.index_cast %parallel_loop3A_211 : i32 to index
        %parallel_loop3A_219 = arith.constant 0 : index
        %parallel_loop3A_220 = tpu.vector_load %arg18[%parallel_loop3A_218, %parallel_loop3A_219] {strides = array<i32>} : memref<128x16xf32, #tpu.memory_space<vmem>>, vector<16xf32>,
        tpu.vector_store %arg18[%parallel_loop3A_218, %parallel_loop3A_219], %parallel_loop3A_217 {strides = array<i32>} : memref<128x16xf32, #tpu.memory_space<vmem>>, vector<16xf32>,
        %parallel_loop3A_221 = arith.constant 16 : i32
        %parallel_loop3A_222 = arith.muli %parallel_loop3A_74, %parallel_loop3A_221 : i32
        %parallel_loop3A_223 = arith.constant 9 : i32
        %parallel_loop3A_224 = arith.addi %parallel_loop3A_222, %parallel_loop3A_223 : i32
        %parallel_loop3A_225 = vector.broadcast %parallel_loop3A_224 : i32 to vector<16xi32>
        %parallel_loop3A_226 = tpu.vector_load_idx %arg20[%parallel_loop3A_225] : memref<128xf32, #tpu.memory_space<vmem>>[vector<16xi32>], vector<16xf32>,
        %parallel_loop3A_227 = arith.index_cast %parallel_loop3A_224 : i32 to index
        %parallel_loop3A_228 = arith.constant 0 : index
        %parallel_loop3A_229 = tpu.vector_load %arg18[%parallel_loop3A_227, %parallel_loop3A_228] {strides = array<i32>} : memref<128x16xf32, #tpu.memory_space<vmem>>, vector<16xf32>,
        %parallel_loop3A_230 = arith.mulf %parallel_loop3A_229, %parallel_loop3A_226 : vector<16xf32>
        %parallel_loop3A_231 = arith.index_cast %parallel_loop3A_224 : i32 to index
        %parallel_loop3A_232 = arith.constant 0 : index
        %parallel_loop3A_233 = tpu.vector_load %arg18[%parallel_loop3A_231, %parallel_loop3A_232] {strides = array<i32>} : memref<128x16xf32, #tpu.memory_space<vmem>>, vector<16xf32>,
        tpu.vector_store %arg18[%parallel_loop3A_231, %parallel_loop3A_232], %parallel_loop3A_230 {strides = array<i32>} : memref<128x16xf32, #tpu.memory_space<vmem>>, vector<16xf32>,
        %parallel_loop3A_234 = arith.constant 16 : i32
        %parallel_loop3A_235 = arith.muli %parallel_loop3A_74, %parallel_loop3A_234 : i32
        %parallel_loop3A_236 = arith.constant 10 : i32
        %parallel_loop3A_237 = arith.addi %parallel_loop3A_235, %parallel_loop3A_236 : i32
        %parallel_loop3A_238 = vector.broadcast %parallel_loop3A_237 : i32 to vector<16xi32>
        %parallel_loop3A_239 = tpu.vector_load_idx %arg20[%parallel_loop3A_238] : memref<128xf32, #tpu.memory_space<vmem>>[vector<16xi32>], vector<16xf32>,
        %parallel_loop3A_240 = arith.index_cast %parallel_loop3A_237 : i32 to index
        %parallel_loop3A_241 = arith.constant 0 : index
        %parallel_loop3A_242 = tpu.vector_load %arg18[%parallel_loop3A_240, %parallel_loop3A_241] {strides = array<i32>} : memref<128x16xf32, #tpu.memory_space<vmem>>, vector<16xf32>,
        %parallel_loop3A_243 = arith.mulf %parallel_loop3A_242, %parallel_loop3A_239 : vector<16xf32>
        %parallel_loop3A_244 = arith.index_cast %parallel_loop3A_237 : i32 to index
        %parallel_loop3A_245 = arith.constant 0 : index
        %parallel_loop3A_246 = tpu.vector_load %arg18[%parallel_loop3A_244, %parallel_loop3A_245] {strides = array<i32>} : memref<128x16xf32, #tpu.memory_space<vmem>>, vector<16xf32>,
        tpu.vector_store %arg18[%parallel_loop3A_244, %parallel_loop3A_245], %parallel_loop3A_243 {strides = array<i32>} : memref<128x16xf32, #tpu.memory_space<vmem>>, vector<16xf32>,
        %parallel_loop3A_247 = arith.constant 16 : i32
        %parallel_loop3A_248 = arith.muli %parallel_loop3A_74, %parallel_loop3A_247 : i32
        %parallel_loop3A_249 = arith.constant 11 : i32
        %parallel_loop3A_250 = arith.addi %parallel_loop3A_248, %parallel_loop3A_249 : i32
        %parallel_loop3A_251 = vector.broadcast %parallel_loop3A_250 : i32 to vector<16xi32>
        %parallel_loop3A_252 = tpu.vector_load_idx %arg20[%parallel_loop3A_251] : memref<128xf32, #tpu.memory_space<vmem>>[vector<16xi32>], vector<16xf32>,
        %parallel_loop3A_253 = arith.index_cast %parallel_loop3A_250 : i32 to index
        %parallel_loop3A_254 = arith.constant 0 : index
        %parallel_loop3A_255 = tpu.vector_load %arg18[%parallel_loop3A_253, %parallel_loop3A_254] {strides = array<i32>} : memref<128x16xf32, #tpu.memory_space<vmem>>, vector<16xf32>,
        %parallel_loop3A_256 = arith.mulf %parallel_loop3A_255, %parallel_loop3A_252 : vector<16xf32>
        %parallel_loop3A_257 = arith.index_cast %parallel_loop3A_250 : i32 to index
        %parallel_loop3A_258 = arith.constant 0 : index
        %parallel_loop3A_259 = tpu.vector_load %arg18[%parallel_loop3A_257, %parallel_loop3A_258] {strides = array<i32>} : memref<128x16xf32, #tpu.memory_space<vmem>>, vector<16xf32>,
        tpu.vector_store %arg18[%parallel_loop3A_257, %parallel_loop3A_258], %parallel_loop3A_256 {strides = array<i32>} : memref<128x16xf32, #tpu.memory_space<vmem>>, vector<16xf32>,
        %parallel_loop3A_260 = arith.constant 16 : i32
        %parallel_loop3A_261 = arith.muli %parallel_loop3A_74, %parallel_loop3A_260 : i32
        %parallel_loop3A_262 = arith.constant 12 : i32
        %parallel_loop3A_263 = arith.addi %parallel_loop3A_261, %parallel_loop3A_262 : i32
        %parallel_loop3A_264 = vector.broadcast %parallel_loop3A_263 : i32 to vector<16xi32>
        %parallel_loop3A_265 = tpu.vector_load_idx %arg20[%parallel_loop3A_264] : memref<128xf32, #tpu.memory_space<vmem>>[vector<16xi32>], vector<16xf32>,
        %parallel_loop3A_266 = arith.index_cast %parallel_loop3A_263 : i32 to index
        %parallel_loop3A_267 = arith.constant 0 : index
        %parallel_loop3A_268 = tpu.vector_load %arg18[%parallel_loop3A_266, %parallel_loop3A_267] {strides = array<i32>} : memref<128x16xf32, #tpu.memory_space<vmem>>, vector<16xf32>,
        %parallel_loop3A_269 = arith.mulf %parallel_loop3A_268, %parallel_loop3A_265 : vector<16xf32>
        %parallel_loop3A_270 = arith.index_cast %parallel_loop3A_263 : i32 to index
        %parallel_loop3A_271 = arith.constant 0 : index
        %parallel_loop3A_272 = tpu.vector_load %arg18[%parallel_loop3A_270, %parallel_loop3A_271] {strides = array<i32>} : memref<128x16xf32, #tpu.memory_space<vmem>>, vector<16xf32>,
        tpu.vector_store %arg18[%parallel_loop3A_270, %parallel_loop3A_271], %parallel_loop3A_269 {strides = array<i32>} : memref<128x16xf32, #tpu.memory_space<vmem>>, vector<16xf32>,
        %parallel_loop3A_273 = arith.constant 16 : i32
        %parallel_loop3A_274 = arith.muli %parallel_loop3A_74, %parallel_loop3A_273 : i32
        %parallel_loop3A_275 = arith.constant 13 : i32
        %parallel_loop3A_276 = arith.addi %parallel_loop3A_274, %parallel_loop3A_275 : i32
        %parallel_loop3A_277 = vector.broadcast %parallel_loop3A_276 : i32 to vector<16xi32>
        %parallel_loop3A_278 = tpu.vector_load_idx %arg20[%parallel_loop3A_277] : memref<128xf32, #tpu.memory_space<vmem>>[vector<16xi32>], vector<16xf32>,
        %parallel_loop3A_279 = arith.index_cast %parallel_loop3A_276 : i32 to index
        %parallel_loop3A_280 = arith.constant 0 : index
        %parallel_loop3A_281 = tpu.vector_load %arg18[%parallel_loop3A_279, %parallel_loop3A_280] {strides = array<i32>} : memref<128x16xf32, #tpu.memory_space<vmem>>, vector<16xf32>,
        %parallel_loop3A_282 = arith.mulf %parallel_loop3A_281, %parallel_loop3A_278 : vector<16xf32>
        %parallel_loop3A_283 = arith.index_cast %parallel_loop3A_276 : i32 to index
        %parallel_loop3A_284 = arith.constant 0 : index
        %parallel_loop3A_285 = tpu.vector_load %arg18[%parallel_loop3A_283, %parallel_loop3A_284] {strides = array<i32>} : memref<128x16xf32, #tpu.memory_space<vmem>>, vector<16xf32>,
        tpu.vector_store %arg18[%parallel_loop3A_283, %parallel_loop3A_284], %parallel_loop3A_282 {strides = array<i32>} : memref<128x16xf32, #tpu.memory_space<vmem>>, vector<16xf32>,
        %parallel_loop3A_286 = arith.constant 16 : i32
        %parallel_loop3A_287 = arith.muli %parallel_loop3A_74, %parallel_loop3A_286 : i32
        %parallel_loop3A_288 = arith.constant 14 : i32
        %parallel_loop3A_289 = arith.addi %parallel_loop3A_287, %parallel_loop3A_288 : i32
        %parallel_loop3A_290 = vector.broadcast %parallel_loop3A_289 : i32 to vector<16xi32>
        %parallel_loop3A_291 = tpu.vector_load_idx %arg20[%parallel_loop3A_290] : memref<128xf32, #tpu.memory_space<vmem>>[vector<16xi32>], vector<16xf32>,
        %parallel_loop3A_292 = arith.index_cast %parallel_loop3A_289 : i32 to index
        %parallel_loop3A_293 = arith.constant 0 : index
        %parallel_loop3A_294 = tpu.vector_load %arg18[%parallel_loop3A_292, %parallel_loop3A_293] {strides = array<i32>} : memref<128x16xf32, #tpu.memory_space<vmem>>, vector<16xf32>,
        %parallel_loop3A_295 = arith.mulf %parallel_loop3A_294, %parallel_loop3A_291 : vector<16xf32>
        %parallel_loop3A_296 = arith.index_cast %parallel_loop3A_289 : i32 to index
        %parallel_loop3A_297 = arith.constant 0 : index
        %parallel_loop3A_298 = tpu.vector_load %arg18[%parallel_loop3A_296, %parallel_loop3A_297] {strides = array<i32>} : memref<128x16xf32, #tpu.memory_space<vmem>>, vector<16xf32>,
        tpu.vector_store %arg18[%parallel_loop3A_296, %parallel_loop3A_297], %parallel_loop3A_295 {strides = array<i32>} : memref<128x16xf32, #tpu.memory_space<vmem>>, vector<16xf32>,
        %parallel_loop3A_299 = arith.constant 16 : i32
        %parallel_loop3A_300 = arith.muli %parallel_loop3A_74, %parallel_loop3A_299 : i32
        %parallel_loop3A_301 = arith.constant 15 : i32
        %parallel_loop3A_302 = arith.addi %parallel_loop3A_300, %parallel_loop3A_301 : i32
        %parallel_loop3A_303 = vector.broadcast %parallel_loop3A_302 : i32 to vector<16xi32>
        %parallel_loop3A_304 = tpu.vector_load_idx %arg20[%parallel_loop3A_303] : memref<128xf32, #tpu.memory_space<vmem>>[vector<16xi32>], vector<16xf32>,
        %parallel_loop3A_305 = arith.index_cast %parallel_loop3A_302 : i32 to index
        %parallel_loop3A_306 = arith.constant 0 : index
        %parallel_loop3A_307 = tpu.vector_load %arg18[%parallel_loop3A_305, %parallel_loop3A_306] {strides = array<i32>} : memref<128x16xf32, #tpu.memory_space<vmem>>, vector<16xf32>,
        %parallel_loop3A_308 = arith.mulf %parallel_loop3A_307, %parallel_loop3A_304 : vector<16xf32>
        %parallel_loop3A_309 = arith.index_cast %parallel_loop3A_302 : i32 to index
        %parallel_loop3A_310 = arith.constant 0 : index
        %parallel_loop3A_311 = tpu.vector_load %arg18[%parallel_loop3A_309, %parallel_loop3A_310] {strides = array<i32>} : memref<128x16xf32, #tpu.memory_space<vmem>>, vector<16xf32>,
        tpu.vector_store %arg18[%parallel_loop3A_309, %parallel_loop3A_310], %parallel_loop3A_308 {strides = array<i32>} : memref<128x16xf32, #tpu.memory_space<vmem>>, vector<16xf32>,
      } {sc.loop_unroll_factor = 4 : i64, sc.parallel_access}
      "tpu.region"() ({
        %run_scoped3A = tpu.sem_alloc : memref<!tpu.dma_semaphore, #tpu.memory_space<semaphore_mem>>
        %dma_start3A_74 = arith.constant 0 : i32
        %dma_start3A_75 = tpu.memref_slice %arg12[%add3A_57, %dma_start3A_74] : memref<82x128xi32, #tpu.memory_space<vmem>> -> memref<1x128xi32, #tpu.memory_space<vmem>>
        %dma_start3A_76 = tpu.memref_squeeze %dma_start3A_75 : memref<1x128xi32, #tpu.memory_space<vmem>> -> memref<128xi32, #tpu.memory_space<vmem>>
        %dma_start3A_77 = arith.constant 0 : i32
        %dma_start3A_78 = arith.constant 0 : i32
        %dma_start3A_79 = tpu.memref_slice %arg23[%dma_start3A_77, %dma_start3A_78] : memref<10240x16xf32, #tpu.memory_space<vmem_shared>> -> memref<10240x16xf32, #tpu.memory_space<vmem_shared>>
        tpu.enqueue_indirect_dma source(%arg18 : memref<128x16xf32, #tpu.memory_space<vmem>>) target(%dma_start3A_79 : memref<10240x16xf32, #tpu.memory_space<vmem_shared>>) offsets(%dma_start3A_76 : memref<128xi32, #tpu.memory_space<vmem>>) semaphore(%run_scoped3A : memref<!tpu.dma_semaphore, #tpu.memory_space<semaphore_mem>>) {add = true}
        %dma_wait3A_80 = arith.constant 0 : i32
        %dma_wait3A_81 = tpu.memref_slice %arg12[%add3A_57, %dma_wait3A_80] : memref<82x128xi32, #tpu.memory_space<vmem>> -> memref<1x128xi32, #tpu.memory_space<vmem>>
        %dma_wait3A_82 = tpu.memref_squeeze %dma_wait3A_81 : memref<1x128xi32, #tpu.memory_space<vmem>> -> memref<128xi32, #tpu.memory_space<vmem>>
        %dma_wait3A_83 = arith.constant 0 : i32
        %dma_wait3A_84 = arith.constant 0 : i32
        %dma_wait3A_85 = tpu.memref_slice %arg23[%dma_wait3A_83, %dma_wait3A_84] : memref<10240x16xf32, #tpu.memory_space<vmem_shared>> -> memref<10240x16xf32, #tpu.memory_space<vmem_shared>>
        tpu.wait_indirect_dma semaphore(%run_scoped3A : memref<!tpu.dma_semaphore, #tpu.memory_space<semaphore_mem>>) src(%arg18 : memref<128x16xf32, #tpu.memory_space<vmem>>) dst(%dma_wait3A_85 : memref<10240x16xf32, #tpu.memory_space<vmem_shared>>)
        tpu.yield
      }) : () -> ()
      "tpu.region"() ({
        %run_scoped3A = tpu.sem_alloc : memref<!tpu.dma_semaphore, #tpu.memory_space<semaphore_mem>>
        %dma_start3A_74 = arith.constant 0 : i32
        %dma_start3A_75 = tpu.memref_slice %arg12[%add3A_57, %dma_start3A_74] : memref<82x128xi32, #tpu.memory_space<vmem>> -> memref<1x128xi32, #tpu.memory_space<vmem>>
        %dma_start3A_76 = tpu.memref_squeeze %dma_start3A_75 : memref<1x128xi32, #tpu.memory_space<vmem>> -> memref<128xi32, #tpu.memory_space<vmem>>
        %dma_start3A_77 = arith.constant 0 : i32
        %dma_start3A_78 = tpu.memref_slice %arg24[%dma_start3A_77] : memref<10240xf32, #tpu.memory_space<vmem_shared>> -> memref<10240xf32, #tpu.memory_space<vmem_shared>>
        tpu.enqueue_indirect_dma source(%arg20 : memref<128xf32, #tpu.memory_space<vmem>>) target(%dma_start3A_78 : memref<10240xf32, #tpu.memory_space<vmem_shared>>) offsets(%dma_start3A_76 : memref<128xi32, #tpu.memory_space<vmem>>) semaphore(%run_scoped3A : memref<!tpu.dma_semaphore, #tpu.memory_space<semaphore_mem>>) {add = true}
        %dma_wait3A_79 = arith.constant 0 : i32
        %dma_wait3A_80 = tpu.memref_slice %arg12[%add3A_57, %dma_wait3A_79] : memref<82x128xi32, #tpu.memory_space<vmem>> -> memref<1x128xi32, #tpu.memory_space<vmem>>
        %dma_wait3A_81 = tpu.memref_squeeze %dma_wait3A_80 : memref<1x128xi32, #tpu.memory_space<vmem>> -> memref<128xi32, #tpu.memory_space<vmem>>
        %dma_wait3A_82 = arith.constant 0 : i32
        %dma_wait3A_83 = tpu.memref_slice %arg24[%dma_wait3A_82] : memref<10240xf32, #tpu.memory_space<vmem_shared>> -> memref<10240xf32, #tpu.memory_space<vmem_shared>>
        tpu.wait_indirect_dma semaphore(%run_scoped3A : memref<!tpu.dma_semaphore, #tpu.memory_space<semaphore_mem>>) src(%arg20 : memref<128xf32, #tpu.memory_space<vmem>>) dst(%dma_wait3A_83 : memref<10240xf32, #tpu.memory_space<vmem_shared>>)
        tpu.yield
      }) : () -> ()
    }
    %scan3A_28 = arith.constant 41 : i32
    %barrier3A_29 = arith.constant 0 : index
    tpu.barrier barrier_id(%barrier3A_29)
    %mul3A_30 = arith.constant 640 : i32
    %mul3A_31 = arith.muli %arg1, %mul3A_30 : i32
    "tpu.region"() ({
      %run_scoped3A = tpu.sem_alloc : memref<!tpu.dma_semaphore, #tpu.memory_space<semaphore_mem>>
      %dma_start3A_38 = arith.constant 0 : i32
      %dma_start3A_39 = tpu.memref_slice %arg23[%mul3A_31, %dma_start3A_38] : memref<10240x16xf32, #tpu.memory_space<vmem_shared>> -> memref<640x16xf32, #tpu.memory_space<vmem_shared>>
      %dma_start3A_40 = arith.constant 0 : i32
      %dma_start3A_41 = tpu.memref_slice %arg23[%mul3A_31, %dma_start3A_40] : memref<10240x16xf32, #tpu.memory_space<vmem_shared>> -> memref<640x16xf32, #tpu.memory_space<vmem_shared>>
      tpu.enqueue_dma source(%dma_start3A_41 : memref<640x16xf32, #tpu.memory_space<vmem_shared>>) target(%arg22 : memref<640x16xf32, #tpu.memory_space<vmem>>) target_semaphore(%run_scoped3A : memref<!tpu.dma_semaphore, #tpu.memory_space<semaphore_mem>>)
      %dma_wait3A = arith.constant 0 : i32
      %dma_wait3A_42 = tpu.memref_slice %arg23[%mul3A_31, %dma_wait3A] : memref<10240x16xf32, #tpu.memory_space<vmem_shared>> -> memref<640x16xf32, #tpu.memory_space<vmem_shared>>
      %dma_wait3A_43 = arith.constant 0 : i32
      %dma_wait3A_44 = tpu.memref_slice %arg23[%mul3A_31, %dma_wait3A_43] : memref<10240x16xf32, #tpu.memory_space<vmem_shared>> -> memref<640x16xf32, #tpu.memory_space<vmem_shared>>
      tpu.wait_dma2 semaphore(%run_scoped3A : memref<!tpu.dma_semaphore, #tpu.memory_space<semaphore_mem>>) src(%dma_wait3A_44 : memref<640x16xf32, #tpu.memory_space<vmem_shared>>) dst(%arg22 : memref<640x16xf32, #tpu.memory_space<vmem>>)
      tpu.yield
    }) : () -> ()
    %mul3A_32 = arith.constant 640 : i32
    %mul3A_33 = arith.muli %arg1, %mul3A_32 : i32
    "tpu.region"() ({
      %run_scoped3A = tpu.sem_alloc : memref<!tpu.dma_semaphore, #tpu.memory_space<semaphore_mem>>
      %dma_start3A_38 = arith.constant 0 : i32
      %dma_start3A_39 = tpu.memref_slice %arg9[%arg0, %mul3A_33, %dma_start3A_38] : memref<2x10240x16xf32, #tpu.memory_space<hbm>> -> memref<1x640x16xf32, #tpu.memory_space<hbm>>
      %dma_start3A_40 = tpu.memref_squeeze %dma_start3A_39 : memref<1x640x16xf32, #tpu.memory_space<hbm>> -> memref<640x16xf32, #tpu.memory_space<hbm>>
      %dma_start3A_41 = arith.constant 0 : i32
      %dma_start3A_42 = tpu.memref_slice %arg9[%arg0, %mul3A_33, %dma_start3A_41] : memref<2x10240x16xf32, #tpu.memory_space<hbm>> -> memref<1x640x16xf32, #tpu.memory_space<hbm>>
      %dma_start3A_43 = tpu.memref_squeeze %dma_start3A_42 : memref<1x640x16xf32, #tpu.memory_space<hbm>> -> memref<640x16xf32, #tpu.memory_space<hbm>>
      tpu.enqueue_dma source(%arg22 : memref<640x16xf32, #tpu.memory_space<vmem>>) target(%dma_start3A_43 : memref<640x16xf32, #tpu.memory_space<hbm>>) target_semaphore(%run_scoped3A : memref<!tpu.dma_semaphore, #tpu.memory_space<semaphore_mem>>)
      %dma_wait3A = arith.constant 0 : i32
      %dma_wait3A_44 = tpu.memref_slice %arg9[%arg0, %mul3A_33, %dma_wait3A] : memref<2x10240x16xf32, #tpu.memory_space<hbm>> -> memref<1x640x16xf32, #tpu.memory_space<hbm>>
      %dma_wait3A_45 = tpu.memref_squeeze %dma_wait3A_44 : memref<1x640x16xf32, #tpu.memory_space<hbm>> -> memref<640x16xf32, #tpu.memory_space<hbm>>
      %dma_wait3A_46 = arith.constant 0 : i32
      %dma_wait3A_47 = tpu.memref_slice %arg9[%arg0, %mul3A_33, %dma_wait3A_46] : memref<2x10240x16xf32, #tpu.memory_space<hbm>> -> memref<1x640x16xf32, #tpu.memory_space<hbm>>
      %dma_wait3A_48 = tpu.memref_squeeze %dma_wait3A_47 : memref<1x640x16xf32, #tpu.memory_space<hbm>> -> memref<640x16xf32, #tpu.memory_space<hbm>>
      tpu.wait_dma2 semaphore(%run_scoped3A : memref<!tpu.dma_semaphore, #tpu.memory_space<semaphore_mem>>) src(%arg22 : memref<640x16xf32, #tpu.memory_space<vmem>>) dst(%dma_wait3A_48 : memref<640x16xf32, #tpu.memory_space<hbm>>)
      tpu.yield
    }) : () -> ()
    %mul3A_34 = arith.constant 640 : i32
    %mul3A_35 = arith.muli %arg1, %mul3A_34 : i32
    "tpu.region"() ({
      %run_scoped3A = tpu.sem_alloc : memref<!tpu.dma_semaphore, #tpu.memory_space<semaphore_mem>>
      %dma_start3A_38 = tpu.memref_slice %arg24[%mul3A_35] : memref<10240xf32, #tpu.memory_space<vmem_shared>> -> memref<640xf32, #tpu.memory_space<vmem_shared>>
      %dma_start3A_39 = tpu.memref_slice %arg24[%mul3A_35] : memref<10240xf32, #tpu.memory_space<vmem_shared>> -> memref<640xf32, #tpu.memory_space<vmem_shared>>
      tpu.enqueue_dma source(%dma_start3A_39 : memref<640xf32, #tpu.memory_space<vmem_shared>>) target(%arg21 : memref<640xf32, #tpu.memory_space<vmem>>) target_semaphore(%run_scoped3A : memref<!tpu.dma_semaphore, #tpu.memory_space<semaphore_mem>>)
      %dma_wait3A = tpu.memref_slice %arg24[%mul3A_35] : memref<10240xf32, #tpu.memory_space<vmem_shared>> -> memref<640xf32, #tpu.memory_space<vmem_shared>>
      %dma_wait3A_40 = tpu.memref_slice %arg24[%mul3A_35] : memref<10240xf32, #tpu.memory_space<vmem_shared>> -> memref<640xf32, #tpu.memory_space<vmem_shared>>
      tpu.wait_dma2 semaphore(%run_scoped3A : memref<!tpu.dma_semaphore, #tpu.memory_space<semaphore_mem>>) src(%dma_wait3A_40 : memref<640xf32, #tpu.memory_space<vmem_shared>>) dst(%arg21 : memref<640xf32, #tpu.memory_space<vmem>>)
      tpu.yield
    }) : () -> ()
    %mul3A_36 = arith.constant 640 : i32
    %mul3A_37 = arith.muli %arg1, %mul3A_36 : i32
    "tpu.region"() ({
      %run_scoped3A = tpu.sem_alloc : memref<!tpu.dma_semaphore, #tpu.memory_space<semaphore_mem>>
      %dma_start3A_38 = tpu.memref_slice %arg10[%arg0, %mul3A_37] : memref<2x10240xf32, #tpu.memory_space<hbm>> -> memref<1x640xf32, #tpu.memory_space<hbm>>
      %dma_start3A_39 = tpu.memref_squeeze %dma_start3A_38 : memref<1x640xf32, #tpu.memory_space<hbm>> -> memref<640xf32, #tpu.memory_space<hbm>>
      %dma_start3A_40 = tpu.memref_slice %arg10[%arg0, %mul3A_37] : memref<2x10240xf32, #tpu.memory_space<hbm>> -> memref<1x640xf32, #tpu.memory_space<hbm>>
      %dma_start3A_41 = tpu.memref_squeeze %dma_start3A_40 : memref<1x640xf32, #tpu.memory_space<hbm>> -> memref<640xf32, #tpu.memory_space<hbm>>
      tpu.enqueue_dma source(%arg21 : memref<640xf32, #tpu.memory_space<vmem>>) target(%dma_start3A_41 : memref<640xf32, #tpu.memory_space<hbm>>) target_semaphore(%run_scoped3A : memref<!tpu.dma_semaphore, #tpu.memory_space<semaphore_mem>>)
      %dma_wait3A = tpu.memref_slice %arg10[%arg0, %mul3A_37] : memref<2x10240xf32, #tpu.memory_space<hbm>> -> memref<1x640xf32, #tpu.memory_space<hbm>>
      %dma_wait3A_42 = tpu.memref_squeeze %dma_wait3A : memref<1x640xf32, #tpu.memory_space<hbm>> -> memref<640xf32, #tpu.memory_space<hbm>>
      %dma_wait3A_43 = tpu.memref_slice %arg10[%arg0, %mul3A_37] : memref<2x10240xf32, #tpu.memory_space<hbm>> -> memref<1x640xf32, #tpu.memory_space<hbm>>
      %dma_wait3A_44 = tpu.memref_squeeze %dma_wait3A_43 : memref<1x640xf32, #tpu.memory_space<hbm>> -> memref<640xf32, #tpu.memory_space<hbm>>
      tpu.wait_dma2 semaphore(%run_scoped3A : memref<!tpu.dma_semaphore, #tpu.memory_space<semaphore_mem>>) src(%arg21 : memref<640xf32, #tpu.memory_space<vmem>>) dst(%dma_wait3A_44 : memref<640xf32, #tpu.memory_space<hbm>>)
      tpu.yield
    }) : () -> ()
    return
  }
}

#map = affine_map<(d0, d1) -> (0, 0, 0)>
#map1 = affine_map<(d0, d1) -> (0)>
#map2 = affine_map<(d0, d1) -> (0, 0)>
module attributes {stable_mosaic.version = 14 : i64} {
  func.func @_gat_body(%arg0: i32, %arg1: i32, %arg2: memref<32x82x128xi32, #tpu.memory_space<hbm>>, %arg3: memref<32x82x128xi32, #tpu.memory_space<hbm>>, %arg4: memref<32x82x128xf32, #tpu.memory_space<hbm>>, %arg5: memref<10240xf32, #tpu.memory_space<hbm>>, %arg6: memref<10240xf32, #tpu.memory_space<hbm>>, %arg7: memref<16xf32, #tpu.memory_space<hbm>>, %arg8: memref<10240x16xf32, #tpu.memory_space<hbm>>, %arg9: memref<2x10240x16xf32, #tpu.memory_space<hbm>>, %arg10: memref<2x10240xf32, #tpu.memory_space<hbm>>, %arg11: memref<82x128xi32, #tpu.memory_space<vmem>>, %arg12: memref<82x128xi32, #tpu.memory_space<vmem>>, %arg13: memref<82x128xf32, #tpu.memory_space<vmem>>, %arg14: memref<10240xf32, #tpu.memory_space<vmem>>, %arg15: memref<10240xf32, #tpu.memory_space<vmem>>, %arg16: memref<16xf32, #tpu.memory_space<vmem>>, %arg17: memref<128x16xf32, #tpu.memory_space<vmem>>, %arg18: memref<128x16xf32, #tpu.memory_space<vmem>>, %arg19: memref<128xf32, #tpu.memory_space<vmem>>, %arg20: memref<128xf32, #tpu.memory_space<vmem>>, %arg21: memref<640xf32, #tpu.memory_space<vmem>>, %arg22: memref<640x16xf32, #tpu.memory_space<vmem>>, %arg23: memref<10240x16xf32, #tpu.memory_space<vmem_shared>>, %arg24: memref<10240xf32, #tpu.memory_space<vmem_shared>>, %arg25: memref<!tpu.dma_semaphore, #tpu.memory_space<semaphore_mem>>, %arg26: memref<!tpu.dma_semaphore, #tpu.memory_space<semaphore_mem>>, %arg27: memref<!tpu.dma_semaphore, #tpu.memory_space<semaphore_mem>>, %arg28: memref<!tpu.dma_semaphore, #tpu.memory_space<semaphore_mem>>, %arg29: memref<!tpu.dma_semaphore, #tpu.memory_space<semaphore_mem>>, %arg30: memref<!tpu.dma_semaphore, #tpu.memory_space<semaphore_mem>>) attributes {dimension_semantics = [#tpu.dimension_semantics<core_parallel>, #tpu.dimension_semantics<subcore_parallel>], iteration_bounds = array<i64: 2, 16>, scalar_prefetch = 0 : i64, scratch_operands = 20 : i64, tpu.core_type = #tpu.core_type<sc_vector_subcore>, window_params = [{transform_indices = #map}, {transform_indices = #map}, {transform_indices = #map}, {transform_indices = #map1}, {transform_indices = #map1}, {transform_indices = #map1}, {transform_indices = #map2}, {transform_indices = #map}, {transform_indices = #map2}]} {
    %mul3A = arith.constant 16 : i32
    %mul3A_0 = arith.muli %arg0, %mul3A : i32
    %add3A = arith.addi %mul3A_0, %arg1 : i32
    "tpu.region"() ({
      %run_scoped3A = tpu.sem_alloc : memref<!tpu.dma_semaphore, #tpu.memory_space<semaphore_mem>>
      %dma_start3A_38 = arith.constant 0 : i32
      %dma_start3A_39 = arith.constant 0 : i32
      %dma_start3A_40 = tpu.memref_slice %arg2[%add3A, %dma_start3A_38, %dma_start3A_39] : memref<32x82x128xi32, #tpu.memory_space<hbm>> -> memref<1x82x128xi32, #tpu.memory_space<hbm>>
      %dma_start3A_41 = tpu.memref_squeeze %dma_start3A_40 : memref<1x82x128xi32, #tpu.memory_space<hbm>> -> memref<82x128xi32, #tpu.memory_space<hbm>>
      %dma_start3A_42 = arith.constant 0 : i32
      %dma_start3A_43 = arith.constant 0 : i32
      %dma_start3A_44 = tpu.memref_slice %arg2[%add3A, %dma_start3A_42, %dma_start3A_43] : memref<32x82x128xi32, #tpu.memory_space<hbm>> -> memref<1x82x128xi32, #tpu.memory_space<hbm>>
      %dma_start3A_45 = tpu.memref_squeeze %dma_start3A_44 : memref<1x82x128xi32, #tpu.memory_space<hbm>> -> memref<82x128xi32, #tpu.memory_space<hbm>>
      tpu.enqueue_dma source(%dma_start3A_45 : memref<82x128xi32, #tpu.memory_space<hbm>>) target(%arg11 : memref<82x128xi32, #tpu.memory_space<vmem>>) target_semaphore(%run_scoped3A : memref<!tpu.dma_semaphore, #tpu.memory_space<semaphore_mem>>)
      %dma_wait3A = arith.constant 0 : i32
      %dma_wait3A_46 = arith.constant 0 : i32
      %dma_wait3A_47 = tpu.memref_slice %arg2[%add3A, %dma_wait3A, %dma_wait3A_46] : memref<32x82x128xi32, #tpu.memory_space<hbm>> -> memref<1x82x128xi32, #tpu.memory_space<hbm>>
      %dma_wait3A_48 = tpu.memref_squeeze %dma_wait3A_47 : memref<1x82x128xi32, #tpu.memory_space<hbm>> -> memref<82x128xi32, #tpu.memory_space<hbm>>
      %dma_wait3A_49 = arith.constant 0 : i32
      %dma_wait3A_50 = arith.constant 0 : i32
      %dma_wait3A_51 = tpu.memref_slice %arg2[%add3A, %dma_wait3A_49, %dma_wait3A_50] : memref<32x82x128xi32, #tpu.memory_space<hbm>> -> memref<1x82x128xi32, #tpu.memory_space<hbm>>
      %dma_wait3A_52 = tpu.memref_squeeze %dma_wait3A_51 : memref<1x82x128xi32, #tpu.memory_space<hbm>> -> memref<82x128xi32, #tpu.memory_space<hbm>>
      tpu.wait_dma2 semaphore(%run_scoped3A : memref<!tpu.dma_semaphore, #tpu.memory_space<semaphore_mem>>) src(%dma_wait3A_52 : memref<82x128xi32, #tpu.memory_space<hbm>>) dst(%arg11 : memref<82x128xi32, #tpu.memory_space<vmem>>)
      tpu.yield
    }) : () -> ()
    %dma_start3A = arith.constant 0 : i32
    %dma_start3A_1 = arith.constant 0 : i32
    %dma_start3A_2 = tpu.memref_slice %arg11[%dma_start3A, %dma_start3A_1] : memref<82x128xi32, #tpu.memory_space<vmem>> -> memref<1x128xi32, #tpu.memory_space<vmem>>
    %dma_start3A_3 = tpu.memref_squeeze %dma_start3A_2 : memref<1x128xi32, #tpu.memory_space<vmem>> -> memref<128xi32, #tpu.memory_space<vmem>>
    %dma_start3A_4 = arith.constant 0 : i32
    %dma_start3A_5 = arith.constant 0 : i32
    %dma_start3A_6 = tpu.memref_slice %arg8[%dma_start3A_4, %dma_start3A_5] : memref<10240x16xf32, #tpu.memory_space<hbm>> -> memref<10240x16xf32, #tpu.memory_space<hbm>>
    tpu.enqueue_indirect_dma source(%dma_start3A_6 : memref<10240x16xf32, #tpu.memory_space<hbm>>) target(%arg17 : memref<128x16xf32, #tpu.memory_space<vmem>>) offsets(%dma_start3A_3 : memref<128xi32, #tpu.memory_space<vmem>>) semaphore(%arg25 : memref<!tpu.dma_semaphore, #tpu.memory_space<semaphore_mem>>)
    "tpu.region"() ({
      %run_scoped3A = tpu.sem_alloc : memref<!tpu.dma_semaphore, #tpu.memory_space<semaphore_mem>>
      %dma_start3A_38 = arith.constant 0 : i32
      %dma_start3A_39 = arith.constant 0 : i32
      %dma_start3A_40 = tpu.memref_slice %arg3[%add3A, %dma_start3A_38, %dma_start3A_39] : memref<32x82x128xi32, #tpu.memory_space<hbm>> -> memref<1x82x128xi32, #tpu.memory_space<hbm>>
      %dma_start3A_41 = tpu.memref_squeeze %dma_start3A_40 : memref<1x82x128xi32, #tpu.memory_space<hbm>> -> memref<82x128xi32, #tpu.memory_space<hbm>>
      %dma_start3A_42 = arith.constant 0 : i32
      %dma_start3A_43 = arith.constant 0 : i32
      %dma_start3A_44 = tpu.memref_slice %arg3[%add3A, %dma_start3A_42, %dma_start3A_43] : memref<32x82x128xi32, #tpu.memory_space<hbm>> -> memref<1x82x128xi32, #tpu.memory_space<hbm>>
      %dma_start3A_45 = tpu.memref_squeeze %dma_start3A_44 : memref<1x82x128xi32, #tpu.memory_space<hbm>> -> memref<82x128xi32, #tpu.memory_space<hbm>>
      tpu.enqueue_dma source(%dma_start3A_45 : memref<82x128xi32, #tpu.memory_space<hbm>>) target(%arg12 : memref<82x128xi32, #tpu.memory_space<vmem>>) target_semaphore(%run_scoped3A : memref<!tpu.dma_semaphore, #tpu.memory_space<semaphore_mem>>)
      %dma_wait3A = arith.constant 0 : i32
      %dma_wait3A_46 = arith.constant 0 : i32
      %dma_wait3A_47 = tpu.memref_slice %arg3[%add3A, %dma_wait3A, %dma_wait3A_46] : memref<32x82x128xi32, #tpu.memory_space<hbm>> -> memref<1x82x128xi32, #tpu.memory_space<hbm>>
      %dma_wait3A_48 = tpu.memref_squeeze %dma_wait3A_47 : memref<1x82x128xi32, #tpu.memory_space<hbm>> -> memref<82x128xi32, #tpu.memory_space<hbm>>
      %dma_wait3A_49 = arith.constant 0 : i32
      %dma_wait3A_50 = arith.constant 0 : i32
      %dma_wait3A_51 = tpu.memref_slice %arg3[%add3A, %dma_wait3A_49, %dma_wait3A_50] : memref<32x82x128xi32, #tpu.memory_space<hbm>> -> memref<1x82x128xi32, #tpu.memory_space<hbm>>
      %dma_wait3A_52 = tpu.memref_squeeze %dma_wait3A_51 : memref<1x82x128xi32, #tpu.memory_space<hbm>> -> memref<82x128xi32, #tpu.memory_space<hbm>>
      tpu.wait_dma2 semaphore(%run_scoped3A : memref<!tpu.dma_semaphore, #tpu.memory_space<semaphore_mem>>) src(%dma_wait3A_52 : memref<82x128xi32, #tpu.memory_space<hbm>>) dst(%arg12 : memref<82x128xi32, #tpu.memory_space<vmem>>)
      tpu.yield
    }) : () -> ()
    "tpu.region"() ({
      %run_scoped3A = tpu.sem_alloc : memref<!tpu.dma_semaphore, #tpu.memory_space<semaphore_mem>>
      %dma_start3A_38 = arith.constant 0 : i32
      %dma_start3A_39 = arith.constant 0 : i32
      %dma_start3A_40 = tpu.memref_slice %arg4[%add3A, %dma_start3A_38, %dma_start3A_39] : memref<32x82x128xf32, #tpu.memory_space<hbm>> -> memref<1x82x128xf32, #tpu.memory_space<hbm>>
      %dma_start3A_41 = tpu.memref_squeeze %dma_start3A_40 : memref<1x82x128xf32, #tpu.memory_space<hbm>> -> memref<82x128xf32, #tpu.memory_space<hbm>>
      %dma_start3A_42 = arith.constant 0 : i32
      %dma_start3A_43 = arith.constant 0 : i32
      %dma_start3A_44 = tpu.memref_slice %arg4[%add3A, %dma_start3A_42, %dma_start3A_43] : memref<32x82x128xf32, #tpu.memory_space<hbm>> -> memref<1x82x128xf32, #tpu.memory_space<hbm>>
      %dma_start3A_45 = tpu.memref_squeeze %dma_start3A_44 : memref<1x82x128xf32, #tpu.memory_space<hbm>> -> memref<82x128xf32, #tpu.memory_space<hbm>>
      tpu.enqueue_dma source(%dma_start3A_45 : memref<82x128xf32, #tpu.memory_space<hbm>>) target(%arg13 : memref<82x128xf32, #tpu.memory_space<vmem>>) target_semaphore(%run_scoped3A : memref<!tpu.dma_semaphore, #tpu.memory_space<semaphore_mem>>)
      %dma_wait3A = arith.constant 0 : i32
      %dma_wait3A_46 = arith.constant 0 : i32
      %dma_wait3A_47 = tpu.memref_slice %arg4[%add3A, %dma_wait3A, %dma_wait3A_46] : memref<32x82x128xf32, #tpu.memory_space<hbm>> -> memref<1x82x128xf32, #tpu.memory_space<hbm>>
      %dma_wait3A_48 = tpu.memref_squeeze %dma_wait3A_47 : memref<1x82x128xf32, #tpu.memory_space<hbm>> -> memref<82x128xf32, #tpu.memory_space<hbm>>
      %dma_wait3A_49 = arith.constant 0 : i32
      %dma_wait3A_50 = arith.constant 0 : i32
      %dma_wait3A_51 = tpu.memref_slice %arg4[%add3A, %dma_wait3A_49, %dma_wait3A_50] : memref<32x82x128xf32, #tpu.memory_space<hbm>> -> memref<1x82x128xf32, #tpu.memory_space<hbm>>
      %dma_wait3A_52 = tpu.memref_squeeze %dma_wait3A_51 : memref<1x82x128xf32, #tpu.memory_space<hbm>> -> memref<82x128xf32, #tpu.memory_space<hbm>>
      tpu.wait_dma2 semaphore(%run_scoped3A : memref<!tpu.dma_semaphore, #tpu.memory_space<semaphore_mem>>) src(%dma_wait3A_52 : memref<82x128xf32, #tpu.memory_space<hbm>>) dst(%arg13 : memref<82x128xf32, #tpu.memory_space<vmem>>)
      tpu.yield
    }) : () -> ()
    "tpu.region"() ({
      %run_scoped3A = tpu.sem_alloc : memref<!tpu.dma_semaphore, #tpu.memory_space<semaphore_mem>>
      tpu.enqueue_dma source(%arg5 : memref<10240xf32, #tpu.memory_space<hbm>>) target(%arg14 : memref<10240xf32, #tpu.memory_space<vmem>>) target_semaphore(%run_scoped3A : memref<!tpu.dma_semaphore, #tpu.memory_space<semaphore_mem>>)
      tpu.wait_dma2 semaphore(%run_scoped3A : memref<!tpu.dma_semaphore, #tpu.memory_space<semaphore_mem>>) src(%arg5 : memref<10240xf32, #tpu.memory_space<hbm>>) dst(%arg14 : memref<10240xf32, #tpu.memory_space<vmem>>)
      tpu.yield
    }) : () -> ()
    "tpu.region"() ({
      %run_scoped3A = tpu.sem_alloc : memref<!tpu.dma_semaphore, #tpu.memory_space<semaphore_mem>>
      tpu.enqueue_dma source(%arg6 : memref<10240xf32, #tpu.memory_space<hbm>>) target(%arg15 : memref<10240xf32, #tpu.memory_space<vmem>>) target_semaphore(%run_scoped3A : memref<!tpu.dma_semaphore, #tpu.memory_space<semaphore_mem>>)
      tpu.wait_dma2 semaphore(%run_scoped3A : memref<!tpu.dma_semaphore, #tpu.memory_space<semaphore_mem>>) src(%arg6 : memref<10240xf32, #tpu.memory_space<hbm>>) dst(%arg15 : memref<10240xf32, #tpu.memory_space<vmem>>)
      tpu.yield
    }) : () -> ()
    "tpu.region"() ({
      %run_scoped3A = tpu.sem_alloc : memref<!tpu.dma_semaphore, #tpu.memory_space<semaphore_mem>>
      tpu.enqueue_dma source(%arg7 : memref<16xf32, #tpu.memory_space<hbm>>) target(%arg16 : memref<16xf32, #tpu.memory_space<vmem>>) target_semaphore(%run_scoped3A : memref<!tpu.dma_semaphore, #tpu.memory_space<semaphore_mem>>)
      tpu.wait_dma2 semaphore(%run_scoped3A : memref<!tpu.dma_semaphore, #tpu.memory_space<semaphore_mem>>) src(%arg7 : memref<16xf32, #tpu.memory_space<hbm>>) dst(%arg16 : memref<16xf32, #tpu.memory_space<vmem>>)
      tpu.yield
    }) : () -> ()
    %scan3A = arith.constant 0 : i32
    %scan3A_7 = arith.constant 0 : i32
    %scan3A_8 = arith.constant 640 : i32
    %scan3A_9 = arith.addi %scan3A_7, %scan3A_8 : i32
    %scan3A_10 = arith.constant 1 : i32
    scf.for %scan3A_38 = %scan3A_7 to %scan3A_9 step %scan3A_10  : i32 {
      %broadcast_in_dim3A = arith.constant 0.000000e+00 : f32
      %broadcast_in_dim3A_39 = vector.broadcast %broadcast_in_dim3A : f32 to vector<16xf32>
      %swap3A = arith.index_cast %scan3A_38 : i32 to index
      %swap3A_40 = arith.constant 0 : index
      %swap3A_41 = tpu.vector_load %arg22[%swap3A, %swap3A_40] {strides = array<i32>} : memref<640x16xf32, #tpu.memory_space<vmem>>, vector<16xf32>,
      tpu.vector_store %arg22[%swap3A, %swap3A_40], %broadcast_in_dim3A_39 {strides = array<i32>} : memref<640x16xf32, #tpu.memory_space<vmem>>, vector<16xf32>,
    }
    %scan3A_11 = arith.constant 640 : i32
    %scan3A_12 = arith.constant 0 : i32
    %scan3A_13 = arith.constant 0 : i32
    %scan3A_14 = arith.constant 40 : i32
    %scan3A_15 = arith.addi %scan3A_13, %scan3A_14 : i32
    %scan3A_16 = arith.constant 1 : i32
    scf.for %scan3A_38 = %scan3A_13 to %scan3A_15 step %scan3A_16  : i32 {
      %broadcast_in_dim3A = arith.constant 0.000000e+00 : f32
      %broadcast_in_dim3A_39 = vector.broadcast %broadcast_in_dim3A : f32 to vector<16xf32>
      %mul3A_40 = arith.constant 16 : i32
      %mul3A_41 = arith.muli %scan3A_38, %mul3A_40 : i32
      %swap3A = arith.index_cast %mul3A_41 : i32 to index
      %swap3A_42 = tpu.vector_load %arg21[%swap3A] {strides = array<i32>} : memref<640xf32, #tpu.memory_space<vmem>>, vector<16xf32>,
      tpu.vector_store %arg21[%swap3A], %broadcast_in_dim3A_39 {strides = array<i32>} : memref<640xf32, #tpu.memory_space<vmem>>, vector<16xf32>,
    }
    %scan3A_17 = arith.constant 40 : i32
    %mul3A_18 = arith.constant 640 : i32
    %mul3A_19 = arith.muli %arg1, %mul3A_18 : i32
    "tpu.region"() ({
      %run_scoped3A = tpu.sem_alloc : memref<!tpu.dma_semaphore, #tpu.memory_space<semaphore_mem>>
      %dma_start3A_38 = arith.constant 0 : i32
      %dma_start3A_39 = tpu.memref_slice %arg23[%mul3A_19, %dma_start3A_38] : memref<10240x16xf32, #tpu.memory_space<vmem_shared>> -> memref<640x16xf32, #tpu.memory_space<vmem_shared>>
      %dma_start3A_40 = arith.constant 0 : i32
      %dma_start3A_41 = tpu.memref_slice %arg23[%mul3A_19, %dma_start3A_40] : memref<10240x16xf32, #tpu.memory_space<vmem_shared>> -> memref<640x16xf32, #tpu.memory_space<vmem_shared>>
      tpu.enqueue_dma source(%arg22 : memref<640x16xf32, #tpu.memory_space<vmem>>) target(%dma_start3A_41 : memref<640x16xf32, #tpu.memory_space<vmem_shared>>) target_semaphore(%run_scoped3A : memref<!tpu.dma_semaphore, #tpu.memory_space<semaphore_mem>>)
      %dma_wait3A = arith.constant 0 : i32
      %dma_wait3A_42 = tpu.memref_slice %arg23[%mul3A_19, %dma_wait3A] : memref<10240x16xf32, #tpu.memory_space<vmem_shared>> -> memref<640x16xf32, #tpu.memory_space<vmem_shared>>
      %dma_wait3A_43 = arith.constant 0 : i32
      %dma_wait3A_44 = tpu.memref_slice %arg23[%mul3A_19, %dma_wait3A_43] : memref<10240x16xf32, #tpu.memory_space<vmem_shared>> -> memref<640x16xf32, #tpu.memory_space<vmem_shared>>
      tpu.wait_dma2 semaphore(%run_scoped3A : memref<!tpu.dma_semaphore, #tpu.memory_space<semaphore_mem>>) src(%arg22 : memref<640x16xf32, #tpu.memory_space<vmem>>) dst(%dma_wait3A_44 : memref<640x16xf32, #tpu.memory_space<vmem_shared>>)
      tpu.yield
    }) : () -> ()
    %mul3A_20 = arith.constant 640 : i32
    %mul3A_21 = arith.muli %arg1, %mul3A_20 : i32
    "tpu.region"() ({
      %run_scoped3A = tpu.sem_alloc : memref<!tpu.dma_semaphore, #tpu.memory_space<semaphore_mem>>
      %dma_start3A_38 = tpu.memref_slice %arg24[%mul3A_21] : memref<10240xf32, #tpu.memory_space<vmem_shared>> -> memref<640xf32, #tpu.memory_space<vmem_shared>>
      %dma_start3A_39 = tpu.memref_slice %arg24[%mul3A_21] : memref<10240xf32, #tpu.memory_space<vmem_shared>> -> memref<640xf32, #tpu.memory_space<vmem_shared>>
      tpu.enqueue_dma source(%arg21 : memref<640xf32, #tpu.memory_space<vmem>>) target(%dma_start3A_39 : memref<640xf32, #tpu.memory_space<vmem_shared>>) target_semaphore(%run_scoped3A : memref<!tpu.dma_semaphore, #tpu.memory_space<semaphore_mem>>)
      %dma_wait3A = tpu.memref_slice %arg24[%mul3A_21] : memref<10240xf32, #tpu.memory_space<vmem_shared>> -> memref<640xf32, #tpu.memory_space<vmem_shared>>
      %dma_wait3A_40 = tpu.memref_slice %arg24[%mul3A_21] : memref<10240xf32, #tpu.memory_space<vmem_shared>> -> memref<640xf32, #tpu.memory_space<vmem_shared>>
      tpu.wait_dma2 semaphore(%run_scoped3A : memref<!tpu.dma_semaphore, #tpu.memory_space<semaphore_mem>>) src(%arg21 : memref<640xf32, #tpu.memory_space<vmem>>) dst(%dma_wait3A_40 : memref<640xf32, #tpu.memory_space<vmem_shared>>)
      tpu.yield
    }) : () -> ()
    %barrier3A = arith.constant 0 : index
    tpu.barrier barrier_id(%barrier3A)
    %get3A = arith.constant 0 : index
    %get3A_22 = tpu.vector_load %arg16[%get3A] {strides = array<i32>} : memref<16xf32, #tpu.memory_space<vmem>>, vector<16xf32>,
    %scan3A_23 = arith.constant 0 : i32
    %scan3A_24 = arith.constant 0 : i32
    %scan3A_25 = arith.constant 41 : i32
    %scan3A_26 = arith.addi %scan3A_24, %scan3A_25 : i32
    %scan3A_27 = arith.constant 1 : i32
    scf.for %scan3A_38 = %scan3A_24 to %scan3A_26 step %scan3A_27  : i32 {
      %mul3A_39 = arith.constant 2 : i32
      %mul3A_40 = arith.muli %scan3A_38, %mul3A_39 : i32
      %add3A_41 = arith.constant 0 : i32
      %add3A_42 = arith.addi %mul3A_40, %add3A_41 : i32
      %add3A_43 = arith.constant 1 : i32
      %add3A_44 = arith.addi %add3A_42, %add3A_43 : i32
      %lt3A = arith.constant 82 : i32
      %lt3A_45 = arith.cmpi slt, %add3A_44, %lt3A : i32
      %convert_element_type3A = arith.extui %lt3A_45 : i1 to i32
      %cond3A = arith.constant 0 : i32
      %cond3A_46 = arith.cmpi ne, %convert_element_type3A, %cond3A : i32
      scf.if %cond3A_46 {
        %add3A_74 = arith.constant 1 : i32
        %add3A_75 = arith.addi %add3A_42, %add3A_74 : i32
        %dma_start3A_76 = arith.constant 0 : i32
        %dma_start3A_77 = tpu.memref_slice %arg11[%add3A_75, %dma_start3A_76] : memref<82x128xi32, #tpu.memory_space<vmem>> -> memref<1x128xi32, #tpu.memory_space<vmem>>
        %dma_start3A_78 = tpu.memref_squeeze %dma_start3A_77 : memref<1x128xi32, #tpu.memory_space<vmem>> -> memref<128xi32, #tpu.memory_space<vmem>>
        %dma_start3A_79 = arith.constant 0 : i32
        %dma_start3A_80 = arith.constant 0 : i32
        %dma_start3A_81 = tpu.memref_slice %arg8[%dma_start3A_79, %dma_start3A_80] : memref<10240x16xf32, #tpu.memory_space<hbm>> -> memref<10240x16xf32, #tpu.memory_space<hbm>>
        tpu.enqueue_indirect_dma source(%dma_start3A_81 : memref<10240x16xf32, #tpu.memory_space<hbm>>) target(%arg18 : memref<128x16xf32, #tpu.memory_space<vmem>>) offsets(%dma_start3A_78 : memref<128xi32, #tpu.memory_space<vmem>>) semaphore(%arg26 : memref<!tpu.dma_semaphore, #tpu.memory_space<semaphore_mem>>)
      } else {
      }
      %dma_wait3A = arith.constant 0 : i32
      %dma_wait3A_47 = tpu.memref_slice %arg11[%add3A_42, %dma_wait3A] : memref<82x128xi32, #tpu.memory_space<vmem>> -> memref<1x128xi32, #tpu.memory_space<vmem>>
      %dma_wait3A_48 = tpu.memref_squeeze %dma_wait3A_47 : memref<1x128xi32, #tpu.memory_space<vmem>> -> memref<128xi32, #tpu.memory_space<vmem>>
      %dma_wait3A_49 = arith.constant 0 : i32
      %dma_wait3A_50 = arith.constant 0 : i32
      %dma_wait3A_51 = tpu.memref_slice %arg8[%dma_wait3A_49, %dma_wait3A_50] : memref<10240x16xf32, #tpu.memory_space<hbm>> -> memref<10240x16xf32, #tpu.memory_space<hbm>>
      tpu.wait_indirect_dma semaphore(%arg25 : memref<!tpu.dma_semaphore, #tpu.memory_space<semaphore_mem>>) src(%dma_wait3A_51 : memref<10240x16xf32, #tpu.memory_space<hbm>>) dst(%arg17 : memref<128x16xf32, #tpu.memory_space<vmem>>)
      %parallel_loop3A = arith.constant 0 : i32
      %parallel_loop3A_52 = arith.constant 8 : i32
      %parallel_loop3A_53 = arith.constant 1 : i32
      scf.for %parallel_loop3A_74 = %parallel_loop3A to %parallel_loop3A_52 step %parallel_loop3A_53  : i32 {
        %parallel_loop3A_75 = arith.constant 16 : i32
        %parallel_loop3A_76 = arith.muli %parallel_loop3A_74, %parallel_loop3A_75 : i32
        %parallel_loop3A_77 = arith.index_cast %add3A_42 : i32 to index
        %parallel_loop3A_78 = arith.index_cast %parallel_loop3A_76 : i32 to index
        %parallel_loop3A_79 = tpu.vector_load %arg11[%parallel_loop3A_77, %parallel_loop3A_78] {strides = array<i32>} : memref<82x128xi32, #tpu.memory_space<vmem>>, vector<16xi32>,
        %parallel_loop3A_80 = arith.constant 16 : i32
        %parallel_loop3A_81 = arith.muli %parallel_loop3A_74, %parallel_loop3A_80 : i32
        %parallel_loop3A_82 = arith.index_cast %add3A_42 : i32 to index
        %parallel_loop3A_83 = arith.index_cast %parallel_loop3A_81 : i32 to index
        %parallel_loop3A_84 = tpu.vector_load %arg12[%parallel_loop3A_82, %parallel_loop3A_83] {strides = array<i32>} : memref<82x128xi32, #tpu.memory_space<vmem>>, vector<16xi32>,
        %parallel_loop3A_85 = tpu.vector_load_idx %arg14[%parallel_loop3A_79] : memref<10240xf32, #tpu.memory_space<vmem>>[vector<16xi32>], vector<16xf32>,
        %parallel_loop3A_86 = tpu.vector_load_idx %arg15[%parallel_loop3A_84] : memref<10240xf32, #tpu.memory_space<vmem>>[vector<16xi32>], vector<16xf32>,
        %parallel_loop3A_87 = arith.addf %parallel_loop3A_85, %parallel_loop3A_86 : vector<16xf32>
        %parallel_loop3A_88 = arith.constant 16 : i32
        %parallel_loop3A_89 = arith.muli %parallel_loop3A_74, %parallel_loop3A_88 : i32
        %parallel_loop3A_90 = arith.index_cast %add3A_42 : i32 to index
        %parallel_loop3A_91 = arith.index_cast %parallel_loop3A_89 : i32 to index
        %parallel_loop3A_92 = tpu.vector_load %arg13[%parallel_loop3A_90, %parallel_loop3A_91] {strides = array<i32>} : memref<82x128xf32, #tpu.memory_space<vmem>>, vector<16xf32>,
        %parallel_loop3A_93 = arith.addf %parallel_loop3A_87, %parallel_loop3A_92 : vector<16xf32>
        %parallel_loop3A_94 = arith.constant 2.000000e-01 : f32
        %parallel_loop3A_95 = vector.broadcast %parallel_loop3A_94 : f32 to vector<16xf32>
        %parallel_loop3A_96 = arith.mulf %parallel_loop3A_95, %parallel_loop3A_93 : vector<16xf32>
        %parallel_loop3A_97 = arith.maximumf %parallel_loop3A_93, %parallel_loop3A_96 : vector<16xf32>
        %parallel_loop3A_98 = arith.subf %parallel_loop3A_97, %get3A_22 : vector<16xf32>
        %parallel_loop3A_99 = math.exp %parallel_loop3A_98 : vector<16xf32>
        %parallel_loop3A_100 = arith.constant 16 : i32
        %parallel_loop3A_101 = arith.muli %parallel_loop3A_74, %parallel_loop3A_100 : i32
        %parallel_loop3A_102 = arith.index_cast %parallel_loop3A_101 : i32 to index
        %parallel_loop3A_103 = tpu.vector_load %arg19[%parallel_loop3A_102] {strides = array<i32>} : memref<128xf32, #tpu.memory_space<vmem>>, vector<16xf32>,
        tpu.vector_store %arg19[%parallel_loop3A_102], %parallel_loop3A_99 {strides = array<i32>} : memref<128xf32, #tpu.memory_space<vmem>>, vector<16xf32>,
        %parallel_loop3A_104 = arith.constant 16 : i32
        %parallel_loop3A_105 = arith.muli %parallel_loop3A_74, %parallel_loop3A_104 : i32
        %parallel_loop3A_106 = arith.constant 0 : i32
        %parallel_loop3A_107 = arith.addi %parallel_loop3A_105, %parallel_loop3A_106 : i32
        %parallel_loop3A_108 = vector.broadcast %parallel_loop3A_107 : i32 to vector<16xi32>
        %parallel_loop3A_109 = tpu.vector_load_idx %arg19[%parallel_loop3A_108] : memref<128xf32, #tpu.memory_space<vmem>>[vector<16xi32>], vector<16xf32>,
        %parallel_loop3A_110 = arith.index_cast %parallel_loop3A_107 : i32 to index
        %parallel_loop3A_111 = arith.constant 0 : index
        %parallel_loop3A_112 = tpu.vector_load %arg17[%parallel_loop3A_110, %parallel_loop3A_111] {strides = array<i32>} : memref<128x16xf32, #tpu.memory_space<vmem>>, vector<16xf32>,
        %parallel_loop3A_113 = arith.mulf %parallel_loop3A_112, %parallel_loop3A_109 : vector<16xf32>
        %parallel_loop3A_114 = arith.index_cast %parallel_loop3A_107 : i32 to index
        %parallel_loop3A_115 = arith.constant 0 : index
        %parallel_loop3A_116 = tpu.vector_load %arg17[%parallel_loop3A_114, %parallel_loop3A_115] {strides = array<i32>} : memref<128x16xf32, #tpu.memory_space<vmem>>, vector<16xf32>,
        tpu.vector_store %arg17[%parallel_loop3A_114, %parallel_loop3A_115], %parallel_loop3A_113 {strides = array<i32>} : memref<128x16xf32, #tpu.memory_space<vmem>>, vector<16xf32>,
        %parallel_loop3A_117 = arith.constant 16 : i32
        %parallel_loop3A_118 = arith.muli %parallel_loop3A_74, %parallel_loop3A_117 : i32
        %parallel_loop3A_119 = arith.constant 1 : i32
        %parallel_loop3A_120 = arith.addi %parallel_loop3A_118, %parallel_loop3A_119 : i32
        %parallel_loop3A_121 = vector.broadcast %parallel_loop3A_120 : i32 to vector<16xi32>
        %parallel_loop3A_122 = tpu.vector_load_idx %arg19[%parallel_loop3A_121] : memref<128xf32, #tpu.memory_space<vmem>>[vector<16xi32>], vector<16xf32>,
        %parallel_loop3A_123 = arith.index_cast %parallel_loop3A_120 : i32 to index
        %parallel_loop3A_124 = arith.constant 0 : index
        %parallel_loop3A_125 = tpu.vector_load %arg17[%parallel_loop3A_123, %parallel_loop3A_124] {strides = array<i32>} : memref<128x16xf32, #tpu.memory_space<vmem>>, vector<16xf32>,
        %parallel_loop3A_126 = arith.mulf %parallel_loop3A_125, %parallel_loop3A_122 : vector<16xf32>
        %parallel_loop3A_127 = arith.index_cast %parallel_loop3A_120 : i32 to index
        %parallel_loop3A_128 = arith.constant 0 : index
        %parallel_loop3A_129 = tpu.vector_load %arg17[%parallel_loop3A_127, %parallel_loop3A_128] {strides = array<i32>} : memref<128x16xf32, #tpu.memory_space<vmem>>, vector<16xf32>,
        tpu.vector_store %arg17[%parallel_loop3A_127, %parallel_loop3A_128], %parallel_loop3A_126 {strides = array<i32>} : memref<128x16xf32, #tpu.memory_space<vmem>>, vector<16xf32>,
        %parallel_loop3A_130 = arith.constant 16 : i32
        %parallel_loop3A_131 = arith.muli %parallel_loop3A_74, %parallel_loop3A_130 : i32
        %parallel_loop3A_132 = arith.constant 2 : i32
        %parallel_loop3A_133 = arith.addi %parallel_loop3A_131, %parallel_loop3A_132 : i32
        %parallel_loop3A_134 = vector.broadcast %parallel_loop3A_133 : i32 to vector<16xi32>
        %parallel_loop3A_135 = tpu.vector_load_idx %arg19[%parallel_loop3A_134] : memref<128xf32, #tpu.memory_space<vmem>>[vector<16xi32>], vector<16xf32>,
        %parallel_loop3A_136 = arith.index_cast %parallel_loop3A_133 : i32 to index
        %parallel_loop3A_137 = arith.constant 0 : index
        %parallel_loop3A_138 = tpu.vector_load %arg17[%parallel_loop3A_136, %parallel_loop3A_137] {strides = array<i32>} : memref<128x16xf32, #tpu.memory_space<vmem>>, vector<16xf32>,
        %parallel_loop3A_139 = arith.mulf %parallel_loop3A_138, %parallel_loop3A_135 : vector<16xf32>
        %parallel_loop3A_140 = arith.index_cast %parallel_loop3A_133 : i32 to index
        %parallel_loop3A_141 = arith.constant 0 : index
        %parallel_loop3A_142 = tpu.vector_load %arg17[%parallel_loop3A_140, %parallel_loop3A_141] {strides = array<i32>} : memref<128x16xf32, #tpu.memory_space<vmem>>, vector<16xf32>,
        tpu.vector_store %arg17[%parallel_loop3A_140, %parallel_loop3A_141], %parallel_loop3A_139 {strides = array<i32>} : memref<128x16xf32, #tpu.memory_space<vmem>>, vector<16xf32>,
        %parallel_loop3A_143 = arith.constant 16 : i32
        %parallel_loop3A_144 = arith.muli %parallel_loop3A_74, %parallel_loop3A_143 : i32
        %parallel_loop3A_145 = arith.constant 3 : i32
        %parallel_loop3A_146 = arith.addi %parallel_loop3A_144, %parallel_loop3A_145 : i32
        %parallel_loop3A_147 = vector.broadcast %parallel_loop3A_146 : i32 to vector<16xi32>
        %parallel_loop3A_148 = tpu.vector_load_idx %arg19[%parallel_loop3A_147] : memref<128xf32, #tpu.memory_space<vmem>>[vector<16xi32>], vector<16xf32>,
        %parallel_loop3A_149 = arith.index_cast %parallel_loop3A_146 : i32 to index
        %parallel_loop3A_150 = arith.constant 0 : index
        %parallel_loop3A_151 = tpu.vector_load %arg17[%parallel_loop3A_149, %parallel_loop3A_150] {strides = array<i32>} : memref<128x16xf32, #tpu.memory_space<vmem>>, vector<16xf32>,
        %parallel_loop3A_152 = arith.mulf %parallel_loop3A_151, %parallel_loop3A_148 : vector<16xf32>
        %parallel_loop3A_153 = arith.index_cast %parallel_loop3A_146 : i32 to index
        %parallel_loop3A_154 = arith.constant 0 : index
        %parallel_loop3A_155 = tpu.vector_load %arg17[%parallel_loop3A_153, %parallel_loop3A_154] {strides = array<i32>} : memref<128x16xf32, #tpu.memory_space<vmem>>, vector<16xf32>,
        tpu.vector_store %arg17[%parallel_loop3A_153, %parallel_loop3A_154], %parallel_loop3A_152 {strides = array<i32>} : memref<128x16xf32, #tpu.memory_space<vmem>>, vector<16xf32>,
        %parallel_loop3A_156 = arith.constant 16 : i32
        %parallel_loop3A_157 = arith.muli %parallel_loop3A_74, %parallel_loop3A_156 : i32
        %parallel_loop3A_158 = arith.constant 4 : i32
        %parallel_loop3A_159 = arith.addi %parallel_loop3A_157, %parallel_loop3A_158 : i32
        %parallel_loop3A_160 = vector.broadcast %parallel_loop3A_159 : i32 to vector<16xi32>
        %parallel_loop3A_161 = tpu.vector_load_idx %arg19[%parallel_loop3A_160] : memref<128xf32, #tpu.memory_space<vmem>>[vector<16xi32>], vector<16xf32>,
        %parallel_loop3A_162 = arith.index_cast %parallel_loop3A_159 : i32 to index
        %parallel_loop3A_163 = arith.constant 0 : index
        %parallel_loop3A_164 = tpu.vector_load %arg17[%parallel_loop3A_162, %parallel_loop3A_163] {strides = array<i32>} : memref<128x16xf32, #tpu.memory_space<vmem>>, vector<16xf32>,
        %parallel_loop3A_165 = arith.mulf %parallel_loop3A_164, %parallel_loop3A_161 : vector<16xf32>
        %parallel_loop3A_166 = arith.index_cast %parallel_loop3A_159 : i32 to index
        %parallel_loop3A_167 = arith.constant 0 : index
        %parallel_loop3A_168 = tpu.vector_load %arg17[%parallel_loop3A_166, %parallel_loop3A_167] {strides = array<i32>} : memref<128x16xf32, #tpu.memory_space<vmem>>, vector<16xf32>,
        tpu.vector_store %arg17[%parallel_loop3A_166, %parallel_loop3A_167], %parallel_loop3A_165 {strides = array<i32>} : memref<128x16xf32, #tpu.memory_space<vmem>>, vector<16xf32>,
        %parallel_loop3A_169 = arith.constant 16 : i32
        %parallel_loop3A_170 = arith.muli %parallel_loop3A_74, %parallel_loop3A_169 : i32
        %parallel_loop3A_171 = arith.constant 5 : i32
        %parallel_loop3A_172 = arith.addi %parallel_loop3A_170, %parallel_loop3A_171 : i32
        %parallel_loop3A_173 = vector.broadcast %parallel_loop3A_172 : i32 to vector<16xi32>
        %parallel_loop3A_174 = tpu.vector_load_idx %arg19[%parallel_loop3A_173] : memref<128xf32, #tpu.memory_space<vmem>>[vector<16xi32>], vector<16xf32>,
        %parallel_loop3A_175 = arith.index_cast %parallel_loop3A_172 : i32 to index
        %parallel_loop3A_176 = arith.constant 0 : index
        %parallel_loop3A_177 = tpu.vector_load %arg17[%parallel_loop3A_175, %parallel_loop3A_176] {strides = array<i32>} : memref<128x16xf32, #tpu.memory_space<vmem>>, vector<16xf32>,
        %parallel_loop3A_178 = arith.mulf %parallel_loop3A_177, %parallel_loop3A_174 : vector<16xf32>
        %parallel_loop3A_179 = arith.index_cast %parallel_loop3A_172 : i32 to index
        %parallel_loop3A_180 = arith.constant 0 : index
        %parallel_loop3A_181 = tpu.vector_load %arg17[%parallel_loop3A_179, %parallel_loop3A_180] {strides = array<i32>} : memref<128x16xf32, #tpu.memory_space<vmem>>, vector<16xf32>,
        tpu.vector_store %arg17[%parallel_loop3A_179, %parallel_loop3A_180], %parallel_loop3A_178 {strides = array<i32>} : memref<128x16xf32, #tpu.memory_space<vmem>>, vector<16xf32>,
        %parallel_loop3A_182 = arith.constant 16 : i32
        %parallel_loop3A_183 = arith.muli %parallel_loop3A_74, %parallel_loop3A_182 : i32
        %parallel_loop3A_184 = arith.constant 6 : i32
        %parallel_loop3A_185 = arith.addi %parallel_loop3A_183, %parallel_loop3A_184 : i32
        %parallel_loop3A_186 = vector.broadcast %parallel_loop3A_185 : i32 to vector<16xi32>
        %parallel_loop3A_187 = tpu.vector_load_idx %arg19[%parallel_loop3A_186] : memref<128xf32, #tpu.memory_space<vmem>>[vector<16xi32>], vector<16xf32>,
        %parallel_loop3A_188 = arith.index_cast %parallel_loop3A_185 : i32 to index
        %parallel_loop3A_189 = arith.constant 0 : index
        %parallel_loop3A_190 = tpu.vector_load %arg17[%parallel_loop3A_188, %parallel_loop3A_189] {strides = array<i32>} : memref<128x16xf32, #tpu.memory_space<vmem>>, vector<16xf32>,
        %parallel_loop3A_191 = arith.mulf %parallel_loop3A_190, %parallel_loop3A_187 : vector<16xf32>
        %parallel_loop3A_192 = arith.index_cast %parallel_loop3A_185 : i32 to index
        %parallel_loop3A_193 = arith.constant 0 : index
        %parallel_loop3A_194 = tpu.vector_load %arg17[%parallel_loop3A_192, %parallel_loop3A_193] {strides = array<i32>} : memref<128x16xf32, #tpu.memory_space<vmem>>, vector<16xf32>,
        tpu.vector_store %arg17[%parallel_loop3A_192, %parallel_loop3A_193], %parallel_loop3A_191 {strides = array<i32>} : memref<128x16xf32, #tpu.memory_space<vmem>>, vector<16xf32>,
        %parallel_loop3A_195 = arith.constant 16 : i32
        %parallel_loop3A_196 = arith.muli %parallel_loop3A_74, %parallel_loop3A_195 : i32
        %parallel_loop3A_197 = arith.constant 7 : i32
        %parallel_loop3A_198 = arith.addi %parallel_loop3A_196, %parallel_loop3A_197 : i32
        %parallel_loop3A_199 = vector.broadcast %parallel_loop3A_198 : i32 to vector<16xi32>
        %parallel_loop3A_200 = tpu.vector_load_idx %arg19[%parallel_loop3A_199] : memref<128xf32, #tpu.memory_space<vmem>>[vector<16xi32>], vector<16xf32>,
        %parallel_loop3A_201 = arith.index_cast %parallel_loop3A_198 : i32 to index
        %parallel_loop3A_202 = arith.constant 0 : index
        %parallel_loop3A_203 = tpu.vector_load %arg17[%parallel_loop3A_201, %parallel_loop3A_202] {strides = array<i32>} : memref<128x16xf32, #tpu.memory_space<vmem>>, vector<16xf32>,
        %parallel_loop3A_204 = arith.mulf %parallel_loop3A_203, %parallel_loop3A_200 : vector<16xf32>
        %parallel_loop3A_205 = arith.index_cast %parallel_loop3A_198 : i32 to index
        %parallel_loop3A_206 = arith.constant 0 : index
        %parallel_loop3A_207 = tpu.vector_load %arg17[%parallel_loop3A_205, %parallel_loop3A_206] {strides = array<i32>} : memref<128x16xf32, #tpu.memory_space<vmem>>, vector<16xf32>,
        tpu.vector_store %arg17[%parallel_loop3A_205, %parallel_loop3A_206], %parallel_loop3A_204 {strides = array<i32>} : memref<128x16xf32, #tpu.memory_space<vmem>>, vector<16xf32>,
        %parallel_loop3A_208 = arith.constant 16 : i32
        %parallel_loop3A_209 = arith.muli %parallel_loop3A_74, %parallel_loop3A_208 : i32
        %parallel_loop3A_210 = arith.constant 8 : i32
        %parallel_loop3A_211 = arith.addi %parallel_loop3A_209, %parallel_loop3A_210 : i32
        %parallel_loop3A_212 = vector.broadcast %parallel_loop3A_211 : i32 to vector<16xi32>
        %parallel_loop3A_213 = tpu.vector_load_idx %arg19[%parallel_loop3A_212] : memref<128xf32, #tpu.memory_space<vmem>>[vector<16xi32>], vector<16xf32>,
        %parallel_loop3A_214 = arith.index_cast %parallel_loop3A_211 : i32 to index
        %parallel_loop3A_215 = arith.constant 0 : index
        %parallel_loop3A_216 = tpu.vector_load %arg17[%parallel_loop3A_214, %parallel_loop3A_215] {strides = array<i32>} : memref<128x16xf32, #tpu.memory_space<vmem>>, vector<16xf32>,
        %parallel_loop3A_217 = arith.mulf %parallel_loop3A_216, %parallel_loop3A_213 : vector<16xf32>
        %parallel_loop3A_218 = arith.index_cast %parallel_loop3A_211 : i32 to index
        %parallel_loop3A_219 = arith.constant 0 : index
        %parallel_loop3A_220 = tpu.vector_load %arg17[%parallel_loop3A_218, %parallel_loop3A_219] {strides = array<i32>} : memref<128x16xf32, #tpu.memory_space<vmem>>, vector<16xf32>,
        tpu.vector_store %arg17[%parallel_loop3A_218, %parallel_loop3A_219], %parallel_loop3A_217 {strides = array<i32>} : memref<128x16xf32, #tpu.memory_space<vmem>>, vector<16xf32>,
        %parallel_loop3A_221 = arith.constant 16 : i32
        %parallel_loop3A_222 = arith.muli %parallel_loop3A_74, %parallel_loop3A_221 : i32
        %parallel_loop3A_223 = arith.constant 9 : i32
        %parallel_loop3A_224 = arith.addi %parallel_loop3A_222, %parallel_loop3A_223 : i32
        %parallel_loop3A_225 = vector.broadcast %parallel_loop3A_224 : i32 to vector<16xi32>
        %parallel_loop3A_226 = tpu.vector_load_idx %arg19[%parallel_loop3A_225] : memref<128xf32, #tpu.memory_space<vmem>>[vector<16xi32>], vector<16xf32>,
        %parallel_loop3A_227 = arith.index_cast %parallel_loop3A_224 : i32 to index
        %parallel_loop3A_228 = arith.constant 0 : index
        %parallel_loop3A_229 = tpu.vector_load %arg17[%parallel_loop3A_227, %parallel_loop3A_228] {strides = array<i32>} : memref<128x16xf32, #tpu.memory_space<vmem>>, vector<16xf32>,
        %parallel_loop3A_230 = arith.mulf %parallel_loop3A_229, %parallel_loop3A_226 : vector<16xf32>
        %parallel_loop3A_231 = arith.index_cast %parallel_loop3A_224 : i32 to index
        %parallel_loop3A_232 = arith.constant 0 : index
        %parallel_loop3A_233 = tpu.vector_load %arg17[%parallel_loop3A_231, %parallel_loop3A_232] {strides = array<i32>} : memref<128x16xf32, #tpu.memory_space<vmem>>, vector<16xf32>,
        tpu.vector_store %arg17[%parallel_loop3A_231, %parallel_loop3A_232], %parallel_loop3A_230 {strides = array<i32>} : memref<128x16xf32, #tpu.memory_space<vmem>>, vector<16xf32>,
        %parallel_loop3A_234 = arith.constant 16 : i32
        %parallel_loop3A_235 = arith.muli %parallel_loop3A_74, %parallel_loop3A_234 : i32
        %parallel_loop3A_236 = arith.constant 10 : i32
        %parallel_loop3A_237 = arith.addi %parallel_loop3A_235, %parallel_loop3A_236 : i32
        %parallel_loop3A_238 = vector.broadcast %parallel_loop3A_237 : i32 to vector<16xi32>
        %parallel_loop3A_239 = tpu.vector_load_idx %arg19[%parallel_loop3A_238] : memref<128xf32, #tpu.memory_space<vmem>>[vector<16xi32>], vector<16xf32>,
        %parallel_loop3A_240 = arith.index_cast %parallel_loop3A_237 : i32 to index
        %parallel_loop3A_241 = arith.constant 0 : index
        %parallel_loop3A_242 = tpu.vector_load %arg17[%parallel_loop3A_240, %parallel_loop3A_241] {strides = array<i32>} : memref<128x16xf32, #tpu.memory_space<vmem>>, vector<16xf32>,
        %parallel_loop3A_243 = arith.mulf %parallel_loop3A_242, %parallel_loop3A_239 : vector<16xf32>
        %parallel_loop3A_244 = arith.index_cast %parallel_loop3A_237 : i32 to index
        %parallel_loop3A_245 = arith.constant 0 : index
        %parallel_loop3A_246 = tpu.vector_load %arg17[%parallel_loop3A_244, %parallel_loop3A_245] {strides = array<i32>} : memref<128x16xf32, #tpu.memory_space<vmem>>, vector<16xf32>,
        tpu.vector_store %arg17[%parallel_loop3A_244, %parallel_loop3A_245], %parallel_loop3A_243 {strides = array<i32>} : memref<128x16xf32, #tpu.memory_space<vmem>>, vector<16xf32>,
        %parallel_loop3A_247 = arith.constant 16 : i32
        %parallel_loop3A_248 = arith.muli %parallel_loop3A_74, %parallel_loop3A_247 : i32
        %parallel_loop3A_249 = arith.constant 11 : i32
        %parallel_loop3A_250 = arith.addi %parallel_loop3A_248, %parallel_loop3A_249 : i32
        %parallel_loop3A_251 = vector.broadcast %parallel_loop3A_250 : i32 to vector<16xi32>
        %parallel_loop3A_252 = tpu.vector_load_idx %arg19[%parallel_loop3A_251] : memref<128xf32, #tpu.memory_space<vmem>>[vector<16xi32>], vector<16xf32>,
        %parallel_loop3A_253 = arith.index_cast %parallel_loop3A_250 : i32 to index
        %parallel_loop3A_254 = arith.constant 0 : index
        %parallel_loop3A_255 = tpu.vector_load %arg17[%parallel_loop3A_253, %parallel_loop3A_254] {strides = array<i32>} : memref<128x16xf32, #tpu.memory_space<vmem>>, vector<16xf32>,
        %parallel_loop3A_256 = arith.mulf %parallel_loop3A_255, %parallel_loop3A_252 : vector<16xf32>
        %parallel_loop3A_257 = arith.index_cast %parallel_loop3A_250 : i32 to index
        %parallel_loop3A_258 = arith.constant 0 : index
        %parallel_loop3A_259 = tpu.vector_load %arg17[%parallel_loop3A_257, %parallel_loop3A_258] {strides = array<i32>} : memref<128x16xf32, #tpu.memory_space<vmem>>, vector<16xf32>,
        tpu.vector_store %arg17[%parallel_loop3A_257, %parallel_loop3A_258], %parallel_loop3A_256 {strides = array<i32>} : memref<128x16xf32, #tpu.memory_space<vmem>>, vector<16xf32>,
        %parallel_loop3A_260 = arith.constant 16 : i32
        %parallel_loop3A_261 = arith.muli %parallel_loop3A_74, %parallel_loop3A_260 : i32
        %parallel_loop3A_262 = arith.constant 12 : i32
        %parallel_loop3A_263 = arith.addi %parallel_loop3A_261, %parallel_loop3A_262 : i32
        %parallel_loop3A_264 = vector.broadcast %parallel_loop3A_263 : i32 to vector<16xi32>
        %parallel_loop3A_265 = tpu.vector_load_idx %arg19[%parallel_loop3A_264] : memref<128xf32, #tpu.memory_space<vmem>>[vector<16xi32>], vector<16xf32>,
        %parallel_loop3A_266 = arith.index_cast %parallel_loop3A_263 : i32 to index
        %parallel_loop3A_267 = arith.constant 0 : index
        %parallel_loop3A_268 = tpu.vector_load %arg17[%parallel_loop3A_266, %parallel_loop3A_267] {strides = array<i32>} : memref<128x16xf32, #tpu.memory_space<vmem>>, vector<16xf32>,
        %parallel_loop3A_269 = arith.mulf %parallel_loop3A_268, %parallel_loop3A_265 : vector<16xf32>
        %parallel_loop3A_270 = arith.index_cast %parallel_loop3A_263 : i32 to index
        %parallel_loop3A_271 = arith.constant 0 : index
        %parallel_loop3A_272 = tpu.vector_load %arg17[%parallel_loop3A_270, %parallel_loop3A_271] {strides = array<i32>} : memref<128x16xf32, #tpu.memory_space<vmem>>, vector<16xf32>,
        tpu.vector_store %arg17[%parallel_loop3A_270, %parallel_loop3A_271], %parallel_loop3A_269 {strides = array<i32>} : memref<128x16xf32, #tpu.memory_space<vmem>>, vector<16xf32>,
        %parallel_loop3A_273 = arith.constant 16 : i32
        %parallel_loop3A_274 = arith.muli %parallel_loop3A_74, %parallel_loop3A_273 : i32
        %parallel_loop3A_275 = arith.constant 13 : i32
        %parallel_loop3A_276 = arith.addi %parallel_loop3A_274, %parallel_loop3A_275 : i32
        %parallel_loop3A_277 = vector.broadcast %parallel_loop3A_276 : i32 to vector<16xi32>
        %parallel_loop3A_278 = tpu.vector_load_idx %arg19[%parallel_loop3A_277] : memref<128xf32, #tpu.memory_space<vmem>>[vector<16xi32>], vector<16xf32>,
        %parallel_loop3A_279 = arith.index_cast %parallel_loop3A_276 : i32 to index
        %parallel_loop3A_280 = arith.constant 0 : index
        %parallel_loop3A_281 = tpu.vector_load %arg17[%parallel_loop3A_279, %parallel_loop3A_280] {strides = array<i32>} : memref<128x16xf32, #tpu.memory_space<vmem>>, vector<16xf32>,
        %parallel_loop3A_282 = arith.mulf %parallel_loop3A_281, %parallel_loop3A_278 : vector<16xf32>
        %parallel_loop3A_283 = arith.index_cast %parallel_loop3A_276 : i32 to index
        %parallel_loop3A_284 = arith.constant 0 : index
        %parallel_loop3A_285 = tpu.vector_load %arg17[%parallel_loop3A_283, %parallel_loop3A_284] {strides = array<i32>} : memref<128x16xf32, #tpu.memory_space<vmem>>, vector<16xf32>,
        tpu.vector_store %arg17[%parallel_loop3A_283, %parallel_loop3A_284], %parallel_loop3A_282 {strides = array<i32>} : memref<128x16xf32, #tpu.memory_space<vmem>>, vector<16xf32>,
        %parallel_loop3A_286 = arith.constant 16 : i32
        %parallel_loop3A_287 = arith.muli %parallel_loop3A_74, %parallel_loop3A_286 : i32
        %parallel_loop3A_288 = arith.constant 14 : i32
        %parallel_loop3A_289 = arith.addi %parallel_loop3A_287, %parallel_loop3A_288 : i32
        %parallel_loop3A_290 = vector.broadcast %parallel_loop3A_289 : i32 to vector<16xi32>
        %parallel_loop3A_291 = tpu.vector_load_idx %arg19[%parallel_loop3A_290] : memref<128xf32, #tpu.memory_space<vmem>>[vector<16xi32>], vector<16xf32>,
        %parallel_loop3A_292 = arith.index_cast %parallel_loop3A_289 : i32 to index
        %parallel_loop3A_293 = arith.constant 0 : index
        %parallel_loop3A_294 = tpu.vector_load %arg17[%parallel_loop3A_292, %parallel_loop3A_293] {strides = array<i32>} : memref<128x16xf32, #tpu.memory_space<vmem>>, vector<16xf32>,
        %parallel_loop3A_295 = arith.mulf %parallel_loop3A_294, %parallel_loop3A_291 : vector<16xf32>
        %parallel_loop3A_296 = arith.index_cast %parallel_loop3A_289 : i32 to index
        %parallel_loop3A_297 = arith.constant 0 : index
        %parallel_loop3A_298 = tpu.vector_load %arg17[%parallel_loop3A_296, %parallel_loop3A_297] {strides = array<i32>} : memref<128x16xf32, #tpu.memory_space<vmem>>, vector<16xf32>,
        tpu.vector_store %arg17[%parallel_loop3A_296, %parallel_loop3A_297], %parallel_loop3A_295 {strides = array<i32>} : memref<128x16xf32, #tpu.memory_space<vmem>>, vector<16xf32>,
        %parallel_loop3A_299 = arith.constant 16 : i32
        %parallel_loop3A_300 = arith.muli %parallel_loop3A_74, %parallel_loop3A_299 : i32
        %parallel_loop3A_301 = arith.constant 15 : i32
        %parallel_loop3A_302 = arith.addi %parallel_loop3A_300, %parallel_loop3A_301 : i32
        %parallel_loop3A_303 = vector.broadcast %parallel_loop3A_302 : i32 to vector<16xi32>
        %parallel_loop3A_304 = tpu.vector_load_idx %arg19[%parallel_loop3A_303] : memref<128xf32, #tpu.memory_space<vmem>>[vector<16xi32>], vector<16xf32>,
        %parallel_loop3A_305 = arith.index_cast %parallel_loop3A_302 : i32 to index
        %parallel_loop3A_306 = arith.constant 0 : index
        %parallel_loop3A_307 = tpu.vector_load %arg17[%parallel_loop3A_305, %parallel_loop3A_306] {strides = array<i32>} : memref<128x16xf32, #tpu.memory_space<vmem>>, vector<16xf32>,
        %parallel_loop3A_308 = arith.mulf %parallel_loop3A_307, %parallel_loop3A_304 : vector<16xf32>
        %parallel_loop3A_309 = arith.index_cast %parallel_loop3A_302 : i32 to index
        %parallel_loop3A_310 = arith.constant 0 : index
        %parallel_loop3A_311 = tpu.vector_load %arg17[%parallel_loop3A_309, %parallel_loop3A_310] {strides = array<i32>} : memref<128x16xf32, #tpu.memory_space<vmem>>, vector<16xf32>,
        tpu.vector_store %arg17[%parallel_loop3A_309, %parallel_loop3A_310], %parallel_loop3A_308 {strides = array<i32>} : memref<128x16xf32, #tpu.memory_space<vmem>>, vector<16xf32>,
      } {sc.loop_unroll_factor = 4 : i64, sc.parallel_access}
      "tpu.region"() ({
        %run_scoped3A = tpu.sem_alloc : memref<!tpu.dma_semaphore, #tpu.memory_space<semaphore_mem>>
        %dma_start3A_74 = arith.constant 0 : i32
        %dma_start3A_75 = tpu.memref_slice %arg12[%add3A_42, %dma_start3A_74] : memref<82x128xi32, #tpu.memory_space<vmem>> -> memref<1x128xi32, #tpu.memory_space<vmem>>
        %dma_start3A_76 = tpu.memref_squeeze %dma_start3A_75 : memref<1x128xi32, #tpu.memory_space<vmem>> -> memref<128xi32, #tpu.memory_space<vmem>>
        %dma_start3A_77 = arith.constant 0 : i32
        %dma_start3A_78 = arith.constant 0 : i32
        %dma_start3A_79 = tpu.memref_slice %arg23[%dma_start3A_77, %dma_start3A_78] : memref<10240x16xf32, #tpu.memory_space<vmem_shared>> -> memref<10240x16xf32, #tpu.memory_space<vmem_shared>>
        tpu.enqueue_indirect_dma source(%arg17 : memref<128x16xf32, #tpu.memory_space<vmem>>) target(%dma_start3A_79 : memref<10240x16xf32, #tpu.memory_space<vmem_shared>>) offsets(%dma_start3A_76 : memref<128xi32, #tpu.memory_space<vmem>>) semaphore(%run_scoped3A : memref<!tpu.dma_semaphore, #tpu.memory_space<semaphore_mem>>) {add = true}
        %dma_wait3A_80 = arith.constant 0 : i32
        %dma_wait3A_81 = tpu.memref_slice %arg12[%add3A_42, %dma_wait3A_80] : memref<82x128xi32, #tpu.memory_space<vmem>> -> memref<1x128xi32, #tpu.memory_space<vmem>>
        %dma_wait3A_82 = tpu.memref_squeeze %dma_wait3A_81 : memref<1x128xi32, #tpu.memory_space<vmem>> -> memref<128xi32, #tpu.memory_space<vmem>>
        %dma_wait3A_83 = arith.constant 0 : i32
        %dma_wait3A_84 = arith.constant 0 : i32
        %dma_wait3A_85 = tpu.memref_slice %arg23[%dma_wait3A_83, %dma_wait3A_84] : memref<10240x16xf32, #tpu.memory_space<vmem_shared>> -> memref<10240x16xf32, #tpu.memory_space<vmem_shared>>
        tpu.wait_indirect_dma semaphore(%run_scoped3A : memref<!tpu.dma_semaphore, #tpu.memory_space<semaphore_mem>>) src(%arg17 : memref<128x16xf32, #tpu.memory_space<vmem>>) dst(%dma_wait3A_85 : memref<10240x16xf32, #tpu.memory_space<vmem_shared>>)
        tpu.yield
      }) : () -> ()
      "tpu.region"() ({
        %run_scoped3A = tpu.sem_alloc : memref<!tpu.dma_semaphore, #tpu.memory_space<semaphore_mem>>
        %dma_start3A_74 = arith.constant 0 : i32
        %dma_start3A_75 = tpu.memref_slice %arg12[%add3A_42, %dma_start3A_74] : memref<82x128xi32, #tpu.memory_space<vmem>> -> memref<1x128xi32, #tpu.memory_space<vmem>>
        %dma_start3A_76 = tpu.memref_squeeze %dma_start3A_75 : memref<1x128xi32, #tpu.memory_space<vmem>> -> memref<128xi32, #tpu.memory_space<vmem>>
        %dma_start3A_77 = arith.constant 0 : i32
        %dma_start3A_78 = tpu.memref_slice %arg24[%dma_start3A_77] : memref<10240xf32, #tpu.memory_space<vmem_shared>> -> memref<10240xf32, #tpu.memory_space<vmem_shared>>
        tpu.enqueue_indirect_dma source(%arg19 : memref<128xf32, #tpu.memory_space<vmem>>) target(%dma_start3A_78 : memref<10240xf32, #tpu.memory_space<vmem_shared>>) offsets(%dma_start3A_76 : memref<128xi32, #tpu.memory_space<vmem>>) semaphore(%run_scoped3A : memref<!tpu.dma_semaphore, #tpu.memory_space<semaphore_mem>>) {add = true}
        %dma_wait3A_79 = arith.constant 0 : i32
        %dma_wait3A_80 = tpu.memref_slice %arg12[%add3A_42, %dma_wait3A_79] : memref<82x128xi32, #tpu.memory_space<vmem>> -> memref<1x128xi32, #tpu.memory_space<vmem>>
        %dma_wait3A_81 = tpu.memref_squeeze %dma_wait3A_80 : memref<1x128xi32, #tpu.memory_space<vmem>> -> memref<128xi32, #tpu.memory_space<vmem>>
        %dma_wait3A_82 = arith.constant 0 : i32
        %dma_wait3A_83 = tpu.memref_slice %arg24[%dma_wait3A_82] : memref<10240xf32, #tpu.memory_space<vmem_shared>> -> memref<10240xf32, #tpu.memory_space<vmem_shared>>
        tpu.wait_indirect_dma semaphore(%run_scoped3A : memref<!tpu.dma_semaphore, #tpu.memory_space<semaphore_mem>>) src(%arg19 : memref<128xf32, #tpu.memory_space<vmem>>) dst(%dma_wait3A_83 : memref<10240xf32, #tpu.memory_space<vmem_shared>>)
        tpu.yield
      }) : () -> ()
      %mul3A_54 = arith.constant 2 : i32
      %mul3A_55 = arith.muli %scan3A_38, %mul3A_54 : i32
      %add3A_56 = arith.constant 1 : i32
      %add3A_57 = arith.addi %mul3A_55, %add3A_56 : i32
      %add3A_58 = arith.constant 1 : i32
      %add3A_59 = arith.addi %add3A_57, %add3A_58 : i32
      %lt3A_60 = arith.constant 82 : i32
      %lt3A_61 = arith.cmpi slt, %add3A_59, %lt3A_60 : i32
      %convert_element_type3A_62 = arith.extui %lt3A_61 : i1 to i32
      %cond3A_63 = arith.constant 0 : i32
      %cond3A_64 = arith.cmpi ne, %convert_element_type3A_62, %cond3A_63 : i32
      scf.if %cond3A_64 {
        %add3A_74 = arith.constant 1 : i32
        %add3A_75 = arith.addi %add3A_57, %add3A_74 : i32
        %dma_start3A_76 = arith.constant 0 : i32
        %dma_start3A_77 = tpu.memref_slice %arg11[%add3A_75, %dma_start3A_76] : memref<82x128xi32, #tpu.memory_space<vmem>> -> memref<1x128xi32, #tpu.memory_space<vmem>>
        %dma_start3A_78 = tpu.memref_squeeze %dma_start3A_77 : memref<1x128xi32, #tpu.memory_space<vmem>> -> memref<128xi32, #tpu.memory_space<vmem>>
        %dma_start3A_79 = arith.constant 0 : i32
        %dma_start3A_80 = arith.constant 0 : i32
        %dma_start3A_81 = tpu.memref_slice %arg8[%dma_start3A_79, %dma_start3A_80] : memref<10240x16xf32, #tpu.memory_space<hbm>> -> memref<10240x16xf32, #tpu.memory_space<hbm>>
        tpu.enqueue_indirect_dma source(%dma_start3A_81 : memref<10240x16xf32, #tpu.memory_space<hbm>>) target(%arg17 : memref<128x16xf32, #tpu.memory_space<vmem>>) offsets(%dma_start3A_78 : memref<128xi32, #tpu.memory_space<vmem>>) semaphore(%arg25 : memref<!tpu.dma_semaphore, #tpu.memory_space<semaphore_mem>>)
      } else {
      }
      %dma_wait3A_65 = arith.constant 0 : i32
      %dma_wait3A_66 = tpu.memref_slice %arg11[%add3A_57, %dma_wait3A_65] : memref<82x128xi32, #tpu.memory_space<vmem>> -> memref<1x128xi32, #tpu.memory_space<vmem>>
      %dma_wait3A_67 = tpu.memref_squeeze %dma_wait3A_66 : memref<1x128xi32, #tpu.memory_space<vmem>> -> memref<128xi32, #tpu.memory_space<vmem>>
      %dma_wait3A_68 = arith.constant 0 : i32
      %dma_wait3A_69 = arith.constant 0 : i32
      %dma_wait3A_70 = tpu.memref_slice %arg8[%dma_wait3A_68, %dma_wait3A_69] : memref<10240x16xf32, #tpu.memory_space<hbm>> -> memref<10240x16xf32, #tpu.memory_space<hbm>>
      tpu.wait_indirect_dma semaphore(%arg26 : memref<!tpu.dma_semaphore, #tpu.memory_space<semaphore_mem>>) src(%dma_wait3A_70 : memref<10240x16xf32, #tpu.memory_space<hbm>>) dst(%arg18 : memref<128x16xf32, #tpu.memory_space<vmem>>)
      %parallel_loop3A_71 = arith.constant 0 : i32
      %parallel_loop3A_72 = arith.constant 8 : i32
      %parallel_loop3A_73 = arith.constant 1 : i32
      scf.for %parallel_loop3A_74 = %parallel_loop3A_71 to %parallel_loop3A_72 step %parallel_loop3A_73  : i32 {
        %parallel_loop3A_75 = arith.constant 16 : i32
        %parallel_loop3A_76 = arith.muli %parallel_loop3A_74, %parallel_loop3A_75 : i32
        %parallel_loop3A_77 = arith.index_cast %add3A_57 : i32 to index
        %parallel_loop3A_78 = arith.index_cast %parallel_loop3A_76 : i32 to index
        %parallel_loop3A_79 = tpu.vector_load %arg11[%parallel_loop3A_77, %parallel_loop3A_78] {strides = array<i32>} : memref<82x128xi32, #tpu.memory_space<vmem>>, vector<16xi32>,
        %parallel_loop3A_80 = arith.constant 16 : i32
        %parallel_loop3A_81 = arith.muli %parallel_loop3A_74, %parallel_loop3A_80 : i32
        %parallel_loop3A_82 = arith.index_cast %add3A_57 : i32 to index
        %parallel_loop3A_83 = arith.index_cast %parallel_loop3A_81 : i32 to index
        %parallel_loop3A_84 = tpu.vector_load %arg12[%parallel_loop3A_82, %parallel_loop3A_83] {strides = array<i32>} : memref<82x128xi32, #tpu.memory_space<vmem>>, vector<16xi32>,
        %parallel_loop3A_85 = tpu.vector_load_idx %arg14[%parallel_loop3A_79] : memref<10240xf32, #tpu.memory_space<vmem>>[vector<16xi32>], vector<16xf32>,
        %parallel_loop3A_86 = tpu.vector_load_idx %arg15[%parallel_loop3A_84] : memref<10240xf32, #tpu.memory_space<vmem>>[vector<16xi32>], vector<16xf32>,
        %parallel_loop3A_87 = arith.addf %parallel_loop3A_85, %parallel_loop3A_86 : vector<16xf32>
        %parallel_loop3A_88 = arith.constant 16 : i32
        %parallel_loop3A_89 = arith.muli %parallel_loop3A_74, %parallel_loop3A_88 : i32
        %parallel_loop3A_90 = arith.index_cast %add3A_57 : i32 to index
        %parallel_loop3A_91 = arith.index_cast %parallel_loop3A_89 : i32 to index
        %parallel_loop3A_92 = tpu.vector_load %arg13[%parallel_loop3A_90, %parallel_loop3A_91] {strides = array<i32>} : memref<82x128xf32, #tpu.memory_space<vmem>>, vector<16xf32>,
        %parallel_loop3A_93 = arith.addf %parallel_loop3A_87, %parallel_loop3A_92 : vector<16xf32>
        %parallel_loop3A_94 = arith.constant 2.000000e-01 : f32
        %parallel_loop3A_95 = vector.broadcast %parallel_loop3A_94 : f32 to vector<16xf32>
        %parallel_loop3A_96 = arith.mulf %parallel_loop3A_95, %parallel_loop3A_93 : vector<16xf32>
        %parallel_loop3A_97 = arith.maximumf %parallel_loop3A_93, %parallel_loop3A_96 : vector<16xf32>
        %parallel_loop3A_98 = arith.subf %parallel_loop3A_97, %get3A_22 : vector<16xf32>
        %parallel_loop3A_99 = math.exp %parallel_loop3A_98 : vector<16xf32>
        %parallel_loop3A_100 = arith.constant 16 : i32
        %parallel_loop3A_101 = arith.muli %parallel_loop3A_74, %parallel_loop3A_100 : i32
        %parallel_loop3A_102 = arith.index_cast %parallel_loop3A_101 : i32 to index
        %parallel_loop3A_103 = tpu.vector_load %arg20[%parallel_loop3A_102] {strides = array<i32>} : memref<128xf32, #tpu.memory_space<vmem>>, vector<16xf32>,
        tpu.vector_store %arg20[%parallel_loop3A_102], %parallel_loop3A_99 {strides = array<i32>} : memref<128xf32, #tpu.memory_space<vmem>>, vector<16xf32>,
        %parallel_loop3A_104 = arith.constant 16 : i32
        %parallel_loop3A_105 = arith.muli %parallel_loop3A_74, %parallel_loop3A_104 : i32
        %parallel_loop3A_106 = arith.constant 0 : i32
        %parallel_loop3A_107 = arith.addi %parallel_loop3A_105, %parallel_loop3A_106 : i32
        %parallel_loop3A_108 = vector.broadcast %parallel_loop3A_107 : i32 to vector<16xi32>
        %parallel_loop3A_109 = tpu.vector_load_idx %arg20[%parallel_loop3A_108] : memref<128xf32, #tpu.memory_space<vmem>>[vector<16xi32>], vector<16xf32>,
        %parallel_loop3A_110 = arith.index_cast %parallel_loop3A_107 : i32 to index
        %parallel_loop3A_111 = arith.constant 0 : index
        %parallel_loop3A_112 = tpu.vector_load %arg18[%parallel_loop3A_110, %parallel_loop3A_111] {strides = array<i32>} : memref<128x16xf32, #tpu.memory_space<vmem>>, vector<16xf32>,
        %parallel_loop3A_113 = arith.mulf %parallel_loop3A_112, %parallel_loop3A_109 : vector<16xf32>
        %parallel_loop3A_114 = arith.index_cast %parallel_loop3A_107 : i32 to index
        %parallel_loop3A_115 = arith.constant 0 : index
        %parallel_loop3A_116 = tpu.vector_load %arg18[%parallel_loop3A_114, %parallel_loop3A_115] {strides = array<i32>} : memref<128x16xf32, #tpu.memory_space<vmem>>, vector<16xf32>,
        tpu.vector_store %arg18[%parallel_loop3A_114, %parallel_loop3A_115], %parallel_loop3A_113 {strides = array<i32>} : memref<128x16xf32, #tpu.memory_space<vmem>>, vector<16xf32>,
        %parallel_loop3A_117 = arith.constant 16 : i32
        %parallel_loop3A_118 = arith.muli %parallel_loop3A_74, %parallel_loop3A_117 : i32
        %parallel_loop3A_119 = arith.constant 1 : i32
        %parallel_loop3A_120 = arith.addi %parallel_loop3A_118, %parallel_loop3A_119 : i32
        %parallel_loop3A_121 = vector.broadcast %parallel_loop3A_120 : i32 to vector<16xi32>
        %parallel_loop3A_122 = tpu.vector_load_idx %arg20[%parallel_loop3A_121] : memref<128xf32, #tpu.memory_space<vmem>>[vector<16xi32>], vector<16xf32>,
        %parallel_loop3A_123 = arith.index_cast %parallel_loop3A_120 : i32 to index
        %parallel_loop3A_124 = arith.constant 0 : index
        %parallel_loop3A_125 = tpu.vector_load %arg18[%parallel_loop3A_123, %parallel_loop3A_124] {strides = array<i32>} : memref<128x16xf32, #tpu.memory_space<vmem>>, vector<16xf32>,
        %parallel_loop3A_126 = arith.mulf %parallel_loop3A_125, %parallel_loop3A_122 : vector<16xf32>
        %parallel_loop3A_127 = arith.index_cast %parallel_loop3A_120 : i32 to index
        %parallel_loop3A_128 = arith.constant 0 : index
        %parallel_loop3A_129 = tpu.vector_load %arg18[%parallel_loop3A_127, %parallel_loop3A_128] {strides = array<i32>} : memref<128x16xf32, #tpu.memory_space<vmem>>, vector<16xf32>,
        tpu.vector_store %arg18[%parallel_loop3A_127, %parallel_loop3A_128], %parallel_loop3A_126 {strides = array<i32>} : memref<128x16xf32, #tpu.memory_space<vmem>>, vector<16xf32>,
        %parallel_loop3A_130 = arith.constant 16 : i32
        %parallel_loop3A_131 = arith.muli %parallel_loop3A_74, %parallel_loop3A_130 : i32
        %parallel_loop3A_132 = arith.constant 2 : i32
        %parallel_loop3A_133 = arith.addi %parallel_loop3A_131, %parallel_loop3A_132 : i32
        %parallel_loop3A_134 = vector.broadcast %parallel_loop3A_133 : i32 to vector<16xi32>
        %parallel_loop3A_135 = tpu.vector_load_idx %arg20[%parallel_loop3A_134] : memref<128xf32, #tpu.memory_space<vmem>>[vector<16xi32>], vector<16xf32>,
        %parallel_loop3A_136 = arith.index_cast %parallel_loop3A_133 : i32 to index
        %parallel_loop3A_137 = arith.constant 0 : index
        %parallel_loop3A_138 = tpu.vector_load %arg18[%parallel_loop3A_136, %parallel_loop3A_137] {strides = array<i32>} : memref<128x16xf32, #tpu.memory_space<vmem>>, vector<16xf32>,
        %parallel_loop3A_139 = arith.mulf %parallel_loop3A_138, %parallel_loop3A_135 : vector<16xf32>
        %parallel_loop3A_140 = arith.index_cast %parallel_loop3A_133 : i32 to index
        %parallel_loop3A_141 = arith.constant 0 : index
        %parallel_loop3A_142 = tpu.vector_load %arg18[%parallel_loop3A_140, %parallel_loop3A_141] {strides = array<i32>} : memref<128x16xf32, #tpu.memory_space<vmem>>, vector<16xf32>,
        tpu.vector_store %arg18[%parallel_loop3A_140, %parallel_loop3A_141], %parallel_loop3A_139 {strides = array<i32>} : memref<128x16xf32, #tpu.memory_space<vmem>>, vector<16xf32>,
        %parallel_loop3A_143 = arith.constant 16 : i32
        %parallel_loop3A_144 = arith.muli %parallel_loop3A_74, %parallel_loop3A_143 : i32
        %parallel_loop3A_145 = arith.constant 3 : i32
        %parallel_loop3A_146 = arith.addi %parallel_loop3A_144, %parallel_loop3A_145 : i32
        %parallel_loop3A_147 = vector.broadcast %parallel_loop3A_146 : i32 to vector<16xi32>
        %parallel_loop3A_148 = tpu.vector_load_idx %arg20[%parallel_loop3A_147] : memref<128xf32, #tpu.memory_space<vmem>>[vector<16xi32>], vector<16xf32>,
        %parallel_loop3A_149 = arith.index_cast %parallel_loop3A_146 : i32 to index
        %parallel_loop3A_150 = arith.constant 0 : index
        %parallel_loop3A_151 = tpu.vector_load %arg18[%parallel_loop3A_149, %parallel_loop3A_150] {strides = array<i32>} : memref<128x16xf32, #tpu.memory_space<vmem>>, vector<16xf32>,
        %parallel_loop3A_152 = arith.mulf %parallel_loop3A_151, %parallel_loop3A_148 : vector<16xf32>
        %parallel_loop3A_153 = arith.index_cast %parallel_loop3A_146 : i32 to index
        %parallel_loop3A_154 = arith.constant 0 : index
        %parallel_loop3A_155 = tpu.vector_load %arg18[%parallel_loop3A_153, %parallel_loop3A_154] {strides = array<i32>} : memref<128x16xf32, #tpu.memory_space<vmem>>, vector<16xf32>,
        tpu.vector_store %arg18[%parallel_loop3A_153, %parallel_loop3A_154], %parallel_loop3A_152 {strides = array<i32>} : memref<128x16xf32, #tpu.memory_space<vmem>>, vector<16xf32>,
        %parallel_loop3A_156 = arith.constant 16 : i32
        %parallel_loop3A_157 = arith.muli %parallel_loop3A_74, %parallel_loop3A_156 : i32
        %parallel_loop3A_158 = arith.constant 4 : i32
        %parallel_loop3A_159 = arith.addi %parallel_loop3A_157, %parallel_loop3A_158 : i32
        %parallel_loop3A_160 = vector.broadcast %parallel_loop3A_159 : i32 to vector<16xi32>
        %parallel_loop3A_161 = tpu.vector_load_idx %arg20[%parallel_loop3A_160] : memref<128xf32, #tpu.memory_space<vmem>>[vector<16xi32>], vector<16xf32>,
        %parallel_loop3A_162 = arith.index_cast %parallel_loop3A_159 : i32 to index
        %parallel_loop3A_163 = arith.constant 0 : index
        %parallel_loop3A_164 = tpu.vector_load %arg18[%parallel_loop3A_162, %parallel_loop3A_163] {strides = array<i32>} : memref<128x16xf32, #tpu.memory_space<vmem>>, vector<16xf32>,
        %parallel_loop3A_165 = arith.mulf %parallel_loop3A_164, %parallel_loop3A_161 : vector<16xf32>
        %parallel_loop3A_166 = arith.index_cast %parallel_loop3A_159 : i32 to index
        %parallel_loop3A_167 = arith.constant 0 : index
        %parallel_loop3A_168 = tpu.vector_load %arg18[%parallel_loop3A_166, %parallel_loop3A_167] {strides = array<i32>} : memref<128x16xf32, #tpu.memory_space<vmem>>, vector<16xf32>,
        tpu.vector_store %arg18[%parallel_loop3A_166, %parallel_loop3A_167], %parallel_loop3A_165 {strides = array<i32>} : memref<128x16xf32, #tpu.memory_space<vmem>>, vector<16xf32>,
        %parallel_loop3A_169 = arith.constant 16 : i32
        %parallel_loop3A_170 = arith.muli %parallel_loop3A_74, %parallel_loop3A_169 : i32
        %parallel_loop3A_171 = arith.constant 5 : i32
        %parallel_loop3A_172 = arith.addi %parallel_loop3A_170, %parallel_loop3A_171 : i32
        %parallel_loop3A_173 = vector.broadcast %parallel_loop3A_172 : i32 to vector<16xi32>
        %parallel_loop3A_174 = tpu.vector_load_idx %arg20[%parallel_loop3A_173] : memref<128xf32, #tpu.memory_space<vmem>>[vector<16xi32>], vector<16xf32>,
        %parallel_loop3A_175 = arith.index_cast %parallel_loop3A_172 : i32 to index
        %parallel_loop3A_176 = arith.constant 0 : index
        %parallel_loop3A_177 = tpu.vector_load %arg18[%parallel_loop3A_175, %parallel_loop3A_176] {strides = array<i32>} : memref<128x16xf32, #tpu.memory_space<vmem>>, vector<16xf32>,
        %parallel_loop3A_178 = arith.mulf %parallel_loop3A_177, %parallel_loop3A_174 : vector<16xf32>
        %parallel_loop3A_179 = arith.index_cast %parallel_loop3A_172 : i32 to index
        %parallel_loop3A_180 = arith.constant 0 : index
        %parallel_loop3A_181 = tpu.vector_load %arg18[%parallel_loop3A_179, %parallel_loop3A_180] {strides = array<i32>} : memref<128x16xf32, #tpu.memory_space<vmem>>, vector<16xf32>,
        tpu.vector_store %arg18[%parallel_loop3A_179, %parallel_loop3A_180], %parallel_loop3A_178 {strides = array<i32>} : memref<128x16xf32, #tpu.memory_space<vmem>>, vector<16xf32>,
        %parallel_loop3A_182 = arith.constant 16 : i32
        %parallel_loop3A_183 = arith.muli %parallel_loop3A_74, %parallel_loop3A_182 : i32
        %parallel_loop3A_184 = arith.constant 6 : i32
        %parallel_loop3A_185 = arith.addi %parallel_loop3A_183, %parallel_loop3A_184 : i32
        %parallel_loop3A_186 = vector.broadcast %parallel_loop3A_185 : i32 to vector<16xi32>
        %parallel_loop3A_187 = tpu.vector_load_idx %arg20[%parallel_loop3A_186] : memref<128xf32, #tpu.memory_space<vmem>>[vector<16xi32>], vector<16xf32>,
        %parallel_loop3A_188 = arith.index_cast %parallel_loop3A_185 : i32 to index
        %parallel_loop3A_189 = arith.constant 0 : index
        %parallel_loop3A_190 = tpu.vector_load %arg18[%parallel_loop3A_188, %parallel_loop3A_189] {strides = array<i32>} : memref<128x16xf32, #tpu.memory_space<vmem>>, vector<16xf32>,
        %parallel_loop3A_191 = arith.mulf %parallel_loop3A_190, %parallel_loop3A_187 : vector<16xf32>
        %parallel_loop3A_192 = arith.index_cast %parallel_loop3A_185 : i32 to index
        %parallel_loop3A_193 = arith.constant 0 : index
        %parallel_loop3A_194 = tpu.vector_load %arg18[%parallel_loop3A_192, %parallel_loop3A_193] {strides = array<i32>} : memref<128x16xf32, #tpu.memory_space<vmem>>, vector<16xf32>,
        tpu.vector_store %arg18[%parallel_loop3A_192, %parallel_loop3A_193], %parallel_loop3A_191 {strides = array<i32>} : memref<128x16xf32, #tpu.memory_space<vmem>>, vector<16xf32>,
        %parallel_loop3A_195 = arith.constant 16 : i32
        %parallel_loop3A_196 = arith.muli %parallel_loop3A_74, %parallel_loop3A_195 : i32
        %parallel_loop3A_197 = arith.constant 7 : i32
        %parallel_loop3A_198 = arith.addi %parallel_loop3A_196, %parallel_loop3A_197 : i32
        %parallel_loop3A_199 = vector.broadcast %parallel_loop3A_198 : i32 to vector<16xi32>
        %parallel_loop3A_200 = tpu.vector_load_idx %arg20[%parallel_loop3A_199] : memref<128xf32, #tpu.memory_space<vmem>>[vector<16xi32>], vector<16xf32>,
        %parallel_loop3A_201 = arith.index_cast %parallel_loop3A_198 : i32 to index
        %parallel_loop3A_202 = arith.constant 0 : index
        %parallel_loop3A_203 = tpu.vector_load %arg18[%parallel_loop3A_201, %parallel_loop3A_202] {strides = array<i32>} : memref<128x16xf32, #tpu.memory_space<vmem>>, vector<16xf32>,
        %parallel_loop3A_204 = arith.mulf %parallel_loop3A_203, %parallel_loop3A_200 : vector<16xf32>
        %parallel_loop3A_205 = arith.index_cast %parallel_loop3A_198 : i32 to index
        %parallel_loop3A_206 = arith.constant 0 : index
        %parallel_loop3A_207 = tpu.vector_load %arg18[%parallel_loop3A_205, %parallel_loop3A_206] {strides = array<i32>} : memref<128x16xf32, #tpu.memory_space<vmem>>, vector<16xf32>,
        tpu.vector_store %arg18[%parallel_loop3A_205, %parallel_loop3A_206], %parallel_loop3A_204 {strides = array<i32>} : memref<128x16xf32, #tpu.memory_space<vmem>>, vector<16xf32>,
        %parallel_loop3A_208 = arith.constant 16 : i32
        %parallel_loop3A_209 = arith.muli %parallel_loop3A_74, %parallel_loop3A_208 : i32
        %parallel_loop3A_210 = arith.constant 8 : i32
        %parallel_loop3A_211 = arith.addi %parallel_loop3A_209, %parallel_loop3A_210 : i32
        %parallel_loop3A_212 = vector.broadcast %parallel_loop3A_211 : i32 to vector<16xi32>
        %parallel_loop3A_213 = tpu.vector_load_idx %arg20[%parallel_loop3A_212] : memref<128xf32, #tpu.memory_space<vmem>>[vector<16xi32>], vector<16xf32>,
        %parallel_loop3A_214 = arith.index_cast %parallel_loop3A_211 : i32 to index
        %parallel_loop3A_215 = arith.constant 0 : index
        %parallel_loop3A_216 = tpu.vector_load %arg18[%parallel_loop3A_214, %parallel_loop3A_215] {strides = array<i32>} : memref<128x16xf32, #tpu.memory_space<vmem>>, vector<16xf32>,
        %parallel_loop3A_217 = arith.mulf %parallel_loop3A_216, %parallel_loop3A_213 : vector<16xf32>
        %parallel_loop3A_218 = arith.index_cast %parallel_loop3A_211 : i32 to index
        %parallel_loop3A_219 = arith.constant 0 : index
        %parallel_loop3A_220 = tpu.vector_load %arg18[%parallel_loop3A_218, %parallel_loop3A_219] {strides = array<i32>} : memref<128x16xf32, #tpu.memory_space<vmem>>, vector<16xf32>,
        tpu.vector_store %arg18[%parallel_loop3A_218, %parallel_loop3A_219], %parallel_loop3A_217 {strides = array<i32>} : memref<128x16xf32, #tpu.memory_space<vmem>>, vector<16xf32>,
        %parallel_loop3A_221 = arith.constant 16 : i32
        %parallel_loop3A_222 = arith.muli %parallel_loop3A_74, %parallel_loop3A_221 : i32
        %parallel_loop3A_223 = arith.constant 9 : i32
        %parallel_loop3A_224 = arith.addi %parallel_loop3A_222, %parallel_loop3A_223 : i32
        %parallel_loop3A_225 = vector.broadcast %parallel_loop3A_224 : i32 to vector<16xi32>
        %parallel_loop3A_226 = tpu.vector_load_idx %arg20[%parallel_loop3A_225] : memref<128xf32, #tpu.memory_space<vmem>>[vector<16xi32>], vector<16xf32>,
        %parallel_loop3A_227 = arith.index_cast %parallel_loop3A_224 : i32 to index
        %parallel_loop3A_228 = arith.constant 0 : index
        %parallel_loop3A_229 = tpu.vector_load %arg18[%parallel_loop3A_227, %parallel_loop3A_228] {strides = array<i32>} : memref<128x16xf32, #tpu.memory_space<vmem>>, vector<16xf32>,
        %parallel_loop3A_230 = arith.mulf %parallel_loop3A_229, %parallel_loop3A_226 : vector<16xf32>
        %parallel_loop3A_231 = arith.index_cast %parallel_loop3A_224 : i32 to index
        %parallel_loop3A_232 = arith.constant 0 : index
        %parallel_loop3A_233 = tpu.vector_load %arg18[%parallel_loop3A_231, %parallel_loop3A_232] {strides = array<i32>} : memref<128x16xf32, #tpu.memory_space<vmem>>, vector<16xf32>,
        tpu.vector_store %arg18[%parallel_loop3A_231, %parallel_loop3A_232], %parallel_loop3A_230 {strides = array<i32>} : memref<128x16xf32, #tpu.memory_space<vmem>>, vector<16xf32>,
        %parallel_loop3A_234 = arith.constant 16 : i32
        %parallel_loop3A_235 = arith.muli %parallel_loop3A_74, %parallel_loop3A_234 : i32
        %parallel_loop3A_236 = arith.constant 10 : i32
        %parallel_loop3A_237 = arith.addi %parallel_loop3A_235, %parallel_loop3A_236 : i32
        %parallel_loop3A_238 = vector.broadcast %parallel_loop3A_237 : i32 to vector<16xi32>
        %parallel_loop3A_239 = tpu.vector_load_idx %arg20[%parallel_loop3A_238] : memref<128xf32, #tpu.memory_space<vmem>>[vector<16xi32>], vector<16xf32>,
        %parallel_loop3A_240 = arith.index_cast %parallel_loop3A_237 : i32 to index
        %parallel_loop3A_241 = arith.constant 0 : index
        %parallel_loop3A_242 = tpu.vector_load %arg18[%parallel_loop3A_240, %parallel_loop3A_241] {strides = array<i32>} : memref<128x16xf32, #tpu.memory_space<vmem>>, vector<16xf32>,
        %parallel_loop3A_243 = arith.mulf %parallel_loop3A_242, %parallel_loop3A_239 : vector<16xf32>
        %parallel_loop3A_244 = arith.index_cast %parallel_loop3A_237 : i32 to index
        %parallel_loop3A_245 = arith.constant 0 : index
        %parallel_loop3A_246 = tpu.vector_load %arg18[%parallel_loop3A_244, %parallel_loop3A_245] {strides = array<i32>} : memref<128x16xf32, #tpu.memory_space<vmem>>, vector<16xf32>,
        tpu.vector_store %arg18[%parallel_loop3A_244, %parallel_loop3A_245], %parallel_loop3A_243 {strides = array<i32>} : memref<128x16xf32, #tpu.memory_space<vmem>>, vector<16xf32>,
        %parallel_loop3A_247 = arith.constant 16 : i32
        %parallel_loop3A_248 = arith.muli %parallel_loop3A_74, %parallel_loop3A_247 : i32
        %parallel_loop3A_249 = arith.constant 11 : i32
        %parallel_loop3A_250 = arith.addi %parallel_loop3A_248, %parallel_loop3A_249 : i32
        %parallel_loop3A_251 = vector.broadcast %parallel_loop3A_250 : i32 to vector<16xi32>
        %parallel_loop3A_252 = tpu.vector_load_idx %arg20[%parallel_loop3A_251] : memref<128xf32, #tpu.memory_space<vmem>>[vector<16xi32>], vector<16xf32>,
        %parallel_loop3A_253 = arith.index_cast %parallel_loop3A_250 : i32 to index
        %parallel_loop3A_254 = arith.constant 0 : index
        %parallel_loop3A_255 = tpu.vector_load %arg18[%parallel_loop3A_253, %parallel_loop3A_254] {strides = array<i32>} : memref<128x16xf32, #tpu.memory_space<vmem>>, vector<16xf32>,
        %parallel_loop3A_256 = arith.mulf %parallel_loop3A_255, %parallel_loop3A_252 : vector<16xf32>
        %parallel_loop3A_257 = arith.index_cast %parallel_loop3A_250 : i32 to index
        %parallel_loop3A_258 = arith.constant 0 : index
        %parallel_loop3A_259 = tpu.vector_load %arg18[%parallel_loop3A_257, %parallel_loop3A_258] {strides = array<i32>} : memref<128x16xf32, #tpu.memory_space<vmem>>, vector<16xf32>,
        tpu.vector_store %arg18[%parallel_loop3A_257, %parallel_loop3A_258], %parallel_loop3A_256 {strides = array<i32>} : memref<128x16xf32, #tpu.memory_space<vmem>>, vector<16xf32>,
        %parallel_loop3A_260 = arith.constant 16 : i32
        %parallel_loop3A_261 = arith.muli %parallel_loop3A_74, %parallel_loop3A_260 : i32
        %parallel_loop3A_262 = arith.constant 12 : i32
        %parallel_loop3A_263 = arith.addi %parallel_loop3A_261, %parallel_loop3A_262 : i32
        %parallel_loop3A_264 = vector.broadcast %parallel_loop3A_263 : i32 to vector<16xi32>
        %parallel_loop3A_265 = tpu.vector_load_idx %arg20[%parallel_loop3A_264] : memref<128xf32, #tpu.memory_space<vmem>>[vector<16xi32>], vector<16xf32>,
        %parallel_loop3A_266 = arith.index_cast %parallel_loop3A_263 : i32 to index
        %parallel_loop3A_267 = arith.constant 0 : index
        %parallel_loop3A_268 = tpu.vector_load %arg18[%parallel_loop3A_266, %parallel_loop3A_267] {strides = array<i32>} : memref<128x16xf32, #tpu.memory_space<vmem>>, vector<16xf32>,
        %parallel_loop3A_269 = arith.mulf %parallel_loop3A_268, %parallel_loop3A_265 : vector<16xf32>
        %parallel_loop3A_270 = arith.index_cast %parallel_loop3A_263 : i32 to index
        %parallel_loop3A_271 = arith.constant 0 : index
        %parallel_loop3A_272 = tpu.vector_load %arg18[%parallel_loop3A_270, %parallel_loop3A_271] {strides = array<i32>} : memref<128x16xf32, #tpu.memory_space<vmem>>, vector<16xf32>,
        tpu.vector_store %arg18[%parallel_loop3A_270, %parallel_loop3A_271], %parallel_loop3A_269 {strides = array<i32>} : memref<128x16xf32, #tpu.memory_space<vmem>>, vector<16xf32>,
        %parallel_loop3A_273 = arith.constant 16 : i32
        %parallel_loop3A_274 = arith.muli %parallel_loop3A_74, %parallel_loop3A_273 : i32
        %parallel_loop3A_275 = arith.constant 13 : i32
        %parallel_loop3A_276 = arith.addi %parallel_loop3A_274, %parallel_loop3A_275 : i32
        %parallel_loop3A_277 = vector.broadcast %parallel_loop3A_276 : i32 to vector<16xi32>
        %parallel_loop3A_278 = tpu.vector_load_idx %arg20[%parallel_loop3A_277] : memref<128xf32, #tpu.memory_space<vmem>>[vector<16xi32>], vector<16xf32>,
        %parallel_loop3A_279 = arith.index_cast %parallel_loop3A_276 : i32 to index
        %parallel_loop3A_280 = arith.constant 0 : index
        %parallel_loop3A_281 = tpu.vector_load %arg18[%parallel_loop3A_279, %parallel_loop3A_280] {strides = array<i32>} : memref<128x16xf32, #tpu.memory_space<vmem>>, vector<16xf32>,
        %parallel_loop3A_282 = arith.mulf %parallel_loop3A_281, %parallel_loop3A_278 : vector<16xf32>
        %parallel_loop3A_283 = arith.index_cast %parallel_loop3A_276 : i32 to index
        %parallel_loop3A_284 = arith.constant 0 : index
        %parallel_loop3A_285 = tpu.vector_load %arg18[%parallel_loop3A_283, %parallel_loop3A_284] {strides = array<i32>} : memref<128x16xf32, #tpu.memory_space<vmem>>, vector<16xf32>,
        tpu.vector_store %arg18[%parallel_loop3A_283, %parallel_loop3A_284], %parallel_loop3A_282 {strides = array<i32>} : memref<128x16xf32, #tpu.memory_space<vmem>>, vector<16xf32>,
        %parallel_loop3A_286 = arith.constant 16 : i32
        %parallel_loop3A_287 = arith.muli %parallel_loop3A_74, %parallel_loop3A_286 : i32
        %parallel_loop3A_288 = arith.constant 14 : i32
        %parallel_loop3A_289 = arith.addi %parallel_loop3A_287, %parallel_loop3A_288 : i32
        %parallel_loop3A_290 = vector.broadcast %parallel_loop3A_289 : i32 to vector<16xi32>
        %parallel_loop3A_291 = tpu.vector_load_idx %arg20[%parallel_loop3A_290] : memref<128xf32, #tpu.memory_space<vmem>>[vector<16xi32>], vector<16xf32>,
        %parallel_loop3A_292 = arith.index_cast %parallel_loop3A_289 : i32 to index
        %parallel_loop3A_293 = arith.constant 0 : index
        %parallel_loop3A_294 = tpu.vector_load %arg18[%parallel_loop3A_292, %parallel_loop3A_293] {strides = array<i32>} : memref<128x16xf32, #tpu.memory_space<vmem>>, vector<16xf32>,
        %parallel_loop3A_295 = arith.mulf %parallel_loop3A_294, %parallel_loop3A_291 : vector<16xf32>
        %parallel_loop3A_296 = arith.index_cast %parallel_loop3A_289 : i32 to index
        %parallel_loop3A_297 = arith.constant 0 : index
        %parallel_loop3A_298 = tpu.vector_load %arg18[%parallel_loop3A_296, %parallel_loop3A_297] {strides = array<i32>} : memref<128x16xf32, #tpu.memory_space<vmem>>, vector<16xf32>,
        tpu.vector_store %arg18[%parallel_loop3A_296, %parallel_loop3A_297], %parallel_loop3A_295 {strides = array<i32>} : memref<128x16xf32, #tpu.memory_space<vmem>>, vector<16xf32>,
        %parallel_loop3A_299 = arith.constant 16 : i32
        %parallel_loop3A_300 = arith.muli %parallel_loop3A_74, %parallel_loop3A_299 : i32
        %parallel_loop3A_301 = arith.constant 15 : i32
        %parallel_loop3A_302 = arith.addi %parallel_loop3A_300, %parallel_loop3A_301 : i32
        %parallel_loop3A_303 = vector.broadcast %parallel_loop3A_302 : i32 to vector<16xi32>
        %parallel_loop3A_304 = tpu.vector_load_idx %arg20[%parallel_loop3A_303] : memref<128xf32, #tpu.memory_space<vmem>>[vector<16xi32>], vector<16xf32>,
        %parallel_loop3A_305 = arith.index_cast %parallel_loop3A_302 : i32 to index
        %parallel_loop3A_306 = arith.constant 0 : index
        %parallel_loop3A_307 = tpu.vector_load %arg18[%parallel_loop3A_305, %parallel_loop3A_306] {strides = array<i32>} : memref<128x16xf32, #tpu.memory_space<vmem>>, vector<16xf32>,
        %parallel_loop3A_308 = arith.mulf %parallel_loop3A_307, %parallel_loop3A_304 : vector<16xf32>
        %parallel_loop3A_309 = arith.index_cast %parallel_loop3A_302 : i32 to index
        %parallel_loop3A_310 = arith.constant 0 : index
        %parallel_loop3A_311 = tpu.vector_load %arg18[%parallel_loop3A_309, %parallel_loop3A_310] {strides = array<i32>} : memref<128x16xf32, #tpu.memory_space<vmem>>, vector<16xf32>,
        tpu.vector_store %arg18[%parallel_loop3A_309, %parallel_loop3A_310], %parallel_loop3A_308 {strides = array<i32>} : memref<128x16xf32, #tpu.memory_space<vmem>>, vector<16xf32>,
      } {sc.loop_unroll_factor = 4 : i64, sc.parallel_access}
      "tpu.region"() ({
        %run_scoped3A = tpu.sem_alloc : memref<!tpu.dma_semaphore, #tpu.memory_space<semaphore_mem>>
        %dma_start3A_74 = arith.constant 0 : i32
        %dma_start3A_75 = tpu.memref_slice %arg12[%add3A_57, %dma_start3A_74] : memref<82x128xi32, #tpu.memory_space<vmem>> -> memref<1x128xi32, #tpu.memory_space<vmem>>
        %dma_start3A_76 = tpu.memref_squeeze %dma_start3A_75 : memref<1x128xi32, #tpu.memory_space<vmem>> -> memref<128xi32, #tpu.memory_space<vmem>>
        %dma_start3A_77 = arith.constant 0 : i32
        %dma_start3A_78 = arith.constant 0 : i32
        %dma_start3A_79 = tpu.memref_slice %arg23[%dma_start3A_77, %dma_start3A_78] : memref<10240x16xf32, #tpu.memory_space<vmem_shared>> -> memref<10240x16xf32, #tpu.memory_space<vmem_shared>>
        tpu.enqueue_indirect_dma source(%arg18 : memref<128x16xf32, #tpu.memory_space<vmem>>) target(%dma_start3A_79 : memref<10240x16xf32, #tpu.memory_space<vmem_shared>>) offsets(%dma_start3A_76 : memref<128xi32, #tpu.memory_space<vmem>>) semaphore(%run_scoped3A : memref<!tpu.dma_semaphore, #tpu.memory_space<semaphore_mem>>) {add = true}
        %dma_wait3A_80 = arith.constant 0 : i32
        %dma_wait3A_81 = tpu.memref_slice %arg12[%add3A_57, %dma_wait3A_80] : memref<82x128xi32, #tpu.memory_space<vmem>> -> memref<1x128xi32, #tpu.memory_space<vmem>>
        %dma_wait3A_82 = tpu.memref_squeeze %dma_wait3A_81 : memref<1x128xi32, #tpu.memory_space<vmem>> -> memref<128xi32, #tpu.memory_space<vmem>>
        %dma_wait3A_83 = arith.constant 0 : i32
        %dma_wait3A_84 = arith.constant 0 : i32
        %dma_wait3A_85 = tpu.memref_slice %arg23[%dma_wait3A_83, %dma_wait3A_84] : memref<10240x16xf32, #tpu.memory_space<vmem_shared>> -> memref<10240x16xf32, #tpu.memory_space<vmem_shared>>
        tpu.wait_indirect_dma semaphore(%run_scoped3A : memref<!tpu.dma_semaphore, #tpu.memory_space<semaphore_mem>>) src(%arg18 : memref<128x16xf32, #tpu.memory_space<vmem>>) dst(%dma_wait3A_85 : memref<10240x16xf32, #tpu.memory_space<vmem_shared>>)
        tpu.yield
      }) : () -> ()
      "tpu.region"() ({
        %run_scoped3A = tpu.sem_alloc : memref<!tpu.dma_semaphore, #tpu.memory_space<semaphore_mem>>
        %dma_start3A_74 = arith.constant 0 : i32
        %dma_start3A_75 = tpu.memref_slice %arg12[%add3A_57, %dma_start3A_74] : memref<82x128xi32, #tpu.memory_space<vmem>> -> memref<1x128xi32, #tpu.memory_space<vmem>>
        %dma_start3A_76 = tpu.memref_squeeze %dma_start3A_75 : memref<1x128xi32, #tpu.memory_space<vmem>> -> memref<128xi32, #tpu.memory_space<vmem>>
        %dma_start3A_77 = arith.constant 0 : i32
        %dma_start3A_78 = tpu.memref_slice %arg24[%dma_start3A_77] : memref<10240xf32, #tpu.memory_space<vmem_shared>> -> memref<10240xf32, #tpu.memory_space<vmem_shared>>
        tpu.enqueue_indirect_dma source(%arg20 : memref<128xf32, #tpu.memory_space<vmem>>) target(%dma_start3A_78 : memref<10240xf32, #tpu.memory_space<vmem_shared>>) offsets(%dma_start3A_76 : memref<128xi32, #tpu.memory_space<vmem>>) semaphore(%run_scoped3A : memref<!tpu.dma_semaphore, #tpu.memory_space<semaphore_mem>>) {add = true}
        %dma_wait3A_79 = arith.constant 0 : i32
        %dma_wait3A_80 = tpu.memref_slice %arg12[%add3A_57, %dma_wait3A_79] : memref<82x128xi32, #tpu.memory_space<vmem>> -> memref<1x128xi32, #tpu.memory_space<vmem>>
        %dma_wait3A_81 = tpu.memref_squeeze %dma_wait3A_80 : memref<1x128xi32, #tpu.memory_space<vmem>> -> memref<128xi32, #tpu.memory_space<vmem>>
        %dma_wait3A_82 = arith.constant 0 : i32
        %dma_wait3A_83 = tpu.memref_slice %arg24[%dma_wait3A_82] : memref<10240xf32, #tpu.memory_space<vmem_shared>> -> memref<10240xf32, #tpu.memory_space<vmem_shared>>
        tpu.wait_indirect_dma semaphore(%run_scoped3A : memref<!tpu.dma_semaphore, #tpu.memory_space<semaphore_mem>>) src(%arg20 : memref<128xf32, #tpu.memory_space<vmem>>) dst(%dma_wait3A_83 : memref<10240xf32, #tpu.memory_space<vmem_shared>>)
        tpu.yield
      }) : () -> ()
    }
    %scan3A_28 = arith.constant 41 : i32
    %barrier3A_29 = arith.constant 0 : index
    tpu.barrier barrier_id(%barrier3A_29)
    %mul3A_30 = arith.constant 640 : i32
    %mul3A_31 = arith.muli %arg1, %mul3A_30 : i32
    "tpu.region"() ({
      %run_scoped3A = tpu.sem_alloc : memref<!tpu.dma_semaphore, #tpu.memory_space<semaphore_mem>>
      %dma_start3A_38 = arith.constant 0 : i32
      %dma_start3A_39 = tpu.memref_slice %arg23[%mul3A_31, %dma_start3A_38] : memref<10240x16xf32, #tpu.memory_space<vmem_shared>> -> memref<640x16xf32, #tpu.memory_space<vmem_shared>>
      %dma_start3A_40 = arith.constant 0 : i32
      %dma_start3A_41 = tpu.memref_slice %arg23[%mul3A_31, %dma_start3A_40] : memref<10240x16xf32, #tpu.memory_space<vmem_shared>> -> memref<640x16xf32, #tpu.memory_space<vmem_shared>>
      tpu.enqueue_dma source(%dma_start3A_41 : memref<640x16xf32, #tpu.memory_space<vmem_shared>>) target(%arg22 : memref<640x16xf32, #tpu.memory_space<vmem>>) target_semaphore(%run_scoped3A : memref<!tpu.dma_semaphore, #tpu.memory_space<semaphore_mem>>)
      %dma_wait3A = arith.constant 0 : i32
      %dma_wait3A_42 = tpu.memref_slice %arg23[%mul3A_31, %dma_wait3A] : memref<10240x16xf32, #tpu.memory_space<vmem_shared>> -> memref<640x16xf32, #tpu.memory_space<vmem_shared>>
      %dma_wait3A_43 = arith.constant 0 : i32
      %dma_wait3A_44 = tpu.memref_slice %arg23[%mul3A_31, %dma_wait3A_43] : memref<10240x16xf32, #tpu.memory_space<vmem_shared>> -> memref<640x16xf32, #tpu.memory_space<vmem_shared>>
      tpu.wait_dma2 semaphore(%run_scoped3A : memref<!tpu.dma_semaphore, #tpu.memory_space<semaphore_mem>>) src(%dma_wait3A_44 : memref<640x16xf32, #tpu.memory_space<vmem_shared>>) dst(%arg22 : memref<640x16xf32, #tpu.memory_space<vmem>>)
      tpu.yield
    }) : () -> ()
    %mul3A_32 = arith.constant 640 : i32
    %mul3A_33 = arith.muli %arg1, %mul3A_32 : i32
    "tpu.region"() ({
      %run_scoped3A = tpu.sem_alloc : memref<!tpu.dma_semaphore, #tpu.memory_space<semaphore_mem>>
      %dma_start3A_38 = arith.constant 0 : i32
      %dma_start3A_39 = tpu.memref_slice %arg9[%arg0, %mul3A_33, %dma_start3A_38] : memref<2x10240x16xf32, #tpu.memory_space<hbm>> -> memref<1x640x16xf32, #tpu.memory_space<hbm>>
      %dma_start3A_40 = tpu.memref_squeeze %dma_start3A_39 : memref<1x640x16xf32, #tpu.memory_space<hbm>> -> memref<640x16xf32, #tpu.memory_space<hbm>>
      %dma_start3A_41 = arith.constant 0 : i32
      %dma_start3A_42 = tpu.memref_slice %arg9[%arg0, %mul3A_33, %dma_start3A_41] : memref<2x10240x16xf32, #tpu.memory_space<hbm>> -> memref<1x640x16xf32, #tpu.memory_space<hbm>>
      %dma_start3A_43 = tpu.memref_squeeze %dma_start3A_42 : memref<1x640x16xf32, #tpu.memory_space<hbm>> -> memref<640x16xf32, #tpu.memory_space<hbm>>
      tpu.enqueue_dma source(%arg22 : memref<640x16xf32, #tpu.memory_space<vmem>>) target(%dma_start3A_43 : memref<640x16xf32, #tpu.memory_space<hbm>>) target_semaphore(%run_scoped3A : memref<!tpu.dma_semaphore, #tpu.memory_space<semaphore_mem>>)
      %dma_wait3A = arith.constant 0 : i32
      %dma_wait3A_44 = tpu.memref_slice %arg9[%arg0, %mul3A_33, %dma_wait3A] : memref<2x10240x16xf32, #tpu.memory_space<hbm>> -> memref<1x640x16xf32, #tpu.memory_space<hbm>>
      %dma_wait3A_45 = tpu.memref_squeeze %dma_wait3A_44 : memref<1x640x16xf32, #tpu.memory_space<hbm>> -> memref<640x16xf32, #tpu.memory_space<hbm>>
      %dma_wait3A_46 = arith.constant 0 : i32
      %dma_wait3A_47 = tpu.memref_slice %arg9[%arg0, %mul3A_33, %dma_wait3A_46] : memref<2x10240x16xf32, #tpu.memory_space<hbm>> -> memref<1x640x16xf32, #tpu.memory_space<hbm>>
      %dma_wait3A_48 = tpu.memref_squeeze %dma_wait3A_47 : memref<1x640x16xf32, #tpu.memory_space<hbm>> -> memref<640x16xf32, #tpu.memory_space<hbm>>
      tpu.wait_dma2 semaphore(%run_scoped3A : memref<!tpu.dma_semaphore, #tpu.memory_space<semaphore_mem>>) src(%arg22 : memref<640x16xf32, #tpu.memory_space<vmem>>) dst(%dma_wait3A_48 : memref<640x16xf32, #tpu.memory_space<hbm>>)
      tpu.yield
    }) : () -> ()
    %mul3A_34 = arith.constant 640 : i32
    %mul3A_35 = arith.muli %arg1, %mul3A_34 : i32
    "tpu.region"() ({
      %run_scoped3A = tpu.sem_alloc : memref<!tpu.dma_semaphore, #tpu.memory_space<semaphore_mem>>
      %dma_start3A_38 = tpu.memref_slice %arg24[%mul3A_35] : memref<10240xf32, #tpu.memory_space<vmem_shared>> -> memref<640xf32, #tpu.memory_space<vmem_shared>>
      %dma_start3A_39 = tpu.memref_slice %arg24[%mul3A_35] : memref<10240xf32, #tpu.memory_space<vmem_shared>> -> memref<640xf32, #tpu.memory_space<vmem_shared>>
      tpu.enqueue_dma source(%dma_start3A_39 : memref<640xf32, #tpu.memory_space<vmem_shared>>) target(%arg21 : memref<640xf32, #tpu.memory_space<vmem>>) target_semaphore(%run_scoped3A : memref<!tpu.dma_semaphore, #tpu.memory_space<semaphore_mem>>)
      %dma_wait3A = tpu.memref_slice %arg24[%mul3A_35] : memref<10240xf32, #tpu.memory_space<vmem_shared>> -> memref<640xf32, #tpu.memory_space<vmem_shared>>
      %dma_wait3A_40 = tpu.memref_slice %arg24[%mul3A_35] : memref<10240xf32, #tpu.memory_space<vmem_shared>> -> memref<640xf32, #tpu.memory_space<vmem_shared>>
      tpu.wait_dma2 semaphore(%run_scoped3A : memref<!tpu.dma_semaphore, #tpu.memory_space<semaphore_mem>>) src(%dma_wait3A_40 : memref<640xf32, #tpu.memory_space<vmem_shared>>) dst(%arg21 : memref<640xf32, #tpu.memory_space<vmem>>)
      tpu.yield
    }) : () -> ()
    %mul3A_36 = arith.constant 640 : i32
    %mul3A_37 = arith.muli %arg1, %mul3A_36 : i32
    "tpu.region"() ({
      %run_scoped3A = tpu.sem_alloc : memref<!tpu.dma_semaphore, #tpu.memory_space<semaphore_mem>>
      %dma_start3A_38 = tpu.memref_slice %arg10[%arg0, %mul3A_37] : memref<2x10240xf32, #tpu.memory_space<hbm>> -> memref<1x640xf32, #tpu.memory_space<hbm>>
      %dma_start3A_39 = tpu.memref_squeeze %dma_start3A_38 : memref<1x640xf32, #tpu.memory_space<hbm>> -> memref<640xf32, #tpu.memory_space<hbm>>
      %dma_start3A_40 = tpu.memref_slice %arg10[%arg0, %mul3A_37] : memref<2x10240xf32, #tpu.memory_space<hbm>> -> memref<1x640xf32, #tpu.memory_space<hbm>>
      %dma_start3A_41 = tpu.memref_squeeze %dma_start3A_40 : memref<1x640xf32, #tpu.memory_space<hbm>> -> memref<640xf32, #tpu.memory_space<hbm>>
      tpu.enqueue_dma source(%arg21 : memref<640xf32, #tpu.memory_space<vmem>>) target(%dma_start3A_41 : memref<640xf32, #tpu.memory_space<hbm>>) target_semaphore(%run_scoped3A : memref<!tpu.dma_semaphore, #tpu.memory_space<semaphore_mem>>)
      %dma_wait3A = tpu.memref_slice %arg10[%arg0, %mul3A_37] : memref<2x10240xf32, #tpu.memory_space<hbm>> -> memref<1x640xf32, #tpu.memory_space<hbm>>
      %dma_wait3A_42 = tpu.memref_squeeze %dma_wait3A : memref<1x640xf32, #tpu.memory_space<hbm>> -> memref<640xf32, #tpu.memory_space<hbm>>
      %dma_wait3A_43 = tpu.memref_slice %arg10[%arg0, %mul3A_37] : memref<2x10240xf32, #tpu.memory_space<hbm>> -> memref<1x640xf32, #tpu.memory_space<hbm>>
      %dma_wait3A_44 = tpu.memref_squeeze %dma_wait3A_43 : memref<1x640xf32, #tpu.memory_space<hbm>> -> memref<640xf32, #tpu.memory_space<hbm>>
      tpu.wait_dma2 semaphore(%run_scoped3A : memref<!tpu.dma_semaphore, #tpu.memory_space<semaphore_mem>>) src(%arg21 : memref<640xf32, #tpu.memory_space<vmem>>) dst(%dma_wait3A_44 : memref<640xf32, #tpu.memory_space<hbm>>)
      tpu.yield
    }) : () -> ()
    return
  }
}

module attributes {stable_mosaic.version = 14 : i64} {
  func.func @_prep_body(%arg0: memref<10000x128xf32, #tpu.memory_space<vmem>>, %arg1: memref<2x2500x128xi32, #tpu.memory_space<vmem>>, %arg2: memref<2x2500x128xf32, #tpu.memory_space<vmem>>, %arg3: memref<128x16xf32, #tpu.memory_space<vmem>>, %arg4: memref<1x16xf32, #tpu.memory_space<vmem>>, %arg5: memref<1x16xf32, #tpu.memory_space<vmem>>, %arg6: memref<2x1x1xf32, #tpu.memory_space<vmem>>, %arg7: memref<2x1x1xf32, #tpu.memory_space<vmem>>, %arg8: memref<10240x16xf32, #tpu.memory_space<vmem>>, %arg9: memref<10240x1xf32, #tpu.memory_space<vmem>>, %arg10: memref<10240x1xf32, #tpu.memory_space<vmem>>, %arg11: memref<2624x128xf32, #tpu.memory_space<vmem>>, %arg12: memref<2624x128xf32, #tpu.memory_space<vmem>>, %arg13: memref<2624x128xi32, #tpu.memory_space<vmem>>, %arg14: memref<2624x128xi32, #tpu.memory_space<vmem>>, %arg15: memref<8x128xf32, #tpu.memory_space<vmem>>, %arg16: memref<8x128xf32, #tpu.memory_space<vmem>>) attributes {dimension_semantics = [], scalar_prefetch = 0 : i64, scratch_operands = 0 : i64, tpu.core_type = #tpu.core_type<tc>} {
    %get3A = arith.constant 0 : index
    %get3A_0 = arith.constant 0 : index
    %get3A_1 = vector.load %arg0[%get3A, %get3A_0] : memref<10000x128xf32, #tpu.memory_space<vmem>>, vector<10000x128xf32>
    %get3A_2 = arith.constant 0 : index
    %get3A_3 = arith.constant 0 : index
    %get3A_4 = vector.load %arg3[%get3A_2, %get3A_3] : memref<128x16xf32, #tpu.memory_space<vmem>>, vector<128x16xf32>
    %dot_general3A = arith.constant dense<0.000000e+00> : vector<10000x16xf32>
    %dot_general3A_5 = tpu.matmul %get3A_1, %get3A_4, %dot_general3A {dimension_numbers = #tpu.dot_dimension_numbers<[1], [0], [0], [1], [0, 0, 1, 1], [], []>, transpose_lhs_hint = false} : vector<10000x128xf32>, vector<128x16xf32>, vector<10000x16xf32> -> vector<10000x16xf32>
    %swap3A = arith.constant 0 : index
    %swap3A_6 = arith.constant 0 : index
    %swap3A_7 = vector.load %arg8[%swap3A, %swap3A_6] : memref<10240x16xf32, #tpu.memory_space<vmem>>, vector<10000x16xf32>
    tpu.vector_store %arg8[%swap3A, %swap3A_6], %dot_general3A_5 {strides = array<i32>} : memref<10240x16xf32, #tpu.memory_space<vmem>>, vector<10000x16xf32>,
    %broadcast_in_dim3A = arith.constant 0.000000e+00 : f32
    %broadcast_in_dim3A_8 = vector.broadcast %broadcast_in_dim3A : f32 to vector<240x16xf32>
    %swap3A_9 = arith.constant 10000 : index
    %swap3A_10 = arith.constant 0 : index
    %swap3A_11 = vector.load %arg8[%swap3A_9, %swap3A_10] : memref<10240x16xf32, #tpu.memory_space<vmem>>, vector<240x16xf32>
    tpu.vector_store %arg8[%swap3A_9, %swap3A_10], %broadcast_in_dim3A_8 {strides = array<i32>} : memref<10240x16xf32, #tpu.memory_space<vmem>>, vector<240x16xf32>,
    %get3A_12 = arith.constant 0 : index
    %get3A_13 = arith.constant 0 : index
    %get3A_14 = vector.load %arg4[%get3A_12, %get3A_13] : memref<1x16xf32, #tpu.memory_space<vmem>>, vector<1x16xf32>
    %mul3A = vector.broadcast %get3A_14 : vector<1x16xf32> to vector<10000x16xf32>
    %mul3A_15 = arith.mulf %dot_general3A_5, %mul3A : vector<10000x16xf32>
    %reduce_sum3A = arith.constant dense<0.000000e+00> : vector<10000xf32>
    %reduce_sum3A_16 = vector.multi_reduction <add>, %mul3A_15, %reduce_sum3A [1] : vector<10000x16xf32> to vector<10000xf32>
    %broadcast_in_dim3A_17 = vector.shape_cast %reduce_sum3A_16 : vector<10000xf32> to vector<10000x1xf32>
    %get3A_18 = arith.constant 0 : index
    %get3A_19 = arith.constant 0 : index
    %get3A_20 = vector.load %arg5[%get3A_18, %get3A_19] : memref<1x16xf32, #tpu.memory_space<vmem>>, vector<1x16xf32>
    %mul3A_21 = vector.broadcast %get3A_20 : vector<1x16xf32> to vector<10000x16xf32>
    %mul3A_22 = arith.mulf %dot_general3A_5, %mul3A_21 : vector<10000x16xf32>
    %reduce_sum3A_23 = arith.constant dense<0.000000e+00> : vector<10000xf32>
    %reduce_sum3A_24 = vector.multi_reduction <add>, %mul3A_22, %reduce_sum3A_23 [1] : vector<10000x16xf32> to vector<10000xf32>
    %broadcast_in_dim3A_25 = vector.shape_cast %reduce_sum3A_24 : vector<10000xf32> to vector<10000x1xf32>
    %swap3A_26 = arith.constant 0 : index
    %swap3A_27 = arith.constant 0 : index
    %swap3A_28 = vector.load %arg9[%swap3A_26, %swap3A_27] : memref<10240x1xf32, #tpu.memory_space<vmem>>, vector<10000x1xf32>
    tpu.vector_store %arg9[%swap3A_26, %swap3A_27], %broadcast_in_dim3A_17 {strides = array<i32>} : memref<10240x1xf32, #tpu.memory_space<vmem>>, vector<10000x1xf32>,
    %broadcast_in_dim3A_29 = arith.constant 0.000000e+00 : f32
    %broadcast_in_dim3A_30 = vector.broadcast %broadcast_in_dim3A_29 : f32 to vector<240x1xf32>
    %swap3A_31 = arith.constant 10000 : index
    %swap3A_32 = arith.constant 0 : index
    %swap3A_33 = vector.load %arg9[%swap3A_31, %swap3A_32] : memref<10240x1xf32, #tpu.memory_space<vmem>>, vector<240x1xf32>
    tpu.vector_store %arg9[%swap3A_31, %swap3A_32], %broadcast_in_dim3A_30 {strides = array<i32>} : memref<10240x1xf32, #tpu.memory_space<vmem>>, vector<240x1xf32>,
    %swap3A_34 = arith.constant 0 : index
    %swap3A_35 = arith.constant 0 : index
    %swap3A_36 = vector.load %arg10[%swap3A_34, %swap3A_35] : memref<10240x1xf32, #tpu.memory_space<vmem>>, vector<10000x1xf32>
    tpu.vector_store %arg10[%swap3A_34, %swap3A_35], %broadcast_in_dim3A_25 {strides = array<i32>} : memref<10240x1xf32, #tpu.memory_space<vmem>>, vector<10000x1xf32>,
    %broadcast_in_dim3A_37 = arith.constant 0.000000e+00 : f32
    %broadcast_in_dim3A_38 = vector.broadcast %broadcast_in_dim3A_37 : f32 to vector<240x1xf32>
    %swap3A_39 = arith.constant 10000 : index
    %swap3A_40 = arith.constant 0 : index
    %swap3A_41 = vector.load %arg10[%swap3A_39, %swap3A_40] : memref<10240x1xf32, #tpu.memory_space<vmem>>, vector<240x1xf32>
    tpu.vector_store %arg10[%swap3A_39, %swap3A_40], %broadcast_in_dim3A_38 {strides = array<i32>} : memref<10240x1xf32, #tpu.memory_space<vmem>>, vector<240x1xf32>,
    %iota3A = tpu.iota {dimensions = array<i32: 0>} : vector<2624x128xi32>
    %mul3A_42 = arith.constant 128 : i32
    %mul3A_43 = vector.broadcast %mul3A_42 : i32 to vector<2624x128xi32>
    %mul3A_44 = arith.muli %iota3A, %mul3A_43 : vector<2624x128xi32>
    %iota3A_45 = tpu.iota {dimensions = array<i32: 1>} : vector<2624x128xi32>
    %add3A = arith.addi %mul3A_44, %iota3A_45 : vector<2624x128xi32>
    %broadcast_in_dim3A_46 = arith.constant 0 : i32
    %broadcast_in_dim3A_47 = vector.broadcast %broadcast_in_dim3A_46 : i32 to vector<124x128xi32>
    %ge3A = arith.constant 320000 : i32
    %ge3A_48 = vector.broadcast %ge3A : i32 to vector<2624x128xi32>
    %ge3A_49 = arith.cmpi sge, %add3A, %ge3A_48 : vector<2624x128xi32>
    %lt3A = arith.constant 330000 : i32
    %lt3A_50 = vector.broadcast %lt3A : i32 to vector<2624x128xi32>
    %lt3A_51 = arith.cmpi slt, %add3A, %lt3A_50 : vector<2624x128xi32>
    %and3A = arith.andi %ge3A_49, %lt3A_51 : vector<2624x128xi1>
    %sub3A = arith.constant 320000 : i32
    %sub3A_52 = vector.broadcast %sub3A : i32 to vector<2624x128xi32>
    %sub3A_53 = arith.subi %add3A, %sub3A_52 : vector<2624x128xi32>
    %jit3A = arith.constant 0 : i32
    %broadcast_in_dim3A_54 = vector.broadcast %jit3A : i32 to vector<2624x128xi32>
    %select_n3A = arith.select %and3A, %sub3A_53, %broadcast_in_dim3A_54 : vector<2624x128xi1>, vector<2624x128xi32>
    %lt3A_55 = arith.constant 320000 : i32
    %lt3A_56 = vector.broadcast %lt3A_55 : i32 to vector<2624x128xi32>
    %lt3A_57 = arith.cmpi slt, %add3A, %lt3A_56 : vector<2624x128xi32>
    %get3A_58 = arith.constant 0 : index
    %get3A_59 = arith.constant 0 : index
    %get3A_60 = arith.constant 0 : index
    %get3A_61 = vector.load %arg1[%get3A_58, %get3A_59, %get3A_60] : memref<2x2500x128xi32, #tpu.memory_space<vmem>>, vector<1x2500x128xi32>
    %get3A_62 = vector.shape_cast %get3A_61 : vector<1x2500x128xi32> to vector<2500x128xi32>
    %concatenate3A = tpu.concatenate %get3A_62, %broadcast_in_dim3A_47 in 0 : vector<2500x128xi32>, vector<124x128xi32> -> vector<2624x128xi32>
    %select_n3A_63 = arith.select %lt3A_57, %concatenate3A, %select_n3A : vector<2624x128xi1>, vector<2624x128xi32>
    %swap3A_64 = arith.constant 0 : index
    %swap3A_65 = arith.constant 0 : index
    %swap3A_66 = vector.load %arg13[%swap3A_64, %swap3A_65] : memref<2624x128xi32, #tpu.memory_space<vmem>>, vector<2624x128xi32>
    tpu.vector_store %arg13[%swap3A_64, %swap3A_65], %select_n3A_63 {strides = array<i32>} : memref<2624x128xi32, #tpu.memory_space<vmem>>, vector<2624x128xi32>,
    %lt3A_67 = arith.constant 320000 : i32
    %lt3A_68 = vector.broadcast %lt3A_67 : i32 to vector<2624x128xi32>
    %lt3A_69 = arith.cmpi slt, %add3A, %lt3A_68 : vector<2624x128xi32>
    %get3A_70 = arith.constant 1 : index
    %get3A_71 = arith.constant 0 : index
    %get3A_72 = arith.constant 0 : index
    %get3A_73 = vector.load %arg1[%get3A_70, %get3A_71, %get3A_72] : memref<2x2500x128xi32, #tpu.memory_space<vmem>>, vector<1x2500x128xi32>
    %get3A_74 = vector.shape_cast %get3A_73 : vector<1x2500x128xi32> to vector<2500x128xi32>
    %concatenate3A_75 = tpu.concatenate %get3A_74, %broadcast_in_dim3A_47 in 0 : vector<2500x128xi32>, vector<124x128xi32> -> vector<2624x128xi32>
    %select_n3A_76 = arith.select %lt3A_69, %concatenate3A_75, %select_n3A : vector<2624x128xi1>, vector<2624x128xi32>
    %swap3A_77 = arith.constant 0 : index
    %swap3A_78 = arith.constant 0 : index
    %swap3A_79 = vector.load %arg14[%swap3A_77, %swap3A_78] : memref<2624x128xi32, #tpu.memory_space<vmem>>, vector<2624x128xi32>
    tpu.vector_store %arg14[%swap3A_77, %swap3A_78], %select_n3A_76 {strides = array<i32>} : memref<2624x128xi32, #tpu.memory_space<vmem>>, vector<2624x128xi32>,
    %get3A_80 = arith.constant 0 : index
    %get3A_81 = arith.constant 0 : index
    %get3A_82 = arith.constant 0 : index
    %get3A_83 = vector.load %arg2[%get3A_80, %get3A_81, %get3A_82] : memref<2x2500x128xf32, #tpu.memory_space<vmem>>, vector<2x2500x128xf32>
    %reduce_sum3A_84 = arith.constant dense<0.000000e+00> : vector<2xf32>
    %reduce_sum3A_85 = vector.multi_reduction <add>, %get3A_83, %reduce_sum3A_84 [1, 2] : vector<2x2500x128xf32> to vector<2xf32>
    %broadcast_in_dim3A_86 = vector.shape_cast %reduce_sum3A_85 : vector<2xf32> to vector<2x1x1xf32>
    %div3A = arith.constant 3.200000e+05 : f32
    %div3A_87 = vector.broadcast %div3A : f32 to vector<2x1x1xf32>
    %div3A_88 = arith.divf %broadcast_in_dim3A_86, %div3A_87 : vector<2x1x1xf32>
    %get3A_89 = arith.constant 0 : index
    %get3A_90 = arith.constant 0 : index
    %get3A_91 = arith.constant 0 : index
    %get3A_92 = vector.load %arg6[%get3A_89, %get3A_90, %get3A_91] : memref<2x1x1xf32, #tpu.memory_space<vmem>>, vector<2x1x1xf32>
    %mul3A_93 = vector.broadcast %get3A_92 : vector<2x1x1xf32> to vector<2x2500x128xf32>
    %mul3A_94 = arith.mulf %get3A_83, %mul3A_93 : vector<2x2500x128xf32>
    %reduce_sum3A_95 = arith.constant dense<0.000000e+00> : vector<2500x128xf32>
    %reduce_sum3A_96 = vector.multi_reduction <add>, %mul3A_94, %reduce_sum3A_95 [0] : vector<2x2500x128xf32> to vector<2500x128xf32>
    %mul3A_97 = arith.mulf %div3A_88, %get3A_92 : vector<2x1x1xf32>
    %reduce_sum3A_98 = arith.constant dense<0.000000e+00> : vector<1x1xf32>
    %reduce_sum3A_99 = vector.multi_reduction <add>, %mul3A_97, %reduce_sum3A_98 [0] : vector<2x1x1xf32> to vector<1x1xf32>
    %broadcast_in_dim3A_100 = vector.shape_cast %reduce_sum3A_99 : vector<1x1xf32> to vector<1x1xf32>
    %broadcast_in_dim3A_101 = vector.broadcast %broadcast_in_dim3A_100 : vector<1x1xf32> to vector<124x128xf32>
    %concatenate3A_102 = tpu.concatenate %reduce_sum3A_96, %broadcast_in_dim3A_101 in 0 : vector<2500x128xf32>, vector<124x128xf32> -> vector<2624x128xf32>
    %lt3A_103 = arith.constant 330000 : i32
    %lt3A_104 = vector.broadcast %lt3A_103 : i32 to vector<2624x128xi32>
    %lt3A_105 = arith.cmpi slt, %add3A, %lt3A_104 : vector<2624x128xi32>
    %jit3A_106 = arith.constant -1.000000e+30 : f32
    %broadcast_in_dim3A_107 = vector.broadcast %jit3A_106 : f32 to vector<2624x128xf32>
    %select_n3A_108 = arith.select %lt3A_105, %concatenate3A_102, %broadcast_in_dim3A_107 : vector<2624x128xi1>, vector<2624x128xf32>
    %get3A_109 = arith.constant 0 : index
    %get3A_110 = arith.constant 0 : index
    %get3A_111 = arith.constant 0 : index
    %get3A_112 = vector.load %arg7[%get3A_109, %get3A_110, %get3A_111] : memref<2x1x1xf32, #tpu.memory_space<vmem>>, vector<2x1x1xf32>
    %mul3A_113 = vector.broadcast %get3A_112 : vector<2x1x1xf32> to vector<2x2500x128xf32>
    %mul3A_114 = arith.mulf %get3A_83, %mul3A_113 : vector<2x2500x128xf32>
    %reduce_sum3A_115 = arith.constant dense<0.000000e+00> : vector<2500x128xf32>
    %reduce_sum3A_116 = vector.multi_reduction <add>, %mul3A_114, %reduce_sum3A_115 [0] : vector<2x2500x128xf32> to vector<2500x128xf32>
    %mul3A_117 = arith.mulf %div3A_88, %get3A_112 : vector<2x1x1xf32>
    %reduce_sum3A_118 = arith.constant dense<0.000000e+00> : vector<1x1xf32>
    %reduce_sum3A_119 = vector.multi_reduction <add>, %mul3A_117, %reduce_sum3A_118 [0] : vector<2x1x1xf32> to vector<1x1xf32>
    %broadcast_in_dim3A_120 = vector.shape_cast %reduce_sum3A_119 : vector<1x1xf32> to vector<1x1xf32>
    %broadcast_in_dim3A_121 = vector.broadcast %broadcast_in_dim3A_120 : vector<1x1xf32> to vector<124x128xf32>
    %concatenate3A_122 = tpu.concatenate %reduce_sum3A_116, %broadcast_in_dim3A_121 in 0 : vector<2500x128xf32>, vector<124x128xf32> -> vector<2624x128xf32>
    %lt3A_123 = arith.constant 330000 : i32
    %lt3A_124 = vector.broadcast %lt3A_123 : i32 to vector<2624x128xi32>
    %lt3A_125 = arith.cmpi slt, %add3A, %lt3A_124 : vector<2624x128xi32>
    %jit3A_126 = arith.constant -1.000000e+30 : f32
    %broadcast_in_dim3A_127 = vector.broadcast %jit3A_126 : f32 to vector<2624x128xf32>
    %select_n3A_128 = arith.select %lt3A_125, %concatenate3A_122, %broadcast_in_dim3A_127 : vector<2624x128xi1>, vector<2624x128xf32>
    %swap3A_129 = arith.constant 0 : index
    %swap3A_130 = arith.constant 0 : index
    %swap3A_131 = vector.load %arg11[%swap3A_129, %swap3A_130] : memref<2624x128xf32, #tpu.memory_space<vmem>>, vector<2624x128xf32>
    tpu.vector_store %arg11[%swap3A_129, %swap3A_130], %select_n3A_108 {strides = array<i32>} : memref<2624x128xf32, #tpu.memory_space<vmem>>, vector<2624x128xf32>,
    %swap3A_132 = arith.constant 0 : index
    %swap3A_133 = arith.constant 0 : index
    %swap3A_134 = vector.load %arg12[%swap3A_132, %swap3A_133] : memref<2624x128xf32, #tpu.memory_space<vmem>>, vector<2624x128xf32>
    tpu.vector_store %arg12[%swap3A_132, %swap3A_133], %select_n3A_128 {strides = array<i32>} : memref<2624x128xf32, #tpu.memory_space<vmem>>, vector<2624x128xf32>,
    %reduce_max3A = vector.shape_cast %broadcast_in_dim3A_17 : vector<10000x1xf32> to vector<1x10000x1xf32>
    %reduce_max3A_135 = arith.constant dense<0xFF800000> : vector<1xf32>
    %reduce_max3A_136 = vector.multi_reduction <maximumf>, %reduce_max3A, %reduce_max3A_135 [1, 2] : vector<1x10000x1xf32> to vector<1xf32>
    %reduce_max3A_137 = vector.shape_cast %reduce_max3A_136 : vector<1xf32> to vector<1x1x1xf32>
    %reduce_max3A_138 = vector.extract %reduce_max3A_137[0, 0, 0] : f32 from vector<1x1x1xf32>
    %reduce_max3A_139 = vector.shape_cast %broadcast_in_dim3A_25 : vector<10000x1xf32> to vector<1x10000x1xf32>
    %reduce_max3A_140 = arith.constant dense<0xFF800000> : vector<1xf32>
    %reduce_max3A_141 = vector.multi_reduction <maximumf>, %reduce_max3A_139, %reduce_max3A_140 [1, 2] : vector<1x10000x1xf32> to vector<1xf32>
    %reduce_max3A_142 = vector.shape_cast %reduce_max3A_141 : vector<1xf32> to vector<1x1x1xf32>
    %reduce_max3A_143 = vector.extract %reduce_max3A_142[0, 0, 0] : f32 from vector<1x1x1xf32>
    %add3A_144 = arith.addf %reduce_max3A_138, %reduce_max3A_143 : f32
    %reduce_max3A_145 = vector.shape_cast %select_n3A_108 : vector<2624x128xf32> to vector<1x2624x128xf32>
    %reduce_max3A_146 = arith.constant dense<0xFF800000> : vector<1xf32>
    %reduce_max3A_147 = vector.multi_reduction <maximumf>, %reduce_max3A_145, %reduce_max3A_146 [1, 2] : vector<1x2624x128xf32> to vector<1xf32>
    %reduce_max3A_148 = vector.shape_cast %reduce_max3A_147 : vector<1xf32> to vector<1x1x1xf32>
    %reduce_max3A_149 = vector.extract %reduce_max3A_148[0, 0, 0] : f32 from vector<1x1x1xf32>
    %add3A_150 = arith.addf %add3A_144, %reduce_max3A_149 : f32
    %mul3A_151 = arith.constant 2.000000e-01 : f32
    %mul3A_152 = arith.mulf %mul3A_151, %add3A_150 : f32
    %max3A = arith.maximumf %add3A_150, %mul3A_152 : f32
    %broadcast_in_dim3A_153 = vector.broadcast %max3A : f32 to vector<8x128xf32>
    %swap3A_154 = arith.constant 0 : index
    %swap3A_155 = arith.constant 0 : index
    %swap3A_156 = vector.load %arg15[%swap3A_154, %swap3A_155] : memref<8x128xf32, #tpu.memory_space<vmem>>, vector<8x128xf32>
    tpu.vector_store %arg15[%swap3A_154, %swap3A_155], %broadcast_in_dim3A_153 {strides = array<i32>} : memref<8x128xf32, #tpu.memory_space<vmem>>, vector<8x128xf32>,
    %reduce_max3A_157 = vector.shape_cast %select_n3A_128 : vector<2624x128xf32> to vector<1x2624x128xf32>
    %reduce_max3A_158 = arith.constant dense<0xFF800000> : vector<1xf32>
    %reduce_max3A_159 = vector.multi_reduction <maximumf>, %reduce_max3A_157, %reduce_max3A_158 [1, 2] : vector<1x2624x128xf32> to vector<1xf32>
    %reduce_max3A_160 = vector.shape_cast %reduce_max3A_159 : vector<1xf32> to vector<1x1x1xf32>
    %reduce_max3A_161 = vector.extract %reduce_max3A_160[0, 0, 0] : f32 from vector<1x1x1xf32>
    %broadcast_in_dim3A_162 = vector.broadcast %reduce_max3A_161 : f32 to vector<8x128xf32>
    %swap3A_163 = arith.constant 0 : index
    %swap3A_164 = arith.constant 0 : index
    %swap3A_165 = vector.load %arg16[%swap3A_163, %swap3A_164] : memref<8x128xf32, #tpu.memory_space<vmem>>, vector<8x128xf32>
    tpu.vector_store %arg16[%swap3A_163, %swap3A_164], %broadcast_in_dim3A_162 {strides = array<i32>} : memref<8x128xf32, #tpu.memory_space<vmem>>, vector<8x128xf32>,
    return
  }
}

module attributes {stable_mosaic.version = 14 : i64} {
  func.func @_mid_body(%arg0: memref<2x10240x16xf32, #tpu.memory_space<vmem>>, %arg1: memref<2x10240x1xf32, #tpu.memory_space<vmem>>, %arg2: memref<1x16xf32, #tpu.memory_space<vmem>>, %arg3: memref<1x16xf32, #tpu.memory_space<vmem>>, %arg4: memref<1x16xf32, #tpu.memory_space<vmem>>, %arg5: memref<16x16xf32, #tpu.memory_space<vmem>>, %arg6: memref<1x16xf32, #tpu.memory_space<vmem>>, %arg7: memref<1x16xf32, #tpu.memory_space<vmem>>, %arg8: memref<8x128xf32, #tpu.memory_space<vmem>>, %arg9: memref<10240x16xf32, #tpu.memory_space<vmem>>, %arg10: memref<10240x1xf32, #tpu.memory_space<vmem>>, %arg11: memref<10240x1xf32, #tpu.memory_space<vmem>>, %arg12: memref<8x128xf32, #tpu.memory_space<vmem>>) attributes {dimension_semantics = [], scalar_prefetch = 0 : i64, scratch_operands = 0 : i64, tpu.core_type = #tpu.core_type<tc>} {
    %get3A = arith.constant 0 : index
    %get3A_0 = arith.constant 0 : index
    %get3A_1 = arith.constant 0 : index
    %get3A_2 = vector.load %arg1[%get3A, %get3A_0, %get3A_1] : memref<2x10240x1xf32, #tpu.memory_space<vmem>>, vector<1x10240x1xf32>
    %get3A_3 = vector.shape_cast %get3A_2 : vector<1x10240x1xf32> to vector<10240x1xf32>
    %get3A_4 = arith.constant 1 : index
    %get3A_5 = arith.constant 0 : index
    %get3A_6 = arith.constant 0 : index
    %get3A_7 = vector.load %arg1[%get3A_4, %get3A_5, %get3A_6] : memref<2x10240x1xf32, #tpu.memory_space<vmem>>, vector<1x10240x1xf32>
    %get3A_8 = vector.shape_cast %get3A_7 : vector<1x10240x1xf32> to vector<10240x1xf32>
    %add3A = arith.addf %get3A_3, %get3A_8 : vector<10240x1xf32>
    %max3A = arith.constant 1.000000e-30 : f32
    %max3A_9 = vector.broadcast %max3A : f32 to vector<10240x1xf32>
    %max3A_10 = arith.maximumf %add3A, %max3A_9 : vector<10240x1xf32>
    %get3A_11 = arith.constant 0 : index
    %get3A_12 = arith.constant 0 : index
    %get3A_13 = arith.constant 0 : index
    %get3A_14 = vector.load %arg0[%get3A_11, %get3A_12, %get3A_13] : memref<2x10240x16xf32, #tpu.memory_space<vmem>>, vector<1x10240x16xf32>
    %get3A_15 = vector.shape_cast %get3A_14 : vector<1x10240x16xf32> to vector<10240x16xf32>
    %get3A_16 = arith.constant 1 : index
    %get3A_17 = arith.constant 0 : index
    %get3A_18 = arith.constant 0 : index
    %get3A_19 = vector.load %arg0[%get3A_16, %get3A_17, %get3A_18] : memref<2x10240x16xf32, #tpu.memory_space<vmem>>, vector<1x10240x16xf32>
    %get3A_20 = vector.shape_cast %get3A_19 : vector<1x10240x16xf32> to vector<10240x16xf32>
    %add3A_21 = arith.addf %get3A_15, %get3A_20 : vector<10240x16xf32>
    %div3A = vector.broadcast %max3A_10 : vector<10240x1xf32> to vector<10240x16xf32>
    %div3A_22 = arith.divf %add3A_21, %div3A : vector<10240x16xf32>
    %get3A_23 = arith.constant 0 : index
    %get3A_24 = arith.constant 0 : index
    %get3A_25 = vector.load %arg2[%get3A_23, %get3A_24] : memref<1x16xf32, #tpu.memory_space<vmem>>, vector<1x16xf32>
    %add3A_26 = vector.broadcast %get3A_25 : vector<1x16xf32> to vector<10240x16xf32>
    %add3A_27 = arith.addf %div3A_22, %add3A_26 : vector<10240x16xf32>
    %max3A_28 = arith.constant 0.000000e+00 : f32
    %max3A_29 = vector.broadcast %max3A_28 : f32 to vector<10240x16xf32>
    %max3A_30 = arith.maximumf %add3A_27, %max3A_29 : vector<10240x16xf32>
    %iota3A = tpu.iota {dimensions = array<i32: 0>} : vector<10240x1xi32>
    %lt3A = arith.constant 10000 : i32
    %lt3A_31 = vector.broadcast %lt3A : i32 to vector<10240x1xi32>
    %lt3A_32 = arith.cmpi slt, %iota3A, %lt3A_31 : vector<10240x1xi32>
    %convert_element_type3A = arith.extui %lt3A_32 : vector<10240x1xi1> to vector<10240x1xi32>
    %convert_element_type3A_33 = arith.sitofp %convert_element_type3A : vector<10240x1xi32> to vector<10240x1xf32>
    %mul3A = vector.broadcast %convert_element_type3A_33 : vector<10240x1xf32> to vector<10240x16xf32>
    %mul3A_34 = arith.mulf %max3A_30, %mul3A : vector<10240x16xf32>
    %reduce_sum3A = arith.constant dense<0.000000e+00> : vector<16xf32>
    %reduce_sum3A_35 = vector.multi_reduction <add>, %mul3A_34, %reduce_sum3A [0] : vector<10240x16xf32> to vector<16xf32>
    %broadcast_in_dim3A = vector.shape_cast %reduce_sum3A_35 : vector<16xf32> to vector<1x16xf32>
    %div3A_36 = arith.constant 1.000000e+04 : f32
    %div3A_37 = vector.broadcast %div3A_36 : f32 to vector<1x16xf32>
    %div3A_38 = arith.divf %broadcast_in_dim3A, %div3A_37 : vector<1x16xf32>
    %sub3A = vector.broadcast %div3A_38 : vector<1x16xf32> to vector<10240x16xf32>
    %sub3A_39 = arith.subf %max3A_30, %sub3A : vector<10240x16xf32>
    %integer_pow3A = arith.mulf %sub3A_39, %sub3A_39 : vector<10240x16xf32>
    %mul3A_40 = vector.broadcast %convert_element_type3A_33 : vector<10240x1xf32> to vector<10240x16xf32>
    %mul3A_41 = arith.mulf %integer_pow3A, %mul3A_40 : vector<10240x16xf32>
    %reduce_sum3A_42 = arith.constant dense<0.000000e+00> : vector<16xf32>
    %reduce_sum3A_43 = vector.multi_reduction <add>, %mul3A_41, %reduce_sum3A_42 [0] : vector<10240x16xf32> to vector<16xf32>
    %broadcast_in_dim3A_44 = vector.shape_cast %reduce_sum3A_43 : vector<16xf32> to vector<1x16xf32>
    %div3A_45 = arith.constant 1.000000e+04 : f32
    %div3A_46 = vector.broadcast %div3A_45 : f32 to vector<1x16xf32>
    %div3A_47 = arith.divf %broadcast_in_dim3A_44, %div3A_46 : vector<1x16xf32>
    %sub3A_48 = vector.broadcast %div3A_38 : vector<1x16xf32> to vector<10240x16xf32>
    %sub3A_49 = arith.subf %max3A_30, %sub3A_48 : vector<10240x16xf32>
    %add3A_50 = arith.constant 9.99999974E-6 : f32
    %add3A_51 = vector.broadcast %add3A_50 : f32 to vector<1x16xf32>
    %add3A_52 = arith.addf %div3A_47, %add3A_51 : vector<1x16xf32>
    %sqrt3A = math.sqrt %add3A_52 : vector<1x16xf32>
    %div3A_53 = vector.broadcast %sqrt3A : vector<1x16xf32> to vector<10240x16xf32>
    %div3A_54 = arith.divf %sub3A_49, %div3A_53 : vector<10240x16xf32>
    %get3A_55 = arith.constant 0 : index
    %get3A_56 = arith.constant 0 : index
    %get3A_57 = vector.load %arg3[%get3A_55, %get3A_56] : memref<1x16xf32, #tpu.memory_space<vmem>>, vector<1x16xf32>
    %mul3A_58 = vector.broadcast %get3A_57 : vector<1x16xf32> to vector<10240x16xf32>
    %mul3A_59 = arith.mulf %div3A_54, %mul3A_58 : vector<10240x16xf32>
    %get3A_60 = arith.constant 0 : index
    %get3A_61 = arith.constant 0 : index
    %get3A_62 = vector.load %arg4[%get3A_60, %get3A_61] : memref<1x16xf32, #tpu.memory_space<vmem>>, vector<1x16xf32>
    %add3A_63 = vector.broadcast %get3A_62 : vector<1x16xf32> to vector<10240x16xf32>
    %add3A_64 = arith.addf %mul3A_59, %add3A_63 : vector<10240x16xf32>
    %get3A_65 = arith.constant 0 : index
    %get3A_66 = arith.constant 0 : index
    %get3A_67 = vector.load %arg5[%get3A_65, %get3A_66] : memref<16x16xf32, #tpu.memory_space<vmem>>, vector<16x16xf32>
    %dot_general3A = arith.constant dense<0.000000e+00> : vector<10240x16xf32>
    %dot_general3A_68 = tpu.matmul %add3A_64, %get3A_67, %dot_general3A {dimension_numbers = #tpu.dot_dimension_numbers<[1], [0], [0], [1], [0, 0, 1, 1], [], []>, transpose_lhs_hint = false} : vector<10240x16xf32>, vector<16x16xf32>, vector<10240x16xf32> -> vector<10240x16xf32>
    %mul3A_69 = vector.broadcast %convert_element_type3A_33 : vector<10240x1xf32> to vector<10240x16xf32>
    %mul3A_70 = arith.mulf %dot_general3A_68, %mul3A_69 : vector<10240x16xf32>
    %swap3A = arith.constant 0 : index
    %swap3A_71 = arith.constant 0 : index
    %swap3A_72 = vector.load %arg9[%swap3A, %swap3A_71] : memref<10240x16xf32, #tpu.memory_space<vmem>>, vector<10240x16xf32>
    tpu.vector_store %arg9[%swap3A, %swap3A_71], %mul3A_70 {strides = array<i32>} : memref<10240x16xf32, #tpu.memory_space<vmem>>, vector<10240x16xf32>,
    %get3A_73 = arith.constant 0 : index
    %get3A_74 = arith.constant 0 : index
    %get3A_75 = vector.load %arg6[%get3A_73, %get3A_74] : memref<1x16xf32, #tpu.memory_space<vmem>>, vector<1x16xf32>
    %mul3A_76 = vector.broadcast %get3A_75 : vector<1x16xf32> to vector<10240x16xf32>
    %mul3A_77 = arith.mulf %mul3A_70, %mul3A_76 : vector<10240x16xf32>
    %reduce_sum3A_78 = arith.constant dense<0.000000e+00> : vector<10240xf32>
    %reduce_sum3A_79 = vector.multi_reduction <add>, %mul3A_77, %reduce_sum3A_78 [1] : vector<10240x16xf32> to vector<10240xf32>
    %broadcast_in_dim3A_80 = vector.shape_cast %reduce_sum3A_79 : vector<10240xf32> to vector<10240x1xf32>
    %get3A_81 = arith.constant 0 : index
    %get3A_82 = arith.constant 0 : index
    %get3A_83 = vector.load %arg7[%get3A_81, %get3A_82] : memref<1x16xf32, #tpu.memory_space<vmem>>, vector<1x16xf32>
    %mul3A_84 = vector.broadcast %get3A_83 : vector<1x16xf32> to vector<10240x16xf32>
    %mul3A_85 = arith.mulf %mul3A_70, %mul3A_84 : vector<10240x16xf32>
    %reduce_sum3A_86 = arith.constant dense<0.000000e+00> : vector<10240xf32>
    %reduce_sum3A_87 = vector.multi_reduction <add>, %mul3A_85, %reduce_sum3A_86 [1] : vector<10240x16xf32> to vector<10240xf32>
    %broadcast_in_dim3A_88 = vector.shape_cast %reduce_sum3A_87 : vector<10240xf32> to vector<10240x1xf32>
    %swap3A_89 = arith.constant 0 : index
    %swap3A_90 = arith.constant 0 : index
    %swap3A_91 = vector.load %arg10[%swap3A_89, %swap3A_90] : memref<10240x1xf32, #tpu.memory_space<vmem>>, vector<10240x1xf32>
    tpu.vector_store %arg10[%swap3A_89, %swap3A_90], %broadcast_in_dim3A_80 {strides = array<i32>} : memref<10240x1xf32, #tpu.memory_space<vmem>>, vector<10240x1xf32>,
    %swap3A_92 = arith.constant 0 : index
    %swap3A_93 = arith.constant 0 : index
    %swap3A_94 = vector.load %arg11[%swap3A_92, %swap3A_93] : memref<10240x1xf32, #tpu.memory_space<vmem>>, vector<10240x1xf32>
    tpu.vector_store %arg11[%swap3A_92, %swap3A_93], %broadcast_in_dim3A_88 {strides = array<i32>} : memref<10240x1xf32, #tpu.memory_space<vmem>>, vector<10240x1xf32>,
    %reduce_max3A = vector.shape_cast %broadcast_in_dim3A_80 : vector<10240x1xf32> to vector<1x10240x1xf32>
    %reduce_max3A_95 = arith.constant dense<0xFF800000> : vector<1xf32>
    %reduce_max3A_96 = vector.multi_reduction <maximumf>, %reduce_max3A, %reduce_max3A_95 [1, 2] : vector<1x10240x1xf32> to vector<1xf32>
    %reduce_max3A_97 = vector.shape_cast %reduce_max3A_96 : vector<1xf32> to vector<1x1x1xf32>
    %reduce_max3A_98 = vector.extract %reduce_max3A_97[0, 0, 0] : f32 from vector<1x1x1xf32>
    %reduce_max3A_99 = vector.shape_cast %broadcast_in_dim3A_88 : vector<10240x1xf32> to vector<1x10240x1xf32>
    %reduce_max3A_100 = arith.constant dense<0xFF800000> : vector<1xf32>
    %reduce_max3A_101 = vector.multi_reduction <maximumf>, %reduce_max3A_99, %reduce_max3A_100 [1, 2] : vector<1x10240x1xf32> to vector<1xf32>
    %reduce_max3A_102 = vector.shape_cast %reduce_max3A_101 : vector<1xf32> to vector<1x1x1xf32>
    %reduce_max3A_103 = vector.extract %reduce_max3A_102[0, 0, 0] : f32 from vector<1x1x1xf32>
    %add3A_104 = arith.addf %reduce_max3A_98, %reduce_max3A_103 : f32
    %get3A_105 = arith.constant 0 : index
    %get3A_106 = arith.constant 0 : index
    %get3A_107 = vector.load %arg8[%get3A_105, %get3A_106] : memref<8x128xf32, #tpu.memory_space<vmem>>, vector<8x128xf32>
    %reduce_max3A_108 = vector.shape_cast %get3A_107 : vector<8x128xf32> to vector<1x8x128xf32>
    %reduce_max3A_109 = arith.constant dense<0xFF800000> : vector<1xf32>
    %reduce_max3A_110 = vector.multi_reduction <maximumf>, %reduce_max3A_108, %reduce_max3A_109 [1, 2] : vector<1x8x128xf32> to vector<1xf32>
    %reduce_max3A_111 = vector.shape_cast %reduce_max3A_110 : vector<1xf32> to vector<1x1x1xf32>
    %reduce_max3A_112 = vector.extract %reduce_max3A_111[0, 0, 0] : f32 from vector<1x1x1xf32>
    %add3A_113 = arith.addf %add3A_104, %reduce_max3A_112 : f32
    %mul3A_114 = arith.constant 2.000000e-01 : f32
    %mul3A_115 = arith.mulf %mul3A_114, %add3A_113 : f32
    %max3A_116 = arith.maximumf %add3A_113, %mul3A_115 : f32
    %broadcast_in_dim3A_117 = vector.broadcast %max3A_116 : f32 to vector<8x128xf32>
    %swap3A_118 = arith.constant 0 : index
    %swap3A_119 = arith.constant 0 : index
    %swap3A_120 = vector.load %arg12[%swap3A_118, %swap3A_119] : memref<8x128xf32, #tpu.memory_space<vmem>>, vector<8x128xf32>
    tpu.vector_store %arg12[%swap3A_118, %swap3A_119], %broadcast_in_dim3A_117 {strides = array<i32>} : memref<8x128xf32, #tpu.memory_space<vmem>>, vector<8x128xf32>,
    return
  }
}

module attributes {stable_mosaic.version = 14 : i64} {
  func.func @_tail_body(%arg0: memref<2x10240x16xf32, #tpu.memory_space<vmem>>, %arg1: memref<2x10240x1xf32, #tpu.memory_space<vmem>>, %arg2: memref<1x16xf32, #tpu.memory_space<vmem>>, %arg3: memref<10240x1xi32, #tpu.memory_space<vmem>>, %arg4: memref<1x16xf32, #tpu.memory_space<vmem>>, %arg5: memref<1x16xf32, #tpu.memory_space<vmem>>, %arg6: memref<16x16xf32, #tpu.memory_space<vmem>>, %arg7: memref<1x16xf32, #tpu.memory_space<vmem>>, %arg8: memref<1x32xf32, #tpu.memory_space<vmem>>, %arg9: memref<1x32xf32, #tpu.memory_space<vmem>>, %arg10: memref<32x16xf32, #tpu.memory_space<vmem>>, %arg11: memref<1x16xf32, #tpu.memory_space<vmem>>, %arg12: memref<1x32xf32, #tpu.memory_space<vmem>>, %arg13: memref<1x32xf32, #tpu.memory_space<vmem>>, %arg14: memref<32x16xf32, #tpu.memory_space<vmem>>, %arg15: memref<1x16xf32, #tpu.memory_space<vmem>>, %arg16: memref<16x1xf32, #tpu.memory_space<vmem>>, %arg17: memref<1x1xf32, #tpu.memory_space<vmem>>, %arg18: memref<64x1xf32, #tpu.memory_space<vmem>>) attributes {dimension_semantics = [], scalar_prefetch = 0 : i64, scratch_operands = 0 : i64, tpu.core_type = #tpu.core_type<tc>} {
    %get3A = arith.constant 0 : index
    %get3A_0 = arith.constant 0 : index
    %get3A_1 = arith.constant 0 : index
    %get3A_2 = vector.load %arg1[%get3A, %get3A_0, %get3A_1] : memref<2x10240x1xf32, #tpu.memory_space<vmem>>, vector<1x10240x1xf32>
    %get3A_3 = vector.shape_cast %get3A_2 : vector<1x10240x1xf32> to vector<10240x1xf32>
    %get3A_4 = arith.constant 1 : index
    %get3A_5 = arith.constant 0 : index
    %get3A_6 = arith.constant 0 : index
    %get3A_7 = vector.load %arg1[%get3A_4, %get3A_5, %get3A_6] : memref<2x10240x1xf32, #tpu.memory_space<vmem>>, vector<1x10240x1xf32>
    %get3A_8 = vector.shape_cast %get3A_7 : vector<1x10240x1xf32> to vector<10240x1xf32>
    %add3A = arith.addf %get3A_3, %get3A_8 : vector<10240x1xf32>
    %max3A = arith.constant 1.000000e-30 : f32
    %max3A_9 = vector.broadcast %max3A : f32 to vector<10240x1xf32>
    %max3A_10 = arith.maximumf %add3A, %max3A_9 : vector<10240x1xf32>
    %get3A_11 = arith.constant 0 : index
    %get3A_12 = arith.constant 0 : index
    %get3A_13 = arith.constant 0 : index
    %get3A_14 = vector.load %arg0[%get3A_11, %get3A_12, %get3A_13] : memref<2x10240x16xf32, #tpu.memory_space<vmem>>, vector<1x10240x16xf32>
    %get3A_15 = vector.shape_cast %get3A_14 : vector<1x10240x16xf32> to vector<10240x16xf32>
    %get3A_16 = arith.constant 1 : index
    %get3A_17 = arith.constant 0 : index
    %get3A_18 = arith.constant 0 : index
    %get3A_19 = vector.load %arg0[%get3A_16, %get3A_17, %get3A_18] : memref<2x10240x16xf32, #tpu.memory_space<vmem>>, vector<1x10240x16xf32>
    %get3A_20 = vector.shape_cast %get3A_19 : vector<1x10240x16xf32> to vector<10240x16xf32>
    %add3A_21 = arith.addf %get3A_15, %get3A_20 : vector<10240x16xf32>
    %div3A = vector.broadcast %max3A_10 : vector<10240x1xf32> to vector<10240x16xf32>
    %div3A_22 = arith.divf %add3A_21, %div3A : vector<10240x16xf32>
    %get3A_23 = arith.constant 0 : index
    %get3A_24 = arith.constant 0 : index
    %get3A_25 = vector.load %arg2[%get3A_23, %get3A_24] : memref<1x16xf32, #tpu.memory_space<vmem>>, vector<1x16xf32>
    %add3A_26 = vector.broadcast %get3A_25 : vector<1x16xf32> to vector<10240x16xf32>
    %add3A_27 = arith.addf %div3A_22, %add3A_26 : vector<10240x16xf32>
    %max3A_28 = arith.constant 0.000000e+00 : f32
    %max3A_29 = vector.broadcast %max3A_28 : f32 to vector<10240x16xf32>
    %max3A_30 = arith.maximumf %add3A_27, %max3A_29 : vector<10240x16xf32>
    %iota3A = tpu.iota {dimensions = array<i32: 0>} : vector<10240x1xi32>
    %lt3A = arith.constant 10000 : i32
    %lt3A_31 = vector.broadcast %lt3A : i32 to vector<10240x1xi32>
    %lt3A_32 = arith.cmpi slt, %iota3A, %lt3A_31 : vector<10240x1xi32>
    %convert_element_type3A = arith.extui %lt3A_32 : vector<10240x1xi1> to vector<10240x1xi32>
    %convert_element_type3A_33 = arith.sitofp %convert_element_type3A : vector<10240x1xi32> to vector<10240x1xf32>
    %mul3A = vector.broadcast %convert_element_type3A_33 : vector<10240x1xf32> to vector<10240x16xf32>
    %mul3A_34 = arith.mulf %max3A_30, %mul3A : vector<10240x16xf32>
    %iota3A_35 = tpu.iota {dimensions = array<i32: 1>} : vector<1x64xi32>
    %get3A_36 = arith.constant 0 : index
    %get3A_37 = arith.constant 0 : index
    %get3A_38 = vector.load %arg3[%get3A_36, %get3A_37] : memref<10240x1xi32, #tpu.memory_space<vmem>>, vector<10240x1xi32>
    %eq3A = vector.broadcast %get3A_38 : vector<10240x1xi32> to vector<10240x64xi32>
    %eq3A_39 = vector.broadcast %iota3A_35 : vector<1x64xi32> to vector<10240x64xi32>
    %eq3A_40 = arith.cmpi eq, %eq3A, %eq3A_39 : vector<10240x64xi32>
    %convert_element_type3A_41 = arith.extui %eq3A_40 : vector<10240x64xi1> to vector<10240x64xi32>
    %convert_element_type3A_42 = arith.sitofp %convert_element_type3A_41 : vector<10240x64xi32> to vector<10240x64xf32>
    %dot_general3A = arith.constant dense<0.000000e+00> : vector<64x1xf32>
    %dot_general3A_43 = tpu.matmul %convert_element_type3A_42, %convert_element_type3A_33, %dot_general3A {dimension_numbers = #tpu.dot_dimension_numbers<[0], [0], [1], [1], [0, 1, 1, 1], [], []>, transpose_lhs_hint = false} : vector<10240x64xf32>, vector<10240x1xf32>, vector<64x1xf32> -> vector<64x1xf32>
    %max3A_44 = arith.constant 1.000000e+00 : f32
    %max3A_45 = vector.broadcast %max3A_44 : f32 to vector<64x1xf32>
    %max3A_46 = arith.maximumf %dot_general3A_43, %max3A_45 : vector<64x1xf32>
    %dot_general3A_47 = arith.constant dense<0.000000e+00> : vector<64x16xf32>
    %dot_general3A_48 = tpu.matmul %convert_element_type3A_42, %mul3A_34, %dot_general3A_47 {dimension_numbers = #tpu.dot_dimension_numbers<[0], [0], [1], [1], [0, 1, 1, 1], [], []>, transpose_lhs_hint = false} : vector<10240x64xf32>, vector<10240x16xf32>, vector<64x16xf32> -> vector<64x16xf32>
    %div3A_49 = vector.broadcast %max3A_46 : vector<64x1xf32> to vector<64x16xf32>
    %div3A_50 = arith.divf %dot_general3A_48, %div3A_49 : vector<64x16xf32>
    %get3A_51 = arith.constant 0 : index
    %get3A_52 = arith.constant 0 : index
    %get3A_53 = vector.load %arg4[%get3A_51, %get3A_52] : memref<1x16xf32, #tpu.memory_space<vmem>>, vector<1x16xf32>
    %get3A_54 = arith.constant 0 : index
    %get3A_55 = arith.constant 0 : index
    %get3A_56 = vector.load %arg5[%get3A_54, %get3A_55] : memref<1x16xf32, #tpu.memory_space<vmem>>, vector<1x16xf32>
    %reduce_sum3A = arith.constant dense<0.000000e+00> : vector<16xf32>
    %reduce_sum3A_57 = vector.multi_reduction <add>, %div3A_50, %reduce_sum3A [0] : vector<64x16xf32> to vector<16xf32>
    %broadcast_in_dim3A = vector.shape_cast %reduce_sum3A_57 : vector<16xf32> to vector<1x16xf32>
    %div3A_58 = arith.constant 6.400000e+01 : f32
    %div3A_59 = vector.broadcast %div3A_58 : f32 to vector<1x16xf32>
    %div3A_60 = arith.divf %broadcast_in_dim3A, %div3A_59 : vector<1x16xf32>
    %sub3A = vector.broadcast %div3A_60 : vector<1x16xf32> to vector<64x16xf32>
    %sub3A_61 = arith.subf %div3A_50, %sub3A : vector<64x16xf32>
    %integer_pow3A = arith.mulf %sub3A_61, %sub3A_61 : vector<64x16xf32>
    %reduce_sum3A_62 = arith.constant dense<0.000000e+00> : vector<16xf32>
    %reduce_sum3A_63 = vector.multi_reduction <add>, %integer_pow3A, %reduce_sum3A_62 [0] : vector<64x16xf32> to vector<16xf32>
    %broadcast_in_dim3A_64 = vector.shape_cast %reduce_sum3A_63 : vector<16xf32> to vector<1x16xf32>
    %div3A_65 = arith.constant 6.400000e+01 : f32
    %div3A_66 = vector.broadcast %div3A_65 : f32 to vector<1x16xf32>
    %div3A_67 = arith.divf %broadcast_in_dim3A_64, %div3A_66 : vector<1x16xf32>
    %sub3A_68 = vector.broadcast %div3A_60 : vector<1x16xf32> to vector<64x16xf32>
    %sub3A_69 = arith.subf %div3A_50, %sub3A_68 : vector<64x16xf32>
    %add3A_70 = arith.constant 9.99999974E-6 : f32
    %add3A_71 = vector.broadcast %add3A_70 : f32 to vector<1x16xf32>
    %add3A_72 = arith.addf %div3A_67, %add3A_71 : vector<1x16xf32>
    %sqrt3A = math.sqrt %add3A_72 : vector<1x16xf32>
    %div3A_73 = vector.broadcast %sqrt3A : vector<1x16xf32> to vector<64x16xf32>
    %div3A_74 = arith.divf %sub3A_69, %div3A_73 : vector<64x16xf32>
    %mul3A_75 = vector.broadcast %get3A_53 : vector<1x16xf32> to vector<64x16xf32>
    %mul3A_76 = arith.mulf %div3A_74, %mul3A_75 : vector<64x16xf32>
    %add3A_77 = vector.broadcast %get3A_56 : vector<1x16xf32> to vector<64x16xf32>
    %add3A_78 = arith.addf %mul3A_76, %add3A_77 : vector<64x16xf32>
    %get3A_79 = arith.constant 0 : index
    %get3A_80 = arith.constant 0 : index
    %get3A_81 = vector.load %arg6[%get3A_79, %get3A_80] : memref<16x16xf32, #tpu.memory_space<vmem>>, vector<16x16xf32>
    %dot_general3A_82 = arith.constant dense<0.000000e+00> : vector<64x16xf32>
    %dot_general3A_83 = tpu.matmul %add3A_78, %get3A_81, %dot_general3A_82 {dimension_numbers = #tpu.dot_dimension_numbers<[1], [0], [0], [1], [0, 0, 1, 1], [], []>, transpose_lhs_hint = false} : vector<64x16xf32>, vector<16x16xf32>, vector<64x16xf32> -> vector<64x16xf32>
    %get3A_84 = arith.constant 0 : index
    %get3A_85 = arith.constant 0 : index
    %get3A_86 = vector.load %arg7[%get3A_84, %get3A_85] : memref<1x16xf32, #tpu.memory_space<vmem>>, vector<1x16xf32>
    %add3A_87 = vector.broadcast %get3A_86 : vector<1x16xf32> to vector<64x16xf32>
    %add3A_88 = arith.addf %dot_general3A_83, %add3A_87 : vector<64x16xf32>
    %max3A_89 = arith.constant 0.000000e+00 : f32
    %max3A_90 = vector.broadcast %max3A_89 : f32 to vector<64x16xf32>
    %max3A_91 = arith.maximumf %add3A_88, %max3A_90 : vector<64x16xf32>
    %concatenate3A = tpu.concatenate %max3A_91, %div3A_50 in 1 : vector<64x16xf32>, vector<64x16xf32> -> vector<64x32xf32>
    %get3A_92 = arith.constant 0 : index
    %get3A_93 = arith.constant 0 : index
    %get3A_94 = vector.load %arg8[%get3A_92, %get3A_93] : memref<1x32xf32, #tpu.memory_space<vmem>>, vector<1x32xf32>
    %get3A_95 = arith.constant 0 : index
    %get3A_96 = arith.constant 0 : index
    %get3A_97 = vector.load %arg9[%get3A_95, %get3A_96] : memref<1x32xf32, #tpu.memory_space<vmem>>, vector<1x32xf32>
    %reduce_sum3A_98 = arith.constant dense<0.000000e+00> : vector<32xf32>
    %reduce_sum3A_99 = vector.multi_reduction <add>, %concatenate3A, %reduce_sum3A_98 [0] : vector<64x32xf32> to vector<32xf32>
    %broadcast_in_dim3A_100 = vector.shape_cast %reduce_sum3A_99 : vector<32xf32> to vector<1x32xf32>
    %div3A_101 = arith.constant 6.400000e+01 : f32
    %div3A_102 = vector.broadcast %div3A_101 : f32 to vector<1x32xf32>
    %div3A_103 = arith.divf %broadcast_in_dim3A_100, %div3A_102 : vector<1x32xf32>
    %sub3A_104 = vector.broadcast %div3A_103 : vector<1x32xf32> to vector<64x32xf32>
    %sub3A_105 = arith.subf %concatenate3A, %sub3A_104 : vector<64x32xf32>
    %integer_pow3A_106 = arith.mulf %sub3A_105, %sub3A_105 : vector<64x32xf32>
    %reduce_sum3A_107 = arith.constant dense<0.000000e+00> : vector<32xf32>
    %reduce_sum3A_108 = vector.multi_reduction <add>, %integer_pow3A_106, %reduce_sum3A_107 [0] : vector<64x32xf32> to vector<32xf32>
    %broadcast_in_dim3A_109 = vector.shape_cast %reduce_sum3A_108 : vector<32xf32> to vector<1x32xf32>
    %div3A_110 = arith.constant 6.400000e+01 : f32
    %div3A_111 = vector.broadcast %div3A_110 : f32 to vector<1x32xf32>
    %div3A_112 = arith.divf %broadcast_in_dim3A_109, %div3A_111 : vector<1x32xf32>
    %sub3A_113 = vector.broadcast %div3A_103 : vector<1x32xf32> to vector<64x32xf32>
    %sub3A_114 = arith.subf %concatenate3A, %sub3A_113 : vector<64x32xf32>
    %add3A_115 = arith.constant 9.99999974E-6 : f32
    %add3A_116 = vector.broadcast %add3A_115 : f32 to vector<1x32xf32>
    %add3A_117 = arith.addf %div3A_112, %add3A_116 : vector<1x32xf32>
    %sqrt3A_118 = math.sqrt %add3A_117 : vector<1x32xf32>
    %div3A_119 = vector.broadcast %sqrt3A_118 : vector<1x32xf32> to vector<64x32xf32>
    %div3A_120 = arith.divf %sub3A_114, %div3A_119 : vector<64x32xf32>
    %mul3A_121 = vector.broadcast %get3A_94 : vector<1x32xf32> to vector<64x32xf32>
    %mul3A_122 = arith.mulf %div3A_120, %mul3A_121 : vector<64x32xf32>
    %add3A_123 = vector.broadcast %get3A_97 : vector<1x32xf32> to vector<64x32xf32>
    %add3A_124 = arith.addf %mul3A_122, %add3A_123 : vector<64x32xf32>
    %get3A_125 = arith.constant 0 : index
    %get3A_126 = arith.constant 0 : index
    %get3A_127 = vector.load %arg10[%get3A_125, %get3A_126] : memref<32x16xf32, #tpu.memory_space<vmem>>, vector<32x16xf32>
    %dot_general3A_128 = arith.constant dense<0.000000e+00> : vector<64x16xf32>
    %dot_general3A_129 = tpu.matmul %add3A_124, %get3A_127, %dot_general3A_128 {dimension_numbers = #tpu.dot_dimension_numbers<[1], [0], [0], [1], [0, 0, 1, 1], [], []>, transpose_lhs_hint = false} : vector<64x32xf32>, vector<32x16xf32>, vector<64x16xf32> -> vector<64x16xf32>
    %get3A_130 = arith.constant 0 : index
    %get3A_131 = arith.constant 0 : index
    %get3A_132 = vector.load %arg11[%get3A_130, %get3A_131] : memref<1x16xf32, #tpu.memory_space<vmem>>, vector<1x16xf32>
    %add3A_133 = vector.broadcast %get3A_132 : vector<1x16xf32> to vector<64x16xf32>
    %add3A_134 = arith.addf %dot_general3A_129, %add3A_133 : vector<64x16xf32>
    %max3A_135 = arith.constant 0.000000e+00 : f32
    %max3A_136 = vector.broadcast %max3A_135 : f32 to vector<64x16xf32>
    %max3A_137 = arith.maximumf %add3A_134, %max3A_136 : vector<64x16xf32>
    %concatenate3A_138 = tpu.concatenate %max3A_137, %div3A_50 in 1 : vector<64x16xf32>, vector<64x16xf32> -> vector<64x32xf32>
    %get3A_139 = arith.constant 0 : index
    %get3A_140 = arith.constant 0 : index
    %get3A_141 = vector.load %arg12[%get3A_139, %get3A_140] : memref<1x32xf32, #tpu.memory_space<vmem>>, vector<1x32xf32>
    %get3A_142 = arith.constant 0 : index
    %get3A_143 = arith.constant 0 : index
    %get3A_144 = vector.load %arg13[%get3A_142, %get3A_143] : memref<1x32xf32, #tpu.memory_space<vmem>>, vector<1x32xf32>
    %reduce_sum3A_145 = arith.constant dense<0.000000e+00> : vector<32xf32>
    %reduce_sum3A_146 = vector.multi_reduction <add>, %concatenate3A_138, %reduce_sum3A_145 [0] : vector<64x32xf32> to vector<32xf32>
    %broadcast_in_dim3A_147 = vector.shape_cast %reduce_sum3A_146 : vector<32xf32> to vector<1x32xf32>
    %div3A_148 = arith.constant 6.400000e+01 : f32
    %div3A_149 = vector.broadcast %div3A_148 : f32 to vector<1x32xf32>
    %div3A_150 = arith.divf %broadcast_in_dim3A_147, %div3A_149 : vector<1x32xf32>
    %sub3A_151 = vector.broadcast %div3A_150 : vector<1x32xf32> to vector<64x32xf32>
    %sub3A_152 = arith.subf %concatenate3A_138, %sub3A_151 : vector<64x32xf32>
    %integer_pow3A_153 = arith.mulf %sub3A_152, %sub3A_152 : vector<64x32xf32>
    %reduce_sum3A_154 = arith.constant dense<0.000000e+00> : vector<32xf32>
    %reduce_sum3A_155 = vector.multi_reduction <add>, %integer_pow3A_153, %reduce_sum3A_154 [0] : vector<64x32xf32> to vector<32xf32>
    %broadcast_in_dim3A_156 = vector.shape_cast %reduce_sum3A_155 : vector<32xf32> to vector<1x32xf32>
    %div3A_157 = arith.constant 6.400000e+01 : f32
    %div3A_158 = vector.broadcast %div3A_157 : f32 to vector<1x32xf32>
    %div3A_159 = arith.divf %broadcast_in_dim3A_156, %div3A_158 : vector<1x32xf32>
    %sub3A_160 = vector.broadcast %div3A_150 : vector<1x32xf32> to vector<64x32xf32>
    %sub3A_161 = arith.subf %concatenate3A_138, %sub3A_160 : vector<64x32xf32>
    %add3A_162 = arith.constant 9.99999974E-6 : f32
    %add3A_163 = vector.broadcast %add3A_162 : f32 to vector<1x32xf32>
    %add3A_164 = arith.addf %div3A_159, %add3A_163 : vector<1x32xf32>
    %sqrt3A_165 = math.sqrt %add3A_164 : vector<1x32xf32>
    %div3A_166 = vector.broadcast %sqrt3A_165 : vector<1x32xf32> to vector<64x32xf32>
    %div3A_167 = arith.divf %sub3A_161, %div3A_166 : vector<64x32xf32>
    %mul3A_168 = vector.broadcast %get3A_141 : vector<1x32xf32> to vector<64x32xf32>
    %mul3A_169 = arith.mulf %div3A_167, %mul3A_168 : vector<64x32xf32>
    %add3A_170 = vector.broadcast %get3A_144 : vector<1x32xf32> to vector<64x32xf32>
    %add3A_171 = arith.addf %mul3A_169, %add3A_170 : vector<64x32xf32>
    %get3A_172 = arith.constant 0 : index
    %get3A_173 = arith.constant 0 : index
    %get3A_174 = vector.load %arg14[%get3A_172, %get3A_173] : memref<32x16xf32, #tpu.memory_space<vmem>>, vector<32x16xf32>
    %dot_general3A_175 = arith.constant dense<0.000000e+00> : vector<64x16xf32>
    %dot_general3A_176 = tpu.matmul %add3A_171, %get3A_174, %dot_general3A_175 {dimension_numbers = #tpu.dot_dimension_numbers<[1], [0], [0], [1], [0, 0, 1, 1], [], []>, transpose_lhs_hint = false} : vector<64x32xf32>, vector<32x16xf32>, vector<64x16xf32> -> vector<64x16xf32>
    %get3A_177 = arith.constant 0 : index
    %get3A_178 = arith.constant 0 : index
    %get3A_179 = vector.load %arg15[%get3A_177, %get3A_178] : memref<1x16xf32, #tpu.memory_space<vmem>>, vector<1x16xf32>
    %add3A_180 = vector.broadcast %get3A_179 : vector<1x16xf32> to vector<64x16xf32>
    %add3A_181 = arith.addf %dot_general3A_176, %add3A_180 : vector<64x16xf32>
    %max3A_182 = arith.constant 0.000000e+00 : f32
    %max3A_183 = vector.broadcast %max3A_182 : f32 to vector<64x16xf32>
    %max3A_184 = arith.maximumf %add3A_181, %max3A_183 : vector<64x16xf32>
    %get3A_185 = arith.constant 0 : index
    %get3A_186 = arith.constant 0 : index
    %get3A_187 = vector.load %arg16[%get3A_185, %get3A_186] : memref<16x1xf32, #tpu.memory_space<vmem>>, vector<16x1xf32>
    %dot_general3A_188 = arith.constant dense<0.000000e+00> : vector<64x1xf32>
    %dot_general3A_189 = tpu.matmul %max3A_184, %get3A_187, %dot_general3A_188 {dimension_numbers = #tpu.dot_dimension_numbers<[1], [0], [0], [1], [0, 0, 1, 1], [], []>, transpose_lhs_hint = false} : vector<64x16xf32>, vector<16x1xf32>, vector<64x1xf32> -> vector<64x1xf32>
    %get3A_190 = arith.constant 0 : index
    %get3A_191 = arith.constant 0 : index
    %get3A_192 = vector.load %arg17[%get3A_190, %get3A_191] : memref<1x1xf32, #tpu.memory_space<vmem>>, vector<1x1xf32>
    %add3A_193 = vector.broadcast %get3A_192 : vector<1x1xf32> to vector<64x1xf32>
    %add3A_194 = arith.addf %dot_general3A_189, %add3A_193 : vector<64x1xf32>
    %swap3A = arith.constant 0 : index
    %swap3A_195 = arith.constant 0 : index
    %swap3A_196 = vector.load %arg18[%swap3A, %swap3A_195] : memref<64x1xf32, #tpu.memory_space<vmem>>, vector<64x1xf32>
    tpu.vector_store %arg18[%swap3A, %swap3A_195], %add3A_194 {strides = array<i32>} : memref<64x1xf32, #tpu.memory_space<vmem>>, vector<64x1xf32>,
    return
  }
}

</mosaic_0001>

<sc_bundles>
// kernel: kernel.10.cloned.1.call-start
scs
__scs_entry_jumppad:
0x0: {  	(pc) =	sbr.rel $0x88, $3  }
0x1: {  	(tag) =	ssettag $0x0;
	lr =	simm.s32 $0x1  }
0x2: {  	[smem:$0x3F81] =	sst lr;
	_ =	strace $0xD0000000  }
0x3: {  	_ = 	snop  }
0x4: {  	_ = 	snop  }
0x5: {  	_ = 	snop  }
0x6: {  	_ = 	snop  }
0x7: {  	_ = 	snop  }
__scs_overlays_trampoline_lowered:
0x8: {  	[smem:$0x3F90] =	sst s0  }
0x9: {  	[smem:$0x3F91] =	sst s1  }
0xa: {  	[smem:$0x3F92] =	sst s2  }
0xb: {  	[smem:$0x3F93] =	sst s3  }
0xc: {  	[smem:$0x3F94] =	sst s4  }
0xd: {  	[smem:$0x3F95] =	sst s5  }
0xe: {  	[smem:$0x3F96] =	sst s6  }
0xf: {  	[smem:$0x3F97] =	sst s7  }
0x10: {  	[smem:$0x3F98] =	sst s8  }
0x11: {  	[smem:$0x3F99] =	sst s9;
	s0 =	simm.s32 @!p0 $0x0  }
0x12: {  	s1 =	sld [smem:$0x3F7F];
	s0 =	simm.s32 @p0 $0x1  }
0x13: {  	[smem:$0x3F9A] =	sst s0;
	s0 =	simm.s32 @!p1 $0x0  }
0x14: {  	s2 =	sld [smem:$0x3F7E];
	s0 =	simm.s32 @p1 $0x1  }
0x15: {  	[smem:$0x3F9B] =	sst s0;
	s0 =	simm.s32 @!p2 $0x0  }
0x16: {  	s3 =	sld [smem:$0x3FDB];
	s0 =	simm.s32 @p2 $0x1  }
0x17: {  	s4 =	simm.s32 $0x1BF5;
	[smem:$0x3F9D] =	sst s0  }
0x18: {  	s0 =	sld [smem:$0x3F80];
	_ =	swait.ge [sflag:s4], $0x0  }
0x19: {  	s7 =	sld [smem:$0x3F81]  }
0x1a: {  	s8 =	sadd.s32 $0xFFFFE003, lr  }
0x1b: {  	s9 =	sadd.s32 $0xFFFFFEF7, lr;
	s5 =	simm.s32 $0xFFFFFFFF;
	p2 =	slt.u32 s8, $0xFFFFF086  }
0x1c: {  	p1 =	slt.u32 s9, $0xF7A;
	s5 =	simm.s32 @!p2 $0x0  }
0x1d: {  	s5 =	simm.s32 @p1 $0x1;
	p0 =	seq.s32 s7, s2  }
0x1e: {  	s7 =	smul.u32 @!p0 $0xF7A, s2;
	p2 =	seq.s32 @!p0 s5, $0x0  }
0x1f: {  	s9 =	smul.u32 $0xF7A, s1;
	s8 =	simm.s32 @!p0 $0x1BF5;
	p2 =	por !p2, p0  }
0x20: {  	[sflag:s8] =	ssyncset.s32 @!p0 $0xFFFFF086;
	s6 =	sadd.s32 @!p0 s3, s7;
	s7 =	simm.s32 @!p0 $0x108  }
0x21: {  	s3 =	sadd.s32 s3, s9;
	s6 =	sadd.s32 @!p0 $0x88, s6;
	s7 =	simm.s32 @p2 $0x1082  }
0x22: {  	[simem:s7], [sflag:s8] =	dma.local @!p0 [hbm:s6], $0xF7A  }
0x23: {  	s9 =	sor.u32 $0xD0000000, s2;
	s6 =	simm.s32 $0x108;
	_ =	swait.ge @!p0 [sflag:s8], $0x0  }
0x24: {  	s3 =	sadd.s32 $0x88, s3;
	s6 =	simm.s32 @!p1 $0x1082;
	[sflag:s4] =	ssyncset.s32 $0xFFFFF086  }
0x25: {  	[simem:s6], [sflag:s4] =	dma.local [hbm:s3], $0xF7A  }
0x26: {  	[smem:$0x3F81] =	sst s1;
	(tag) =	ssettag s2;
	_ =	strace s9  }
0x27: {  	s1 =	sld [smem:$0x3F91]  }
0x28: {  	s2 =	sld [smem:$0x3F92]  }
0x29: {  	s4 =	sld [smem:$0x3F94]  }
0x2a: {  	p0 =	seq.s32 s5, $0x0;
	s5 =	sld [smem:$0x3F95]  }
0x2b: {  	s6 =	sld [smem:$0x3F96]  }
0x2c: {  	s7 =	sld [smem:$0x3F97]  }
0x2d: {  	s3 =	simm.s32 $0x108;
	s8 =	sld [smem:$0x3F98]  }
0x2e: {  	s3 =	simm.s32 @!p0 $0x1082;
	s9 =	sld [smem:$0x3F99]  }
0x2f: {  	lr =	sadd.s32 s0, s3;
	s0 =	sld [smem:$0x3F90]  }
0x30: {  	s3 =	sld [smem:$0x3F93]  }
0x31: {  	[smem:$0x3F9C] =	sst s10  }
0x32: {  	s10 =	sld [smem:$0x3F9A];
	_ =	sdelay $0x3  }
0x33: {  	p0 =	seq.s32 s10, $0x1;
	s10 =	sld [smem:$0x3F9C];
	_ =	sdelay $0x3  }
0x34: {  	[smem:$0x3F9C] =	sst s10  }
0x35: {  	s10 =	sld [smem:$0x3F9B];
	_ =	sdelay $0x3  }
0x36: {  	p1 =	seq.s32 s10, $0x1;
	s10 =	sld [smem:$0x3F9C];
	_ =	sdelay $0x3  }
0x37: {  	[smem:$0x3F9C] =	sst s10  }
0x38: {  	s10 =	sld [smem:$0x3F9D]  }
0x39: {  	_ = 	snop;
	(pc) =	sbr.ind lr, $3  }
0x3a: {  	_ = 	snop  }
0x3b: {  	_ = 	snop  }
0x3c: {  	p2 =	seq.s32 s10, $0x1;
	s10 =	sld [smem:$0x3F9C]  }
0x3d: {  	_ =	shalt  }
0x3e: {  	_ =	shalt  }
0x3f: {  	_ =	shalt  }
0x40: {  	_ =	shalt  }
0x41: {  	_ =	shalt  }
0x42: {  	_ =	shalt  }
0x43: {  	_ =	shalt  }
0x44: {  	_ =	shalt  }
0x45: {  	_ =	shalt  }
0x46: {  	_ =	shalt  }
0x47: {  	_ =	shalt  }
0x48: {  	_ =	shalt  }
0x49: {  	_ =	shalt  }
0x4a: {  	_ =	shalt  }
0x4b: {  	_ =	shalt  }
0x4c: {  	_ =	shalt  }
0x4d: {  	_ =	shalt  }
0x4e: {  	_ =	shalt  }
0x4f: {  	_ =	shalt  }
0x50: {  	_ =	shalt  }
0x51: {  	_ =	shalt  }
0x52: {  	_ =	shalt  }
0x53: {  	_ =	shalt  }
0x54: {  	_ =	shalt  }
0x55: {  	_ =	shalt  }
0x56: {  	_ =	shalt  }
0x57: {  	_ =	shalt  }
0x58: {  	_ =	shalt  }
0x59: {  	_ =	shalt  }
0x5a: {  	_ =	shalt  }
0x5b: {  	_ =	shalt  }
0x5c: {  	_ =	shalt  }
0x5d: {  	_ =	shalt  }
0x5e: {  	_ =	shalt  }
0x5f: {  	_ =	shalt  }
0x60: {  	_ =	shalt  }
0x61: {  	_ =	shalt  }
0x62: {  	_ =	shalt  }
0x63: {  	_ =	shalt  }
0x64: {  	_ =	shalt  }
0x65: {  	_ =	shalt  }
0x66: {  	_ =	shalt  }
0x67: {  	_ =	shalt  }
0x68: {  	_ =	shalt  }
0x69: {  	_ =	shalt  }
0x6a: {  	_ =	shalt  }
0x6b: {  	_ =	shalt  }
0x6c: {  	_ =	shalt  }
0x6d: {  	_ =	shalt  }
0x6e: {  	_ =	shalt  }
0x6f: {  	_ =	shalt  }
0x70: {  	_ =	shalt  }
0x71: {  	_ =	shalt  }
0x72: {  	_ =	shalt  }
0x73: {  	_ =	shalt  }
0x74: {  	_ =	shalt  }
0x75: {  	_ =	shalt  }
0x76: {  	_ =	shalt  }
0x77: {  	_ =	shalt  }
0x78: {  	_ =	shalt  }
0x79: {  	_ =	shalt  }
0x7a: {  	_ =	shalt  }
0x7b: {  	_ =	shalt  }
0x7c: {  	_ =	shalt  }
0x7d: {  	_ =	shalt  }
0x7e: {  	_ =	shalt  }
0x7f: {  	_ =	shalt  }
0x80: {  	_ =	shalt  }
0x81: {  	_ =	shalt  }
0x82: {  	_ =	shalt  }
0x83: {  	_ =	shalt  }
0x84: {  	_ =	shalt  }
0x85: {  	_ =	shalt  }
0x86: {  	_ =	shalt  }
0x87: {  	_ =	shalt  }
.Lfunc_end0:
.L_simem_size_0:
called_computation.1_lowered:
.L_overlay_start_0:
0x88: {  	s2 =	sld [smem:$0x3FD9]  }
0x89: {  	s3 =	sld [smem:$0x3FFE];
	_ =	sdelay $0x1  }
0x8a: {  	s1 =	srdreg.scid  }
0x8b: {  	s0 =	sand.u32 $0x1, s1  }
0x8c: {  	s17 =	sshll.u32 s0, $0xA;
	s2 =	sadd.s32 s3, s2  }
0x8d: {  	s2 =	sadd.s32 s2, s17  }
0x8e: {  	[smem:$0x3FA8] =	sst s2  }
0x8f: {  	_ = 	snop  }
0x90: {  	s2 =	sld [smem:$0x3FD0];
	(tm) =	ssettm $0x1  }
0x91: {  	s18 =	sld [smem:$0x3FFB];
	_ =	sdelay $0x3  }
0x92: {  	_ =	strace s18  }
0x93: {  	s3 =	sld [smem:$0x3FFC];
	_ =	sdelay $0x3  }
0x94: {  	_ =	strace s3  }
0x95: {  	s3 =	sld [smem:$0x3FFD];
	_ =	sdelay $0x3  }
0x96: {  	_ =	strace s3  }
0x97: {  	_ =	strace $0x8FFFFFFF  }
0x98: {  	s19 =	sld [smem:$0x3FDB];
	_ =	sdelay $0x1  }
0x99: {  	s4 =	simm.s32 $_scs_section_size  }
0x9a: {  	s5 =	simm.s32 $_size__tile_overlayer_lowered;
	s6 =	simm.s32 $_tile_overlayer_lowered  }
0x9b: {  	s22 =	simm.s32 $0x1BFF;
	s21 =	sshll.u32 s6, $0x1;
	s3 =	sadd.s32 s4, s19  }
0x9c: {  	s7 =	simm.s32 $0x0;
	s20 =	sshll.u32 s5, $0x1;
	s5 =	sadd.s32 s21, s3  }
0x9d: {  	[timem:s7], [sflag:s22] =	dma.local [hbm:s5], s20  }
0x9e: {  	_ =	swait.ge [sflag:s22], s20  }
0x9f: {  	s4 =	ssub.s32 $0x0, s20;
	[sflag:s22] =	ssyncset.done $0x0  }
0xa0: {  	[sflag:s22] =	ssyncadd.s32 s4;
	_ =	sdelay $0x1  }
0xa1: {  	s23 =	simm.s32 $0x1B8B  }
0xa2: {  	_ =	swait.ge [sflag:s23], $0x1  }
0xa3: {  	[sflag:s23] =	ssyncset.done $0x0  }
0xa4: {  	s25 =	simm.s32 $0x1B8E;
	s24 =	sld [smem:$0x3FFE];
	[sflag:s23] =	ssyncadd.s32 $0xFFFFFFFF  }
0xa5: {  	s26 =	simm.s32 $execute0_lowered;
	[smem:$0x3FD2] =	sst s25  }
0xa6: {  	s5 =	sshll.u32 s26, $0x1;
	_ =	strace $0x80000049;
	[dreg:$0x1] =	wrdreg $0xFFFFFFFF  }
0xa7: {  	s28 =	simm.s32 $_size_execute0_lowered;
	s3 =	sadd.s32 s3, s5;
	[dreg:$0x0] =	wrdreg $0x0  }
0xa8: {  	s5 =	sshll.u32 s28, $0x1;
	[dreg:$0x2] =	wrdreg s3  }
0xa9: {  	[dreg:$0x3] =	wrdreg s5  }
0xaa: {  	[dreg:$0x4] =	wrdreg $0xC0  }
0xab: {  	_ =	task [dreg:s7], $0x5FFFF  }
0xac: {  	[dreg:$0x1] =	wrdreg $0xFFFFFFFF  }
0xad: {  	[dreg:$0x0] =	wrdreg $0x60  }
0xae: {  	[dreg:$0x2] =	wrdreg s24  }
0xaf: {  	[dreg:$0x3] =	wrdreg s2  }
0xb0: {  	[dreg:$0x4] =	wrdreg $0x106900  }
0xb1: {  	[dreg:$0x5] =	wrdreg $0x12E900  }
0xb2: {  	[dreg:$0x6] =	wrdreg $0x9  }
0xb3: {  	_ =	task.clear_ibuf [dreg:s7], $0x7FFFF;
	_ =	strace $0x90000049  }
0xb4: {  	s29 =	simm.s32 $0x9;
	_ =	strace $0x8000004B  }
0xb5: {  	_ =	swait.ge [sflag:s29], $0x1  }
0xb6: {  	[sflag:s29] =	ssyncadd.s32 $0xFFFFFFFF  }
0xb7: {  	_ =	strace $0x9000004B  }
0xb8: {  	_ =	sfence  }
0xb9: {  	s30 =	sld [smem:$0x0];
	_ =	sdelay $0x2  }
0xba: {  	s31 =	sshll.u32 s1, $0xD;
	s1 =	sshrl.u32 s1, $0x2  }
0xbb: {  	s3 =	sand.u32 $0x4000, s31;
	s1 =	sadd.s32 s1, s30  }
0xbc: {  	s0 =	sor.u32 s3, s0;
	s1 =	sshll.u32 s1, $0x11  }
0xbd: {  	s0 =	sor.u32 s1, s0  }
0xbe: {  	s0 =	sadd.s32 $0x8F2B, s0  }
0xbf: {  	[sflag:s0] =	ssyncadd.remote.s32 $0x1  }
0xc0: {  	_ =	sfence.sel $0xFFFF  }
0xc1: {  	[dreg:$0x0] =	wrdreg $0xFFFFFFFF;
	(pc) =	sbr.abs _section_cstart, $3  }
0xc2: {  	[dreg:$0x1] =	wrdreg $0xFFFFFFFF  }
0xc3: {  	_ =	task.clear_ibuf [dreg:s7], $0x2FFFF;
	_ =	strace $0x9FFFFFFF  }
0xc4: {  	(tm) =	ssettm $0x7FFFFFFF  }
0xc5: {  	_ =	shalt  }
tec
execute0_lowered:
.L_overlay_start_1:
0x0: {  	(tag) =	ssettag $0x1  }
0x1: {  	s1 =	rddreg [dreg:$0x0]  }
0x2: {  	s0 =	srdreg.scid;
	s3 =	rddreg [dreg:$0x2]  }
0x3: {  	s8 =	stileid.u32;
	s4 =	rddreg [dreg:$0x3]  }
0x4: {  	s5 =	simm.s32 $0x0;
	s17 =	simm.s32 $0x3;
	s18 =	simm.s32 $0x80  }
0x5: {  	s19 =	simm.s32 $0xCB10;
	s28 =	simm.s32 $0xD310;
	s29 =	simm.s32 $0x1  }
0x6: {  	s30 =	simm.s32 $0xDB10;
	s31 =	simm.s32 $0x2;
	s6 =	smul.u32 $0x2800, s8  }
0x7: {  	s0 =	sand.u32 $0x1, s0;
	[smem:$0x7FF] =	sst s5;
	s9 =	smul.u32 $0x280, s8  }
0x8: {  	s22 =	sadd.s32 $0x4A00, s1;
	s23 =	sadd.s32 $0x5000, s1;
	s2 =	sshll.u32 s0, $0x4  }
0x9: {  	s7 =	smul.u32 $0x28000, s0;
	_ =	strace $0x8000004A;
	[dreg:$0x5] =	wrdreg s22  }
0xa: {  	s10 =	smul.u32 $0x2800, s0;
	[dreg:$0x6] =	wrdreg s23;
	s0 =	ssub.s32 $0x2, s0  }
0xb: {  	s22 =	simm.s32 $0x7B00;
	s23 =	simm.s32 $0xA300;
	s2 =	sor.u32 s8, s2  }
0xc: {  	s8 =	sadd.s32 $0x5600, s1;
	s11 =	sshrl.u32 s0, $0x1;
	s2 =	smul.u32 $0x520, s2  }
0xd: {  	s7 =	sadd.s32 s6, s7;
	s10 =	sadd.s32 s9, s10;
	s0 =	ssub.s32 s0, s11  }
0xe: {  	s9 =	sadd.s32 s9, s4;
	s11 =	simm.s32 $0xDC10;
	s7 =	sshrl.u32 s7, $0x3  }
0xf: {  	s0 =	smax.u32 s0, $0x1;
	[dreg:$0xa] =	wrdreg s9;
	s2 =	sadd.s32 s2, s1  }
0x10: {  	s10 =	sshrl.u32 s10, $0x3;
	[dreg:$0xd] =	wrdreg s0;
	s24 =	sadd.s32 $0x54A00, s2  }
0x11: {  	s7 =	sadd.s32 s7, s1;
	s25 =	sadd.s32 $0x5EE00, s2;
	[dreg:$0x7] =	wrdreg s24  }
0x12: {  	s1 =	sadd.s32 s10, s1;
	s2 =	sadd.s32 $0x69200, s2;
	[dreg:$0x8] =	wrdreg s25  }
0x13: {  	s10 =	sadd.s32 s6, s3;
	s26 =	sadd.s32 $0xA600, s7;
	[dreg:$0x9] =	wrdreg s2  }
0x14: {  	v1 =	vimm.s32 $0x0;
	vm0 =	vcmask $0x300;
	s0 =	simm.s32 $0x0;
	s1 =	sadd.s32 $0x14600, s1;
	[dreg:$0xb] =	wrdreg s26  }
0x15: {  	v0 =	vimm.f32 $0.0e+00;
	v1 =	vsel vm0, $0x3, v1;
	s7 =	simm.s32 $0xDE90;
	[dreg:$0xc] =	wrdreg s1;
	s1 =	simm.s32 $0xDB90  }
.LBB2_1:
0x16: {  	s2 =	rddreg [dreg:$0x7]  }
0x17: {  	[tilespmem:s5], [sflag:$0x3] =	stream.linear.gather [hbm4b:s2+s5], $0x2900, $0x38;
	[tilespmem:$0x13110] =	vst v63  }
0x18: {  	_ =	swait.ge [sflag:s17], $0x2900  }
0x19: {  	[sflag:s17] =	ssyncset.done $0x0  }
0x1a: {  	[sflag:s17] =	ssyncadd.s32 $0xFFFFD700  }
0x1b: {  	[tilespmem:s19], [sflag:$0x1] =	stream.indirect.gather [hbm4b:s8+s18], $0x10, s5, s18, $0xb8;
	[tilespmem:$0x13110] =	vst v63  }
0x1c: {  	s6 =	simm.s32 $0x2900;
	s15 =	rddreg [dreg:$0x8]  }
0x1d: {  	[tilespmem:s6], [sflag:$0x3] =	stream.linear.gather [hbm4b:s15+s5], $0x2900, $0x38;
	[tilespmem:$0x13110] =	vst v63  }
0x1e: {  	_ =	swait.ge [sflag:s17], $0x2900  }
0x1f: {  	[sflag:s17] =	ssyncset.done $0x0  }
0x20: {  	s20 =	simm.s32 $0x5200;
	s16 =	rddreg [dreg:$0x9];
	[sflag:s17] =	ssyncadd.s32 $0xFFFFD700  }
0x21: {  	[tilespmem:s20], [sflag:$0x3] =	stream.linear.gather [hbm4b:s16+s5], $0x2900, $0x38;
	[tilespmem:$0x13110] =	vst v63  }
0x22: {  	_ =	swait.ge [sflag:s17], $0x2900  }
0x23: {  	[sflag:s17] =	ssyncset.done $0x0  }
0x24: {  	s21 =	rddreg [dreg:$0x5];
	[sflag:s17] =	ssyncadd.s32 $0xFFFFD700  }
0x25: {  	[tilespmem:s22], [sflag:$0x3] =	stream.linear.gather [hbm4b:s21+s5], $0x2800, $0x38;
	[tilespmem:$0x13110] =	vst v63  }
0x26: {  	_ =	swait.ge [sflag:s17], $0x2800  }
0x27: {  	[sflag:s17] =	ssyncset.done $0x0  }
0x28: {  	s24 =	rddreg [dreg:$0x6];
	[sflag:s17] =	ssyncadd.s32 $0xFFFFD800  }
0x29: {  	[tilespmem:s23], [sflag:$0x3] =	stream.linear.gather [hbm4b:s24+s5], $0x2800, $0x38;
	[tilespmem:$0x13110] =	vst v63  }
0x2a: {  	_ =	swait.ge [sflag:s17], $0x2800  }
0x2b: {  	[sflag:s17] =	ssyncset.done $0x0  }
0x2c: {  	[sflag:s17] =	ssyncadd.s32 $0xFFFFD800  }
0x2d: {  	s26 =	simm.s32 $0xCB00;
	s25 =	rddreg [dreg:$0x1]  }
0x2e: {  	[tilespmem:s26], [sflag:$0x3] =	stream.linear.gather [hbm4b:s25+s5], $0x10, $0x38;
	[tilespmem:$0x13110] =	vst v63  }
0x2f: {  	_ =	swait.ge [sflag:s17], $0x10  }
0x30: {  	[sflag:s17] =	ssyncset.done $0x0  }
0x31: {  	s2 =	simm.s32 $0x40;
	s6 =	simm.s32 $0x0;
	[sflag:s17] =	ssyncadd.s32 $0xFFFFFFF0  }
.LBB2_2:
0x32: {  	p0 =	sne.s32 s2, $0x9FC0;
	[tilespmem:s6+$0xDE90] =	vst v0;
	s6 =	smov.u32 s2;
	s2 =	sadd.s32 $0x40, s2  }
.Ltmp0:
0x33: {  	(pc) =	sbr.rel @p0 .LBB2_2-.Ltmp0, $2  }
0x34: {  	_ =	sdelay $0x2  }
0x35: {  	s6 =	sshra.s32 s6, $0x2  }
0x36: {  	[tilespmem:s6+$0xDE90] =	vst v0  }
0x37: {  	[tilespmem:$0xDC10] =	vst v0  }
0x38: {  	[tilespmem:$0xDC20] =	vst v0  }
0x39: {  	[tilespmem:$0xDC30] =	vst v0  }
0x3a: {  	[tilespmem:$0xDC40] =	vst v0  }
0x3b: {  	[tilespmem:$0xDC50] =	vst v0  }
0x3c: {  	[tilespmem:$0xDC60] =	vst v0  }
0x3d: {  	[tilespmem:$0xDC70] =	vst v0  }
0x3e: {  	[tilespmem:$0xDC80] =	vst v0  }
0x3f: {  	[tilespmem:$0xDC90] =	vst v0  }
0x40: {  	[tilespmem:$0xDCA0] =	vst v0  }
0x41: {  	[tilespmem:$0xDCB0] =	vst v0  }
0x42: {  	[tilespmem:$0xDCC0] =	vst v0  }
0x43: {  	[tilespmem:$0xDCD0] =	vst v0  }
0x44: {  	[tilespmem:$0xDCE0] =	vst v0  }
0x45: {  	[tilespmem:$0xDCF0] =	vst v0  }
0x46: {  	[tilespmem:$0xDD00] =	vst v0  }
0x47: {  	[tilespmem:$0xDD10] =	vst v0  }
0x48: {  	[tilespmem:$0xDD20] =	vst v0  }
0x49: {  	[tilespmem:$0xDD30] =	vst v0  }
0x4a: {  	[tilespmem:$0xDD40] =	vst v0  }
0x4b: {  	[tilespmem:$0xDD50] =	vst v0  }
0x4c: {  	[tilespmem:$0xDD60] =	vst v0  }
0x4d: {  	[tilespmem:$0xDD70] =	vst v0  }
0x4e: {  	[tilespmem:$0xDD80] =	vst v0  }
0x4f: {  	[tilespmem:$0xDD90] =	vst v0  }
0x50: {  	[tilespmem:$0xDDA0] =	vst v0  }
0x51: {  	[tilespmem:$0xDDB0] =	vst v0  }
0x52: {  	[tilespmem:$0xDDC0] =	vst v0  }
0x53: {  	[tilespmem:$0xDDD0] =	vst v0  }
0x54: {  	[tilespmem:$0xDDE0] =	vst v0  }
0x55: {  	[tilespmem:$0xDDF0] =	vst v0  }
0x56: {  	[tilespmem:$0xDE00] =	vst v0  }
0x57: {  	[tilespmem:$0xDE10] =	vst v0  }
0x58: {  	[tilespmem:$0xDE20] =	vst v0  }
0x59: {  	[tilespmem:$0xDE30] =	vst v0  }
0x5a: {  	[tilespmem:$0xDE40] =	vst v0  }
0x5b: {  	[tilespmem:$0xDE50] =	vst v0  }
0x5c: {  	[tilespmem:$0xDE60] =	vst v0  }
0x5d: {  	[tilespmem:$0xDE70] =	vst v0  }
0x5e: {  	[tilespmem:$0xDE80] =	vst v0  }
0x5f: {  	[spmem:s10] =	stream.linear.scatter [tilespmem:s7], [sflag:$0x3], $0x2800, $0x38;
	[tilespmem:$0x13110] =	vst v63  }
0x60: {  	_ =	swait.ge [sflag:s17], $0x2800  }
0x61: {  	[sflag:s17] =	ssyncset.done $0x0  }
0x62: {  	[sflag:s17] =	ssyncadd.s32 $0xFFFFD800  }
0x63: {  	[spmem:s9] =	stream.linear.scatter [tilespmem:s11], [sflag:$0x3], $0x280, $0x38;
	[tilespmem:$0x13110] =	vst v63  }
0x64: {  	_ =	swait.ge [sflag:s17], $0x280  }
0x65: {  	[sflag:s17] =	ssyncset.done $0x0  }
0x66: {  	[sflag:s17] =	ssyncadd.s32 $0xFFFFFD80  }
0x67: {  	[bflag:$0x0] =	sbarrier.arrive $0xFFFF  }
0x68: {  	s13 =	smov.u32 s10;
	s2 =	simm.s32 $0x0;
	v2 =	vld [tilespmem:$0xCB00]  }
.LBB2_4:
0x69: {  	s21 =	sshllo.u32 s2, $0x1  }
0x6a: {  	s6 =	sshll.u32 s21, $0x9  }
0x6b: {  	s20 =	sshrl.u32 s6, $0x2  }
0x6c: {  	[tilespmem:s28], [sflag:$0x2] =	stream.indirect.gather [hbm4b:s8+s18], $0x10, s20, s18, $0xb8;
	[tilespmem:$0x13110] =	vst v63  }
0x6d: {  	_ =	swait.ge [sflag:s29], $0x800  }
0x6e: {  	s24 =	sshll.u32 s2, $0x8;
	[sflag:s29] =	ssyncset.done $0x0  }
0x6f: {  	p0 =	por $0x1, $0x1;
	s7 =	simm.s32 $0x0;
	[sflag:s29] =	ssyncadd.s32 $0xFFFFF800  }
.LBB2_5:
0x70: {  	s6 =	sshll.u32 s7, $0x4  }
0x71: {  	s14 =	sor.u32 s24, s6  }
0x72: {  	v3 =	vld [tilespmem:s14+$0x0]  }
0x73: {  	s11 =	sor.u32 $0x10, s6;
	v4 =	vld [tilespmem:s14+$0x2900]  }
0x74: {  	s15 =	sor.u32 s24, s11;
	v9 =	vld [tilespmem:s14+$0x5200]  }
0x75: {  	s10 =	sor.u32 $0x20, s6;
	v5 =	vld [tilespmem:s15+$0x0]  }
0x76: {  	s16 =	sor.u32 s24, s10;
	v6 =	vld [tilespmem:s15+$0x2900]  }
0x77: {  	s9 =	sor.u32 $0x30, s6;
	v7 =	vld [tilespmem:s16+$0x0]  }
0x78: {  	s26 =	sor.u32 s24, s9;
	v8 =	vld [tilespmem:s16+$0x2900]  }
0x79: {  	v10 =	vld [tilespmem:s26+$0x0]  }
0x7a: {  	v11 =	vld [tilespmem:s26+$0x2900]  }
0x7b: {  	v12 =	vld [tilespmem:s15+$0x5200]  }
0x7c: {  	v3 =	vld.idx.msk [tilespmem:v3+s22+$0x0], $0xffff  }
0x7d: {  	v4 =	vld.idx.msk [tilespmem:v4+s23+$0x0], $0xffff  }
0x7e: {  	v5 =	vld.idx.msk [tilespmem:v5+s22+$0x0], $0xffff  }
0x7f: {  	v6 =	vld.idx.msk [tilespmem:v6+s23+$0x0], $0xffff  }
0x80: {  	v7 =	vld.idx.msk [tilespmem:v7+s22+$0x0], $0xffff  }
0x81: {  	v50 =	vld.idx.msk [tilespmem:v8+s23+$0x0], $0xffff  }
0x82: {  	v52 =	vld.idx.msk [tilespmem:v10+s22+$0x0], $0xffff;
	v3 =	vadd.f32 v4, v3  }
0x83: {  	v53 =	vld.idx.msk [tilespmem:v11+s23+$0x0], $0xffff  }
0x84: {  	v51 =	vld [tilespmem:s16+$0x5200];
	v3 =	vadd.f32 v9, v3  }
0x85: {  	v55 =	vld [tilespmem:s26+$0x5200];
	v5 =	vadd.f32 v6, v5  }
0x86: {  	v54 =	vmul.f32 $2.000000030e-01, v3  }
0x87: {  	v4 =	vadd.f32 v50, v7;
	v5 =	vadd.f32 v12, v5  }
0x88: {  	v57 =	vadd.f32 v53, v52;
	v3 =	vmax.f32 v3, v54  }
0x89: {  	v4 =	vadd.f32 v51, v4;
	v56 =	vmul.f32 $2.000000030e-01, v5;
	v3 =	vsub.f32 v3, v2  }
0x8a: {  	v6 =	vadd.f32 v55, v57  }
0x8b: {  	v58 =	vmul.f32 $2.000000030e-01, v4;
	v5 =	vmax.f32 v5, v56;
	v3 =	vmul.f32 $1.442695020e+00, v3  }
0x8c: {  	v60 =	vmov s6;
	v5 =	vsub.f32 v5, v2  }
0x8d: {  	v59 =	vmul.f32 $2.000000030e-01, v6;
	(erf) = vpow2.f32 v3;
	v3 =	vmax.f32 v4, v58  }
0x8e: {  	v7 =	vshrl.u32 v60, $0x3;
	v5 =	vmul.f32 $1.442695020e+00, v5;
	v3 =	vsub.f32 v3, v2  }
0x8f: {  	v61 =	vshll.u32 v7, v1;
	v4 =	vmax.f32 v6, v59  }
0x90: {  	(erf) = vpow2.f32 v5;
	v4 =	vsub.f32 v4, v2;
	v3 =	vmul.f32 $1.442695020e+00, v3  }
0x91: {  	v63 =	vbroadcast v61, $0x0  }
0x92: {  	(erf) = vpow2.f32 v3;
	v3 =	vmul.f32 $1.442695020e+00, v4  }
0x93: {  	v62 =	vmov s11  }
0x94: {  	v10 =	vshrl.u32 v62, $0x3;
	v11 =	vmov s10;
	(erf) = vpow2.f32 v3  }
0x95: {  	v12 =	vshrl.u32 v11, $0x3;
	v5 =	vshll.u32 v10, v1  }
0x96: {  	v13 =	vmov s9;
	s14 =	sor.u32 $0x1, s6;
	v3 =	vbroadcast v5, $0x0;
	v5 =	vshll.u32 v12, v1;
	v14 =	vpop (erf)  }
0x97: {  	s12 =	sshll.u32 s7, $0x8;
	v15 =	vmov s14;
	v6 =	vshrl.u32 v13, $0x3;
	v5 =	vbroadcast v5, $0x0;
	[tilespmem:s6+$0xDB10] =	vst v14  }
0x98: {  	s15 =	sand.u32 $0x3FFFFF00, s12;
	v7 =	vshrl.u32 v15, $0x3;
	v6 =	vshll.u32 v6, v1;
	v4 =	vld.idx.msk [tilespmem:v63+s30+$0x0], $0xffff  }
0x99: {  	s11 =	sshll.u32 s11, $0x4;
	s16 =	sor.u32 $0x11, s6;
	v7 =	vshll.u32 v7, v1;
	v6 =	vbroadcast v6, $0x0;
	v16 =	vpop (erf);
	v17 =	vld [tilespmem:s15+$0xCB10]  }
0x9a: {  	s11 =	sand.u32 $0x3FFFFF00, s11;
	v18 =	vmov s16;
	v7 =	vor.u32 $0x1, v7;
	[tilespmem:s6+$0xDB20] =	vst v16  }
0x9b: {  	s25 =	sor.u32 $0x21, s6;
	v8 =	vshrl.u32 v18, $0x3;
	v7 =	vbroadcast v7, $0x0;
	v20 =	vld [tilespmem:s11+$0xCB10];
	v19 =	vpop (erf)  }
0x9c: {  	v21 =	vmov s25;
	s26 =	sor.u32 $0x31, s6;
	s10 =	sshll.u32 s10, $0x4;
	v8 =	vshll.u32 v8, v1;
	v3 =	vld.idx.msk [tilespmem:v3+s30+$0x0], $0xffff;
	[tilespmem:s6+$0xDB30] =	vst v19  }
0x9d: {  	v23 =	vmov s26;
	s10 =	sand.u32 $0x3FFFFF00, s10;
	v8 =	vor.u32 $0x1, v8;
	v10 =	vshrl.u32 v21, $0x3;
	v5 =	vld.idx.msk [tilespmem:v5+s30+$0x0], $0xffff;
	v22 =	vpop (erf)  }
0x9e: {  	s9 =	sshll.u32 s9, $0x4;
	v8 =	vbroadcast v8, $0x0;
	v10 =	vshll.u32 v10, v1;
	v13 =	vld [tilespmem:s10+$0xCB10];
	v4 =	vmul.f32 v17, v4;
	[tilespmem:s6+$0xDB40] =	vst v22  }
0x9f: {  	s12 =	sor.u32 $0x2, s6;
	s9 =	sand.u32 $0x3FFFFF00, s9;
	v25 =	vshrl.u32 v23, $0x3;
	v24 =	vor.u32 $0x1, v10;
	v6 =	vld.idx.msk [tilespmem:v6+s30+$0x0], $0xffff  }
0xa0: {  	s14 =	sshll.u32 s14, $0x4;
	v26 =	vmov s12;
	v10 =	vshll.u32 v25, v1;
	v9 =	vbroadcast v24, $0x0;
	v14 =	vld [tilespmem:s9+$0xCB10];
	[tilespmem:s15+$0xCB10] =	vst v4  }
0xa1: {  	s14 =	sand.u32 $0x3FFFFF10, s14;
	v27 =	vshrl.u32 v26, $0x3;
	v10 =	vor.u32 $0x1, v10;
	v3 =	vmul.f32 v20, v3;
	v7 =	vld.idx.msk [tilespmem:v7+s30+$0x0], $0xffff  }
0xa2: {  	v10 =	vbroadcast v10, $0x0;
	v4 =	vshll.u32 v27, v1;
	s15 =	sor.u32 $0x12, s6;
	v28 =	vld [tilespmem:s14+$0xCB10]  }
0xa3: {  	s16 =	sshll.u32 s16, $0x4;
	v4 =	vadd.s32 $0x2, v4;
	[tilespmem:s11+$0xCB10] =	vst v3;
	v3 =	vmov s15;
	v5 =	vmul.f32 v13, v5  }
0xa4: {  	v4 =	vbroadcast v4, $0x0;
	s11 =	sand.u32 $0x3FFFFF10, s16;
	s16 =	sor.u32 $0x22, s6;
	v8 =	vld.idx.msk [tilespmem:v8+s30+$0x0], $0xffff;
	v3 =	vshrl.u32 v3, $0x3  }
0xa5: {  	s25 =	sshll.u32 s25, $0x4;
	v29 =	vld [tilespmem:s11+$0xCB10];
	v30 =	vmov s16;
	v3 =	vshll.u32 v3, v1;
	[tilespmem:s10+$0xCB10] =	vst v5;
	v6 =	vmul.f32 v14, v6  }
0xa6: {  	v3 =	vadd.s32 $0x2, v3;
	s10 =	sand.u32 $0x3FFFFF10, s25;
	v5 =	vshrl.u32 v30, $0x3;
	s25 =	sor.u32 $0x32, s6;
	v9 =	vld.idx.msk [tilespmem:v9+s30+$0x0], $0xffff  }
0xa7: {  	v31 =	vld [tilespmem:s10+$0xCB10];
	v5 =	vshll.u32 v5, v1;
	v32 =	vmov s25;
	v7 =	vmul.f32 v28, v7;
	[tilespmem:s9+$0xCB10] =	vst v6;
	s9 =	sshll.u32 s26, $0x4  }
0xa8: {  	v3 =	vbroadcast v3, $0x0;
	v5 =	vadd.s32 $0x2, v5;
	v6 =	vshrl.u32 v32, $0x3;
	v10 =	vld.idx.msk [tilespmem:v10+s30+$0x0], $0xffff;
	s9 =	sand.u32 $0x3FFFFF10, s9  }
0xa9: {  	s12 =	sshll.u32 s12, $0x4;
	s26 =	sor.u32 $0x3, s6;
	v5 =	vbroadcast v5, $0x0;
	v6 =	vshll.u32 v6, v1;
	[tilespmem:s14+$0xCB10] =	vst v7;
	v34 =	vld [tilespmem:s9+$0xCB10]  }
0xaa: {  	s12 =	sand.u32 $0x3FFFFF20, s12;
	v33 =	vmov s26;
	v8 =	vmul.f32 v29, v8;
	s14 =	sor.u32 $0x13, s6;
	v6 =	vadd.s32 $0x2, v6;
	v4 =	vld.idx.msk [tilespmem:v4+s30+$0x0], $0xffff  }
0xab: {  	s15 =	sshll.u32 s15, $0x4;
	v35 =	vshrl.u32 v33, $0x3;
	v36 =	vld [tilespmem:s12+$0xCB10];
	v37 =	vmov s14;
	v6 =	vbroadcast v6, $0x0  }
0xac: {  	v7 =	vshll.u32 v35, v1;
	[tilespmem:s11+$0xCB10] =	vst v8;
	s11 =	sand.u32 $0x3FFFFF20, s15;
	v8 =	vshrl.u32 v37, $0x3;
	s15 =	sor.u32 $0x23, s6;
	v9 =	vmul.f32 v31, v9  }
0xad: {  	v7 =	vadd.s32 $0x3, v7;
	v38 =	vld [tilespmem:s11+$0xCB10];
	v8 =	vshll.u32 v8, v1;
	v39 =	vmov s15  }
0xae: {  	s16 =	sshll.u32 s16, $0x4;
	v7 =	vbroadcast v7, $0x0;
	v3 =	vld.idx.msk [tilespmem:v3+s30+$0x0], $0xffff;
	v8 =	vadd.s32 $0x3, v8;
	[tilespmem:s10+$0xCB10] =	vst v9;
	v10 =	vmul.f32 v34, v10  }
0xaf: {  	s10 =	sand.u32 $0x3FFFFF20, s16;
	v9 =	vshrl.u32 v39, $0x3;
	s16 =	sor.u32 $0x33, s6;
	v8 =	vbroadcast v8, $0x0;
	v5 =	vld.idx.msk [tilespmem:v5+s30+$0x0], $0xffff  }
0xb0: {  	v40 =	vld [tilespmem:s10+$0xCB10];
	v9 =	vshll.u32 v9, v1;
	v41 =	vmov s16;
	v4 =	vmul.f32 v36, v4;
	[tilespmem:s9+$0xCB10] =	vst v10;
	s9 =	sshll.u32 s25, $0x4  }
0xb1: {  	s26 =	sshll.u32 s26, $0x4;
	v9 =	vadd.s32 $0x3, v9;
	v10 =	vshrl.u32 v41, $0x3;
	v6 =	vld.idx.msk [tilespmem:v6+s30+$0x0], $0xffff;
	s9 =	sand.u32 $0x3FFFFF20, s9  }
0xb2: {  	s25 =	sor.u32 $0x4, s6;
	v9 =	vbroadcast v9, $0x0;
	[tilespmem:s12+$0xCB10] =	vst v4;
	s12 =	sand.u32 $0x3FFFFF30, s26;
	v10 =	vshll.u32 v10, v1;
	v43 =	vld [tilespmem:s9+$0xCB10]  }
0xb3: {  	v42 =	vmov s25;
	v3 =	vmul.f32 v38, v3;
	v45 =	vld [tilespmem:s12+$0xCB10];
	v10 =	vadd.s32 $0x3, v10  }
0xb4: {  	s14 =	sshll.u32 s14, $0x4;
	s26 =	sor.u32 $0x14, s6;
	v44 =	vshrl.u32 v42, $0x3;
	v7 =	vld.idx.msk [tilespmem:v7+s30+$0x0], $0xffff;
	v10 =	vbroadcast v10, $0x0  }
0xb5: {  	v4 =	vshll.u32 v44, v1;
	[tilespmem:s11+$0xCB10] =	vst v3;
	v3 =	vmov s26;
	v5 =	vmul.f32 v40, v5;
	s11 =	sand.u32 $0x3FFFFF30, s14;
	s14 =	sor.u32 $0x24, s6  }
0xb6: {  	v4 =	vadd.s32 $0x4, v4;
	v8 =	vld.idx.msk [tilespmem:v8+s30+$0x0], $0xffff;
	v3 =	vshrl.u32 v3, $0x3;
	v47 =	vmov s14  }
0xb7: {  	s15 =	sshll.u32 s15, $0x4;
	v46 =	vld [tilespmem:s11+$0xCB10];
	v4 =	vbroadcast v4, $0x0;
	v3 =	vshll.u32 v3, v1;
	[tilespmem:s10+$0xCB10] =	vst v5;
	v6 =	vmul.f32 v43, v6  }
0xb8: {  	s10 =	sand.u32 $0x3FFFFF30, s15;
	v5 =	vshrl.u32 v47, $0x3;
	s15 =	sor.u32 $0x34, s6;
	v3 =	vadd.s32 $0x4, v3;
	v9 =	vld.idx.msk [tilespmem:v9+s30+$0x0], $0xffff  }
0xb9: {  	v48 =	vld [tilespmem:s10+$0xCB10];
	v5 =	vshll.u32 v5, v1;
	v49 =	vmov s15;
	v7 =	vmul.f32 v45, v7;
	[tilespmem:s9+$0xCB10] =	vst v6;
	s9 =	sshll.u32 s16, $0x4  }
0xba: {  	s25 =	sshll.u32 s25, $0x4;
	v3 =	vbroadcast v3, $0x0;
	v5 =	vadd.s32 $0x4, v5;
	v6 =	vshrl.u32 v49, $0x3;
	v10 =	vld.idx.msk [tilespmem:v10+s30+$0x0], $0xffff;
	s9 =	sand.u32 $0x3FFFFF30, s9  }
0xbb: {  	v5 =	vbroadcast v5, $0x0;
	s16 =	sor.u32 $0x5, s6;
	[tilespmem:s12+$0xCB10] =	vst v7;
	s12 =	sand.u32 $0x3FFFFF40, s25;
	v6 =	vshll.u32 v6, v1;
	v51 =	vld [tilespmem:s9+$0xCB10]  }
0xbc: {  	v8 =	vmul.f32 v46, v8;
	s25 =	sor.u32 $0x15, s6;
	v50 =	vmov s16;
	v53 =	vld [tilespmem:s12+$0xCB10];
	v6 =	vadd.s32 $0x4, v6  }
0xbd: {  	s26 =	sshll.u32 s26, $0x4;
	v54 =	vmov s25;
	v52 =	vshrl.u32 v50, $0x3;
	v4 =	vld.idx.msk [tilespmem:v4+s30+$0x0], $0xffff;
	v6 =	vbroadcast v6, $0x0  }
0xbe: {  	[tilespmem:s11+$0xCB10] =	vst v8;
	v9 =	vmul.f32 v48, v9;
	s11 =	sand.u32 $0x3FFFFF40, s26;
	v8 =	vshrl.u32 v54, $0x3;
	s26 =	sor.u32 $0x25, s6;
	v7 =	vshll.u32 v52, v1  }
0xbf: {  	v55 =	vld [tilespmem:s11+$0xCB10];
	v8 =	vshll.u32 v8, v1;
	v56 =	vmov s26;
	v7 =	vadd.s32 $0x5, v7  }
0xc0: {  	s14 =	sshll.u32 s14, $0x4;
	v3 =	vld.idx.msk [tilespmem:v3+s30+$0x0], $0xffff;
	[tilespmem:s10+$0xCB10] =	vst v9;
	v8 =	vadd.s32 $0x5, v8;
	v7 =	vbroadcast v7, $0x0;
	v10 =	vmul.f32 v51, v10  }
0xc1: {  	s10 =	sand.u32 $0x3FFFFF40, s14;
	v9 =	vshrl.u32 v56, $0x3;
	s14 =	sor.u32 $0x35, s6;
	v5 =	vld.idx.msk [tilespmem:v5+s30+$0x0], $0xffff;
	v8 =	vbroadcast v8, $0x0  }
0xc2: {  	v57 =	vld [tilespmem:s10+$0xCB10];
	v9 =	vshll.u32 v9, v1;
	v58 =	vmov s14;
	v4 =	vmul.f32 v53, v4;
	[tilespmem:s9+$0xCB10] =	vst v10;
	s9 =	sshll.u32 s15, $0x4  }
0xc3: {  	s16 =	sshll.u32 s16, $0x4;
	v9 =	vadd.s32 $0x5, v9;
	v10 =	vshrl.u32 v58, $0x3;
	v6 =	vld.idx.msk [tilespmem:v6+s30+$0x0], $0xffff;
	s9 =	sand.u32 $0x3FFFFF40, s9  }
0xc4: {  	v9 =	vbroadcast v9, $0x0;
	s15 =	sor.u32 $0x6, s6;
	[tilespmem:s12+$0xCB10] =	vst v4;
	s12 =	sand.u32 $0x3FFFFF50, s16;
	v10 =	vshll.u32 v10, v1;
	v60 =	vld [tilespmem:s9+$0xCB10]  }
0xc5: {  	v3 =	vmul.f32 v55, v3;
	v59 =	vmov s15;
	v62 =	vld [tilespmem:s12+$0xCB10];
	v10 =	vadd.s32 $0x5, v10  }
0xc6: {  	s16 =	sor.u32 $0x16, s6;
	v61 =	vshrl.u32 v59, $0x3;
	v7 =	vld.idx.msk [tilespmem:v7+s30+$0x0], $0xffff;
	v10 =	vbroadcast v10, $0x0  }
0xc7: {  	s25 =	sshll.u32 s25, $0x4;
	v5 =	vmul.f32 v57, v5;
	[tilespmem:s11+$0xCB10] =	vst v3;
	v3 =	vmov s16;
	v4 =	vshll.u32 v61, v1  }
0xc8: {  	s26 =	sshll.u32 s26, $0x4;
	s11 =	sand.u32 $0x3FFFFF50, s25;
	s25 =	sor.u32 $0x26, s6;
	v8 =	vld.idx.msk [tilespmem:v8+s30+$0x0], $0xffff;
	v3 =	vshrl.u32 v3, $0x3;
	v4 =	vadd.s32 $0x6, v4  }
0xc9: {  	v63 =	vld [tilespmem:s11+$0xCB10];
	[tilespmem:s10+$0xCB10] =	vst v5;
	v16 =	vmov s25;
	s10 =	sand.u32 $0x3FFFFF50, s26;
	s26 =	sor.u32 $0x36, s6;
	v4 =	vbroadcast v4, $0x0;
	v6 =	vmul.f32 v60, v6  }
0xca: {  	v3 =	vshll.u32 v3, v1;
	v9 =	vld.idx.msk [tilespmem:v9+s30+$0x0], $0xffff;
	v5 =	vshrl.u32 v16, $0x3;
	v18 =	vmov s26  }
0xcb: {  	v17 =	vld [tilespmem:s10+$0xCB10];
	v3 =	vadd.s32 $0x6, v3;
	v5 =	vshll.u32 v5, v1;
	v7 =	vmul.f32 v62, v7;
	[tilespmem:s9+$0xCB10] =	vst v6;
	s9 =	sshll.u32 s14, $0x4  }
0xcc: {  	s15 =	sshll.u32 s15, $0x4;
	v3 =	vbroadcast v3, $0x0;
	v5 =	vadd.s32 $0x6, v5;
	s14 =	sor.u32 $0x7, s6;
	v6 =	vshrl.u32 v18, $0x3;
	v10 =	vld.idx.msk [tilespmem:v10+s30+$0x0], $0xffff;
	s9 =	sand.u32 $0x3FFFFF50, s9  }
0xcd: {  	v5 =	vbroadcast v5, $0x0;
	[tilespmem:s12+$0xCB10] =	vst v7;
	s12 =	sand.u32 $0x3FFFFF60, s15;
	v19 =	vmov s14;
	v6 =	vshll.u32 v6, v1;
	v20 =	vld [tilespmem:s9+$0xCB10]  }
0xce: {  	v8 =	vmul.f32 v63, v8;
	v22 =	vld [tilespmem:s12+$0xCB10];
	v21 =	vshrl.u32 v19, $0x3;
	v6 =	vadd.s32 $0x6, v6  }
0xcf: {  	s16 =	sshll.u32 s16, $0x4;
	s15 =	sor.u32 $0x17, s6;
	v4 =	vld.idx.msk [tilespmem:v4+s30+$0x0], $0xffff;
	v7 =	vshll.u32 v21, v1;
	v6 =	vbroadcast v6, $0x0  }
0xd0: {  	v9 =	vmul.f32 v17, v9;
	[tilespmem:s11+$0xCB10] =	vst v8;
	v23 =	vmov s15;
	s11 =	sand.u32 $0x3FFFFF60, s16;
	v7 =	vadd.s32 $0x7, v7  }
0xd1: {  	s25 =	sshll.u32 s25, $0x4;
	s16 =	sor.u32 $0x27, s6;
	v8 =	vshrl.u32 v23, $0x3;
	v24 =	vld [tilespmem:s11+$0xCB10];
	v7 =	vbroadcast v7, $0x0  }
0xd2: {  	[tilespmem:s10+$0xCB10] =	vst v9;
	v25 =	vmov s16;
	s10 =	sand.u32 $0x3FFFFF60, s25;
	s25 =	sor.u32 $0x37, s6;
	v3 =	vld.idx.msk [tilespmem:v3+s30+$0x0], $0xffff;
	v8 =	vshll.u32 v8, v1;
	v10 =	vmul.f32 v20, v10  }
0xd3: {  	v9 =	vshrl.u32 v25, $0x3;
	v26 =	vld [tilespmem:s10+$0xCB10];
	v27 =	vmov s25;
	v8 =	vadd.s32 $0x7, v8  }
0xd4: {  	s26 =	sshll.u32 s26, $0x4;
	v5 =	vld.idx.msk [tilespmem:v5+s30+$0x0], $0xffff;
	v9 =	vshll.u32 v9, v1;
	v8 =	vbroadcast v8, $0x0;
	v4 =	vmul.f32 v22, v4;
	[tilespmem:s9+$0xCB10] =	vst v10  }
0xd5: {  	v9 =	vadd.s32 $0x7, v9;
	s9 =	sand.u32 $0x3FFFFF60, s26;
	v10 =	vshrl.u32 v27, $0x3;
	v6 =	vld.idx.msk [tilespmem:v6+s30+$0x0], $0xffff  }
0xd6: {  	v9 =	vbroadcast v9, $0x0;
	[tilespmem:s12+$0xCB10] =	vst v4;
	s26 =	sshll.u32 s14, $0x4;
	s14 =	sor.u32 $0x8, s6;
	v28 =	vld [tilespmem:s9+$0xCB10];
	v10 =	vshll.u32 v10, v1  }
0xd7: {  	v3 =	vmul.f32 v24, v3;
	s12 =	sand.u32 $0x3FFFFF70, s26;
	v30 =	vmov s14;
	v29 =	vadd.s32 $0x7, v10;
	v7 =	vld.idx.msk [tilespmem:v7+s30+$0x0], $0xffff  }
0xd8: {  	v31 =	vld [tilespmem:s12+$0xCB10];
	v10 =	vshrl.u32 v30, $0x3;
	v4 =	vbroadcast v29, $0x0  }
0xd9: {  	[tilespmem:s11+$0xCB10] =	vst v3;
	s26 =	sshll.u32 s15, $0x4;
	v3 =	vmul.f32 v26, v5;
	v32 =	vshll.u32 v10, v1  }
0xda: {  	s15 =	sor.u32 $0x18, s6;
	v8 =	vld.idx.msk [tilespmem:v8+s30+$0x0], $0xffff;
	s11 =	sand.u32 $0x3FFFFF70, s26;
	v5 =	vbroadcast v32, $0x0  }
0xdb: {  	v33 =	vmov s15;
	s26 =	sshll.u32 s16, $0x4;
	s16 =	sor.u32 $0x28, s6;
	v34 =	vld [tilespmem:s11+$0xCB10];
	[tilespmem:s10+$0xCB10] =	vst v3;
	v3 =	vmul.f32 v28, v6  }
0xdc: {  	v10 =	vshrl.u32 v33, $0x3;
	s10 =	sand.u32 $0x3FFFFF70, s26;
	v36 =	vmov s16;
	v9 =	vld.idx.msk [tilespmem:v9+s30+$0x0], $0xffff  }
0xdd: {  	v35 =	vshll.u32 v10, v1;
	v37 =	vld [tilespmem:s10+$0xCB10];
	v10 =	vshrl.u32 v36, $0x3;
	[tilespmem:s9+$0xCB10] =	vst v3;
	s9 =	sshll.u32 s25, $0x4;
	s25 =	sor.u32 $0x38, s6;
	v3 =	vmul.f32 v31, v7  }
0xde: {  	s26 =	sor.u32 $0x9, s6;
	v38 =	vshll.u32 v10, v1;
	v6 =	vbroadcast v35, $0x0;
	v4 =	vld.idx.msk [tilespmem:v4+s30+$0x0], $0xffff;
	s9 =	sand.u32 $0x3FFFFF70, s9;
	v39 =	vmov s25  }
0xdf: {  	s14 =	sshll.u32 s14, $0x4;
	v40 =	vmov s26;
	v7 =	vbroadcast v38, $0x0;
	v41 =	vld [tilespmem:s9+$0xCB10];
	v10 =	vshrl.u32 v39, $0x3;
	[tilespmem:s12+$0xCB10] =	vst v3  }
0xe0: {  	v8 =	vmul.f32 v34, v8;
	v3 =	vshrl.u32 v40, $0x3;
	s12 =	sand.u32 $0x3FFFFF80, s14;
	v10 =	vshll.u32 v10, v1;
	v5 =	vld.idx.msk [tilespmem:v5+s30+$0x0], $0xffff  }
0xe1: {  	s15 =	sshll.u32 s15, $0x4;
	v3 =	vshll.u32 v3, v1;
	v42 =	vld [tilespmem:s12+$0xCB10];
	v10 =	vbroadcast v10, $0x0  }
0xe2: {  	v9 =	vmul.f32 v37, v9;
	[tilespmem:s11+$0xCB10] =	vst v8;
	s11 =	sand.u32 $0x3FFFFF80, s15;
	v3 =	vadd.s32 $0x1, v3  }
0xe3: {  	s16 =	sshll.u32 s16, $0x4;
	s14 =	sor.u32 $0x19, s6;
	v44 =	vld [tilespmem:s11+$0xCB10];
	v3 =	vbroadcast v3, $0x0  }
0xe4: {  	s15 =	sor.u32 $0x29, s6;
	v43 =	vmov s14;
	[tilespmem:s10+$0xCB10] =	vst v9;
	s10 =	sand.u32 $0x3FFFFF80, s16;
	v6 =	vld.idx.msk [tilespmem:v6+s30+$0x0], $0xffff;
	v4 =	vmul.f32 v41, v4  }
0xe5: {  	v45 =	vmov s15;
	v8 =	vshrl.u32 v43, $0x3;
	v46 =	vld [tilespmem:s10+$0xCB10]  }
0xe6: {  	s16 =	sor.u32 $0x39, s6;
	v9 =	vshrl.u32 v45, $0x3;
	v8 =	vshll.u32 v8, v1;
	v7 =	vld.idx.msk [tilespmem:v7+s30+$0x0], $0xffff;
	v5 =	vmul.f32 v42, v5;
	[tilespmem:s9+$0xCB10] =	vst v4;
	s9 =	sshll.u32 s25, $0x4  }
0xe7: {  	v47 =	vmov s16;
	v9 =	vshll.u32 v9, v1;
	v8 =	vadd.s32 $0x1, v8;
	v10 =	vld.idx.msk [tilespmem:v10+s30+$0x0], $0xffff;
	s9 =	sand.u32 $0x3FFFFF80, s9  }
0xe8: {  	s26 =	sshll.u32 s26, $0x4;
	v9 =	vadd.s32 $0x1, v9;
	v8 =	vbroadcast v8, $0x0;
	v4 =	vshrl.u32 v47, $0x3;
	[tilespmem:s12+$0xCB10] =	vst v5;
	v49 =	vld [tilespmem:s9+$0xCB10]  }
0xe9: {  	v9 =	vbroadcast v9, $0x0;
	s25 =	sor.u32 $0xA, s6;
	v4 =	vshll.u32 v4, v1;
	s12 =	sand.u32 $0x3FFFFF90, s26;
	v3 =	vld.idx.msk [tilespmem:v3+s30+$0x0], $0xffff  }
0xea: {  	v6 =	vmul.f32 v44, v6;
	v48 =	vmov s25;
	v4 =	vadd.s32 $0x1, v4;
	v51 =	vld [tilespmem:s12+$0xCB10]  }
0xeb: {  	s14 =	sshll.u32 s14, $0x4;
	v50 =	vshrl.u32 v48, $0x3;
	v4 =	vbroadcast v4, $0x0  }
0xec: {  	s26 =	sor.u32 $0x1A, s6;
	[tilespmem:s11+$0xCB10] =	vst v6;
	v7 =	vmul.f32 v46, v7;
	s11 =	sand.u32 $0x3FFFFF90, s14;
	v5 =	vshll.u32 v50, v1  }
0xed: {  	v52 =	vmov s26;
	v53 =	vld [tilespmem:s11+$0xCB10];
	v5 =	vadd.s32 $0x2, v5  }
0xee: {  	s15 =	sshll.u32 s15, $0x4;
	s14 =	sor.u32 $0x2A, s6;
	v6 =	vshrl.u32 v52, $0x3;
	v8 =	vld.idx.msk [tilespmem:v8+s30+$0x0], $0xffff;
	[tilespmem:s10+$0xCB10] =	vst v7;
	v5 =	vbroadcast v5, $0x0;
	v10 =	vmul.f32 v49, v10  }
0xef: {  	v54 =	vmov s14;
	v6 =	vshll.u32 v6, v1;
	s10 =	sand.u32 $0x3FFFFF90, s15;
	v9 =	vld.idx.msk [tilespmem:v9+s30+$0x0], $0xffff;
	v3 =	vmul.f32 v51, v3  }
0xf0: {  	s25 =	sshll.u32 s25, $0x4;
	v7 =	vshrl.u32 v54, $0x3;
	s15 =	sor.u32 $0x3A, s6;
	v6 =	vadd.s32 $0x2, v6;
	v55 =	vld [tilespmem:s10+$0xCB10];
	[tilespmem:s9+$0xCB10] =	vst v10  }
0xf1: {  	v7 =	vshll.u32 v7, v1;
	v56 =	vmov s15;
	v6 =	vbroadcast v6, $0x0;
	s9 =	sshll.u32 s16, $0x4;
	[tilespmem:s12+$0xCB10] =	vst v3;
	s12 =	sand.u32 $0x3FFFFFA0, s25;
	v4 =	vld.idx.msk [tilespmem:v4+s30+$0x0], $0xffff  }
0xf2: {  	v7 =	vadd.s32 $0x2, v7;
	v10 =	vshrl.u32 v56, $0x3;
	s9 =	sand.u32 $0x3FFFFF90, s9;
	v59 =	vld [tilespmem:s12+$0xCB10]  }
0xf3: {  	v7 =	vbroadcast v7, $0x0;
	s16 =	sor.u32 $0xB, s6;
	v10 =	vshll.u32 v10, v1;
	v58 =	vld [tilespmem:s9+$0xCB10]  }
0xf4: {  	v8 =	vmul.f32 v53, v8;
	v57 =	vmov s16;
	v10 =	vadd.s32 $0x2, v10;
	v5 =	vld.idx.msk [tilespmem:v5+s30+$0x0], $0xffff  }
0xf5: {  	s25 =	sor.u32 $0x1B, s6;
	v3 =	vshrl.u32 v57, $0x3;
	v10 =	vbroadcast v10, $0x0  }
0xf6: {  	s26 =	sshll.u32 s26, $0x4;
	v60 =	vmov s25;
	v9 =	vmul.f32 v55, v9;
	[tilespmem:s11+$0xCB10] =	vst v8;
	v3 =	vshll.u32 v3, v1  }
0xf7: {  	s11 =	sand.u32 $0x3FFFFFA0, s26;
	v8 =	vshrl.u32 v60, $0x3;
	v6 =	vld.idx.msk [tilespmem:v6+s30+$0x0], $0xffff;
	v3 =	vadd.s32 $0x3, v3  }
0xf8: {  	s14 =	sshll.u32 s14, $0x4;
	s26 =	sor.u32 $0x2B, s6;
	v61 =	vld [tilespmem:s11+$0xCB10];
	v8 =	vshll.u32 v8, v1;
	[tilespmem:s10+$0xCB10] =	vst v9;
	v3 =	vbroadcast v3, $0x0;
	v4 =	vmul.f32 v58, v4  }
0xf9: {  	v62 =	vmov s26;
	s10 =	sand.u32 $0x3FFFFFA0, s14;
	v8 =	vadd.s32 $0x3, v8;
	v7 =	vld.idx.msk [tilespmem:v7+s30+$0x0], $0xffff;
	v5 =	vmul.f32 v59, v5  }
0xfa: {  	s16 =	sshll.u32 s16, $0x4;
	s14 =	sor.u32 $0x3B, s6;
	v9 =	vshrl.u32 v62, $0x3;
	v63 =	vld [tilespmem:s10+$0xCB10];
	v8 =	vbroadcast v8, $0x0;
	[tilespmem:s9+$0xCB10] =	vst v4  }
0xfb: {  	v15 =	vmov s14;
	v9 =	vshll.u32 v9, v1;
	s9 =	sshll.u32 s15, $0x4;
	[tilespmem:s12+$0xCB10] =	vst v5;
	s12 =	sand.u32 $0x3FFFFFB0, s16;
	v10 =	vld.idx.msk [tilespmem:v10+s30+$0x0], $0xffff  }
0xfc: {  	v9 =	vadd.s32 $0x3, v9;
	v4 =	vshrl.u32 v15, $0x3;
	s9 =	sand.u32 $0x3FFFFFA0, s9;
	v19 =	vld [tilespmem:s12+$0xCB10]  }
0xfd: {  	v9 =	vbroadcast v9, $0x0;
	v6 =	vmul.f32 v61, v6;
	s15 =	sor.u32 $0xC, s6;
	v4 =	vshll.u32 v4, v1;
	v17 =	vld [tilespmem:s9+$0xCB10]  }
0xfe: {  	v16 =	vmov s15;
	v4 =	vadd.s32 $0x3, v4;
	v3 =	vld.idx.msk [tilespmem:v3+s30+$0x0], $0xffff  }
0xff: {  	s25 =	sshll.u32 s25, $0x4;
	s16 =	sor.u32 $0x1C, s6;
	v7 =	vmul.f32 v63, v7;
	[tilespmem:s11+$0xCB10] =	vst v6;
	v18 =	vshrl.u32 v16, $0x3;
	v4 =	vbroadcast v4, $0x0  }
0x100: {  	s26 =	sshll.u32 s26, $0x4;
	v20 =	vmov s16;
	s11 =	sand.u32 $0x3FFFFFB0, s25;
	s25 =	sor.u32 $0x2C, s6;
	v8 =	vld.idx.msk [tilespmem:v8+s30+$0x0], $0xffff;
	v5 =	vshll.u32 v18, v1  }
0x101: {  	v6 =	vshrl.u32 v20, $0x3;
	v21 =	vld [tilespmem:s11+$0xCB10];
	[tilespmem:s10+$0xCB10] =	vst v7;
	v22 =	vmov s25;
	s10 =	sand.u32 $0x3FFFFFB0, s26;
	v5 =	vadd.s32 $0x4, v5  }
0x102: {  	v6 =	vshll.u32 v6, v1;
	v23 =	vld [tilespmem:s10+$0xCB10];
	v5 =	vbroadcast v5, $0x0;
	v10 =	vmul.f32 v17, v10  }
0x103: {  	v7 =	vshrl.u32 v22, $0x3;
	v6 =	vadd.s32 $0x4, v6;
	v9 =	vld.idx.msk [tilespmem:v9+s30+$0x0], $0xffff;
	v3 =	vmul.f32 v19, v3  }
0x104: {  	s15 =	sshll.u32 s15, $0x4;
	s26 =	sor.u32 $0x3C, s6;
	v7 =	vshll.u32 v7, v1;
	v6 =	vbroadcast v6, $0x0;
	[tilespmem:s9+$0xCB10] =	vst v10  }
0x105: {  	v24 =	vmov s26;
	v7 =	vadd.s32 $0x4, v7;
	s9 =	sshll.u32 s14, $0x4;
	[tilespmem:s12+$0xCB10] =	vst v3;
	s12 =	sand.u32 $0x3FFFFFC0, s15;
	v4 =	vld.idx.msk [tilespmem:v4+s30+$0x0], $0xffff  }
0x106: {  	v7 =	vbroadcast v7, $0x0;
	v8 =	vmul.f32 v21, v8;
	v10 =	vshrl.u32 v24, $0x3;
	s9 =	sand.u32 $0x3FFFFFB0, s9;
	v27 =	vld [tilespmem:s12+$0xCB10]  }
0x107: {  	s16 =	sshll.u32 s16, $0x4;
	v10 =	vshll.u32 v10, v1;
	v26 =	vld [tilespmem:s9+$0xCB10]  }
0x108: {  	s14 =	sor.u32 $0xD, s6;
	s15 =	sor.u32 $0x1D, s6;
	[tilespmem:s11+$0xCB10] =	vst v8;
	v9 =	vmul.f32 v23, v9;
	s11 =	sand.u32 $0x3FFFFFC0, s16;
	v10 =	vadd.s32 $0x4, v10;
	v5 =	vld.idx.msk [tilespmem:v5+s30+$0x0], $0xffff  }
0x109: {  	s16 =	sor.u32 $0x2D, s6;
	v25 =	vmov s14;
	v28 =	vmov s15;
	v29 =	vld [tilespmem:s11+$0xCB10];
	v10 =	vbroadcast v10, $0x0  }
0x10a: {  	v30 =	vmov s16;
	v3 =	vshrl.u32 v25, $0x3;
	v6 =	vld.idx.msk [tilespmem:v6+s30+$0x0], $0xffff;
	v8 =	vshrl.u32 v28, $0x3  }
0x10b: {  	s25 =	sshll.u32 s25, $0x4;
	[tilespmem:s10+$0xCB10] =	vst v9;
	v9 =	vshrl.u32 v30, $0x3;
	v3 =	vshll.u32 v3, v1;
	v8 =	vshll.u32 v8, v1  }
0x10c: {  	s10 =	sand.u32 $0x3FFFFFC0, s25;
	v7 =	vld.idx.msk [tilespmem:v7+s30+$0x0], $0xffff;
	v9 =	vshll.u32 v9, v1;
	v3 =	vadd.s32 $0x5, v3;
	v4 =	vmul.f32 v26, v4  }
0x10d: {  	v31 =	vld [tilespmem:s10+$0xCB10];
	v8 =	vadd.s32 $0x5, v8;
	v3 =	vbroadcast v3, $0x0;
	v5 =	vmul.f32 v27, v5  }
0x10e: {  	s14 =	sshll.u32 s14, $0x4;
	s25 =	sor.u32 $0x3D, s6;
	v9 =	vadd.s32 $0x5, v9;
	v8 =	vbroadcast v8, $0x0;
	[tilespmem:s9+$0xCB10] =	vst v4  }
0x10f: {  	v32 =	vmov s25;
	v9 =	vbroadcast v9, $0x0;
	v6 =	vmul.f32 v29, v6;
	s9 =	sshll.u32 s26, $0x4;
	[tilespmem:s12+$0xCB10] =	vst v5;
	s12 =	sand.u32 $0x3FFFFFD0, s14;
	v10 =	vld.idx.msk [tilespmem:v10+s30+$0x0], $0xffff  }
0x110: {  	s15 =	sshll.u32 s15, $0x4;
	v4 =	vshrl.u32 v32, $0x3;
	s9 =	sand.u32 $0x3FFFFFC0, s9;
	v36 =	vld [tilespmem:s12+$0xCB10]  }
0x111: {  	[tilespmem:s11+$0xCB10] =	vst v6;
	s11 =	sand.u32 $0x3FFFFFD0, s15;
	v4 =	vshll.u32 v4, v1;
	v34 =	vld [tilespmem:s9+$0xCB10]  }
0x112: {  	v7 =	vmul.f32 v31, v7;
	s26 =	sor.u32 $0xE, s6;
	v38 =	vld [tilespmem:s11+$0xCB10];
	v4 =	vadd.s32 $0x5, v4  }
0x113: {  	s14 =	sor.u32 $0x1E, s6;
	s15 =	sor.u32 $0x2E, s6;
	v33 =	vmov s26;
	v3 =	vld.idx.msk [tilespmem:v3+s30+$0x0], $0xffff;
	v4 =	vbroadcast v4, $0x0  }
0x114: {  	s16 =	sshll.u32 s16, $0x4;
	v37 =	vmov s14;
	[tilespmem:s10+$0xCB10] =	vst v7;
	v39 =	vmov s15;
	v35 =	vshrl.u32 v33, $0x3;
	v8 =	vld.idx.msk [tilespmem:v8+s30+$0x0], $0xffff  }
0x115: {  	s10 =	sand.u32 $0x3FFFFFD0, s16;
	s16 =	sor.u32 $0x3E, s6;
	v6 =	vshrl.u32 v37, $0x3;
	v9 =	vld.idx.msk [tilespmem:v9+s30+$0x0], $0xffff;
	v7 =	vshrl.u32 v39, $0x3;
	v5 =	vshll.u32 v35, v1  }
0x116: {  	v40 =	vld [tilespmem:s10+$0xCB10];
	v41 =	vmov s16;
	v5 =	vadd.s32 $0x6, v5;
	v10 =	vmul.f32 v34, v10  }
0x117: {  	v6 =	vshll.u32 v6, v1;
	v7 =	vshll.u32 v7, v1;
	v5 =	vbroadcast v5, $0x0  }
0x118: {  	s25 =	sshll.u32 s25, $0x4;
	v42 =	vshrl.u32 v41, $0x3;
	v6 =	vadd.s32 $0x6, v6;
	v3 =	vmul.f32 v36, v3;
	[tilespmem:s9+$0xCB10] =	vst v10  }
0x119: {  	s26 =	sshll.u32 s26, $0x4;
	v7 =	vadd.s32 $0x6, v7;
	v6 =	vbroadcast v6, $0x0;
	v8 =	vmul.f32 v38, v8;
	s9 =	sand.u32 $0x3FFFFFD0, s25;
	v4 =	vld.idx.msk [tilespmem:v4+s30+$0x0], $0xffff  }
0x11a: {  	s7 =	sshllo.u32 s7, $0x4;
	s14 =	sshll.u32 s14, $0x4;
	v11 =	vshll.u32 v42, v1;
	v7 =	vbroadcast v7, $0x0;
	[tilespmem:s12+$0xCB10] =	vst v3;
	s12 =	sand.u32 $0x3FFFFFE0, s26;
	v44 =	vld [tilespmem:s9+$0xCB10]  }
0x11b: {  	v43 =	vmov s7;
	v11 =	vadd.s32 $0x6, v11;
	v9 =	vmul.f32 v40, v9;
	[tilespmem:s11+$0xCB10] =	vst v8;
	s11 =	sand.u32 $0x3FFFFFE0, s14;
	v45 =	vld [tilespmem:s12+$0xCB10]  }
0x11c: {  	s15 =	sshll.u32 s15, $0x4;
	v11 =	vbroadcast v11, $0x0;
	v3 =	vshrl.u32 v43, $0x3;
	v47 =	vld [tilespmem:s11+$0xCB10]  }
0x11d: {  	[tilespmem:s10+$0xCB10] =	vst v9;
	s10 =	sand.u32 $0x3FFFFFE0, s15;
	v3 =	vshll.u32 v3, v1;
	v5 =	vld.idx.msk [tilespmem:v5+s30+$0x0], $0xffff  }
0x11e: {  	s25 =	sor.u32 $0x1F, s6;
	v50 =	vld [tilespmem:s10+$0xCB10];
	v3 =	vadd.s32 $0x7, v3  }
0x11f: {  	s26 =	sor.u32 $0x2F, s6;
	s6 =	sor.u32 $0x3F, s6;
	v46 =	vmov s25;
	v6 =	vld.idx.msk [tilespmem:v6+s30+$0x0], $0xffff;
	v3 =	vbroadcast v3, $0x0;
	v4 =	vmul.f32 v44, v4  }
0x120: {  	v48 =	vmov s26;
	v51 =	vmov s6;
	v8 =	vshrl.u32 v46, $0x3;
	v7 =	vld.idx.msk [tilespmem:v7+s30+$0x0], $0xffff  }
0x121: {  	s16 =	sshll.u32 s16, $0x4;
	v10 =	vshrl.u32 v48, $0x3;
	v52 =	vshrl.u32 v51, $0x3;
	v8 =	vshll.u32 v8, v1;
	[tilespmem:s9+$0xCB10] =	vst v4  }
0x122: {  	v10 =	vshll.u32 v10, v1;
	v8 =	vadd.s32 $0x7, v8;
	v5 =	vmul.f32 v45, v5;
	s9 =	sand.u32 $0x3FFFFFE0, s16;
	v11 =	vld.idx.msk [tilespmem:v11+s30+$0x0], $0xffff  }
0x123: {  	v12 =	vshll.u32 v52, v1;
	v10 =	vadd.s32 $0x7, v10;
	v49 =	vbroadcast v8, $0x0;
	v53 =	vld [tilespmem:s9+$0xCB10]  }
0x124: {  	s7 =	sshll.u32 s7, $0x4;
	v55 =	vadd.s32 $0x7, v12;
	v10 =	vbroadcast v10, $0x0;
	v54 =	vmul.f32 v47, v6;
	[tilespmem:s12+$0xCB10] =	vst v5  }
0x125: {  	s7 =	sand.u32 $0x3FFFFFF0, s7;
	s25 =	sshll.u32 s25, $0x4;
	v6 =	vbroadcast v55, $0x0;
	v56 =	vmul.f32 v50, v7;
	v3 =	vld.idx.msk [tilespmem:v3+s30+$0x0], $0xffff  }
0x126: {  	s26 =	sshll.u32 s26, $0x4;
	[tilespmem:s11+$0xCB10] =	vst v54;
	s11 =	sand.u32 $0x3FFFFFF0, s25;
	v57 =	vld [tilespmem:s7+$0xCB10]  }
0x127: {  	[tilespmem:s10+$0xCB10] =	vst v56;
	s10 =	sand.u32 $0x3FFFFFF0, s26;
	v58 =	vld [tilespmem:s11+$0xCB10]  }
0x128: {  	v61 =	vld [tilespmem:s10+$0xCB10];
	v59 =	vmul.f32 v53, v11  }
0x129: {  	v4 =	vld.idx.msk [tilespmem:v49+s30+$0x0], $0xffff  }
0x12a: {  	s6 =	sshll.u32 s6, $0x4;
	v60 =	vld.idx.msk [tilespmem:v10+s30+$0x0], $0xffff;
	[tilespmem:s9+$0xCB10] =	vst v59  }
0x12b: {  	s6 =	sand.u32 $0x3FFFFFF0, s6;
	v6 =	vld.idx.msk [tilespmem:v6+s30+$0x0], $0xffff  }
0x12c: {  	v62 =	vld [tilespmem:s6+$0xCB10];
	_ =	sdelay $0x1  }
0x12d: {  	p1 =	por p0, p0;
	v3 =	vmul.f32 v57, v3  }
.Ltmp1:
0x12e: {  	v4 =	vmul.f32 v58, v4;
	(pc) =	sbr.rel @p1 .LBB2_5-.Ltmp1, $4  }
0x12f: {  	[tilespmem:s7+$0xCB10] =	vst v3;
	v3 =	vmul.f32 v61, v60  }
0x130: {  	[tilespmem:s11+$0xCB10] =	vst v4;
	v63 =	vmul.f32 v62, v6  }
0x131: {  	[tilespmem:s10+$0xCB10] =	vst v3  }
0x132: {  	p0 =	por $0x0, $0x0;
	s7 =	simm.s32 $0x4;
	[tilespmem:s6+$0xCB10] =	vst v63  }
0x133: {  	s6 =	sshll.u32 s2, $0xA  }
0x134: {  	s7 =	sshrl.u32 s6, $0x2  }
0x135: {  	s7 =	sadd.s32 $0x2900, s7  }
0x136: {  	[spmem:s3] =	stream.indirect.scatter.add.f32 [tilespmem:s19], [sflag:$0x3], $0x10, s7, s18, $0xb8;
	[tilespmem:$0x13110] =	vst v63  }
0x137: {  	_ =	swait.ge [sflag:s17], $0x800  }
0x138: {  	[sflag:s17] =	ssyncset.done $0x0  }
0x139: {  	[sflag:s17] =	ssyncadd.s32 $0xFFFFF800  }
0x13a: {  	[spmem:s4] =	stream.indirect.scatter.add.f32 [tilespmem:s30], [sflag:$0x3], $0x1, s7, s18, $0xb8;
	[tilespmem:$0x13110] =	vst v63  }
0x13b: {  	p0 =	seq.s32 s2, $0x28;
	_ =	swait.ge [sflag:s17], $0x80  }
0x13c: {  	s6 =	sshrl.u32 @!p0 s6, $0x2;
	s9 =	simm.s32 @!p0 $0xCB10;
	[sflag:s17] =	ssyncset.done $0x0  }
0x13d: {  	s6 =	sadd.s32 @!p0 $0x100, s6;
	s7 =	simm.s32 @!p0 $0x80;
	[sflag:s17] =	ssyncadd.s32 $0xFFFFFF80  }
0x13e: {  	[tilespmem:s9], [sflag:$0x1] =	stream.indirect.gather @!p0 [hbm4b:s8+s7], $0x10, s6, s7, $0xb8;
	[tilespmem:$0x13110] =	vst v63  }
0x13f: {  	_ =	swait.ge [sflag:s31], $0x800  }
0x140: {  	s21 =	sshll.u32 s21, $0x7;
	[sflag:s31] =	ssyncset.done $0x0  }
0x141: {  	s24 =	simm.s32 $0x0;
	p0 =	por $0x1, $0x1;
	[sflag:s31] =	ssyncadd.s32 $0xFFFFF800  }
.LBB2_7:
0x142: {  	s6 =	sshll.u32 s24, $0x4  }
0x143: {  	s11 =	sor.u32 s21, s6  }
0x144: {  	v3 =	vld [tilespmem:s11+$0x0]  }
0x145: {  	s10 =	sor.u32 $0x10, s6;
	v4 =	vld [tilespmem:s11+$0x2900]  }
0x146: {  	s12 =	sor.u32 s21, s10;
	v9 =	vld [tilespmem:s11+$0x5200]  }
0x147: {  	s9 =	sor.u32 $0x20, s6;
	v5 =	vld [tilespmem:s12+$0x0]  }
0x148: {  	s14 =	sor.u32 s21, s9;
	v6 =	vld [tilespmem:s12+$0x2900]  }
0x149: {  	s7 =	sor.u32 $0x30, s6;
	v7 =	vld [tilespmem:s14+$0x0]  }
0x14a: {  	s26 =	sor.u32 s21, s7;
	v8 =	vld [tilespmem:s14+$0x2900]  }
0x14b: {  	v10 =	vld [tilespmem:s26+$0x0]  }
0x14c: {  	v11 =	vld [tilespmem:s26+$0x2900]  }
0x14d: {  	v12 =	vld [tilespmem:s12+$0x5200]  }
0x14e: {  	v3 =	vld.idx.msk [tilespmem:v3+s22+$0x0], $0xffff  }
0x14f: {  	v4 =	vld.idx.msk [tilespmem:v4+s23+$0x0], $0xffff  }
0x150: {  	v5 =	vld.idx.msk [tilespmem:v5+s22+$0x0], $0xffff  }
0x151: {  	v6 =	vld.idx.msk [tilespmem:v6+s23+$0x0], $0xffff  }
0x152: {  	v7 =	vld.idx.msk [tilespmem:v7+s22+$0x0], $0xffff  }
0x153: {  	v50 =	vld.idx.msk [tilespmem:v8+s23+$0x0], $0xffff  }
0x154: {  	v52 =	vld.idx.msk [tilespmem:v10+s22+$0x0], $0xffff;
	v3 =	vadd.f32 v4, v3  }
0x155: {  	v53 =	vld.idx.msk [tilespmem:v11+s23+$0x0], $0xffff  }
0x156: {  	v51 =	vld [tilespmem:s14+$0x5200];
	v3 =	vadd.f32 v9, v3  }
0x157: {  	v55 =	vld [tilespmem:s26+$0x5200];
	v5 =	vadd.f32 v6, v5  }
0x158: {  	v54 =	vmul.f32 $2.000000030e-01, v3  }
0x159: {  	v4 =	vadd.f32 v50, v7;
	v5 =	vadd.f32 v12, v5  }
0x15a: {  	v57 =	vadd.f32 v53, v52;
	v3 =	vmax.f32 v3, v54  }
0x15b: {  	v4 =	vadd.f32 v51, v4;
	v56 =	vmul.f32 $2.000000030e-01, v5;
	v3 =	vsub.f32 v3, v2  }
0x15c: {  	v6 =	vadd.f32 v55, v57  }
0x15d: {  	v58 =	vmul.f32 $2.000000030e-01, v4;
	v5 =	vmax.f32 v5, v56;
	v3 =	vmul.f32 $1.442695020e+00, v3  }
0x15e: {  	v60 =	vmov s6;
	v5 =	vsub.f32 v5, v2  }
0x15f: {  	v59 =	vmul.f32 $2.000000030e-01, v6;
	(erf) = vpow2.f32 v3;
	v3 =	vmax.f32 v4, v58  }
0x160: {  	v7 =	vshrl.u32 v60, $0x3;
	v5 =	vmul.f32 $1.442695020e+00, v5;
	v3 =	vsub.f32 v3, v2  }
0x161: {  	v61 =	vshll.u32 v7, v1;
	v4 =	vmax.f32 v6, v59  }
0x162: {  	(erf) = vpow2.f32 v5;
	v4 =	vsub.f32 v4, v2;
	v3 =	vmul.f32 $1.442695020e+00, v3  }
0x163: {  	v63 =	vbroadcast v61, $0x0  }
0x164: {  	(erf) = vpow2.f32 v3;
	v3 =	vmul.f32 $1.442695020e+00, v4  }
0x165: {  	v62 =	vmov s10  }
0x166: {  	v10 =	vshrl.u32 v62, $0x3;
	v11 =	vmov s9;
	(erf) = vpow2.f32 v3  }
0x167: {  	v12 =	vshrl.u32 v11, $0x3;
	v5 =	vshll.u32 v10, v1  }
0x168: {  	v13 =	vmov s7;
	s14 =	sor.u32 $0x1, s6;
	v3 =	vbroadcast v5, $0x0;
	v5 =	vshll.u32 v12, v1;
	v14 =	vpop (erf)  }
0x169: {  	s25 =	sshll.u32 s24, $0x8;
	v15 =	vmov s14;
	v6 =	vshrl.u32 v13, $0x3;
	v5 =	vbroadcast v5, $0x0;
	[tilespmem:s6+$0xDB90] =	vst v14  }
0x16a: {  	s12 =	sand.u32 $0x3FFFFF00, s25;
	v7 =	vshrl.u32 v15, $0x3;
	v6 =	vshll.u32 v6, v1;
	v4 =	vld.idx.msk [tilespmem:v63+s1+$0x0], $0xffff  }
0x16b: {  	s10 =	sshll.u32 s10, $0x4;
	s26 =	sor.u32 $0x11, s6;
	v7 =	vshll.u32 v7, v1;
	v6 =	vbroadcast v6, $0x0;
	v16 =	vpop (erf);
	v17 =	vld [tilespmem:s12+$0xD310]  }
0x16c: {  	s10 =	sand.u32 $0x3FFFFF00, s10;
	v18 =	vmov s26;
	v7 =	vor.u32 $0x1, v7;
	[tilespmem:s6+$0xDBA0] =	vst v16  }
0x16d: {  	s15 =	sor.u32 $0x21, s6;
	v8 =	vshrl.u32 v18, $0x3;
	v7 =	vbroadcast v7, $0x0;
	v20 =	vld [tilespmem:s10+$0xD310];
	v19 =	vpop (erf)  }
0x16e: {  	s16 =	sor.u32 $0x31, s6;
	v21 =	vmov s15;
	s9 =	sshll.u32 s9, $0x4;
	v8 =	vshll.u32 v8, v1;
	v3 =	vld.idx.msk [tilespmem:v3+s1+$0x0], $0xffff;
	[tilespmem:s6+$0xDBB0] =	vst v19  }
0x16f: {  	v23 =	vmov s16;
	s9 =	sand.u32 $0x3FFFFF00, s9;
	v8 =	vor.u32 $0x1, v8;
	v10 =	vshrl.u32 v21, $0x3;
	v5 =	vld.idx.msk [tilespmem:v5+s1+$0x0], $0xffff;
	v22 =	vpop (erf)  }
0x170: {  	s7 =	sshll.u32 s7, $0x4;
	v8 =	vbroadcast v8, $0x0;
	v10 =	vshll.u32 v10, v1;
	v13 =	vld [tilespmem:s9+$0xD310];
	v4 =	vmul.f32 v17, v4;
	[tilespmem:s6+$0xDBC0] =	vst v22  }
0x171: {  	s25 =	sor.u32 $0x2, s6;
	s7 =	sand.u32 $0x3FFFFF00, s7;
	v25 =	vshrl.u32 v23, $0x3;
	v24 =	vor.u32 $0x1, v10;
	v6 =	vld.idx.msk [tilespmem:v6+s1+$0x0], $0xffff  }
0x172: {  	v26 =	vmov s25;
	s11 =	sshll.u32 s14, $0x4;
	v10 =	vshll.u32 v25, v1;
	v9 =	vbroadcast v24, $0x0;
	v14 =	vld [tilespmem:s7+$0xD310];
	[tilespmem:s12+$0xD310] =	vst v4  }
0x173: {  	v27 =	vshrl.u32 v26, $0x3;
	s11 =	sand.u32 $0x3FFFFF10, s11;
	v10 =	vor.u32 $0x1, v10;
	v3 =	vmul.f32 v20, v3;
	v7 =	vld.idx.msk [tilespmem:v7+s1+$0x0], $0xffff  }
0x174: {  	v10 =	vbroadcast v10, $0x0;
	v4 =	vshll.u32 v27, v1;
	s12 =	sor.u32 $0x12, s6;
	v28 =	vld [tilespmem:s11+$0xD310]  }
0x175: {  	s14 =	sshll.u32 s26, $0x4;
	v4 =	vadd.s32 $0x2, v4;
	[tilespmem:s10+$0xD310] =	vst v3;
	v3 =	vmov s12;
	v5 =	vmul.f32 v13, v5  }
0x176: {  	v4 =	vbroadcast v4, $0x0;
	s10 =	sand.u32 $0x3FFFFF10, s14;
	s14 =	sor.u32 $0x22, s6;
	v8 =	vld.idx.msk [tilespmem:v8+s1+$0x0], $0xffff;
	v3 =	vshrl.u32 v3, $0x3  }
0x177: {  	s15 =	sshll.u32 s15, $0x4;
	v29 =	vld [tilespmem:s10+$0xD310];
	v30 =	vmov s14;
	v3 =	vshll.u32 v3, v1;
	[tilespmem:s9+$0xD310] =	vst v5;
	v6 =	vmul.f32 v14, v6  }
0x178: {  	v3 =	vadd.s32 $0x2, v3;
	s9 =	sand.u32 $0x3FFFFF10, s15;
	v5 =	vshrl.u32 v30, $0x3;
	s15 =	sor.u32 $0x32, s6;
	v9 =	vld.idx.msk [tilespmem:v9+s1+$0x0], $0xffff  }
0x179: {  	s26 =	sshll.u32 s16, $0x4;
	v31 =	vld [tilespmem:s9+$0xD310];
	v5 =	vshll.u32 v5, v1;
	v32 =	vmov s15;
	v7 =	vmul.f32 v28, v7;
	[tilespmem:s7+$0xD310] =	vst v6  }
0x17a: {  	s16 =	sor.u32 $0x3, s6;
	v3 =	vbroadcast v3, $0x0;
	v5 =	vadd.s32 $0x2, v5;
	s7 =	sand.u32 $0x3FFFFF10, s26;
	v6 =	vshrl.u32 v32, $0x3;
	v10 =	vld.idx.msk [tilespmem:v10+s1+$0x0], $0xffff  }
0x17b: {  	v33 =	vmov s16;
	s26 =	sshll.u32 s25, $0x4;
	v5 =	vbroadcast v5, $0x0;
	v34 =	vld [tilespmem:s7+$0xD310];
	v6 =	vshll.u32 v6, v1;
	[tilespmem:s11+$0xD310] =	vst v7  }
0x17c: {  	v35 =	vshrl.u32 v33, $0x3;
	s25 =	sor.u32 $0x13, s6;
	v8 =	vmul.f32 v29, v8;
	s11 =	sand.u32 $0x3FFFFF20, s26;
	v6 =	vadd.s32 $0x2, v6;
	v4 =	vld.idx.msk [tilespmem:v4+s1+$0x0], $0xffff  }
0x17d: {  	s12 =	sshll.u32 s12, $0x4;
	v7 =	vshll.u32 v35, v1;
	v37 =	vmov s25;
	v36 =	vld [tilespmem:s11+$0xD310];
	v6 =	vbroadcast v6, $0x0  }
0x17e: {  	v7 =	vadd.s32 $0x3, v7;
	[tilespmem:s10+$0xD310] =	vst v8;
	s10 =	sand.u32 $0x3FFFFF20, s12;
	v8 =	vshrl.u32 v37, $0x3;
	v9 =	vmul.f32 v31, v9  }
0x17f: {  	v7 =	vbroadcast v7, $0x0;
	s12 =	sor.u32 $0x23, s6;
	v38 =	vld [tilespmem:s10+$0xD310];
	v8 =	vshll.u32 v8, v1  }
0x180: {  	s14 =	sshll.u32 s14, $0x4;
	v39 =	vmov s12;
	v3 =	vld.idx.msk [tilespmem:v3+s1+$0x0], $0xffff;
	v8 =	vadd.s32 $0x3, v8;
	[tilespmem:s9+$0xD310] =	vst v9;
	v10 =	vmul.f32 v34, v10  }
0x181: {  	s9 =	sand.u32 $0x3FFFFF20, s14;
	v9 =	vshrl.u32 v39, $0x3;
	s14 =	sor.u32 $0x33, s6;
	v8 =	vbroadcast v8, $0x0;
	v5 =	vld.idx.msk [tilespmem:v5+s1+$0x0], $0xffff  }
0x182: {  	s26 =	sshll.u32 s15, $0x4;
	v40 =	vld [tilespmem:s9+$0xD310];
	v9 =	vshll.u32 v9, v1;
	v41 =	vmov s14;
	v4 =	vmul.f32 v36, v4;
	[tilespmem:s7+$0xD310] =	vst v10  }
0x183: {  	s15 =	sor.u32 $0x4, s6;
	v9 =	vadd.s32 $0x3, v9;
	s7 =	sand.u32 $0x3FFFFF20, s26;
	v10 =	vshrl.u32 v41, $0x3;
	v6 =	vld.idx.msk [tilespmem:v6+s1+$0x0], $0xffff  }
0x184: {  	s16 =	sshll.u32 s16, $0x4;
	v42 =	vmov s15;
	v9 =	vbroadcast v9, $0x0;
	v43 =	vld [tilespmem:s7+$0xD310];
	v10 =	vshll.u32 v10, v1;
	[tilespmem:s11+$0xD310] =	vst v4  }
0x185: {  	v44 =	vshrl.u32 v42, $0x3;
	s11 =	sand.u32 $0x3FFFFF30, s16;
	v3 =	vmul.f32 v38, v3;
	v10 =	vadd.s32 $0x3, v10;
	v7 =	vld.idx.msk [tilespmem:v7+s1+$0x0], $0xffff  }
0x186: {  	v4 =	vshll.u32 v44, v1;
	s16 =	sor.u32 $0x14, s6;
	v45 =	vld [tilespmem:s11+$0xD310];
	v10 =	vbroadcast v10, $0x0  }
0x187: {  	s26 =	sshll.u32 s25, $0x4;
	v4 =	vadd.s32 $0x4, v4;
	[tilespmem:s10+$0xD310] =	vst v3;
	v3 =	vmov s16;
	v5 =	vmul.f32 v40, v5  }
0x188: {  	s25 =	sor.u32 $0x24, s6;
	v4 =	vbroadcast v4, $0x0;
	s10 =	sand.u32 $0x3FFFFF30, s26;
	v8 =	vld.idx.msk [tilespmem:v8+s1+$0x0], $0xffff;
	v3 =	vshrl.u32 v3, $0x3  }
0x189: {  	s12 =	sshll.u32 s12, $0x4;
	v47 =	vmov s25;
	v46 =	vld [tilespmem:s10+$0xD310];
	v3 =	vshll.u32 v3, v1;
	[tilespmem:s9+$0xD310] =	vst v5;
	v6 =	vmul.f32 v43, v6  }
0x18a: {  	s9 =	sand.u32 $0x3FFFFF30, s12;
	v5 =	vshrl.u32 v47, $0x3;
	s12 =	sor.u32 $0x34, s6;
	v3 =	vadd.s32 $0x4, v3;
	v9 =	vld.idx.msk [tilespmem:v9+s1+$0x0], $0xffff  }
0x18b: {  	s26 =	sshll.u32 s14, $0x4;
	v48 =	vld [tilespmem:s9+$0xD310];
	v5 =	vshll.u32 v5, v1;
	v49 =	vmov s12;
	v7 =	vmul.f32 v45, v7;
	[tilespmem:s7+$0xD310] =	vst v6  }
0x18c: {  	s14 =	sor.u32 $0x5, s6;
	v3 =	vbroadcast v3, $0x0;
	v5 =	vadd.s32 $0x4, v5;
	s7 =	sand.u32 $0x3FFFFF30, s26;
	v6 =	vshrl.u32 v49, $0x3;
	v10 =	vld.idx.msk [tilespmem:v10+s1+$0x0], $0xffff  }
0x18d: {  	s15 =	sshll.u32 s15, $0x4;
	v50 =	vmov s14;
	v5 =	vbroadcast v5, $0x0;
	v51 =	vld [tilespmem:s7+$0xD310];
	v6 =	vshll.u32 v6, v1;
	[tilespmem:s11+$0xD310] =	vst v7  }
0x18e: {  	v52 =	vshrl.u32 v50, $0x3;
	s11 =	sand.u32 $0x3FFFFF40, s15;
	s15 =	sor.u32 $0x15, s6;
	v8 =	vmul.f32 v46, v8;
	v6 =	vadd.s32 $0x4, v6;
	v4 =	vld.idx.msk [tilespmem:v4+s1+$0x0], $0xffff  }
0x18f: {  	s16 =	sshll.u32 s16, $0x4;
	v7 =	vshll.u32 v52, v1;
	v53 =	vld [tilespmem:s11+$0xD310];
	v54 =	vmov s15;
	v6 =	vbroadcast v6, $0x0  }
0x190: {  	v7 =	vadd.s32 $0x5, v7;
	[tilespmem:s10+$0xD310] =	vst v8;
	v9 =	vmul.f32 v48, v9;
	s10 =	sand.u32 $0x3FFFFF40, s16;
	v8 =	vshrl.u32 v54, $0x3  }
0x191: {  	v7 =	vbroadcast v7, $0x0;
	s16 =	sor.u32 $0x25, s6;
	v55 =	vld [tilespmem:s10+$0xD310];
	v8 =	vshll.u32 v8, v1  }
0x192: {  	s25 =	sshll.u32 s25, $0x4;
	v56 =	vmov s16;
	v3 =	vld.idx.msk [tilespmem:v3+s1+$0x0], $0xffff;
	[tilespmem:s9+$0xD310] =	vst v9;
	v10 =	vmul.f32 v51, v10;
	v8 =	vadd.s32 $0x5, v8  }
0x193: {  	s9 =	sand.u32 $0x3FFFFF40, s25;
	v9 =	vshrl.u32 v56, $0x3;
	s25 =	sor.u32 $0x35, s6;
	v5 =	vld.idx.msk [tilespmem:v5+s1+$0x0], $0xffff;
	v8 =	vbroadcast v8, $0x0  }
0x194: {  	s26 =	sshll.u32 s12, $0x4;
	v57 =	vld [tilespmem:s9+$0xD310];
	v9 =	vshll.u32 v9, v1;
	v58 =	vmov s25;
	v4 =	vmul.f32 v53, v4;
	[tilespmem:s7+$0xD310] =	vst v10  }
0x195: {  	s12 =	sor.u32 $0x6, s6;
	v9 =	vadd.s32 $0x5, v9;
	s7 =	sand.u32 $0x3FFFFF40, s26;
	v10 =	vshrl.u32 v58, $0x3;
	v6 =	vld.idx.msk [tilespmem:v6+s1+$0x0], $0xffff  }
0x196: {  	s14 =	sshll.u32 s14, $0x4;
	v59 =	vmov s12;
	v9 =	vbroadcast v9, $0x0;
	v60 =	vld [tilespmem:s7+$0xD310];
	v10 =	vshll.u32 v10, v1;
	[tilespmem:s11+$0xD310] =	vst v4  }
0x197: {  	v61 =	vshrl.u32 v59, $0x3;
	s11 =	sand.u32 $0x3FFFFF50, s14;
	v10 =	vadd.s32 $0x5, v10;
	v7 =	vld.idx.msk [tilespmem:v7+s1+$0x0], $0xffff;
	v3 =	vmul.f32 v55, v3  }
0x198: {  	v4 =	vshll.u32 v61, v1;
	v62 =	vld [tilespmem:s11+$0xD310];
	v10 =	vbroadcast v10, $0x0  }
0x199: {  	s15 =	sshll.u32 s15, $0x4;
	s14 =	sor.u32 $0x16, s6;
	v4 =	vadd.s32 $0x6, v4;
	v5 =	vmul.f32 v57, v5;
	[tilespmem:s10+$0xD310] =	vst v3  }
0x19a: {  	v4 =	vbroadcast v4, $0x0;
	v3 =	vmov s14;
	s10 =	sand.u32 $0x3FFFFF50, s15;
	s15 =	sor.u32 $0x26, s6;
	v8 =	vld.idx.msk [tilespmem:v8+s1+$0x0], $0xffff  }
0x19b: {  	s16 =	sshll.u32 s16, $0x4;
	s26 =	sshll.u32 s25, $0x4;
	s25 =	sor.u32 $0x7, s6;
	v3 =	vshrl.u32 v3, $0x3;
	v63 =	vld [tilespmem:s10+$0xD310];
	[tilespmem:s9+$0xD310] =	vst v5;
	v16 =	vmov s15;
	v6 =	vmul.f32 v60, v6  }
0x19c: {  	v19 =	vmov s25;
	s9 =	sand.u32 $0x3FFFFF50, s16;
	s16 =	sor.u32 $0x36, s6;
	v3 =	vshll.u32 v3, v1;
	v9 =	vld.idx.msk [tilespmem:v9+s1+$0x0], $0xffff;
	v5 =	vshrl.u32 v16, $0x3  }
0x19d: {  	v17 =	vld [tilespmem:s9+$0xD310];
	v18 =	vmov s16;
	v7 =	vmul.f32 v62, v7;
	v3 =	vadd.s32 $0x6, v3;
	[tilespmem:s7+$0xD310] =	vst v6  }
0x19e: {  	v5 =	vshll.u32 v5, v1;
	s7 =	sand.u32 $0x3FFFFF50, s26;
	v6 =	vshrl.u32 v18, $0x3;
	v3 =	vbroadcast v3, $0x0;
	v10 =	vld.idx.msk [tilespmem:v10+s1+$0x0], $0xffff  }
0x19f: {  	v21 =	vshrl.u32 v19, $0x3;
	v5 =	vadd.s32 $0x6, v5;
	v20 =	vld [tilespmem:s7+$0xD310];
	v6 =	vshll.u32 v6, v1  }
0x1a0: {  	s12 =	sshll.u32 s12, $0x4;
	[tilespmem:s11+$0xD310] =	vst v7;
	v5 =	vbroadcast v5, $0x0;
	v6 =	vadd.s32 $0x6, v6;
	v8 =	vmul.f32 v63, v8  }
0x1a1: {  	s14 =	sshll.u32 s14, $0x4;
	s26 =	sor.u32 $0x17, s6;
	s11 =	sand.u32 $0x3FFFFF60, s12;
	v7 =	vshll.u32 v21, v1;
	v4 =	vld.idx.msk [tilespmem:v4+s1+$0x0], $0xffff;
	v6 =	vbroadcast v6, $0x0  }
0x1a2: {  	v23 =	vmov s26;
	v22 =	vld [tilespmem:s11+$0xD310];
	v7 =	vadd.s32 $0x7, v7;
	v9 =	vmul.f32 v17, v9;
	[tilespmem:s10+$0xD310] =	vst v8;
	s10 =	sand.u32 $0x3FFFFF60, s14  }
0x1a3: {  	s15 =	sshll.u32 s15, $0x4;
	v7 =	vbroadcast v7, $0x0;
	v8 =	vshrl.u32 v23, $0x3;
	s14 =	sor.u32 $0x27, s6;
	v24 =	vld [tilespmem:s10+$0xD310]  }
0x1a4: {  	v8 =	vshll.u32 v8, v1;
	[tilespmem:s9+$0xD310] =	vst v9;
	v25 =	vmov s14;
	v10 =	vmul.f32 v20, v10;
	s9 =	sand.u32 $0x3FFFFF60, s15;
	v3 =	vld.idx.msk [tilespmem:v3+s1+$0x0], $0xffff  }
0x1a5: {  	s15 =	sor.u32 $0x37, s6;
	v8 =	vadd.s32 $0x7, v8;
	v9 =	vshrl.u32 v25, $0x3;
	v26 =	vld [tilespmem:s9+$0xD310]  }
0x1a6: {  	s16 =	sshll.u32 s16, $0x4;
	v27 =	vmov s15;
	v5 =	vld.idx.msk [tilespmem:v5+s1+$0x0], $0xffff;
	v8 =	vbroadcast v8, $0x0;
	v9 =	vshll.u32 v9, v1;
	[tilespmem:s7+$0xD310] =	vst v10  }
0x1a7: {  	v4 =	vmul.f32 v22, v4;
	s7 =	sand.u32 $0x3FFFFF60, s16;
	v10 =	vshrl.u32 v27, $0x3;
	v9 =	vadd.s32 $0x7, v9;
	v6 =	vld.idx.msk [tilespmem:v6+s1+$0x0], $0xffff  }
0x1a8: {  	v28 =	vld [tilespmem:s7+$0xD310];
	v10 =	vshll.u32 v10, v1;
	v9 =	vbroadcast v9, $0x0  }
0x1a9: {  	s25 =	sshll.u32 s25, $0x4;
	s16 =	sor.u32 $0x8, s6;
	[tilespmem:s11+$0xD310] =	vst v4;
	v29 =	vadd.s32 $0x7, v10;
	v3 =	vmul.f32 v24, v3  }
0x1aa: {  	s11 =	sand.u32 $0x3FFFFF70, s25;
	v30 =	vmov s16;
	v7 =	vld.idx.msk [tilespmem:v7+s1+$0x0], $0xffff;
	v4 =	vbroadcast v29, $0x0  }
0x1ab: {  	s26 =	sshll.u32 s26, $0x4;
	s12 =	sor.u32 $0x18, s6;
	v31 =	vld [tilespmem:s11+$0xD310];
	v10 =	vshrl.u32 v30, $0x3;
	[tilespmem:s10+$0xD310] =	vst v3;
	v3 =	vmul.f32 v26, v5  }
0x1ac: {  	v33 =	vmov s12;
	v32 =	vshll.u32 v10, v1;
	s10 =	sand.u32 $0x3FFFFF70, s26;
	v8 =	vld.idx.msk [tilespmem:v8+s1+$0x0], $0xffff  }
0x1ad: {  	s25 =	sshll.u32 s14, $0x4;
	s14 =	sor.u32 $0x28, s6;
	v10 =	vshrl.u32 v33, $0x3;
	v5 =	vbroadcast v32, $0x0;
	v34 =	vld [tilespmem:s10+$0xD310];
	[tilespmem:s9+$0xD310] =	vst v3;
	v3 =	vmul.f32 v28, v6  }
0x1ae: {  	v36 =	vmov s14;
	v35 =	vshll.u32 v10, v1;
	s9 =	sand.u32 $0x3FFFFF70, s25;
	v9 =	vld.idx.msk [tilespmem:v9+s1+$0x0], $0xffff  }
0x1af: {  	v10 =	vshrl.u32 v36, $0x3;
	s26 =	sshll.u32 s15, $0x4;
	s15 =	sor.u32 $0x38, s6;
	v6 =	vbroadcast v35, $0x0;
	v37 =	vld [tilespmem:s9+$0xD310];
	[tilespmem:s7+$0xD310] =	vst v3  }
0x1b0: {  	v38 =	vshll.u32 v10, v1;
	v39 =	vmov s15;
	s25 =	sor.u32 $0x9, s6;
	v3 =	vmul.f32 v31, v7;
	s7 =	sand.u32 $0x3FFFFF70, s26;
	v4 =	vld.idx.msk [tilespmem:v4+s1+$0x0], $0xffff  }
0x1b1: {  	v10 =	vshrl.u32 v39, $0x3;
	v40 =	vmov s25;
	v7 =	vbroadcast v38, $0x0;
	v41 =	vld [tilespmem:s7+$0xD310]  }
0x1b2: {  	v10 =	vshll.u32 v10, v1;
	s26 =	sshll.u32 s16, $0x4;
	[tilespmem:s11+$0xD310] =	vst v3;
	v3 =	vshrl.u32 v40, $0x3;
	v8 =	vmul.f32 v34, v8  }
0x1b3: {  	s16 =	sor.u32 $0x19, s6;
	v10 =	vbroadcast v10, $0x0;
	s11 =	sand.u32 $0x3FFFFF80, s26;
	v5 =	vld.idx.msk [tilespmem:v5+s1+$0x0], $0xffff;
	v3 =	vshll.u32 v3, v1  }
0x1b4: {  	s12 =	sshll.u32 s12, $0x4;
	v43 =	vmov s16;
	v42 =	vld [tilespmem:s11+$0xD310];
	v3 =	vadd.s32 $0x1, v3;
	[tilespmem:s10+$0xD310] =	vst v8;
	v9 =	vmul.f32 v37, v9  }
0x1b5: {  	s10 =	sand.u32 $0x3FFFFF80, s12;
	v8 =	vshrl.u32 v43, $0x3;
	s12 =	sor.u32 $0x29, s6;
	v3 =	vbroadcast v3, $0x0;
	v6 =	vld.idx.msk [tilespmem:v6+s1+$0x0], $0xffff  }
0x1b6: {  	s14 =	sshll.u32 s14, $0x4;
	v44 =	vld [tilespmem:s10+$0xD310];
	v8 =	vshll.u32 v8, v1;
	v45 =	vmov s12;
	[tilespmem:s9+$0xD310] =	vst v9;
	v4 =	vmul.f32 v41, v4  }
0x1b7: {  	v8 =	vadd.s32 $0x1, v8;
	s9 =	sand.u32 $0x3FFFFF80, s14;
	v9 =	vshrl.u32 v45, $0x3;
	s14 =	sor.u32 $0x39, s6;
	v7 =	vld.idx.msk [tilespmem:v7+s1+$0x0], $0xffff  }
0x1b8: {  	s26 =	sshll.u32 s15, $0x4;
	v8 =	vbroadcast v8, $0x0;
	v46 =	vld [tilespmem:s9+$0xD310];
	v9 =	vshll.u32 v9, v1;
	v47 =	vmov s14;
	[tilespmem:s7+$0xD310] =	vst v4  }
0x1b9: {  	v5 =	vmul.f32 v42, v5;
	v9 =	vadd.s32 $0x1, v9;
	s7 =	sand.u32 $0x3FFFFF80, s26;
	v4 =	vshrl.u32 v47, $0x3;
	v10 =	vld.idx.msk [tilespmem:v10+s1+$0x0], $0xffff  }
0x1ba: {  	s15 =	sor.u32 $0xA, s6;
	v9 =	vbroadcast v9, $0x0;
	v49 =	vld [tilespmem:s7+$0xD310];
	v4 =	vshll.u32 v4, v1  }
0x1bb: {  	s25 =	sshll.u32 s25, $0x4;
	v48 =	vmov s15;
	[tilespmem:s11+$0xD310] =	vst v5;
	v6 =	vmul.f32 v44, v6;
	v4 =	vadd.s32 $0x1, v4  }
0x1bc: {  	v50 =	vshrl.u32 v48, $0x3;
	s11 =	sand.u32 $0x3FFFFF90, s25;
	s25 =	sor.u32 $0x1A, s6;
	v3 =	vld.idx.msk [tilespmem:v3+s1+$0x0], $0xffff;
	v4 =	vbroadcast v4, $0x0  }
0x1bd: {  	s26 =	sshll.u32 s16, $0x4;
	s16 =	sor.u32 $0x2A, s6;
	v5 =	vshll.u32 v50, v1;
	v51 =	vld [tilespmem:s11+$0xD310];
	v52 =	vmov s25;
	[tilespmem:s10+$0xD310] =	vst v6;
	v7 =	vmul.f32 v46, v7  }
0x1be: {  	v54 =	vmov s16;
	v5 =	vadd.s32 $0x2, v5;
	s10 =	sand.u32 $0x3FFFFF90, s26;
	v6 =	vshrl.u32 v52, $0x3;
	v8 =	vld.idx.msk [tilespmem:v8+s1+$0x0], $0xffff  }
0x1bf: {  	s12 =	sshll.u32 s12, $0x4;
	v5 =	vbroadcast v5, $0x0;
	v53 =	vld [tilespmem:s10+$0xD310];
	v6 =	vshll.u32 v6, v1;
	[tilespmem:s9+$0xD310] =	vst v7;
	v10 =	vmul.f32 v49, v10  }
0x1c0: {  	v6 =	vadd.s32 $0x2, v6;
	s9 =	sand.u32 $0x3FFFFF90, s12;
	v7 =	vshrl.u32 v54, $0x3;
	s12 =	sor.u32 $0x3A, s6;
	v9 =	vld.idx.msk [tilespmem:v9+s1+$0x0], $0xffff  }
0x1c1: {  	s26 =	sshll.u32 s14, $0x4;
	v6 =	vbroadcast v6, $0x0;
	v55 =	vld [tilespmem:s9+$0xD310];
	v7 =	vshll.u32 v7, v1;
	v56 =	vmov s12;
	[tilespmem:s7+$0xD310] =	vst v10  }
0x1c2: {  	v3 =	vmul.f32 v51, v3;
	v7 =	vadd.s32 $0x2, v7;
	s7 =	sand.u32 $0x3FFFFF90, s26;
	v10 =	vshrl.u32 v56, $0x3;
	v4 =	vld.idx.msk [tilespmem:v4+s1+$0x0], $0xffff  }
0x1c3: {  	s14 =	sor.u32 $0xB, s6;
	v7 =	vbroadcast v7, $0x0;
	v58 =	vld [tilespmem:s7+$0xD310];
	v10 =	vshll.u32 v10, v1  }
0x1c4: {  	s15 =	sshll.u32 s15, $0x4;
	v57 =	vmov s14;
	[tilespmem:s11+$0xD310] =	vst v3;
	v8 =	vmul.f32 v53, v8;
	v10 =	vadd.s32 $0x2, v10  }
0x1c5: {  	v3 =	vshrl.u32 v57, $0x3;
	s11 =	sand.u32 $0x3FFFFFA0, s15;
	s15 =	sor.u32 $0x1B, s6;
	v5 =	vld.idx.msk [tilespmem:v5+s1+$0x0], $0xffff;
	v10 =	vbroadcast v10, $0x0  }
0x1c6: {  	s26 =	sshll.u32 s25, $0x4;
	s25 =	sor.u32 $0x2B, s6;
	v3 =	vshll.u32 v3, v1;
	v59 =	vld [tilespmem:s11+$0xD310];
	v60 =	vmov s15;
	[tilespmem:s10+$0xD310] =	vst v8;
	v9 =	vmul.f32 v55, v9  }
0x1c7: {  	v62 =	vmov s25;
	v3 =	vadd.s32 $0x3, v3;
	s10 =	sand.u32 $0x3FFFFFA0, s26;
	v8 =	vshrl.u32 v60, $0x3;
	v6 =	vld.idx.msk [tilespmem:v6+s1+$0x0], $0xffff  }
0x1c8: {  	s16 =	sshll.u32 s16, $0x4;
	v3 =	vbroadcast v3, $0x0;
	v61 =	vld [tilespmem:s10+$0xD310];
	v8 =	vshll.u32 v8, v1;
	[tilespmem:s9+$0xD310] =	vst v9;
	v4 =	vmul.f32 v58, v4  }
0x1c9: {  	v8 =	vadd.s32 $0x3, v8;
	s9 =	sand.u32 $0x3FFFFFA0, s16;
	v9 =	vshrl.u32 v62, $0x3;
	s16 =	sor.u32 $0x3B, s6;
	v7 =	vld.idx.msk [tilespmem:v7+s1+$0x0], $0xffff  }
0x1ca: {  	s26 =	sshll.u32 s12, $0x4;
	v8 =	vbroadcast v8, $0x0;
	v63 =	vld [tilespmem:s9+$0xD310];
	v9 =	vshll.u32 v9, v1;
	v15 =	vmov s16;
	[tilespmem:s7+$0xD310] =	vst v4  }
0x1cb: {  	s12 =	sor.u32 $0xC, s6;
	v5 =	vmul.f32 v59, v5;
	v9 =	vadd.s32 $0x3, v9;
	s7 =	sand.u32 $0x3FFFFFA0, s26;
	v4 =	vshrl.u32 v15, $0x3;
	v10 =	vld.idx.msk [tilespmem:v10+s1+$0x0], $0xffff  }
0x1cc: {  	v16 =	vmov s12;
	v9 =	vbroadcast v9, $0x0;
	v17 =	vld [tilespmem:s7+$0xD310];
	v4 =	vshll.u32 v4, v1  }
0x1cd: {  	s14 =	sshll.u32 s14, $0x4;
	v18 =	vshrl.u32 v16, $0x3;
	[tilespmem:s11+$0xD310] =	vst v5;
	v6 =	vmul.f32 v61, v6;
	v4 =	vadd.s32 $0x3, v4  }
0x1ce: {  	s11 =	sand.u32 $0x3FFFFFB0, s14;
	v5 =	vshll.u32 v18, v1;
	s14 =	sor.u32 $0x1C, s6;
	v3 =	vld.idx.msk [tilespmem:v3+s1+$0x0], $0xffff;
	v4 =	vbroadcast v4, $0x0  }
0x1cf: {  	s15 =	sshll.u32 s15, $0x4;
	v19 =	vld [tilespmem:s11+$0xD310];
	v5 =	vadd.s32 $0x4, v5;
	v20 =	vmov s14;
	[tilespmem:s10+$0xD310] =	vst v6;
	v7 =	vmul.f32 v63, v7  }
0x1d0: {  	v5 =	vbroadcast v5, $0x0;
	s10 =	sand.u32 $0x3FFFFFB0, s15;
	v6 =	vshrl.u32 v20, $0x3;
	s15 =	sor.u32 $0x2C, s6;
	v8 =	vld.idx.msk [tilespmem:v8+s1+$0x0], $0xffff  }
0x1d1: {  	s25 =	sshll.u32 s25, $0x4;
	v21 =	vld [tilespmem:s10+$0xD310];
	v6 =	vshll.u32 v6, v1;
	v22 =	vmov s15;
	[tilespmem:s9+$0xD310] =	vst v7;
	v10 =	vmul.f32 v17, v10  }
0x1d2: {  	v6 =	vadd.s32 $0x4, v6;
	s9 =	sand.u32 $0x3FFFFFB0, s25;
	v7 =	vshrl.u32 v22, $0x3;
	s25 =	sor.u32 $0x3C, s6;
	v9 =	vld.idx.msk [tilespmem:v9+s1+$0x0], $0xffff  }
0x1d3: {  	s26 =	sshll.u32 s16, $0x4;
	v6 =	vbroadcast v6, $0x0;
	v23 =	vld [tilespmem:s9+$0xD310];
	v7 =	vshll.u32 v7, v1;
	v24 =	vmov s25;
	[tilespmem:s7+$0xD310] =	vst v10  }
0x1d4: {  	s16 =	sor.u32 $0xD, s6;
	v3 =	vmul.f32 v19, v3;
	v7 =	vadd.s32 $0x4, v7;
	s7 =	sand.u32 $0x3FFFFFB0, s26;
	v10 =	vshrl.u32 v24, $0x3;
	v4 =	vld.idx.msk [tilespmem:v4+s1+$0x0], $0xffff  }
0x1d5: {  	v25 =	vmov s16;
	v7 =	vbroadcast v7, $0x0;
	v26 =	vld [tilespmem:s7+$0xD310];
	v10 =	vshll.u32 v10, v1  }
0x1d6: {  	s12 =	sshll.u32 s12, $0x4;
	[tilespmem:s11+$0xD310] =	vst v3;
	v3 =	vshrl.u32 v25, $0x3;
	v8 =	vmul.f32 v21, v8;
	v10 =	vadd.s32 $0x4, v10  }
0x1d7: {  	s11 =	sand.u32 $0x3FFFFFC0, s12;
	s12 =	sor.u32 $0x1D, s6;
	v5 =	vld.idx.msk [tilespmem:v5+s1+$0x0], $0xffff;
	v3 =	vshll.u32 v3, v1;
	v10 =	vbroadcast v10, $0x0  }
0x1d8: {  	s14 =	sshll.u32 s14, $0x4;
	v27 =	vld [tilespmem:s11+$0xD310];
	v28 =	vmov s12;
	v3 =	vadd.s32 $0x5, v3;
	[tilespmem:s10+$0xD310] =	vst v8;
	v9 =	vmul.f32 v23, v9  }
0x1d9: {  	s10 =	sand.u32 $0x3FFFFFC0, s14;
	v8 =	vshrl.u32 v28, $0x3;
	s14 =	sor.u32 $0x2D, s6;
	v3 =	vbroadcast v3, $0x0;
	v6 =	vld.idx.msk [tilespmem:v6+s1+$0x0], $0xffff  }
0x1da: {  	s15 =	sshll.u32 s15, $0x4;
	v29 =	vld [tilespmem:s10+$0xD310];
	v8 =	vshll.u32 v8, v1;
	v30 =	vmov s14;
	[tilespmem:s9+$0xD310] =	vst v9;
	v4 =	vmul.f32 v26, v4  }
0x1db: {  	v8 =	vadd.s32 $0x5, v8;
	s9 =	sand.u32 $0x3FFFFFC0, s15;
	v9 =	vshrl.u32 v30, $0x3;
	s15 =	sor.u32 $0x3D, s6;
	v7 =	vld.idx.msk [tilespmem:v7+s1+$0x0], $0xffff  }
0x1dc: {  	s26 =	sshll.u32 s25, $0x4;
	v8 =	vbroadcast v8, $0x0;
	v31 =	vld [tilespmem:s9+$0xD310];
	v9 =	vshll.u32 v9, v1;
	v32 =	vmov s15;
	[tilespmem:s7+$0xD310] =	vst v4  }
0x1dd: {  	s25 =	sor.u32 $0xE, s6;
	v5 =	vmul.f32 v27, v5;
	v9 =	vadd.s32 $0x5, v9;
	s7 =	sand.u32 $0x3FFFFFC0, s26;
	v4 =	vshrl.u32 v32, $0x3;
	v10 =	vld.idx.msk [tilespmem:v10+s1+$0x0], $0xffff  }
0x1de: {  	v33 =	vmov s25;
	v9 =	vbroadcast v9, $0x0;
	v34 =	vld [tilespmem:s7+$0xD310];
	v4 =	vshll.u32 v4, v1  }
0x1df: {  	v35 =	vshrl.u32 v33, $0x3;
	s26 =	sshll.u32 s16, $0x4;
	[tilespmem:s11+$0xD310] =	vst v5;
	v6 =	vmul.f32 v29, v6;
	v4 =	vadd.s32 $0x5, v4  }
0x1e0: {  	s16 =	sor.u32 $0x1E, s6;
	s11 =	sand.u32 $0x3FFFFFD0, s26;
	v5 =	vshll.u32 v35, v1;
	v3 =	vld.idx.msk [tilespmem:v3+s1+$0x0], $0xffff;
	v4 =	vbroadcast v4, $0x0  }
0x1e1: {  	s12 =	sshll.u32 s12, $0x4;
	v37 =	vmov s16;
	v36 =	vld [tilespmem:s11+$0xD310];
	v5 =	vadd.s32 $0x6, v5;
	[tilespmem:s10+$0xD310] =	vst v6;
	v7 =	vmul.f32 v31, v7  }
0x1e2: {  	v5 =	vbroadcast v5, $0x0;
	s10 =	sand.u32 $0x3FFFFFD0, s12;
	v6 =	vshrl.u32 v37, $0x3;
	s12 =	sor.u32 $0x2E, s6;
	v8 =	vld.idx.msk [tilespmem:v8+s1+$0x0], $0xffff  }
0x1e3: {  	s14 =	sshll.u32 s14, $0x4;
	v38 =	vld [tilespmem:s10+$0xD310];
	v6 =	vshll.u32 v6, v1;
	v39 =	vmov s12;
	[tilespmem:s9+$0xD310] =	vst v7;
	v10 =	vmul.f32 v34, v10  }
0x1e4: {  	v6 =	vadd.s32 $0x6, v6;
	s9 =	sand.u32 $0x3FFFFFD0, s14;
	v7 =	vshrl.u32 v39, $0x3;
	s14 =	sor.u32 $0x3E, s6;
	v9 =	vld.idx.msk [tilespmem:v9+s1+$0x0], $0xffff  }
0x1e5: {  	s26 =	sshll.u32 s15, $0x4;
	v6 =	vbroadcast v6, $0x0;
	v40 =	vld [tilespmem:s9+$0xD310];
	v7 =	vshll.u32 v7, v1;
	v41 =	vmov s14;
	[tilespmem:s7+$0xD310] =	vst v10  }
0x1e6: {  	v3 =	vmul.f32 v36, v3;
	v7 =	vadd.s32 $0x6, v7;
	s7 =	sand.u32 $0x3FFFFFD0, s26;
	v42 =	vshrl.u32 v41, $0x3;
	v4 =	vld.idx.msk [tilespmem:v4+s1+$0x0], $0xffff  }
0x1e7: {  	s15 =	sshllo.u32 s24, $0x4;
	v7 =	vbroadcast v7, $0x0;
	v44 =	vld [tilespmem:s7+$0xD310];
	v11 =	vshll.u32 v42, v1  }
0x1e8: {  	s24 =	sshll.u32 s25, $0x4;
	v43 =	vmov s15;
	[tilespmem:s11+$0xD310] =	vst v3;
	v8 =	vmul.f32 v38, v8;
	v11 =	vadd.s32 $0x6, v11  }
0x1e9: {  	v3 =	vshrl.u32 v43, $0x3;
	s11 =	sand.u32 $0x3FFFFFE0, s24;
	s24 =	sor.u32 $0x1F, s6;
	v5 =	vld.idx.msk [tilespmem:v5+s1+$0x0], $0xffff;
	v11 =	vbroadcast v11, $0x0  }
0x1ea: {  	s25 =	sshll.u32 s16, $0x4;
	s26 =	sor.u32 $0x2F, s6;
	v3 =	vshll.u32 v3, v1;
	v45 =	vld [tilespmem:s11+$0xD310];
	v46 =	vmov s24;
	[tilespmem:s10+$0xD310] =	vst v8;
	v9 =	vmul.f32 v40, v9  }
0x1eb: {  	v48 =	vmov s26;
	v3 =	vadd.s32 $0x7, v3;
	s10 =	sand.u32 $0x3FFFFFE0, s25;
	v8 =	vshrl.u32 v46, $0x3;
	v6 =	vld.idx.msk [tilespmem:v6+s1+$0x0], $0xffff  }
0x1ec: {  	s12 =	sshll.u32 s12, $0x4;
	v3 =	vbroadcast v3, $0x0;
	v47 =	vld [tilespmem:s10+$0xD310];
	v8 =	vshll.u32 v8, v1;
	[tilespmem:s9+$0xD310] =	vst v9;
	v4 =	vmul.f32 v44, v4  }
0x1ed: {  	v10 =	vshrl.u32 v48, $0x3;
	s6 =	sor.u32 $0x3F, s6;
	v8 =	vadd.s32 $0x7, v8;
	s9 =	sand.u32 $0x3FFFFFE0, s12;
	v7 =	vld.idx.msk [tilespmem:v7+s1+$0x0], $0xffff  }
0x1ee: {  	s14 =	sshll.u32 s14, $0x4;
	v10 =	vshll.u32 v10, v1;
	v51 =	vmov s6;
	v49 =	vbroadcast v8, $0x0;
	v50 =	vld [tilespmem:s9+$0xD310];
	[tilespmem:s7+$0xD310] =	vst v4  }
0x1ef: {  	v10 =	vadd.s32 $0x7, v10;
	v52 =	vshrl.u32 v51, $0x3;
	v5 =	vmul.f32 v45, v5;
	s7 =	sand.u32 $0x3FFFFFE0, s14;
	v11 =	vld.idx.msk [tilespmem:v11+s1+$0x0], $0xffff  }
0x1f0: {  	v10 =	vbroadcast v10, $0x0;
	v12 =	vshll.u32 v52, v1;
	v53 =	vld [tilespmem:s7+$0xD310]  }
0x1f1: {  	s15 =	sshll.u32 s15, $0x4;
	v55 =	vadd.s32 $0x7, v12;
	[tilespmem:s11+$0xD310] =	vst v5;
	v54 =	vmul.f32 v47, v6  }
0x1f2: {  	s11 =	sand.u32 $0x3FFFFFF0, s15;
	v6 =	vbroadcast v55, $0x0;
	v3 =	vld.idx.msk [tilespmem:v3+s1+$0x0], $0xffff  }
0x1f3: {  	s25 =	sshll.u32 s24, $0x4;
	v57 =	vld [tilespmem:s11+$0xD310];
	[tilespmem:s10+$0xD310] =	vst v54;
	v56 =	vmul.f32 v50, v7  }
0x1f4: {  	s10 =	sand.u32 $0x3FFFFFF0, s25;
	v4 =	vld.idx.msk [tilespmem:v49+s1+$0x0], $0xffff  }
0x1f5: {  	s26 =	sshll.u32 s26, $0x4;
	v58 =	vld [tilespmem:s10+$0xD310];
	[tilespmem:s9+$0xD310] =	vst v56;
	v59 =	vmul.f32 v53, v11  }
0x1f6: {  	s9 =	sand.u32 $0x3FFFFFF0, s26;
	v60 =	vld.idx.msk [tilespmem:v10+s1+$0x0], $0xffff  }
0x1f7: {  	s6 =	sshll.u32 s6, $0x4;
	v61 =	vld [tilespmem:s9+$0xD310];
	[tilespmem:s7+$0xD310] =	vst v59  }
0x1f8: {  	s6 =	sand.u32 $0x3FFFFFF0, s6;
	v6 =	vld.idx.msk [tilespmem:v6+s1+$0x0], $0xffff  }
0x1f9: {  	v62 =	vld [tilespmem:s6+$0xD310];
	_ =	sdelay $0x1  }
0x1fa: {  	p1 =	por p0, p0;
	v3 =	vmul.f32 v57, v3  }
.Ltmp2:
0x1fb: {  	v4 =	vmul.f32 v58, v4;
	(pc) =	sbr.rel @p1 .LBB2_7-.Ltmp2, $4  }
0x1fc: {  	[tilespmem:s11+$0xD310] =	vst v3;
	v3 =	vmul.f32 v61, v60  }
0x1fd: {  	[tilespmem:s10+$0xD310] =	vst v4;
	v63 =	vmul.f32 v62, v6  }
0x1fe: {  	[tilespmem:s9+$0xD310] =	vst v3  }
0x1ff: {  	p0 =	por $0x0, $0x0;
	s24 =	simm.s32 $0x4;
	[tilespmem:s6+$0xD310] =	vst v63  }
0x200: {  	s6 =	sadd.s32 $0x2900, s20  }
0x201: {  	[spmem:s3] =	stream.indirect.scatter.add.f32 [tilespmem:s28], [sflag:$0x3], $0x10, s6, s18, $0xb8;
	[tilespmem:$0x13110] =	vst v63  }
0x202: {  	s2 =	sadd.s32 $0x1, s2;
	_ =	swait.ge [sflag:s17], $0x800  }
0x203: {  	p0 =	sne.s32 s2, $0x29;
	[sflag:s17] =	ssyncset.done $0x0  }
.Ltmp3:
0x204: {  	[sflag:s17] =	ssyncadd.s32 $0xFFFFF800;
	(pc) =	sbr.rel @p0 .LBB2_4-.Ltmp3, $4  }
0x205: {  	[spmem:s4] =	stream.indirect.scatter.add.f32 [tilespmem:s1], [sflag:$0x3], $0x1, s6, s18, $0xb8;
	[tilespmem:$0x13110] =	vst v63  }
0x206: {  	_ =	swait.ge [sflag:s17], $0x80  }
0x207: {  	[sflag:s17] =	ssyncset.done $0x0  }
0x208: {  	[sflag:s17] =	ssyncadd.s32 $0xFFFFFF80  }
0x209: {  	[bflag:$0x0] =	sbarrier.arrive $0xFFFF;
	s7 =	simm.s32 $0xDE90  }
0x20a: {  	[tilespmem:s7], [sflag:$0x3] =	stream.linear.gather [spmem:s13], $0x2800, $0x38;
	[tilespmem:$0x13110] =	vst v63  }
0x20b: {  	_ =	swait.ge [sflag:s17], $0x2800  }
0x20c: {  	[sflag:s17] =	ssyncset.done $0x0  }
0x20d: {  	s2 =	rddreg [dreg:$0xb];
	[sflag:s17] =	ssyncadd.s32 $0xFFFFD800  }
0x20e: {  	[hbm4b:s2+s5] =	stream.linear.scatter [tilespmem:s7], [sflag:$0x3], $0x2800, $0x38;
	[tilespmem:$0x13110] =	vst v63  }
0x20f: {  	_ =	swait.ge [sflag:s17], $0x2800  }
0x210: {  	[sflag:s17] =	ssyncset.done $0x0  }
0x211: {  	s11 =	simm.s32 $0xDC10;
	s9 =	rddreg [dreg:$0xa];
	[sflag:s17] =	ssyncadd.s32 $0xFFFFD800  }
0x212: {  	[tilespmem:s11], [sflag:$0x3] =	stream.linear.gather [spmem:s9], $0x280, $0x38;
	[tilespmem:$0x13110] =	vst v63  }
0x213: {  	_ =	swait.ge [sflag:s17], $0x280  }
0x214: {  	[sflag:s17] =	ssyncset.done $0x0  }
0x215: {  	s25 =	rddreg [dreg:$0xc];
	[sflag:s17] =	ssyncadd.s32 $0xFFFFFD80  }
0x216: {  	[hbm4b:s25+s5] =	stream.linear.scatter [tilespmem:s11], [sflag:$0x3], $0x280, $0x38;
	[tilespmem:$0x13110] =	vst v63  }
0x217: {  	_ =	swait.ge [sflag:s17], $0x280  }
0x218: {  	s0 =	sadd.s32 $0x1, s0;
	s26 =	rddreg [dreg:$0xd]  }
0x219: {  	p0 =	sne.s32 s0, s26  }
.Ltmp4:
0x21a: {  	_ = 	snop;
	(pc) =	sbr.rel @p0 .LBB2_1-.Ltmp4, $3  }
0x21b: {  	_ =	sdelay $0x1  }
0x21c: {  	[sflag:s17] =	ssyncset.done $0x0  }
0x21d: {  	s10 =	smov.u32 s13;
	[sflag:s17] =	ssyncadd.s32 $0xFFFFFD80  }
0x21e: {  	_ =	sfence.sel $0x180000  }
0x21f: {  	[bflag:$0x0] =	sbarrier.arrive $0xFFFF  }
0x220: {  	_ =	strace $0x9000004A  }
0x221: {  	s0 =	stileid.u32;
	[bflag:$0x2] =	sbarrier.arrive $0xFFFF  }
0x222: {  	p0 =	sne.s32 s0, $0x0;
	s0 =	rddreg [dreg:$0x4]  }
0x223: {  	s0 =	sadd.s32 @!p0 $0x100000, s0  }
0x224: {  	[sflag:s0] =	ssyncadd.tile.s32 @!p0 $0x1;
	_ =	shalt  }
.Lfunc_end2:
_tile_overlayer_lowered:
.L_overlay_start_2:
0x225: {  	(tag) =	ssettag $0x2  }
0x226: {  	s0 =	rddreg [dreg:$0x0];
	s2 =	stileid.u32  }
0x227: {  	s1 =	rddreg [dreg:$0x1];
	p0 =	sne.s32 s2, $0x0  }
0x228: {  	s3 =	rddreg [dreg:$0x2];
	[bflag:$0x3] =	sbarrier.arrive $0xFFFF;
	s2 =	simm.s32 @!p0 $0x1C03  }
0x229: {  	[timem:s3], [sflag:s2] =	dma.local @!p0 [hbm:s0], s1  }
0x22a: {  	s0 =	simm.s32 @!p0 $0x3  }
0x22b: {  	_ =	swait.ge @!p0 [sflag:s0], s1  }
0x22c: {  	s1 =	ssub.s32 @!p0 $0x0, s1;
	[sflag:s0] =	ssyncset.done @!p0 $0x0  }
0x22d: {  	[sflag:s0] =	ssyncadd.s32 @!p0 s1  }
0x22e: {  	[bflag:$0x3] =	sbarrier.arrive $0xFFFF  }
0x22f: {  	_ =	shalt  }

// kernel: kernel.7.cloned.1.call-start
scs
__scs_entry_jumppad:
0x0: {  	(pc) =	sbr.rel $0x88, $3  }
0x1: {  	(tag) =	ssettag $0x0;
	lr =	simm.s32 $0x1  }
0x2: {  	[smem:$0x3F81] =	sst lr;
	_ =	strace $0xD0000000  }
0x3: {  	_ = 	snop  }
0x4: {  	_ = 	snop  }
0x5: {  	_ = 	snop  }
0x6: {  	_ = 	snop  }
0x7: {  	_ = 	snop  }
__scs_overlays_trampoline_lowered:
0x8: {  	[smem:$0x3F90] =	sst s0  }
0x9: {  	[smem:$0x3F91] =	sst s1  }
0xa: {  	[smem:$0x3F92] =	sst s2  }
0xb: {  	[smem:$0x3F93] =	sst s3  }
0xc: {  	[smem:$0x3F94] =	sst s4  }
0xd: {  	[smem:$0x3F95] =	sst s5  }
0xe: {  	[smem:$0x3F96] =	sst s6  }
0xf: {  	[smem:$0x3F97] =	sst s7  }
0x10: {  	[smem:$0x3F98] =	sst s8  }
0x11: {  	[smem:$0x3F99] =	sst s9;
	s0 =	simm.s32 @!p0 $0x0  }
0x12: {  	s1 =	sld [smem:$0x3F7F];
	s0 =	simm.s32 @p0 $0x1  }
0x13: {  	[smem:$0x3F9A] =	sst s0;
	s0 =	simm.s32 @!p1 $0x0  }
0x14: {  	s2 =	sld [smem:$0x3F7E];
	s0 =	simm.s32 @p1 $0x1  }
0x15: {  	[smem:$0x3F9B] =	sst s0;
	s0 =	simm.s32 @!p2 $0x0  }
0x16: {  	s3 =	sld [smem:$0x3FDB];
	s0 =	simm.s32 @p2 $0x1  }
0x17: {  	s4 =	simm.s32 $0x1BF5;
	[smem:$0x3F9D] =	sst s0  }
0x18: {  	s0 =	sld [smem:$0x3F80];
	_ =	swait.ge [sflag:s4], $0x0  }
0x19: {  	s7 =	sld [smem:$0x3F81]  }
0x1a: {  	s8 =	sadd.s32 $0xFFFFE003, lr  }
0x1b: {  	s9 =	sadd.s32 $0xFFFFFEF7, lr;
	s5 =	simm.s32 $0xFFFFFFFF;
	p2 =	slt.u32 s8, $0xFFFFF086  }
0x1c: {  	p1 =	slt.u32 s9, $0xF7A;
	s5 =	simm.s32 @!p2 $0x0  }
0x1d: {  	s5 =	simm.s32 @p1 $0x1;
	p0 =	seq.s32 s7, s2  }
0x1e: {  	s7 =	smul.u32 @!p0 $0xF7A, s2;
	p2 =	seq.s32 @!p0 s5, $0x0  }
0x1f: {  	s9 =	smul.u32 $0xF7A, s1;
	s8 =	simm.s32 @!p0 $0x1BF5;
	p2 =	por !p2, p0  }
0x20: {  	[sflag:s8] =	ssyncset.s32 @!p0 $0xFFFFF086;
	s6 =	sadd.s32 @!p0 s3, s7;
	s7 =	simm.s32 @!p0 $0x108  }
0x21: {  	s3 =	sadd.s32 s3, s9;
	s6 =	sadd.s32 @!p0 $0x88, s6;
	s7 =	simm.s32 @p2 $0x1082  }
0x22: {  	[simem:s7], [sflag:s8] =	dma.local @!p0 [hbm:s6], $0xF7A  }
0x23: {  	s9 =	sor.u32 $0xD0000000, s2;
	s6 =	simm.s32 $0x108;
	_ =	swait.ge @!p0 [sflag:s8], $0x0  }
0x24: {  	s3 =	sadd.s32 $0x88, s3;
	s6 =	simm.s32 @!p1 $0x1082;
	[sflag:s4] =	ssyncset.s32 $0xFFFFF086  }
0x25: {  	[simem:s6], [sflag:s4] =	dma.local [hbm:s3], $0xF7A  }
0x26: {  	[smem:$0x3F81] =	sst s1;
	(tag) =	ssettag s2;
	_ =	strace s9  }
0x27: {  	s1 =	sld [smem:$0x3F91]  }
0x28: {  	s2 =	sld [smem:$0x3F92]  }
0x29: {  	s4 =	sld [smem:$0x3F94]  }
0x2a: {  	p0 =	seq.s32 s5, $0x0;
	s5 =	sld [smem:$0x3F95]  }
0x2b: {  	s6 =	sld [smem:$0x3F96]  }
0x2c: {  	s7 =	sld [smem:$0x3F97]  }
0x2d: {  	s3 =	simm.s32 $0x108;
	s8 =	sld [smem:$0x3F98]  }
0x2e: {  	s3 =	simm.s32 @!p0 $0x1082;
	s9 =	sld [smem:$0x3F99]  }
0x2f: {  	lr =	sadd.s32 s0, s3;
	s0 =	sld [smem:$0x3F90]  }
0x30: {  	s3 =	sld [smem:$0x3F93]  }
0x31: {  	[smem:$0x3F9C] =	sst s10  }
0x32: {  	s10 =	sld [smem:$0x3F9A];
	_ =	sdelay $0x3  }
0x33: {  	p0 =	seq.s32 s10, $0x1;
	s10 =	sld [smem:$0x3F9C];
	_ =	sdelay $0x3  }
0x34: {  	[smem:$0x3F9C] =	sst s10  }
0x35: {  	s10 =	sld [smem:$0x3F9B];
	_ =	sdelay $0x3  }
0x36: {  	p1 =	seq.s32 s10, $0x1;
	s10 =	sld [smem:$0x3F9C];
	_ =	sdelay $0x3  }
0x37: {  	[smem:$0x3F9C] =	sst s10  }
0x38: {  	s10 =	sld [smem:$0x3F9D]  }
0x39: {  	_ = 	snop;
	(pc) =	sbr.ind lr, $3  }
0x3a: {  	_ = 	snop  }
0x3b: {  	_ = 	snop  }
0x3c: {  	p2 =	seq.s32 s10, $0x1;
	s10 =	sld [smem:$0x3F9C]  }
0x3d: {  	_ =	shalt  }
0x3e: {  	_ =	shalt  }
0x3f: {  	_ =	shalt  }
0x40: {  	_ =	shalt  }
0x41: {  	_ =	shalt  }
0x42: {  	_ =	shalt  }
0x43: {  	_ =	shalt  }
0x44: {  	_ =	shalt  }
0x45: {  	_ =	shalt  }
0x46: {  	_ =	shalt  }
0x47: {  	_ =	shalt  }
0x48: {  	_ =	shalt  }
0x49: {  	_ =	shalt  }
0x4a: {  	_ =	shalt  }
0x4b: {  	_ =	shalt  }
0x4c: {  	_ =	shalt  }
0x4d: {  	_ =	shalt  }
0x4e: {  	_ =	shalt  }
0x4f: {  	_ =	shalt  }
0x50: {  	_ =	shalt  }
0x51: {  	_ =	shalt  }
0x52: {  	_ =	shalt  }
0x53: {  	_ =	shalt  }
0x54: {  	_ =	shalt  }
0x55: {  	_ =	shalt  }
0x56: {  	_ =	shalt  }
0x57: {  	_ =	shalt  }
0x58: {  	_ =	shalt  }
0x59: {  	_ =	shalt  }
0x5a: {  	_ =	shalt  }
0x5b: {  	_ =	shalt  }
0x5c: {  	_ =	shalt  }
0x5d: {  	_ =	shalt  }
0x5e: {  	_ =	shalt  }
0x5f: {  	_ =	shalt  }
0x60: {  	_ =	shalt  }
0x61: {  	_ =	shalt  }
0x62: {  	_ =	shalt  }
0x63: {  	_ =	shalt  }
0x64: {  	_ =	shalt  }
0x65: {  	_ =	shalt  }
0x66: {  	_ =	shalt  }
0x67: {  	_ =	shalt  }
0x68: {  	_ =	shalt  }
0x69: {  	_ =	shalt  }
0x6a: {  	_ =	shalt  }
0x6b: {  	_ =	shalt  }
0x6c: {  	_ =	shalt  }
0x6d: {  	_ =	shalt  }
0x6e: {  	_ =	shalt  }
0x6f: {  	_ =	shalt  }
0x70: {  	_ =	shalt  }
0x71: {  	_ =	shalt  }
0x72: {  	_ =	shalt  }
0x73: {  	_ =	shalt  }
0x74: {  	_ =	shalt  }
0x75: {  	_ =	shalt  }
0x76: {  	_ =	shalt  }
0x77: {  	_ =	shalt  }
0x78: {  	_ =	shalt  }
0x79: {  	_ =	shalt  }
0x7a: {  	_ =	shalt  }
0x7b: {  	_ =	shalt  }
0x7c: {  	_ =	shalt  }
0x7d: {  	_ =	shalt  }
0x7e: {  	_ =	shalt  }
0x7f: {  	_ =	shalt  }
0x80: {  	_ =	shalt  }
0x81: {  	_ =	shalt  }
0x82: {  	_ =	shalt  }
0x83: {  	_ =	shalt  }
0x84: {  	_ =	shalt  }
0x85: {  	_ =	shalt  }
0x86: {  	_ =	shalt  }
0x87: {  	_ =	shalt  }
.Lfunc_end0:
.L_simem_size_0:
called_computation_lowered:
.L_overlay_start_0:
0x88: {  	s2 =	sld [smem:$0x3FD9]  }
0x89: {  	s3 =	sld [smem:$0x3FFE];
	_ =	sdelay $0x1  }
0x8a: {  	s1 =	srdreg.scid  }
0x8b: {  	s0 =	sand.u32 $0x1, s1  }
0x8c: {  	s17 =	sshll.u32 s0, $0xA;
	s2 =	sadd.s32 s3, s2  }
0x8d: {  	s2 =	sadd.s32 s2, s17  }
0x8e: {  	[smem:$0x3FA8] =	sst s2  }
0x8f: {  	_ = 	snop  }
0x90: {  	s2 =	sld [smem:$0x3FD0];
	(tm) =	ssettm $0x1  }
0x91: {  	s18 =	sld [smem:$0x3FFB];
	_ =	sdelay $0x3  }
0x92: {  	_ =	strace s18  }
0x93: {  	s3 =	sld [smem:$0x3FFC];
	_ =	sdelay $0x3  }
0x94: {  	_ =	strace s3  }
0x95: {  	s3 =	sld [smem:$0x3FFD];
	_ =	sdelay $0x3  }
0x96: {  	_ =	strace s3  }
0x97: {  	_ =	strace $0x8FFFFFFF  }
0x98: {  	s19 =	sld [smem:$0x3FDB];
	_ =	sdelay $0x1  }
0x99: {  	s4 =	simm.s32 $_scs_section_size  }
0x9a: {  	s5 =	simm.s32 $_size__tile_overlayer_lowered;
	s6 =	simm.s32 $_tile_overlayer_lowered  }
0x9b: {  	s22 =	simm.s32 $0x1BFF;
	s21 =	sshll.u32 s6, $0x1;
	s3 =	sadd.s32 s4, s19  }
0x9c: {  	s7 =	simm.s32 $0x0;
	s20 =	sshll.u32 s5, $0x1;
	s5 =	sadd.s32 s21, s3  }
0x9d: {  	[timem:s7], [sflag:s22] =	dma.local [hbm:s5], s20  }
0x9e: {  	_ =	swait.ge [sflag:s22], s20  }
0x9f: {  	s4 =	ssub.s32 $0x0, s20;
	[sflag:s22] =	ssyncset.done $0x0  }
0xa0: {  	[sflag:s22] =	ssyncadd.s32 s4;
	_ =	sdelay $0x1  }
0xa1: {  	s23 =	simm.s32 $0x1B8B  }
0xa2: {  	_ =	swait.ge [sflag:s23], $0x1  }
0xa3: {  	[sflag:s23] =	ssyncset.done $0x0  }
0xa4: {  	s25 =	simm.s32 $0x1B8E;
	s24 =	sld [smem:$0x3FFE];
	[sflag:s23] =	ssyncadd.s32 $0xFFFFFFFF  }
0xa5: {  	s26 =	simm.s32 $execute0_lowered;
	[smem:$0x3FD2] =	sst s25  }
0xa6: {  	s5 =	sshll.u32 s26, $0x1;
	_ =	strace $0x80000046;
	[dreg:$0x1] =	wrdreg $0xFFFFFFFF  }
0xa7: {  	s28 =	simm.s32 $_size_execute0_lowered;
	s3 =	sadd.s32 s3, s5;
	[dreg:$0x0] =	wrdreg $0x0  }
0xa8: {  	s5 =	sshll.u32 s28, $0x1;
	[dreg:$0x2] =	wrdreg s3  }
0xa9: {  	[dreg:$0x3] =	wrdreg s5  }
0xaa: {  	[dreg:$0x4] =	wrdreg $0xC0  }
0xab: {  	_ =	task [dreg:s7], $0x5FFFF  }
0xac: {  	[dreg:$0x1] =	wrdreg $0xFFFFFFFF  }
0xad: {  	[dreg:$0x0] =	wrdreg $0x60  }
0xae: {  	[dreg:$0x2] =	wrdreg s24  }
0xaf: {  	[dreg:$0x3] =	wrdreg s2  }
0xb0: {  	[dreg:$0x4] =	wrdreg $0x106900  }
0xb1: {  	[dreg:$0x5] =	wrdreg $0x12E900  }
0xb2: {  	[dreg:$0x6] =	wrdreg $0x9  }
0xb3: {  	_ =	task.clear_ibuf [dreg:s7], $0x7FFFF;
	_ =	strace $0x90000046  }
0xb4: {  	s29 =	simm.s32 $0x9;
	_ =	strace $0x80000048  }
0xb5: {  	_ =	swait.ge [sflag:s29], $0x1  }
0xb6: {  	[sflag:s29] =	ssyncadd.s32 $0xFFFFFFFF  }
0xb7: {  	_ =	strace $0x90000048  }
0xb8: {  	_ =	sfence  }
0xb9: {  	s30 =	sld [smem:$0x0];
	_ =	sdelay $0x2  }
0xba: {  	s31 =	sshll.u32 s1, $0xD;
	s1 =	sshrl.u32 s1, $0x2  }
0xbb: {  	s3 =	sand.u32 $0x4000, s31;
	s1 =	sadd.s32 s1, s30  }
0xbc: {  	s0 =	sor.u32 s3, s0;
	s1 =	sshll.u32 s1, $0x11  }
0xbd: {  	s0 =	sor.u32 s1, s0  }
0xbe: {  	s0 =	sadd.s32 $0x8F2B, s0  }
0xbf: {  	[sflag:s0] =	ssyncadd.remote.s32 $0x1  }
0xc0: {  	_ =	sfence.sel $0xFFFF  }
0xc1: {  	[dreg:$0x0] =	wrdreg $0xFFFFFFFF;
	(pc) =	sbr.abs _section_cstart, $3  }
0xc2: {  	[dreg:$0x1] =	wrdreg $0xFFFFFFFF  }
0xc3: {  	_ =	task.clear_ibuf [dreg:s7], $0x2FFFF;
	_ =	strace $0x9FFFFFFF  }
0xc4: {  	(tm) =	ssettm $0x7FFFFFFF  }
0xc5: {  	_ =	shalt  }
tec
execute0_lowered:
.L_overlay_start_1:
0x0: {  	(tag) =	ssettag $0x1  }
0x1: {  	s1 =	rddreg [dreg:$0x0]  }
0x2: {  	s0 =	srdreg.scid;
	s3 =	rddreg [dreg:$0x2]  }
0x3: {  	s8 =	stileid.u32;
	s4 =	rddreg [dreg:$0x3]  }
0x4: {  	s5 =	simm.s32 $0x0;
	s17 =	simm.s32 $0x3;
	s18 =	simm.s32 $0x80  }
0x5: {  	s19 =	simm.s32 $0xCB10;
	s28 =	simm.s32 $0xD310;
	s29 =	simm.s32 $0x1  }
0x6: {  	s30 =	simm.s32 $0xDB10;
	s31 =	simm.s32 $0x2;
	s6 =	smul.u32 $0x2800, s8  }
0x7: {  	s0 =	sand.u32 $0x1, s0;
	[smem:$0x7FF] =	sst s5;
	s9 =	smul.u32 $0x280, s8  }
0x8: {  	s22 =	sadd.s32 $0x7DA00, s1;
	s23 =	sadd.s32 $0x4A00, s1;
	s2 =	sshll.u32 s0, $0x4  }
0x9: {  	s7 =	smul.u32 $0x28000, s0;
	_ =	strace $0x80000047;
	[dreg:$0x5] =	wrdreg s22  }
0xa: {  	s10 =	smul.u32 $0x2800, s0;
	[dreg:$0x6] =	wrdreg s23;
	s0 =	ssub.s32 $0x2, s0  }
0xb: {  	s22 =	simm.s32 $0x7B00;
	s23 =	simm.s32 $0xA300;
	s2 =	sor.u32 s8, s2  }
0xc: {  	s8 =	sadd.s32 $0x5000, s1;
	s11 =	sshrl.u32 s0, $0x1;
	s2 =	smul.u32 $0x520, s2  }
0xd: {  	s7 =	sadd.s32 s6, s7;
	s10 =	sadd.s32 s9, s10;
	s0 =	ssub.s32 s0, s11  }
0xe: {  	s9 =	sadd.s32 s9, s4;
	s11 =	simm.s32 $0xDC10;
	s7 =	sshrl.u32 s7, $0x3  }
0xf: {  	s0 =	smax.u32 s0, $0x1;
	[dreg:$0xa] =	wrdreg s9;
	s2 =	sadd.s32 s2, s1  }
0x10: {  	s10 =	sshrl.u32 s10, $0x3;
	[dreg:$0xd] =	wrdreg s0;
	s24 =	sadd.s32 $0x54A00, s2  }
0x11: {  	s7 =	sadd.s32 s7, s1;
	s25 =	sadd.s32 $0x5EE00, s2;
	[dreg:$0x7] =	wrdreg s24  }
0x12: {  	s1 =	sadd.s32 s10, s1;
	s2 =	sadd.s32 $0x73600, s2;
	[dreg:$0x8] =	wrdreg s25  }
0x13: {  	s10 =	sadd.s32 s6, s3;
	s26 =	sadd.s32 $0xA000, s7;
	[dreg:$0x9] =	wrdreg s2  }
0x14: {  	v1 =	vimm.s32 $0x0;
	vm0 =	vcmask $0x300;
	s0 =	simm.s32 $0x0;
	s1 =	sadd.s32 $0x14000, s1;
	[dreg:$0xb] =	wrdreg s26  }
0x15: {  	v0 =	vimm.f32 $0.0e+00;
	v1 =	vsel vm0, $0x3, v1;
	s7 =	simm.s32 $0xDE90;
	[dreg:$0xc] =	wrdreg s1;
	s1 =	simm.s32 $0xDB90  }
.LBB2_1:
0x16: {  	s2 =	rddreg [dreg:$0x7]  }
0x17: {  	[tilespmem:s5], [sflag:$0x3] =	stream.linear.gather [hbm4b:s2+s5], $0x2900, $0x38;
	[tilespmem:$0x13110] =	vst v63  }
0x18: {  	_ =	swait.ge [sflag:s17], $0x2900  }
0x19: {  	[sflag:s17] =	ssyncset.done $0x0  }
0x1a: {  	[sflag:s17] =	ssyncadd.s32 $0xFFFFD700  }
0x1b: {  	[tilespmem:s19], [sflag:$0x1] =	stream.indirect.gather [hbm4b:s8+s18], $0x10, s5, s18, $0xb8;
	[tilespmem:$0x13110] =	vst v63  }
0x1c: {  	s6 =	simm.s32 $0x2900;
	s15 =	rddreg [dreg:$0x8]  }
0x1d: {  	[tilespmem:s6], [sflag:$0x3] =	stream.linear.gather [hbm4b:s15+s5], $0x2900, $0x38;
	[tilespmem:$0x13110] =	vst v63  }
0x1e: {  	_ =	swait.ge [sflag:s17], $0x2900  }
0x1f: {  	[sflag:s17] =	ssyncset.done $0x0  }
0x20: {  	s20 =	simm.s32 $0x5200;
	s16 =	rddreg [dreg:$0x9];
	[sflag:s17] =	ssyncadd.s32 $0xFFFFD700  }
0x21: {  	[tilespmem:s20], [sflag:$0x3] =	stream.linear.gather [hbm4b:s16+s5], $0x2900, $0x38;
	[tilespmem:$0x13110] =	vst v63  }
0x22: {  	_ =	swait.ge [sflag:s17], $0x2900  }
0x23: {  	[sflag:s17] =	ssyncset.done $0x0  }
0x24: {  	s21 =	rddreg [dreg:$0x5];
	[sflag:s17] =	ssyncadd.s32 $0xFFFFD700  }
0x25: {  	[tilespmem:s22], [sflag:$0x3] =	stream.linear.gather [hbm4b:s21+s5], $0x2800, $0x38;
	[tilespmem:$0x13110] =	vst v63  }
0x26: {  	_ =	swait.ge [sflag:s17], $0x2800  }
0x27: {  	[sflag:s17] =	ssyncset.done $0x0  }
0x28: {  	s24 =	rddreg [dreg:$0x6];
	[sflag:s17] =	ssyncadd.s32 $0xFFFFD800  }
0x29: {  	[tilespmem:s23], [sflag:$0x3] =	stream.linear.gather [hbm4b:s24+s5], $0x2800, $0x38;
	[tilespmem:$0x13110] =	vst v63  }
0x2a: {  	_ =	swait.ge [sflag:s17], $0x2800  }
0x2b: {  	[sflag:s17] =	ssyncset.done $0x0  }
0x2c: {  	[sflag:s17] =	ssyncadd.s32 $0xFFFFD800  }
0x2d: {  	s26 =	simm.s32 $0xCB00;
	s25 =	rddreg [dreg:$0x1]  }
0x2e: {  	[tilespmem:s26], [sflag:$0x3] =	stream.linear.gather [hbm4b:s25+s5], $0x10, $0x38;
	[tilespmem:$0x13110] =	vst v63  }
0x2f: {  	_ =	swait.ge [sflag:s17], $0x10  }
0x30: {  	[sflag:s17] =	ssyncset.done $0x0  }
0x31: {  	s2 =	simm.s32 $0x40;
	s6 =	simm.s32 $0x0;
	[sflag:s17] =	ssyncadd.s32 $0xFFFFFFF0  }
.LBB2_2:
0x32: {  	p0 =	sne.s32 s2, $0x9FC0;
	[tilespmem:s6+$0xDE90] =	vst v0;
	s6 =	smov.u32 s2;
	s2 =	sadd.s32 $0x40, s2  }
.Ltmp0:
0x33: {  	(pc) =	sbr.rel @p0 .LBB2_2-.Ltmp0, $2  }
0x34: {  	_ =	sdelay $0x2  }
0x35: {  	s6 =	sshra.s32 s6, $0x2  }
0x36: {  	[tilespmem:s6+$0xDE90] =	vst v0  }
0x37: {  	[tilespmem:$0xDC10] =	vst v0  }
0x38: {  	[tilespmem:$0xDC20] =	vst v0  }
0x39: {  	[tilespmem:$0xDC30] =	vst v0  }
0x3a: {  	[tilespmem:$0xDC40] =	vst v0  }
0x3b: {  	[tilespmem:$0xDC50] =	vst v0  }
0x3c: {  	[tilespmem:$0xDC60] =	vst v0  }
0x3d: {  	[tilespmem:$0xDC70] =	vst v0  }
0x3e: {  	[tilespmem:$0xDC80] =	vst v0  }
0x3f: {  	[tilespmem:$0xDC90] =	vst v0  }
0x40: {  	[tilespmem:$0xDCA0] =	vst v0  }
0x41: {  	[tilespmem:$0xDCB0] =	vst v0  }
0x42: {  	[tilespmem:$0xDCC0] =	vst v0  }
0x43: {  	[tilespmem:$0xDCD0] =	vst v0  }
0x44: {  	[tilespmem:$0xDCE0] =	vst v0  }
0x45: {  	[tilespmem:$0xDCF0] =	vst v0  }
0x46: {  	[tilespmem:$0xDD00] =	vst v0  }
0x47: {  	[tilespmem:$0xDD10] =	vst v0  }
0x48: {  	[tilespmem:$0xDD20] =	vst v0  }
0x49: {  	[tilespmem:$0xDD30] =	vst v0  }
0x4a: {  	[tilespmem:$0xDD40] =	vst v0  }
0x4b: {  	[tilespmem:$0xDD50] =	vst v0  }
0x4c: {  	[tilespmem:$0xDD60] =	vst v0  }
0x4d: {  	[tilespmem:$0xDD70] =	vst v0  }
0x4e: {  	[tilespmem:$0xDD80] =	vst v0  }
0x4f: {  	[tilespmem:$0xDD90] =	vst v0  }
0x50: {  	[tilespmem:$0xDDA0] =	vst v0  }
0x51: {  	[tilespmem:$0xDDB0] =	vst v0  }
0x52: {  	[tilespmem:$0xDDC0] =	vst v0  }
0x53: {  	[tilespmem:$0xDDD0] =	vst v0  }
0x54: {  	[tilespmem:$0xDDE0] =	vst v0  }
0x55: {  	[tilespmem:$0xDDF0] =	vst v0  }
0x56: {  	[tilespmem:$0xDE00] =	vst v0  }
0x57: {  	[tilespmem:$0xDE10] =	vst v0  }
0x58: {  	[tilespmem:$0xDE20] =	vst v0  }
0x59: {  	[tilespmem:$0xDE30] =	vst v0  }
0x5a: {  	[tilespmem:$0xDE40] =	vst v0  }
0x5b: {  	[tilespmem:$0xDE50] =	vst v0  }
0x5c: {  	[tilespmem:$0xDE60] =	vst v0  }
0x5d: {  	[tilespmem:$0xDE70] =	vst v0  }
0x5e: {  	[tilespmem:$0xDE80] =	vst v0  }
0x5f: {  	[spmem:s10] =	stream.linear.scatter [tilespmem:s7], [sflag:$0x3], $0x2800, $0x38;
	[tilespmem:$0x13110] =	vst v63  }
0x60: {  	_ =	swait.ge [sflag:s17], $0x2800  }
0x61: {  	[sflag:s17] =	ssyncset.done $0x0  }
0x62: {  	[sflag:s17] =	ssyncadd.s32 $0xFFFFD800  }
0x63: {  	[spmem:s9] =	stream.linear.scatter [tilespmem:s11], [sflag:$0x3], $0x280, $0x38;
	[tilespmem:$0x13110] =	vst v63  }
0x64: {  	_ =	swait.ge [sflag:s17], $0x280  }
0x65: {  	[sflag:s17] =	ssyncset.done $0x0  }
0x66: {  	[sflag:s17] =	ssyncadd.s32 $0xFFFFFD80  }
0x67: {  	[bflag:$0x0] =	sbarrier.arrive $0xFFFF  }
0x68: {  	s13 =	smov.u32 s10;
	s2 =	simm.s32 $0x0;
	v2 =	vld [tilespmem:$0xCB00]  }
.LBB2_4:
0x69: {  	s21 =	sshllo.u32 s2, $0x1  }
0x6a: {  	s6 =	sshll.u32 s21, $0x9  }
0x6b: {  	s20 =	sshrl.u32 s6, $0x2  }
0x6c: {  	[tilespmem:s28], [sflag:$0x2] =	stream.indirect.gather [hbm4b:s8+s18], $0x10, s20, s18, $0xb8;
	[tilespmem:$0x13110] =	vst v63  }
0x6d: {  	_ =	swait.ge [sflag:s29], $0x800  }
0x6e: {  	s24 =	sshll.u32 s2, $0x8;
	[sflag:s29] =	ssyncset.done $0x0  }
0x6f: {  	p0 =	por $0x1, $0x1;
	s7 =	simm.s32 $0x0;
	[sflag:s29] =	ssyncadd.s32 $0xFFFFF800  }
.LBB2_5:
0x70: {  	s6 =	sshll.u32 s7, $0x4  }
0x71: {  	s14 =	sor.u32 s24, s6  }
0x72: {  	v3 =	vld [tilespmem:s14+$0x0]  }
0x73: {  	s11 =	sor.u32 $0x10, s6;
	v4 =	vld [tilespmem:s14+$0x2900]  }
0x74: {  	s15 =	sor.u32 s24, s11;
	v9 =	vld [tilespmem:s14+$0x5200]  }
0x75: {  	s10 =	sor.u32 $0x20, s6;
	v5 =	vld [tilespmem:s15+$0x0]  }
0x76: {  	s16 =	sor.u32 s24, s10;
	v6 =	vld [tilespmem:s15+$0x2900]  }
0x77: {  	s9 =	sor.u32 $0x30, s6;
	v7 =	vld [tilespmem:s16+$0x0]  }
0x78: {  	s26 =	sor.u32 s24, s9;
	v8 =	vld [tilespmem:s16+$0x2900]  }
0x79: {  	v10 =	vld [tilespmem:s26+$0x0]  }
0x7a: {  	v11 =	vld [tilespmem:s26+$0x2900]  }
0x7b: {  	v12 =	vld [tilespmem:s15+$0x5200]  }
0x7c: {  	v3 =	vld.idx.msk [tilespmem:v3+s22+$0x0], $0xffff  }
0x7d: {  	v4 =	vld.idx.msk [tilespmem:v4+s23+$0x0], $0xffff  }
0x7e: {  	v5 =	vld.idx.msk [tilespmem:v5+s22+$0x0], $0xffff  }
0x7f: {  	v6 =	vld.idx.msk [tilespmem:v6+s23+$0x0], $0xffff  }
0x80: {  	v7 =	vld.idx.msk [tilespmem:v7+s22+$0x0], $0xffff  }
0x81: {  	v50 =	vld.idx.msk [tilespmem:v8+s23+$0x0], $0xffff  }
0x82: {  	v52 =	vld.idx.msk [tilespmem:v10+s22+$0x0], $0xffff;
	v3 =	vadd.f32 v4, v3  }
0x83: {  	v53 =	vld.idx.msk [tilespmem:v11+s23+$0x0], $0xffff  }
0x84: {  	v51 =	vld [tilespmem:s16+$0x5200];
	v3 =	vadd.f32 v9, v3  }
0x85: {  	v55 =	vld [tilespmem:s26+$0x5200];
	v5 =	vadd.f32 v6, v5  }
0x86: {  	v54 =	vmul.f32 $2.000000030e-01, v3  }
0x87: {  	v4 =	vadd.f32 v50, v7;
	v5 =	vadd.f32 v12, v5  }
0x88: {  	v57 =	vadd.f32 v53, v52;
	v3 =	vmax.f32 v3, v54  }
0x89: {  	v4 =	vadd.f32 v51, v4;
	v56 =	vmul.f32 $2.000000030e-01, v5;
	v3 =	vsub.f32 v3, v2  }
0x8a: {  	v6 =	vadd.f32 v55, v57  }
0x8b: {  	v58 =	vmul.f32 $2.000000030e-01, v4;
	v5 =	vmax.f32 v5, v56;
	v3 =	vmul.f32 $1.442695020e+00, v3  }
0x8c: {  	v60 =	vmov s6;
	v5 =	vsub.f32 v5, v2  }
0x8d: {  	v59 =	vmul.f32 $2.000000030e-01, v6;
	(erf) = vpow2.f32 v3;
	v3 =	vmax.f32 v4, v58  }
0x8e: {  	v7 =	vshrl.u32 v60, $0x3;
	v5 =	vmul.f32 $1.442695020e+00, v5;
	v3 =	vsub.f32 v3, v2  }
0x8f: {  	v61 =	vshll.u32 v7, v1;
	v4 =	vmax.f32 v6, v59  }
0x90: {  	(erf) = vpow2.f32 v5;
	v4 =	vsub.f32 v4, v2;
	v3 =	vmul.f32 $1.442695020e+00, v3  }
0x91: {  	v63 =	vbroadcast v61, $0x0  }
0x92: {  	(erf) = vpow2.f32 v3;
	v3 =	vmul.f32 $1.442695020e+00, v4  }
0x93: {  	v62 =	vmov s11  }
0x94: {  	v10 =	vshrl.u32 v62, $0x3;
	v11 =	vmov s10;
	(erf) = vpow2.f32 v3  }
0x95: {  	v12 =	vshrl.u32 v11, $0x3;
	v5 =	vshll.u32 v10, v1  }
0x96: {  	v13 =	vmov s9;
	s14 =	sor.u32 $0x1, s6;
	v3 =	vbroadcast v5, $0x0;
	v5 =	vshll.u32 v12, v1;
	v14 =	vpop (erf)  }
0x97: {  	s12 =	sshll.u32 s7, $0x8;
	v15 =	vmov s14;
	v6 =	vshrl.u32 v13, $0x3;
	v5 =	vbroadcast v5, $0x0;
	[tilespmem:s6+$0xDB10] =	vst v14  }
0x98: {  	s15 =	sand.u32 $0x3FFFFF00, s12;
	v7 =	vshrl.u32 v15, $0x3;
	v6 =	vshll.u32 v6, v1;
	v4 =	vld.idx.msk [tilespmem:v63+s30+$0x0], $0xffff  }
0x99: {  	s11 =	sshll.u32 s11, $0x4;
	s16 =	sor.u32 $0x11, s6;
	v7 =	vshll.u32 v7, v1;
	v6 =	vbroadcast v6, $0x0;
	v16 =	vpop (erf);
	v17 =	vld [tilespmem:s15+$0xCB10]  }
0x9a: {  	s11 =	sand.u32 $0x3FFFFF00, s11;
	v18 =	vmov s16;
	v7 =	vor.u32 $0x1, v7;
	[tilespmem:s6+$0xDB20] =	vst v16  }
0x9b: {  	s25 =	sor.u32 $0x21, s6;
	v8 =	vshrl.u32 v18, $0x3;
	v7 =	vbroadcast v7, $0x0;
	v20 =	vld [tilespmem:s11+$0xCB10];
	v19 =	vpop (erf)  }
0x9c: {  	v21 =	vmov s25;
	s26 =	sor.u32 $0x31, s6;
	s10 =	sshll.u32 s10, $0x4;
	v8 =	vshll.u32 v8, v1;
	v3 =	vld.idx.msk [tilespmem:v3+s30+$0x0], $0xffff;
	[tilespmem:s6+$0xDB30] =	vst v19  }
0x9d: {  	v23 =	vmov s26;
	s10 =	sand.u32 $0x3FFFFF00, s10;
	v8 =	vor.u32 $0x1, v8;
	v10 =	vshrl.u32 v21, $0x3;
	v5 =	vld.idx.msk [tilespmem:v5+s30+$0x0], $0xffff;
	v22 =	vpop (erf)  }
0x9e: {  	s9 =	sshll.u32 s9, $0x4;
	v8 =	vbroadcast v8, $0x0;
	v10 =	vshll.u32 v10, v1;
	v13 =	vld [tilespmem:s10+$0xCB10];
	v4 =	vmul.f32 v17, v4;
	[tilespmem:s6+$0xDB40] =	vst v22  }
0x9f: {  	s12 =	sor.u32 $0x2, s6;
	s9 =	sand.u32 $0x3FFFFF00, s9;
	v25 =	vshrl.u32 v23, $0x3;
	v24 =	vor.u32 $0x1, v10;
	v6 =	vld.idx.msk [tilespmem:v6+s30+$0x0], $0xffff  }
0xa0: {  	s14 =	sshll.u32 s14, $0x4;
	v26 =	vmov s12;
	v10 =	vshll.u32 v25, v1;
	v9 =	vbroadcast v24, $0x0;
	v14 =	vld [tilespmem:s9+$0xCB10];
	[tilespmem:s15+$0xCB10] =	vst v4  }
0xa1: {  	s14 =	sand.u32 $0x3FFFFF10, s14;
	v27 =	vshrl.u32 v26, $0x3;
	v10 =	vor.u32 $0x1, v10;
	v3 =	vmul.f32 v20, v3;
	v7 =	vld.idx.msk [tilespmem:v7+s30+$0x0], $0xffff  }
0xa2: {  	v10 =	vbroadcast v10, $0x0;
	v4 =	vshll.u32 v27, v1;
	s15 =	sor.u32 $0x12, s6;
	v28 =	vld [tilespmem:s14+$0xCB10]  }
0xa3: {  	s16 =	sshll.u32 s16, $0x4;
	v4 =	vadd.s32 $0x2, v4;
	[tilespmem:s11+$0xCB10] =	vst v3;
	v3 =	vmov s15;
	v5 =	vmul.f32 v13, v5  }
0xa4: {  	v4 =	vbroadcast v4, $0x0;
	s11 =	sand.u32 $0x3FFFFF10, s16;
	s16 =	sor.u32 $0x22, s6;
	v8 =	vld.idx.msk [tilespmem:v8+s30+$0x0], $0xffff;
	v3 =	vshrl.u32 v3, $0x3  }
0xa5: {  	s25 =	sshll.u32 s25, $0x4;
	v29 =	vld [tilespmem:s11+$0xCB10];
	v30 =	vmov s16;
	v3 =	vshll.u32 v3, v1;
	[tilespmem:s10+$0xCB10] =	vst v5;
	v6 =	vmul.f32 v14, v6  }
0xa6: {  	v3 =	vadd.s32 $0x2, v3;
	s10 =	sand.u32 $0x3FFFFF10, s25;
	v5 =	vshrl.u32 v30, $0x3;
	s25 =	sor.u32 $0x32, s6;
	v9 =	vld.idx.msk [tilespmem:v9+s30+$0x0], $0xffff  }
0xa7: {  	v31 =	vld [tilespmem:s10+$0xCB10];
	v5 =	vshll.u32 v5, v1;
	v32 =	vmov s25;
	v7 =	vmul.f32 v28, v7;
	[tilespmem:s9+$0xCB10] =	vst v6;
	s9 =	sshll.u32 s26, $0x4  }
0xa8: {  	v3 =	vbroadcast v3, $0x0;
	v5 =	vadd.s32 $0x2, v5;
	v6 =	vshrl.u32 v32, $0x3;
	v10 =	vld.idx.msk [tilespmem:v10+s30+$0x0], $0xffff;
	s9 =	sand.u32 $0x3FFFFF10, s9  }
0xa9: {  	s12 =	sshll.u32 s12, $0x4;
	s26 =	sor.u32 $0x3, s6;
	v5 =	vbroadcast v5, $0x0;
	v6 =	vshll.u32 v6, v1;
	[tilespmem:s14+$0xCB10] =	vst v7;
	v34 =	vld [tilespmem:s9+$0xCB10]  }
0xaa: {  	s12 =	sand.u32 $0x3FFFFF20, s12;
	v33 =	vmov s26;
	v8 =	vmul.f32 v29, v8;
	s14 =	sor.u32 $0x13, s6;
	v6 =	vadd.s32 $0x2, v6;
	v4 =	vld.idx.msk [tilespmem:v4+s30+$0x0], $0xffff  }
0xab: {  	s15 =	sshll.u32 s15, $0x4;
	v35 =	vshrl.u32 v33, $0x3;
	v36 =	vld [tilespmem:s12+$0xCB10];
	v37 =	vmov s14;
	v6 =	vbroadcast v6, $0x0  }
0xac: {  	v7 =	vshll.u32 v35, v1;
	[tilespmem:s11+$0xCB10] =	vst v8;
	s11 =	sand.u32 $0x3FFFFF20, s15;
	v8 =	vshrl.u32 v37, $0x3;
	s15 =	sor.u32 $0x23, s6;
	v9 =	vmul.f32 v31, v9  }
0xad: {  	v7 =	vadd.s32 $0x3, v7;
	v38 =	vld [tilespmem:s11+$0xCB10];
	v8 =	vshll.u32 v8, v1;
	v39 =	vmov s15  }
0xae: {  	s16 =	sshll.u32 s16, $0x4;
	v7 =	vbroadcast v7, $0x0;
	v3 =	vld.idx.msk [tilespmem:v3+s30+$0x0], $0xffff;
	v8 =	vadd.s32 $0x3, v8;
	[tilespmem:s10+$0xCB10] =	vst v9;
	v10 =	vmul.f32 v34, v10  }
0xaf: {  	s10 =	sand.u32 $0x3FFFFF20, s16;
	v9 =	vshrl.u32 v39, $0x3;
	s16 =	sor.u32 $0x33, s6;
	v8 =	vbroadcast v8, $0x0;
	v5 =	vld.idx.msk [tilespmem:v5+s30+$0x0], $0xffff  }
0xb0: {  	v40 =	vld [tilespmem:s10+$0xCB10];
	v9 =	vshll.u32 v9, v1;
	v41 =	vmov s16;
	v4 =	vmul.f32 v36, v4;
	[tilespmem:s9+$0xCB10] =	vst v10;
	s9 =	sshll.u32 s25, $0x4  }
0xb1: {  	s26 =	sshll.u32 s26, $0x4;
	v9 =	vadd.s32 $0x3, v9;
	v10 =	vshrl.u32 v41, $0x3;
	v6 =	vld.idx.msk [tilespmem:v6+s30+$0x0], $0xffff;
	s9 =	sand.u32 $0x3FFFFF20, s9  }
0xb2: {  	s25 =	sor.u32 $0x4, s6;
	v9 =	vbroadcast v9, $0x0;
	[tilespmem:s12+$0xCB10] =	vst v4;
	s12 =	sand.u32 $0x3FFFFF30, s26;
	v10 =	vshll.u32 v10, v1;
	v43 =	vld [tilespmem:s9+$0xCB10]  }
0xb3: {  	v42 =	vmov s25;
	v3 =	vmul.f32 v38, v3;
	v45 =	vld [tilespmem:s12+$0xCB10];
	v10 =	vadd.s32 $0x3, v10  }
0xb4: {  	s14 =	sshll.u32 s14, $0x4;
	s26 =	sor.u32 $0x14, s6;
	v44 =	vshrl.u32 v42, $0x3;
	v7 =	vld.idx.msk [tilespmem:v7+s30+$0x0], $0xffff;
	v10 =	vbroadcast v10, $0x0  }
0xb5: {  	v4 =	vshll.u32 v44, v1;
	[tilespmem:s11+$0xCB10] =	vst v3;
	v3 =	vmov s26;
	v5 =	vmul.f32 v40, v5;
	s11 =	sand.u32 $0x3FFFFF30, s14;
	s14 =	sor.u32 $0x24, s6  }
0xb6: {  	v4 =	vadd.s32 $0x4, v4;
	v8 =	vld.idx.msk [tilespmem:v8+s30+$0x0], $0xffff;
	v3 =	vshrl.u32 v3, $0x3;
	v47 =	vmov s14  }
0xb7: {  	s15 =	sshll.u32 s15, $0x4;
	v46 =	vld [tilespmem:s11+$0xCB10];
	v4 =	vbroadcast v4, $0x0;
	v3 =	vshll.u32 v3, v1;
	[tilespmem:s10+$0xCB10] =	vst v5;
	v6 =	vmul.f32 v43, v6  }
0xb8: {  	s10 =	sand.u32 $0x3FFFFF30, s15;
	v5 =	vshrl.u32 v47, $0x3;
	s15 =	sor.u32 $0x34, s6;
	v3 =	vadd.s32 $0x4, v3;
	v9 =	vld.idx.msk [tilespmem:v9+s30+$0x0], $0xffff  }
0xb9: {  	v48 =	vld [tilespmem:s10+$0xCB10];
	v5 =	vshll.u32 v5, v1;
	v49 =	vmov s15;
	v7 =	vmul.f32 v45, v7;
	[tilespmem:s9+$0xCB10] =	vst v6;
	s9 =	sshll.u32 s16, $0x4  }
0xba: {  	s25 =	sshll.u32 s25, $0x4;
	v3 =	vbroadcast v3, $0x0;
	v5 =	vadd.s32 $0x4, v5;
	v6 =	vshrl.u32 v49, $0x3;
	v10 =	vld.idx.msk [tilespmem:v10+s30+$0x0], $0xffff;
	s9 =	sand.u32 $0x3FFFFF30, s9  }
0xbb: {  	v5 =	vbroadcast v5, $0x0;
	s16 =	sor.u32 $0x5, s6;
	[tilespmem:s12+$0xCB10] =	vst v7;
	s12 =	sand.u32 $0x3FFFFF40, s25;
	v6 =	vshll.u32 v6, v1;
	v51 =	vld [tilespmem:s9+$0xCB10]  }
0xbc: {  	v8 =	vmul.f32 v46, v8;
	s25 =	sor.u32 $0x15, s6;
	v50 =	vmov s16;
	v53 =	vld [tilespmem:s12+$0xCB10];
	v6 =	vadd.s32 $0x4, v6  }
0xbd: {  	s26 =	sshll.u32 s26, $0x4;
	v54 =	vmov s25;
	v52 =	vshrl.u32 v50, $0x3;
	v4 =	vld.idx.msk [tilespmem:v4+s30+$0x0], $0xffff;
	v6 =	vbroadcast v6, $0x0  }
0xbe: {  	[tilespmem:s11+$0xCB10] =	vst v8;
	v9 =	vmul.f32 v48, v9;
	s11 =	sand.u32 $0x3FFFFF40, s26;
	v8 =	vshrl.u32 v54, $0x3;
	s26 =	sor.u32 $0x25, s6;
	v7 =	vshll.u32 v52, v1  }
0xbf: {  	v55 =	vld [tilespmem:s11+$0xCB10];
	v8 =	vshll.u32 v8, v1;
	v56 =	vmov s26;
	v7 =	vadd.s32 $0x5, v7  }
0xc0: {  	s14 =	sshll.u32 s14, $0x4;
	v3 =	vld.idx.msk [tilespmem:v3+s30+$0x0], $0xffff;
	[tilespmem:s10+$0xCB10] =	vst v9;
	v8 =	vadd.s32 $0x5, v8;
	v7 =	vbroadcast v7, $0x0;
	v10 =	vmul.f32 v51, v10  }
0xc1: {  	s10 =	sand.u32 $0x3FFFFF40, s14;
	v9 =	vshrl.u32 v56, $0x3;
	s14 =	sor.u32 $0x35, s6;
	v5 =	vld.idx.msk [tilespmem:v5+s30+$0x0], $0xffff;
	v8 =	vbroadcast v8, $0x0  }
0xc2: {  	v57 =	vld [tilespmem:s10+$0xCB10];
	v9 =	vshll.u32 v9, v1;
	v58 =	vmov s14;
	v4 =	vmul.f32 v53, v4;
	[tilespmem:s9+$0xCB10] =	vst v10;
	s9 =	sshll.u32 s15, $0x4  }
0xc3: {  	s16 =	sshll.u32 s16, $0x4;
	v9 =	vadd.s32 $0x5, v9;
	v10 =	vshrl.u32 v58, $0x3;
	v6 =	vld.idx.msk [tilespmem:v6+s30+$0x0], $0xffff;
	s9 =	sand.u32 $0x3FFFFF40, s9  }
0xc4: {  	v9 =	vbroadcast v9, $0x0;
	s15 =	sor.u32 $0x6, s6;
	[tilespmem:s12+$0xCB10] =	vst v4;
	s12 =	sand.u32 $0x3FFFFF50, s16;
	v10 =	vshll.u32 v10, v1;
	v60 =	vld [tilespmem:s9+$0xCB10]  }
0xc5: {  	v3 =	vmul.f32 v55, v3;
	v59 =	vmov s15;
	v62 =	vld [tilespmem:s12+$0xCB10];
	v10 =	vadd.s32 $0x5, v10  }
0xc6: {  	s16 =	sor.u32 $0x16, s6;
	v61 =	vshrl.u32 v59, $0x3;
	v7 =	vld.idx.msk [tilespmem:v7+s30+$0x0], $0xffff;
	v10 =	vbroadcast v10, $0x0  }
0xc7: {  	s25 =	sshll.u32 s25, $0x4;
	v5 =	vmul.f32 v57, v5;
	[tilespmem:s11+$0xCB10] =	vst v3;
	v3 =	vmov s16;
	v4 =	vshll.u32 v61, v1  }
0xc8: {  	s26 =	sshll.u32 s26, $0x4;
	s11 =	sand.u32 $0x3FFFFF50, s25;
	s25 =	sor.u32 $0x26, s6;
	v8 =	vld.idx.msk [tilespmem:v8+s30+$0x0], $0xffff;
	v3 =	vshrl.u32 v3, $0x3;
	v4 =	vadd.s32 $0x6, v4  }
0xc9: {  	v63 =	vld [tilespmem:s11+$0xCB10];
	[tilespmem:s10+$0xCB10] =	vst v5;
	v16 =	vmov s25;
	s10 =	sand.u32 $0x3FFFFF50, s26;
	s26 =	sor.u32 $0x36, s6;
	v4 =	vbroadcast v4, $0x0;
	v6 =	vmul.f32 v60, v6  }
0xca: {  	v3 =	vshll.u32 v3, v1;
	v9 =	vld.idx.msk [tilespmem:v9+s30+$0x0], $0xffff;
	v5 =	vshrl.u32 v16, $0x3;
	v18 =	vmov s26  }
0xcb: {  	v17 =	vld [tilespmem:s10+$0xCB10];
	v3 =	vadd.s32 $0x6, v3;
	v5 =	vshll.u32 v5, v1;
	v7 =	vmul.f32 v62, v7;
	[tilespmem:s9+$0xCB10] =	vst v6;
	s9 =	sshll.u32 s14, $0x4  }
0xcc: {  	s15 =	sshll.u32 s15, $0x4;
	v3 =	vbroadcast v3, $0x0;
	v5 =	vadd.s32 $0x6, v5;
	s14 =	sor.u32 $0x7, s6;
	v6 =	vshrl.u32 v18, $0x3;
	v10 =	vld.idx.msk [tilespmem:v10+s30+$0x0], $0xffff;
	s9 =	sand.u32 $0x3FFFFF50, s9  }
0xcd: {  	v5 =	vbroadcast v5, $0x0;
	[tilespmem:s12+$0xCB10] =	vst v7;
	s12 =	sand.u32 $0x3FFFFF60, s15;
	v19 =	vmov s14;
	v6 =	vshll.u32 v6, v1;
	v20 =	vld [tilespmem:s9+$0xCB10]  }
0xce: {  	v8 =	vmul.f32 v63, v8;
	v22 =	vld [tilespmem:s12+$0xCB10];
	v21 =	vshrl.u32 v19, $0x3;
	v6 =	vadd.s32 $0x6, v6  }
0xcf: {  	s16 =	sshll.u32 s16, $0x4;
	s15 =	sor.u32 $0x17, s6;
	v4 =	vld.idx.msk [tilespmem:v4+s30+$0x0], $0xffff;
	v7 =	vshll.u32 v21, v1;
	v6 =	vbroadcast v6, $0x0  }
0xd0: {  	v9 =	vmul.f32 v17, v9;
	[tilespmem:s11+$0xCB10] =	vst v8;
	v23 =	vmov s15;
	s11 =	sand.u32 $0x3FFFFF60, s16;
	v7 =	vadd.s32 $0x7, v7  }
0xd1: {  	s25 =	sshll.u32 s25, $0x4;
	s16 =	sor.u32 $0x27, s6;
	v8 =	vshrl.u32 v23, $0x3;
	v24 =	vld [tilespmem:s11+$0xCB10];
	v7 =	vbroadcast v7, $0x0  }
0xd2: {  	[tilespmem:s10+$0xCB10] =	vst v9;
	v25 =	vmov s16;
	s10 =	sand.u32 $0x3FFFFF60, s25;
	s25 =	sor.u32 $0x37, s6;
	v3 =	vld.idx.msk [tilespmem:v3+s30+$0x0], $0xffff;
	v8 =	vshll.u32 v8, v1;
	v10 =	vmul.f32 v20, v10  }
0xd3: {  	v9 =	vshrl.u32 v25, $0x3;
	v26 =	vld [tilespmem:s10+$0xCB10];
	v27 =	vmov s25;
	v8 =	vadd.s32 $0x7, v8  }
0xd4: {  	s26 =	sshll.u32 s26, $0x4;
	v5 =	vld.idx.msk [tilespmem:v5+s30+$0x0], $0xffff;
	v9 =	vshll.u32 v9, v1;
	v8 =	vbroadcast v8, $0x0;
	v4 =	vmul.f32 v22, v4;
	[tilespmem:s9+$0xCB10] =	vst v10  }
0xd5: {  	v9 =	vadd.s32 $0x7, v9;
	s9 =	sand.u32 $0x3FFFFF60, s26;
	v10 =	vshrl.u32 v27, $0x3;
	v6 =	vld.idx.msk [tilespmem:v6+s30+$0x0], $0xffff  }
0xd6: {  	v9 =	vbroadcast v9, $0x0;
	[tilespmem:s12+$0xCB10] =	vst v4;
	s26 =	sshll.u32 s14, $0x4;
	s14 =	sor.u32 $0x8, s6;
	v28 =	vld [tilespmem:s9+$0xCB10];
	v10 =	vshll.u32 v10, v1  }
0xd7: {  	v3 =	vmul.f32 v24, v3;
	s12 =	sand.u32 $0x3FFFFF70, s26;
	v30 =	vmov s14;
	v29 =	vadd.s32 $0x7, v10;
	v7 =	vld.idx.msk [tilespmem:v7+s30+$0x0], $0xffff  }
0xd8: {  	v31 =	vld [tilespmem:s12+$0xCB10];
	v10 =	vshrl.u32 v30, $0x3;
	v4 =	vbroadcast v29, $0x0  }
0xd9: {  	[tilespmem:s11+$0xCB10] =	vst v3;
	s26 =	sshll.u32 s15, $0x4;
	v3 =	vmul.f32 v26, v5;
	v32 =	vshll.u32 v10, v1  }
0xda: {  	s15 =	sor.u32 $0x18, s6;
	v8 =	vld.idx.msk [tilespmem:v8+s30+$0x0], $0xffff;
	s11 =	sand.u32 $0x3FFFFF70, s26;
	v5 =	vbroadcast v32, $0x0  }
0xdb: {  	v33 =	vmov s15;
	s26 =	sshll.u32 s16, $0x4;
	s16 =	sor.u32 $0x28, s6;
	v34 =	vld [tilespmem:s11+$0xCB10];
	[tilespmem:s10+$0xCB10] =	vst v3;
	v3 =	vmul.f32 v28, v6  }
0xdc: {  	v10 =	vshrl.u32 v33, $0x3;
	s10 =	sand.u32 $0x3FFFFF70, s26;
	v36 =	vmov s16;
	v9 =	vld.idx.msk [tilespmem:v9+s30+$0x0], $0xffff  }
0xdd: {  	v35 =	vshll.u32 v10, v1;
	v37 =	vld [tilespmem:s10+$0xCB10];
	v10 =	vshrl.u32 v36, $0x3;
	[tilespmem:s9+$0xCB10] =	vst v3;
	s9 =	sshll.u32 s25, $0x4;
	s25 =	sor.u32 $0x38, s6;
	v3 =	vmul.f32 v31, v7  }
0xde: {  	s26 =	sor.u32 $0x9, s6;
	v38 =	vshll.u32 v10, v1;
	v6 =	vbroadcast v35, $0x0;
	v4 =	vld.idx.msk [tilespmem:v4+s30+$0x0], $0xffff;
	s9 =	sand.u32 $0x3FFFFF70, s9;
	v39 =	vmov s25  }
0xdf: {  	s14 =	sshll.u32 s14, $0x4;
	v40 =	vmov s26;
	v7 =	vbroadcast v38, $0x0;
	v41 =	vld [tilespmem:s9+$0xCB10];
	v10 =	vshrl.u32 v39, $0x3;
	[tilespmem:s12+$0xCB10] =	vst v3  }
0xe0: {  	v8 =	vmul.f32 v34, v8;
	v3 =	vshrl.u32 v40, $0x3;
	s12 =	sand.u32 $0x3FFFFF80, s14;
	v10 =	vshll.u32 v10, v1;
	v5 =	vld.idx.msk [tilespmem:v5+s30+$0x0], $0xffff  }
0xe1: {  	s15 =	sshll.u32 s15, $0x4;
	v3 =	vshll.u32 v3, v1;
	v42 =	vld [tilespmem:s12+$0xCB10];
	v10 =	vbroadcast v10, $0x0  }
0xe2: {  	v9 =	vmul.f32 v37, v9;
	[tilespmem:s11+$0xCB10] =	vst v8;
	s11 =	sand.u32 $0x3FFFFF80, s15;
	v3 =	vadd.s32 $0x1, v3  }
0xe3: {  	s16 =	sshll.u32 s16, $0x4;
	s14 =	sor.u32 $0x19, s6;
	v44 =	vld [tilespmem:s11+$0xCB10];
	v3 =	vbroadcast v3, $0x0  }
0xe4: {  	s15 =	sor.u32 $0x29, s6;
	v43 =	vmov s14;
	[tilespmem:s10+$0xCB10] =	vst v9;
	s10 =	sand.u32 $0x3FFFFF80, s16;
	v6 =	vld.idx.msk [tilespmem:v6+s30+$0x0], $0xffff;
	v4 =	vmul.f32 v41, v4  }
0xe5: {  	v45 =	vmov s15;
	v8 =	vshrl.u32 v43, $0x3;
	v46 =	vld [tilespmem:s10+$0xCB10]  }
0xe6: {  	s16 =	sor.u32 $0x39, s6;
	v9 =	vshrl.u32 v45, $0x3;
	v8 =	vshll.u32 v8, v1;
	v7 =	vld.idx.msk [tilespmem:v7+s30+$0x0], $0xffff;
	v5 =	vmul.f32 v42, v5;
	[tilespmem:s9+$0xCB10] =	vst v4;
	s9 =	sshll.u32 s25, $0x4  }
0xe7: {  	v47 =	vmov s16;
	v9 =	vshll.u32 v9, v1;
	v8 =	vadd.s32 $0x1, v8;
	v10 =	vld.idx.msk [tilespmem:v10+s30+$0x0], $0xffff;
	s9 =	sand.u32 $0x3FFFFF80, s9  }
0xe8: {  	s26 =	sshll.u32 s26, $0x4;
	v9 =	vadd.s32 $0x1, v9;
	v8 =	vbroadcast v8, $0x0;
	v4 =	vshrl.u32 v47, $0x3;
	[tilespmem:s12+$0xCB10] =	vst v5;
	v49 =	vld [tilespmem:s9+$0xCB10]  }
0xe9: {  	v9 =	vbroadcast v9, $0x0;
	s25 =	sor.u32 $0xA, s6;
	v4 =	vshll.u32 v4, v1;
	s12 =	sand.u32 $0x3FFFFF90, s26;
	v3 =	vld.idx.msk [tilespmem:v3+s30+$0x0], $0xffff  }
0xea: {  	v6 =	vmul.f32 v44, v6;
	v48 =	vmov s25;
	v4 =	vadd.s32 $0x1, v4;
	v51 =	vld [tilespmem:s12+$0xCB10]  }
0xeb: {  	s14 =	sshll.u32 s14, $0x4;
	v50 =	vshrl.u32 v48, $0x3;
	v4 =	vbroadcast v4, $0x0  }
0xec: {  	s26 =	sor.u32 $0x1A, s6;
	[tilespmem:s11+$0xCB10] =	vst v6;
	v7 =	vmul.f32 v46, v7;
	s11 =	sand.u32 $0x3FFFFF90, s14;
	v5 =	vshll.u32 v50, v1  }
0xed: {  	v52 =	vmov s26;
	v53 =	vld [tilespmem:s11+$0xCB10];
	v5 =	vadd.s32 $0x2, v5  }
0xee: {  	s15 =	sshll.u32 s15, $0x4;
	s14 =	sor.u32 $0x2A, s6;
	v6 =	vshrl.u32 v52, $0x3;
	v8 =	vld.idx.msk [tilespmem:v8+s30+$0x0], $0xffff;
	[tilespmem:s10+$0xCB10] =	vst v7;
	v5 =	vbroadcast v5, $0x0;
	v10 =	vmul.f32 v49, v10  }
0xef: {  	v54 =	vmov s14;
	v6 =	vshll.u32 v6, v1;
	s10 =	sand.u32 $0x3FFFFF90, s15;
	v9 =	vld.idx.msk [tilespmem:v9+s30+$0x0], $0xffff;
	v3 =	vmul.f32 v51, v3  }
0xf0: {  	s25 =	sshll.u32 s25, $0x4;
	v7 =	vshrl.u32 v54, $0x3;
	s15 =	sor.u32 $0x3A, s6;
	v6 =	vadd.s32 $0x2, v6;
	v55 =	vld [tilespmem:s10+$0xCB10];
	[tilespmem:s9+$0xCB10] =	vst v10  }
0xf1: {  	v7 =	vshll.u32 v7, v1;
	v56 =	vmov s15;
	v6 =	vbroadcast v6, $0x0;
	s9 =	sshll.u32 s16, $0x4;
	[tilespmem:s12+$0xCB10] =	vst v3;
	s12 =	sand.u32 $0x3FFFFFA0, s25;
	v4 =	vld.idx.msk [tilespmem:v4+s30+$0x0], $0xffff  }
0xf2: {  	v7 =	vadd.s32 $0x2, v7;
	v10 =	vshrl.u32 v56, $0x3;
	s9 =	sand.u32 $0x3FFFFF90, s9;
	v59 =	vld [tilespmem:s12+$0xCB10]  }
0xf3: {  	v7 =	vbroadcast v7, $0x0;
	s16 =	sor.u32 $0xB, s6;
	v10 =	vshll.u32 v10, v1;
	v58 =	vld [tilespmem:s9+$0xCB10]  }
0xf4: {  	v8 =	vmul.f32 v53, v8;
	v57 =	vmov s16;
	v10 =	vadd.s32 $0x2, v10;
	v5 =	vld.idx.msk [tilespmem:v5+s30+$0x0], $0xffff  }
0xf5: {  	s25 =	sor.u32 $0x1B, s6;
	v3 =	vshrl.u32 v57, $0x3;
	v10 =	vbroadcast v10, $0x0  }
0xf6: {  	s26 =	sshll.u32 s26, $0x4;
	v60 =	vmov s25;
	v9 =	vmul.f32 v55, v9;
	[tilespmem:s11+$0xCB10] =	vst v8;
	v3 =	vshll.u32 v3, v1  }
0xf7: {  	s11 =	sand.u32 $0x3FFFFFA0, s26;
	v8 =	vshrl.u32 v60, $0x3;
	v6 =	vld.idx.msk [tilespmem:v6+s30+$0x0], $0xffff;
	v3 =	vadd.s32 $0x3, v3  }
0xf8: {  	s14 =	sshll.u32 s14, $0x4;
	s26 =	sor.u32 $0x2B, s6;
	v61 =	vld [tilespmem:s11+$0xCB10];
	v8 =	vshll.u32 v8, v1;
	[tilespmem:s10+$0xCB10] =	vst v9;
	v3 =	vbroadcast v3, $0x0;
	v4 =	vmul.f32 v58, v4  }
0xf9: {  	v62 =	vmov s26;
	s10 =	sand.u32 $0x3FFFFFA0, s14;
	v8 =	vadd.s32 $0x3, v8;
	v7 =	vld.idx.msk [tilespmem:v7+s30+$0x0], $0xffff;
	v5 =	vmul.f32 v59, v5  }
0xfa: {  	s16 =	sshll.u32 s16, $0x4;
	s14 =	sor.u32 $0x3B, s6;
	v9 =	vshrl.u32 v62, $0x3;
	v63 =	vld [tilespmem:s10+$0xCB10];
	v8 =	vbroadcast v8, $0x0;
	[tilespmem:s9+$0xCB10] =	vst v4  }
0xfb: {  	v15 =	vmov s14;
	v9 =	vshll.u32 v9, v1;
	s9 =	sshll.u32 s15, $0x4;
	[tilespmem:s12+$0xCB10] =	vst v5;
	s12 =	sand.u32 $0x3FFFFFB0, s16;
	v10 =	vld.idx.msk [tilespmem:v10+s30+$0x0], $0xffff  }
0xfc: {  	v9 =	vadd.s32 $0x3, v9;
	v4 =	vshrl.u32 v15, $0x3;
	s9 =	sand.u32 $0x3FFFFFA0, s9;
	v19 =	vld [tilespmem:s12+$0xCB10]  }
0xfd: {  	v9 =	vbroadcast v9, $0x0;
	v6 =	vmul.f32 v61, v6;
	s15 =	sor.u32 $0xC, s6;
	v4 =	vshll.u32 v4, v1;
	v17 =	vld [tilespmem:s9+$0xCB10]  }
0xfe: {  	v16 =	vmov s15;
	v4 =	vadd.s32 $0x3, v4;
	v3 =	vld.idx.msk [tilespmem:v3+s30+$0x0], $0xffff  }
0xff: {  	s25 =	sshll.u32 s25, $0x4;
	s16 =	sor.u32 $0x1C, s6;
	v7 =	vmul.f32 v63, v7;
	[tilespmem:s11+$0xCB10] =	vst v6;
	v18 =	vshrl.u32 v16, $0x3;
	v4 =	vbroadcast v4, $0x0  }
0x100: {  	s26 =	sshll.u32 s26, $0x4;
	v20 =	vmov s16;
	s11 =	sand.u32 $0x3FFFFFB0, s25;
	s25 =	sor.u32 $0x2C, s6;
	v8 =	vld.idx.msk [tilespmem:v8+s30+$0x0], $0xffff;
	v5 =	vshll.u32 v18, v1  }
0x101: {  	v6 =	vshrl.u32 v20, $0x3;
	v21 =	vld [tilespmem:s11+$0xCB10];
	[tilespmem:s10+$0xCB10] =	vst v7;
	v22 =	vmov s25;
	s10 =	sand.u32 $0x3FFFFFB0, s26;
	v5 =	vadd.s32 $0x4, v5  }
0x102: {  	v6 =	vshll.u32 v6, v1;
	v23 =	vld [tilespmem:s10+$0xCB10];
	v5 =	vbroadcast v5, $0x0;
	v10 =	vmul.f32 v17, v10  }
0x103: {  	v7 =	vshrl.u32 v22, $0x3;
	v6 =	vadd.s32 $0x4, v6;
	v9 =	vld.idx.msk [tilespmem:v9+s30+$0x0], $0xffff;
	v3 =	vmul.f32 v19, v3  }
0x104: {  	s15 =	sshll.u32 s15, $0x4;
	s26 =	sor.u32 $0x3C, s6;
	v7 =	vshll.u32 v7, v1;
	v6 =	vbroadcast v6, $0x0;
	[tilespmem:s9+$0xCB10] =	vst v10  }
0x105: {  	v24 =	vmov s26;
	v7 =	vadd.s32 $0x4, v7;
	s9 =	sshll.u32 s14, $0x4;
	[tilespmem:s12+$0xCB10] =	vst v3;
	s12 =	sand.u32 $0x3FFFFFC0, s15;
	v4 =	vld.idx.msk [tilespmem:v4+s30+$0x0], $0xffff  }
0x106: {  	v7 =	vbroadcast v7, $0x0;
	v8 =	vmul.f32 v21, v8;
	v10 =	vshrl.u32 v24, $0x3;
	s9 =	sand.u32 $0x3FFFFFB0, s9;
	v27 =	vld [tilespmem:s12+$0xCB10]  }
0x107: {  	s16 =	sshll.u32 s16, $0x4;
	v10 =	vshll.u32 v10, v1;
	v26 =	vld [tilespmem:s9+$0xCB10]  }
0x108: {  	s14 =	sor.u32 $0xD, s6;
	s15 =	sor.u32 $0x1D, s6;
	[tilespmem:s11+$0xCB10] =	vst v8;
	v9 =	vmul.f32 v23, v9;
	s11 =	sand.u32 $0x3FFFFFC0, s16;
	v10 =	vadd.s32 $0x4, v10;
	v5 =	vld.idx.msk [tilespmem:v5+s30+$0x0], $0xffff  }
0x109: {  	s16 =	sor.u32 $0x2D, s6;
	v25 =	vmov s14;
	v28 =	vmov s15;
	v29 =	vld [tilespmem:s11+$0xCB10];
	v10 =	vbroadcast v10, $0x0  }
0x10a: {  	v30 =	vmov s16;
	v3 =	vshrl.u32 v25, $0x3;
	v6 =	vld.idx.msk [tilespmem:v6+s30+$0x0], $0xffff;
	v8 =	vshrl.u32 v28, $0x3  }
0x10b: {  	s25 =	sshll.u32 s25, $0x4;
	[tilespmem:s10+$0xCB10] =	vst v9;
	v9 =	vshrl.u32 v30, $0x3;
	v3 =	vshll.u32 v3, v1;
	v8 =	vshll.u32 v8, v1  }
0x10c: {  	s10 =	sand.u32 $0x3FFFFFC0, s25;
	v7 =	vld.idx.msk [tilespmem:v7+s30+$0x0], $0xffff;
	v9 =	vshll.u32 v9, v1;
	v3 =	vadd.s32 $0x5, v3;
	v4 =	vmul.f32 v26, v4  }
0x10d: {  	v31 =	vld [tilespmem:s10+$0xCB10];
	v8 =	vadd.s32 $0x5, v8;
	v3 =	vbroadcast v3, $0x0;
	v5 =	vmul.f32 v27, v5  }
0x10e: {  	s14 =	sshll.u32 s14, $0x4;
	s25 =	sor.u32 $0x3D, s6;
	v9 =	vadd.s32 $0x5, v9;
	v8 =	vbroadcast v8, $0x0;
	[tilespmem:s9+$0xCB10] =	vst v4  }
0x10f: {  	v32 =	vmov s25;
	v9 =	vbroadcast v9, $0x0;
	v6 =	vmul.f32 v29, v6;
	s9 =	sshll.u32 s26, $0x4;
	[tilespmem:s12+$0xCB10] =	vst v5;
	s12 =	sand.u32 $0x3FFFFFD0, s14;
	v10 =	vld.idx.msk [tilespmem:v10+s30+$0x0], $0xffff  }
0x110: {  	s15 =	sshll.u32 s15, $0x4;
	v4 =	vshrl.u32 v32, $0x3;
	s9 =	sand.u32 $0x3FFFFFC0, s9;
	v36 =	vld [tilespmem:s12+$0xCB10]  }
0x111: {  	[tilespmem:s11+$0xCB10] =	vst v6;
	s11 =	sand.u32 $0x3FFFFFD0, s15;
	v4 =	vshll.u32 v4, v1;
	v34 =	vld [tilespmem:s9+$0xCB10]  }
0x112: {  	v7 =	vmul.f32 v31, v7;
	s26 =	sor.u32 $0xE, s6;
	v38 =	vld [tilespmem:s11+$0xCB10];
	v4 =	vadd.s32 $0x5, v4  }
0x113: {  	s14 =	sor.u32 $0x1E, s6;
	s15 =	sor.u32 $0x2E, s6;
	v33 =	vmov s26;
	v3 =	vld.idx.msk [tilespmem:v3+s30+$0x0], $0xffff;
	v4 =	vbroadcast v4, $0x0  }
0x114: {  	s16 =	sshll.u32 s16, $0x4;
	v37 =	vmov s14;
	[tilespmem:s10+$0xCB10] =	vst v7;
	v39 =	vmov s15;
	v35 =	vshrl.u32 v33, $0x3;
	v8 =	vld.idx.msk [tilespmem:v8+s30+$0x0], $0xffff  }
0x115: {  	s10 =	sand.u32 $0x3FFFFFD0, s16;
	s16 =	sor.u32 $0x3E, s6;
	v6 =	vshrl.u32 v37, $0x3;
	v9 =	vld.idx.msk [tilespmem:v9+s30+$0x0], $0xffff;
	v7 =	vshrl.u32 v39, $0x3;
	v5 =	vshll.u32 v35, v1  }
0x116: {  	v40 =	vld [tilespmem:s10+$0xCB10];
	v41 =	vmov s16;
	v5 =	vadd.s32 $0x6, v5;
	v10 =	vmul.f32 v34, v10  }
0x117: {  	v6 =	vshll.u32 v6, v1;
	v7 =	vshll.u32 v7, v1;
	v5 =	vbroadcast v5, $0x0  }
0x118: {  	s25 =	sshll.u32 s25, $0x4;
	v42 =	vshrl.u32 v41, $0x3;
	v6 =	vadd.s32 $0x6, v6;
	v3 =	vmul.f32 v36, v3;
	[tilespmem:s9+$0xCB10] =	vst v10  }
0x119: {  	s26 =	sshll.u32 s26, $0x4;
	v7 =	vadd.s32 $0x6, v7;
	v6 =	vbroadcast v6, $0x0;
	v8 =	vmul.f32 v38, v8;
	s9 =	sand.u32 $0x3FFFFFD0, s25;
	v4 =	vld.idx.msk [tilespmem:v4+s30+$0x0], $0xffff  }
0x11a: {  	s7 =	sshllo.u32 s7, $0x4;
	s14 =	sshll.u32 s14, $0x4;
	v11 =	vshll.u32 v42, v1;
	v7 =	vbroadcast v7, $0x0;
	[tilespmem:s12+$0xCB10] =	vst v3;
	s12 =	sand.u32 $0x3FFFFFE0, s26;
	v44 =	vld [tilespmem:s9+$0xCB10]  }
0x11b: {  	v43 =	vmov s7;
	v11 =	vadd.s32 $0x6, v11;
	v9 =	vmul.f32 v40, v9;
	[tilespmem:s11+$0xCB10] =	vst v8;
	s11 =	sand.u32 $0x3FFFFFE0, s14;
	v45 =	vld [tilespmem:s12+$0xCB10]  }
0x11c: {  	s15 =	sshll.u32 s15, $0x4;
	v11 =	vbroadcast v11, $0x0;
	v3 =	vshrl.u32 v43, $0x3;
	v47 =	vld [tilespmem:s11+$0xCB10]  }
0x11d: {  	[tilespmem:s10+$0xCB10] =	vst v9;
	s10 =	sand.u32 $0x3FFFFFE0, s15;
	v3 =	vshll.u32 v3, v1;
	v5 =	vld.idx.msk [tilespmem:v5+s30+$0x0], $0xffff  }
0x11e: {  	s25 =	sor.u32 $0x1F, s6;
	v50 =	vld [tilespmem:s10+$0xCB10];
	v3 =	vadd.s32 $0x7, v3  }
0x11f: {  	s26 =	sor.u32 $0x2F, s6;
	s6 =	sor.u32 $0x3F, s6;
	v46 =	vmov s25;
	v6 =	vld.idx.msk [tilespmem:v6+s30+$0x0], $0xffff;
	v3 =	vbroadcast v3, $0x0;
	v4 =	vmul.f32 v44, v4  }
0x120: {  	v48 =	vmov s26;
	v51 =	vmov s6;
	v8 =	vshrl.u32 v46, $0x3;
	v7 =	vld.idx.msk [tilespmem:v7+s30+$0x0], $0xffff  }
0x121: {  	s16 =	sshll.u32 s16, $0x4;
	v10 =	vshrl.u32 v48, $0x3;
	v52 =	vshrl.u32 v51, $0x3;
	v8 =	vshll.u32 v8, v1;
	[tilespmem:s9+$0xCB10] =	vst v4  }
0x122: {  	v10 =	vshll.u32 v10, v1;
	v8 =	vadd.s32 $0x7, v8;
	v5 =	vmul.f32 v45, v5;
	s9 =	sand.u32 $0x3FFFFFE0, s16;
	v11 =	vld.idx.msk [tilespmem:v11+s30+$0x0], $0xffff  }
0x123: {  	v12 =	vshll.u32 v52, v1;
	v10 =	vadd.s32 $0x7, v10;
	v49 =	vbroadcast v8, $0x0;
	v53 =	vld [tilespmem:s9+$0xCB10]  }
0x124: {  	s7 =	sshll.u32 s7, $0x4;
	v55 =	vadd.s32 $0x7, v12;
	v10 =	vbroadcast v10, $0x0;
	v54 =	vmul.f32 v47, v6;
	[tilespmem:s12+$0xCB10] =	vst v5  }
0x125: {  	s7 =	sand.u32 $0x3FFFFFF0, s7;
	s25 =	sshll.u32 s25, $0x4;
	v6 =	vbroadcast v55, $0x0;
	v56 =	vmul.f32 v50, v7;
	v3 =	vld.idx.msk [tilespmem:v3+s30+$0x0], $0xffff  }
0x126: {  	s26 =	sshll.u32 s26, $0x4;
	[tilespmem:s11+$0xCB10] =	vst v54;
	s11 =	sand.u32 $0x3FFFFFF0, s25;
	v57 =	vld [tilespmem:s7+$0xCB10]  }
0x127: {  	[tilespmem:s10+$0xCB10] =	vst v56;
	s10 =	sand.u32 $0x3FFFFFF0, s26;
	v58 =	vld [tilespmem:s11+$0xCB10]  }
0x128: {  	v61 =	vld [tilespmem:s10+$0xCB10];
	v59 =	vmul.f32 v53, v11  }
0x129: {  	v4 =	vld.idx.msk [tilespmem:v49+s30+$0x0], $0xffff  }
0x12a: {  	s6 =	sshll.u32 s6, $0x4;
	v60 =	vld.idx.msk [tilespmem:v10+s30+$0x0], $0xffff;
	[tilespmem:s9+$0xCB10] =	vst v59  }
0x12b: {  	s6 =	sand.u32 $0x3FFFFFF0, s6;
	v6 =	vld.idx.msk [tilespmem:v6+s30+$0x0], $0xffff  }
0x12c: {  	v62 =	vld [tilespmem:s6+$0xCB10];
	_ =	sdelay $0x1  }
0x12d: {  	p1 =	por p0, p0;
	v3 =	vmul.f32 v57, v3  }
.Ltmp1:
0x12e: {  	v4 =	vmul.f32 v58, v4;
	(pc) =	sbr.rel @p1 .LBB2_5-.Ltmp1, $4  }
0x12f: {  	[tilespmem:s7+$0xCB10] =	vst v3;
	v3 =	vmul.f32 v61, v60  }
0x130: {  	[tilespmem:s11+$0xCB10] =	vst v4;
	v63 =	vmul.f32 v62, v6  }
0x131: {  	[tilespmem:s10+$0xCB10] =	vst v3  }
0x132: {  	p0 =	por $0x0, $0x0;
	s7 =	simm.s32 $0x4;
	[tilespmem:s6+$0xCB10] =	vst v63  }
0x133: {  	s6 =	sshll.u32 s2, $0xA  }
0x134: {  	s7 =	sshrl.u32 s6, $0x2  }
0x135: {  	s7 =	sadd.s32 $0x2900, s7  }
0x136: {  	[spmem:s3] =	stream.indirect.scatter.add.f32 [tilespmem:s19], [sflag:$0x3], $0x10, s7, s18, $0xb8;
	[tilespmem:$0x13110] =	vst v63  }
0x137: {  	_ =	swait.ge [sflag:s17], $0x800  }
0x138: {  	[sflag:s17] =	ssyncset.done $0x0  }
0x139: {  	[sflag:s17] =	ssyncadd.s32 $0xFFFFF800  }
0x13a: {  	[spmem:s4] =	stream.indirect.scatter.add.f32 [tilespmem:s30], [sflag:$0x3], $0x1, s7, s18, $0xb8;
	[tilespmem:$0x13110] =	vst v63  }
0x13b: {  	p0 =	seq.s32 s2, $0x28;
	_ =	swait.ge [sflag:s17], $0x80  }
0x13c: {  	s6 =	sshrl.u32 @!p0 s6, $0x2;
	s9 =	simm.s32 @!p0 $0xCB10;
	[sflag:s17] =	ssyncset.done $0x0  }
0x13d: {  	s6 =	sadd.s32 @!p0 $0x100, s6;
	s7 =	simm.s32 @!p0 $0x80;
	[sflag:s17] =	ssyncadd.s32 $0xFFFFFF80  }
0x13e: {  	[tilespmem:s9], [sflag:$0x1] =	stream.indirect.gather @!p0 [hbm4b:s8+s7], $0x10, s6, s7, $0xb8;
	[tilespmem:$0x13110] =	vst v63  }
0x13f: {  	_ =	swait.ge [sflag:s31], $0x800  }
0x140: {  	s21 =	sshll.u32 s21, $0x7;
	[sflag:s31] =	ssyncset.done $0x0  }
0x141: {  	s24 =	simm.s32 $0x0;
	p0 =	por $0x1, $0x1;
	[sflag:s31] =	ssyncadd.s32 $0xFFFFF800  }
.LBB2_7:
0x142: {  	s6 =	sshll.u32 s24, $0x4  }
0x143: {  	s11 =	sor.u32 s21, s6  }
0x144: {  	v3 =	vld [tilespmem:s11+$0x0]  }
0x145: {  	s10 =	sor.u32 $0x10, s6;
	v4 =	vld [tilespmem:s11+$0x2900]  }
0x146: {  	s12 =	sor.u32 s21, s10;
	v9 =	vld [tilespmem:s11+$0x5200]  }
0x147: {  	s9 =	sor.u32 $0x20, s6;
	v5 =	vld [tilespmem:s12+$0x0]  }
0x148: {  	s14 =	sor.u32 s21, s9;
	v6 =	vld [tilespmem:s12+$0x2900]  }
0x149: {  	s7 =	sor.u32 $0x30, s6;
	v7 =	vld [tilespmem:s14+$0x0]  }
0x14a: {  	s26 =	sor.u32 s21, s7;
	v8 =	vld [tilespmem:s14+$0x2900]  }
0x14b: {  	v10 =	vld [tilespmem:s26+$0x0]  }
0x14c: {  	v11 =	vld [tilespmem:s26+$0x2900]  }
0x14d: {  	v12 =	vld [tilespmem:s12+$0x5200]  }
0x14e: {  	v3 =	vld.idx.msk [tilespmem:v3+s22+$0x0], $0xffff  }
0x14f: {  	v4 =	vld.idx.msk [tilespmem:v4+s23+$0x0], $0xffff  }
0x150: {  	v5 =	vld.idx.msk [tilespmem:v5+s22+$0x0], $0xffff  }
0x151: {  	v6 =	vld.idx.msk [tilespmem:v6+s23+$0x0], $0xffff  }
0x152: {  	v7 =	vld.idx.msk [tilespmem:v7+s22+$0x0], $0xffff  }
0x153: {  	v50 =	vld.idx.msk [tilespmem:v8+s23+$0x0], $0xffff  }
0x154: {  	v52 =	vld.idx.msk [tilespmem:v10+s22+$0x0], $0xffff;
	v3 =	vadd.f32 v4, v3  }
0x155: {  	v53 =	vld.idx.msk [tilespmem:v11+s23+$0x0], $0xffff  }
0x156: {  	v51 =	vld [tilespmem:s14+$0x5200];
	v3 =	vadd.f32 v9, v3  }
0x157: {  	v55 =	vld [tilespmem:s26+$0x5200];
	v5 =	vadd.f32 v6, v5  }
0x158: {  	v54 =	vmul.f32 $2.000000030e-01, v3  }
0x159: {  	v4 =	vadd.f32 v50, v7;
	v5 =	vadd.f32 v12, v5  }
0x15a: {  	v57 =	vadd.f32 v53, v52;
	v3 =	vmax.f32 v3, v54  }
0x15b: {  	v4 =	vadd.f32 v51, v4;
	v56 =	vmul.f32 $2.000000030e-01, v5;
	v3 =	vsub.f32 v3, v2  }
0x15c: {  	v6 =	vadd.f32 v55, v57  }
0x15d: {  	v58 =	vmul.f32 $2.000000030e-01, v4;
	v5 =	vmax.f32 v5, v56;
	v3 =	vmul.f32 $1.442695020e+00, v3  }
0x15e: {  	v60 =	vmov s6;
	v5 =	vsub.f32 v5, v2  }
0x15f: {  	v59 =	vmul.f32 $2.000000030e-01, v6;
	(erf) = vpow2.f32 v3;
	v3 =	vmax.f32 v4, v58  }
0x160: {  	v7 =	vshrl.u32 v60, $0x3;
	v5 =	vmul.f32 $1.442695020e+00, v5;
	v3 =	vsub.f32 v3, v2  }
0x161: {  	v61 =	vshll.u32 v7, v1;
	v4 =	vmax.f32 v6, v59  }
0x162: {  	(erf) = vpow2.f32 v5;
	v4 =	vsub.f32 v4, v2;
	v3 =	vmul.f32 $1.442695020e+00, v3  }
0x163: {  	v63 =	vbroadcast v61, $0x0  }
0x164: {  	(erf) = vpow2.f32 v3;
	v3 =	vmul.f32 $1.442695020e+00, v4  }
0x165: {  	v62 =	vmov s10  }
0x166: {  	v10 =	vshrl.u32 v62, $0x3;
	v11 =	vmov s9;
	(erf) = vpow2.f32 v3  }
0x167: {  	v12 =	vshrl.u32 v11, $0x3;
	v5 =	vshll.u32 v10, v1  }
0x168: {  	v13 =	vmov s7;
	s14 =	sor.u32 $0x1, s6;
	v3 =	vbroadcast v5, $0x0;
	v5 =	vshll.u32 v12, v1;
	v14 =	vpop (erf)  }
0x169: {  	s25 =	sshll.u32 s24, $0x8;
	v15 =	vmov s14;
	v6 =	vshrl.u32 v13, $0x3;
	v5 =	vbroadcast v5, $0x0;
	[tilespmem:s6+$0xDB90] =	vst v14  }
0x16a: {  	s12 =	sand.u32 $0x3FFFFF00, s25;
	v7 =	vshrl.u32 v15, $0x3;
	v6 =	vshll.u32 v6, v1;
	v4 =	vld.idx.msk [tilespmem:v63+s1+$0x0], $0xffff  }
0x16b: {  	s10 =	sshll.u32 s10, $0x4;
	s26 =	sor.u32 $0x11, s6;
	v7 =	vshll.u32 v7, v1;
	v6 =	vbroadcast v6, $0x0;
	v16 =	vpop (erf);
	v17 =	vld [tilespmem:s12+$0xD310]  }
0x16c: {  	s10 =	sand.u32 $0x3FFFFF00, s10;
	v18 =	vmov s26;
	v7 =	vor.u32 $0x1, v7;
	[tilespmem:s6+$0xDBA0] =	vst v16  }
0x16d: {  	s15 =	sor.u32 $0x21, s6;
	v8 =	vshrl.u32 v18, $0x3;
	v7 =	vbroadcast v7, $0x0;
	v20 =	vld [tilespmem:s10+$0xD310];
	v19 =	vpop (erf)  }
0x16e: {  	s16 =	sor.u32 $0x31, s6;
	v21 =	vmov s15;
	s9 =	sshll.u32 s9, $0x4;
	v8 =	vshll.u32 v8, v1;
	v3 =	vld.idx.msk [tilespmem:v3+s1+$0x0], $0xffff;
	[tilespmem:s6+$0xDBB0] =	vst v19  }
0x16f: {  	v23 =	vmov s16;
	s9 =	sand.u32 $0x3FFFFF00, s9;
	v8 =	vor.u32 $0x1, v8;
	v10 =	vshrl.u32 v21, $0x3;
	v5 =	vld.idx.msk [tilespmem:v5+s1+$0x0], $0xffff;
	v22 =	vpop (erf)  }
0x170: {  	s7 =	sshll.u32 s7, $0x4;
	v8 =	vbroadcast v8, $0x0;
	v10 =	vshll.u32 v10, v1;
	v13 =	vld [tilespmem:s9+$0xD310];
	v4 =	vmul.f32 v17, v4;
	[tilespmem:s6+$0xDBC0] =	vst v22  }
0x171: {  	s25 =	sor.u32 $0x2, s6;
	s7 =	sand.u32 $0x3FFFFF00, s7;
	v25 =	vshrl.u32 v23, $0x3;
	v24 =	vor.u32 $0x1, v10;
	v6 =	vld.idx.msk [tilespmem:v6+s1+$0x0], $0xffff  }
0x172: {  	v26 =	vmov s25;
	s11 =	sshll.u32 s14, $0x4;
	v10 =	vshll.u32 v25, v1;
	v9 =	vbroadcast v24, $0x0;
	v14 =	vld [tilespmem:s7+$0xD310];
	[tilespmem:s12+$0xD310] =	vst v4  }
0x173: {  	v27 =	vshrl.u32 v26, $0x3;
	s11 =	sand.u32 $0x3FFFFF10, s11;
	v10 =	vor.u32 $0x1, v10;
	v3 =	vmul.f32 v20, v3;
	v7 =	vld.idx.msk [tilespmem:v7+s1+$0x0], $0xffff  }
0x174: {  	v10 =	vbroadcast v10, $0x0;
	v4 =	vshll.u32 v27, v1;
	s12 =	sor.u32 $0x12, s6;
	v28 =	vld [tilespmem:s11+$0xD310]  }
0x175: {  	s14 =	sshll.u32 s26, $0x4;
	v4 =	vadd.s32 $0x2, v4;
	[tilespmem:s10+$0xD310] =	vst v3;
	v3 =	vmov s12;
	v5 =	vmul.f32 v13, v5  }
0x176: {  	v4 =	vbroadcast v4, $0x0;
	s10 =	sand.u32 $0x3FFFFF10, s14;
	s14 =	sor.u32 $0x22, s6;
	v8 =	vld.idx.msk [tilespmem:v8+s1+$0x0], $0xffff;
	v3 =	vshrl.u32 v3, $0x3  }
0x177: {  	s15 =	sshll.u32 s15, $0x4;
	v29 =	vld [tilespmem:s10+$0xD310];
	v30 =	vmov s14;
	v3 =	vshll.u32 v3, v1;
	[tilespmem:s9+$0xD310] =	vst v5;
	v6 =	vmul.f32 v14, v6  }
0x178: {  	v3 =	vadd.s32 $0x2, v3;
	s9 =	sand.u32 $0x3FFFFF10, s15;
	v5 =	vshrl.u32 v30, $0x3;
	s15 =	sor.u32 $0x32, s6;
	v9 =	vld.idx.msk [tilespmem:v9+s1+$0x0], $0xffff  }
0x179: {  	s26 =	sshll.u32 s16, $0x4;
	v31 =	vld [tilespmem:s9+$0xD310];
	v5 =	vshll.u32 v5, v1;
	v32 =	vmov s15;
	v7 =	vmul.f32 v28, v7;
	[tilespmem:s7+$0xD310] =	vst v6  }
0x17a: {  	s16 =	sor.u32 $0x3, s6;
	v3 =	vbroadcast v3, $0x0;
	v5 =	vadd.s32 $0x2, v5;
	s7 =	sand.u32 $0x3FFFFF10, s26;
	v6 =	vshrl.u32 v32, $0x3;
	v10 =	vld.idx.msk [tilespmem:v10+s1+$0x0], $0xffff  }
0x17b: {  	v33 =	vmov s16;
	s26 =	sshll.u32 s25, $0x4;
	v5 =	vbroadcast v5, $0x0;
	v34 =	vld [tilespmem:s7+$0xD310];
	v6 =	vshll.u32 v6, v1;
	[tilespmem:s11+$0xD310] =	vst v7  }
0x17c: {  	v35 =	vshrl.u32 v33, $0x3;
	s25 =	sor.u32 $0x13, s6;
	v8 =	vmul.f32 v29, v8;
	s11 =	sand.u32 $0x3FFFFF20, s26;
	v6 =	vadd.s32 $0x2, v6;
	v4 =	vld.idx.msk [tilespmem:v4+s1+$0x0], $0xffff  }
0x17d: {  	s12 =	sshll.u32 s12, $0x4;
	v7 =	vshll.u32 v35, v1;
	v37 =	vmov s25;
	v36 =	vld [tilespmem:s11+$0xD310];
	v6 =	vbroadcast v6, $0x0  }
0x17e: {  	v7 =	vadd.s32 $0x3, v7;
	[tilespmem:s10+$0xD310] =	vst v8;
	s10 =	sand.u32 $0x3FFFFF20, s12;
	v8 =	vshrl.u32 v37, $0x3;
	v9 =	vmul.f32 v31, v9  }
0x17f: {  	v7 =	vbroadcast v7, $0x0;
	s12 =	sor.u32 $0x23, s6;
	v38 =	vld [tilespmem:s10+$0xD310];
	v8 =	vshll.u32 v8, v1  }
0x180: {  	s14 =	sshll.u32 s14, $0x4;
	v39 =	vmov s12;
	v3 =	vld.idx.msk [tilespmem:v3+s1+$0x0], $0xffff;
	v8 =	vadd.s32 $0x3, v8;
	[tilespmem:s9+$0xD310] =	vst v9;
	v10 =	vmul.f32 v34, v10  }
0x181: {  	s9 =	sand.u32 $0x3FFFFF20, s14;
	v9 =	vshrl.u32 v39, $0x3;
	s14 =	sor.u32 $0x33, s6;
	v8 =	vbroadcast v8, $0x0;
	v5 =	vld.idx.msk [tilespmem:v5+s1+$0x0], $0xffff  }
0x182: {  	s26 =	sshll.u32 s15, $0x4;
	v40 =	vld [tilespmem:s9+$0xD310];
	v9 =	vshll.u32 v9, v1;
	v41 =	vmov s14;
	v4 =	vmul.f32 v36, v4;
	[tilespmem:s7+$0xD310] =	vst v10  }
0x183: {  	s15 =	sor.u32 $0x4, s6;
	v9 =	vadd.s32 $0x3, v9;
	s7 =	sand.u32 $0x3FFFFF20, s26;
	v10 =	vshrl.u32 v41, $0x3;
	v6 =	vld.idx.msk [tilespmem:v6+s1+$0x0], $0xffff  }
0x184: {  	s16 =	sshll.u32 s16, $0x4;
	v42 =	vmov s15;
	v9 =	vbroadcast v9, $0x0;
	v43 =	vld [tilespmem:s7+$0xD310];
	v10 =	vshll.u32 v10, v1;
	[tilespmem:s11+$0xD310] =	vst v4  }
0x185: {  	v44 =	vshrl.u32 v42, $0x3;
	s11 =	sand.u32 $0x3FFFFF30, s16;
	v3 =	vmul.f32 v38, v3;
	v10 =	vadd.s32 $0x3, v10;
	v7 =	vld.idx.msk [tilespmem:v7+s1+$0x0], $0xffff  }
0x186: {  	v4 =	vshll.u32 v44, v1;
	s16 =	sor.u32 $0x14, s6;
	v45 =	vld [tilespmem:s11+$0xD310];
	v10 =	vbroadcast v10, $0x0  }
0x187: {  	s26 =	sshll.u32 s25, $0x4;
	v4 =	vadd.s32 $0x4, v4;
	[tilespmem:s10+$0xD310] =	vst v3;
	v3 =	vmov s16;
	v5 =	vmul.f32 v40, v5  }
0x188: {  	s25 =	sor.u32 $0x24, s6;
	v4 =	vbroadcast v4, $0x0;
	s10 =	sand.u32 $0x3FFFFF30, s26;
	v8 =	vld.idx.msk [tilespmem:v8+s1+$0x0], $0xffff;
	v3 =	vshrl.u32 v3, $0x3  }
0x189: {  	s12 =	sshll.u32 s12, $0x4;
	v47 =	vmov s25;
	v46 =	vld [tilespmem:s10+$0xD310];
	v3 =	vshll.u32 v3, v1;
	[tilespmem:s9+$0xD310] =	vst v5;
	v6 =	vmul.f32 v43, v6  }
0x18a: {  	s9 =	sand.u32 $0x3FFFFF30, s12;
	v5 =	vshrl.u32 v47, $0x3;
	s12 =	sor.u32 $0x34, s6;
	v3 =	vadd.s32 $0x4, v3;
	v9 =	vld.idx.msk [tilespmem:v9+s1+$0x0], $0xffff  }
0x18b: {  	s26 =	sshll.u32 s14, $0x4;
	v48 =	vld [tilespmem:s9+$0xD310];
	v5 =	vshll.u32 v5, v1;
	v49 =	vmov s12;
	v7 =	vmul.f32 v45, v7;
	[tilespmem:s7+$0xD310] =	vst v6  }
0x18c: {  	s14 =	sor.u32 $0x5, s6;
	v3 =	vbroadcast v3, $0x0;
	v5 =	vadd.s32 $0x4, v5;
	s7 =	sand.u32 $0x3FFFFF30, s26;
	v6 =	vshrl.u32 v49, $0x3;
	v10 =	vld.idx.msk [tilespmem:v10+s1+$0x0], $0xffff  }
0x18d: {  	s15 =	sshll.u32 s15, $0x4;
	v50 =	vmov s14;
	v5 =	vbroadcast v5, $0x0;
	v51 =	vld [tilespmem:s7+$0xD310];
	v6 =	vshll.u32 v6, v1;
	[tilespmem:s11+$0xD310] =	vst v7  }
0x18e: {  	v52 =	vshrl.u32 v50, $0x3;
	s11 =	sand.u32 $0x3FFFFF40, s15;
	s15 =	sor.u32 $0x15, s6;
	v8 =	vmul.f32 v46, v8;
	v6 =	vadd.s32 $0x4, v6;
	v4 =	vld.idx.msk [tilespmem:v4+s1+$0x0], $0xffff  }
0x18f: {  	s16 =	sshll.u32 s16, $0x4;
	v7 =	vshll.u32 v52, v1;
	v53 =	vld [tilespmem:s11+$0xD310];
	v54 =	vmov s15;
	v6 =	vbroadcast v6, $0x0  }
0x190: {  	v7 =	vadd.s32 $0x5, v7;
	[tilespmem:s10+$0xD310] =	vst v8;
	v9 =	vmul.f32 v48, v9;
	s10 =	sand.u32 $0x3FFFFF40, s16;
	v8 =	vshrl.u32 v54, $0x3  }
0x191: {  	v7 =	vbroadcast v7, $0x0;
	s16 =	sor.u32 $0x25, s6;
	v55 =	vld [tilespmem:s10+$0xD310];
	v8 =	vshll.u32 v8, v1  }
0x192: {  	s25 =	sshll.u32 s25, $0x4;
	v56 =	vmov s16;
	v3 =	vld.idx.msk [tilespmem:v3+s1+$0x0], $0xffff;
	[tilespmem:s9+$0xD310] =	vst v9;
	v10 =	vmul.f32 v51, v10;
	v8 =	vadd.s32 $0x5, v8  }
0x193: {  	s9 =	sand.u32 $0x3FFFFF40, s25;
	v9 =	vshrl.u32 v56, $0x3;
	s25 =	sor.u32 $0x35, s6;
	v5 =	vld.idx.msk [tilespmem:v5+s1+$0x0], $0xffff;
	v8 =	vbroadcast v8, $0x0  }
0x194: {  	s26 =	sshll.u32 s12, $0x4;
	v57 =	vld [tilespmem:s9+$0xD310];
	v9 =	vshll.u32 v9, v1;
	v58 =	vmov s25;
	v4 =	vmul.f32 v53, v4;
	[tilespmem:s7+$0xD310] =	vst v10  }
0x195: {  	s12 =	sor.u32 $0x6, s6;
	v9 =	vadd.s32 $0x5, v9;
	s7 =	sand.u32 $0x3FFFFF40, s26;
	v10 =	vshrl.u32 v58, $0x3;
	v6 =	vld.idx.msk [tilespmem:v6+s1+$0x0], $0xffff  }
0x196: {  	s14 =	sshll.u32 s14, $0x4;
	v59 =	vmov s12;
	v9 =	vbroadcast v9, $0x0;
	v60 =	vld [tilespmem:s7+$0xD310];
	v10 =	vshll.u32 v10, v1;
	[tilespmem:s11+$0xD310] =	vst v4  }
0x197: {  	v61 =	vshrl.u32 v59, $0x3;
	s11 =	sand.u32 $0x3FFFFF50, s14;
	v10 =	vadd.s32 $0x5, v10;
	v7 =	vld.idx.msk [tilespmem:v7+s1+$0x0], $0xffff;
	v3 =	vmul.f32 v55, v3  }
0x198: {  	v4 =	vshll.u32 v61, v1;
	v62 =	vld [tilespmem:s11+$0xD310];
	v10 =	vbroadcast v10, $0x0  }
0x199: {  	s15 =	sshll.u32 s15, $0x4;
	s14 =	sor.u32 $0x16, s6;
	v4 =	vadd.s32 $0x6, v4;
	v5 =	vmul.f32 v57, v5;
	[tilespmem:s10+$0xD310] =	vst v3  }
0x19a: {  	v4 =	vbroadcast v4, $0x0;
	v3 =	vmov s14;
	s10 =	sand.u32 $0x3FFFFF50, s15;
	s15 =	sor.u32 $0x26, s6;
	v8 =	vld.idx.msk [tilespmem:v8+s1+$0x0], $0xffff  }
0x19b: {  	s16 =	sshll.u32 s16, $0x4;
	s26 =	sshll.u32 s25, $0x4;
	s25 =	sor.u32 $0x7, s6;
	v3 =	vshrl.u32 v3, $0x3;
	v63 =	vld [tilespmem:s10+$0xD310];
	[tilespmem:s9+$0xD310] =	vst v5;
	v16 =	vmov s15;
	v6 =	vmul.f32 v60, v6  }
0x19c: {  	v19 =	vmov s25;
	s9 =	sand.u32 $0x3FFFFF50, s16;
	s16 =	sor.u32 $0x36, s6;
	v3 =	vshll.u32 v3, v1;
	v9 =	vld.idx.msk [tilespmem:v9+s1+$0x0], $0xffff;
	v5 =	vshrl.u32 v16, $0x3  }
0x19d: {  	v17 =	vld [tilespmem:s9+$0xD310];
	v18 =	vmov s16;
	v7 =	vmul.f32 v62, v7;
	v3 =	vadd.s32 $0x6, v3;
	[tilespmem:s7+$0xD310] =	vst v6  }
0x19e: {  	v5 =	vshll.u32 v5, v1;
	s7 =	sand.u32 $0x3FFFFF50, s26;
	v6 =	vshrl.u32 v18, $0x3;
	v3 =	vbroadcast v3, $0x0;
	v10 =	vld.idx.msk [tilespmem:v10+s1+$0x0], $0xffff  }
0x19f: {  	v21 =	vshrl.u32 v19, $0x3;
	v5 =	vadd.s32 $0x6, v5;
	v20 =	vld [tilespmem:s7+$0xD310];
	v6 =	vshll.u32 v6, v1  }
0x1a0: {  	s12 =	sshll.u32 s12, $0x4;
	[tilespmem:s11+$0xD310] =	vst v7;
	v5 =	vbroadcast v5, $0x0;
	v6 =	vadd.s32 $0x6, v6;
	v8 =	vmul.f32 v63, v8  }
0x1a1: {  	s14 =	sshll.u32 s14, $0x4;
	s26 =	sor.u32 $0x17, s6;
	s11 =	sand.u32 $0x3FFFFF60, s12;
	v7 =	vshll.u32 v21, v1;
	v4 =	vld.idx.msk [tilespmem:v4+s1+$0x0], $0xffff;
	v6 =	vbroadcast v6, $0x0  }
0x1a2: {  	v23 =	vmov s26;
	v22 =	vld [tilespmem:s11+$0xD310];
	v7 =	vadd.s32 $0x7, v7;
	v9 =	vmul.f32 v17, v9;
	[tilespmem:s10+$0xD310] =	vst v8;
	s10 =	sand.u32 $0x3FFFFF60, s14  }
0x1a3: {  	s15 =	sshll.u32 s15, $0x4;
	v7 =	vbroadcast v7, $0x0;
	v8 =	vshrl.u32 v23, $0x3;
	s14 =	sor.u32 $0x27, s6;
	v24 =	vld [tilespmem:s10+$0xD310]  }
0x1a4: {  	v8 =	vshll.u32 v8, v1;
	[tilespmem:s9+$0xD310] =	vst v9;
	v25 =	vmov s14;
	v10 =	vmul.f32 v20, v10;
	s9 =	sand.u32 $0x3FFFFF60, s15;
	v3 =	vld.idx.msk [tilespmem:v3+s1+$0x0], $0xffff  }
0x1a5: {  	s15 =	sor.u32 $0x37, s6;
	v8 =	vadd.s32 $0x7, v8;
	v9 =	vshrl.u32 v25, $0x3;
	v26 =	vld [tilespmem:s9+$0xD310]  }
0x1a6: {  	s16 =	sshll.u32 s16, $0x4;
	v27 =	vmov s15;
	v5 =	vld.idx.msk [tilespmem:v5+s1+$0x0], $0xffff;
	v8 =	vbroadcast v8, $0x0;
	v9 =	vshll.u32 v9, v1;
	[tilespmem:s7+$0xD310] =	vst v10  }
0x1a7: {  	v4 =	vmul.f32 v22, v4;
	s7 =	sand.u32 $0x3FFFFF60, s16;
	v10 =	vshrl.u32 v27, $0x3;
	v9 =	vadd.s32 $0x7, v9;
	v6 =	vld.idx.msk [tilespmem:v6+s1+$0x0], $0xffff  }
0x1a8: {  	v28 =	vld [tilespmem:s7+$0xD310];
	v10 =	vshll.u32 v10, v1;
	v9 =	vbroadcast v9, $0x0  }
0x1a9: {  	s25 =	sshll.u32 s25, $0x4;
	s16 =	sor.u32 $0x8, s6;
	[tilespmem:s11+$0xD310] =	vst v4;
	v29 =	vadd.s32 $0x7, v10;
	v3 =	vmul.f32 v24, v3  }
0x1aa: {  	s11 =	sand.u32 $0x3FFFFF70, s25;
	v30 =	vmov s16;
	v7 =	vld.idx.msk [tilespmem:v7+s1+$0x0], $0xffff;
	v4 =	vbroadcast v29, $0x0  }
0x1ab: {  	s26 =	sshll.u32 s26, $0x4;
	s12 =	sor.u32 $0x18, s6;
	v31 =	vld [tilespmem:s11+$0xD310];
	v10 =	vshrl.u32 v30, $0x3;
	[tilespmem:s10+$0xD310] =	vst v3;
	v3 =	vmul.f32 v26, v5  }
0x1ac: {  	v33 =	vmov s12;
	v32 =	vshll.u32 v10, v1;
	s10 =	sand.u32 $0x3FFFFF70, s26;
	v8 =	vld.idx.msk [tilespmem:v8+s1+$0x0], $0xffff  }
0x1ad: {  	s25 =	sshll.u32 s14, $0x4;
	s14 =	sor.u32 $0x28, s6;
	v10 =	vshrl.u32 v33, $0x3;
	v5 =	vbroadcast v32, $0x0;
	v34 =	vld [tilespmem:s10+$0xD310];
	[tilespmem:s9+$0xD310] =	vst v3;
	v3 =	vmul.f32 v28, v6  }
0x1ae: {  	v36 =	vmov s14;
	v35 =	vshll.u32 v10, v1;
	s9 =	sand.u32 $0x3FFFFF70, s25;
	v9 =	vld.idx.msk [tilespmem:v9+s1+$0x0], $0xffff  }
0x1af: {  	v10 =	vshrl.u32 v36, $0x3;
	s26 =	sshll.u32 s15, $0x4;
	s15 =	sor.u32 $0x38, s6;
	v6 =	vbroadcast v35, $0x0;
	v37 =	vld [tilespmem:s9+$0xD310];
	[tilespmem:s7+$0xD310] =	vst v3  }
0x1b0: {  	v38 =	vshll.u32 v10, v1;
	v39 =	vmov s15;
	s25 =	sor.u32 $0x9, s6;
	v3 =	vmul.f32 v31, v7;
	s7 =	sand.u32 $0x3FFFFF70, s26;
	v4 =	vld.idx.msk [tilespmem:v4+s1+$0x0], $0xffff  }
0x1b1: {  	v10 =	vshrl.u32 v39, $0x3;
	v40 =	vmov s25;
	v7 =	vbroadcast v38, $0x0;
	v41 =	vld [tilespmem:s7+$0xD310]  }
0x1b2: {  	v10 =	vshll.u32 v10, v1;
	s26 =	sshll.u32 s16, $0x4;
	[tilespmem:s11+$0xD310] =	vst v3;
	v3 =	vshrl.u32 v40, $0x3;
	v8 =	vmul.f32 v34, v8  }
0x1b3: {  	s16 =	sor.u32 $0x19, s6;
	v10 =	vbroadcast v10, $0x0;
	s11 =	sand.u32 $0x3FFFFF80, s26;
	v5 =	vld.idx.msk [tilespmem:v5+s1+$0x0], $0xffff;
	v3 =	vshll.u32 v3, v1  }
0x1b4: {  	s12 =	sshll.u32 s12, $0x4;
	v43 =	vmov s16;
	v42 =	vld [tilespmem:s11+$0xD310];
	v3 =	vadd.s32 $0x1, v3;
	[tilespmem:s10+$0xD310] =	vst v8;
	v9 =	vmul.f32 v37, v9  }
0x1b5: {  	s10 =	sand.u32 $0x3FFFFF80, s12;
	v8 =	vshrl.u32 v43, $0x3;
	s12 =	sor.u32 $0x29, s6;
	v3 =	vbroadcast v3, $0x0;
	v6 =	vld.idx.msk [tilespmem:v6+s1+$0x0], $0xffff  }
0x1b6: {  	s14 =	sshll.u32 s14, $0x4;
	v44 =	vld [tilespmem:s10+$0xD310];
	v8 =	vshll.u32 v8, v1;
	v45 =	vmov s12;
	[tilespmem:s9+$0xD310] =	vst v9;
	v4 =	vmul.f32 v41, v4  }
0x1b7: {  	v8 =	vadd.s32 $0x1, v8;
	s9 =	sand.u32 $0x3FFFFF80, s14;
	v9 =	vshrl.u32 v45, $0x3;
	s14 =	sor.u32 $0x39, s6;
	v7 =	vld.idx.msk [tilespmem:v7+s1+$0x0], $0xffff  }
0x1b8: {  	s26 =	sshll.u32 s15, $0x4;
	v8 =	vbroadcast v8, $0x0;
	v46 =	vld [tilespmem:s9+$0xD310];
	v9 =	vshll.u32 v9, v1;
	v47 =	vmov s14;
	[tilespmem:s7+$0xD310] =	vst v4  }
0x1b9: {  	v5 =	vmul.f32 v42, v5;
	v9 =	vadd.s32 $0x1, v9;
	s7 =	sand.u32 $0x3FFFFF80, s26;
	v4 =	vshrl.u32 v47, $0x3;
	v10 =	vld.idx.msk [tilespmem:v10+s1+$0x0], $0xffff  }
0x1ba: {  	s15 =	sor.u32 $0xA, s6;
	v9 =	vbroadcast v9, $0x0;
	v49 =	vld [tilespmem:s7+$0xD310];
	v4 =	vshll.u32 v4, v1  }
0x1bb: {  	s25 =	sshll.u32 s25, $0x4;
	v48 =	vmov s15;
	[tilespmem:s11+$0xD310] =	vst v5;
	v6 =	vmul.f32 v44, v6;
	v4 =	vadd.s32 $0x1, v4  }
0x1bc: {  	v50 =	vshrl.u32 v48, $0x3;
	s11 =	sand.u32 $0x3FFFFF90, s25;
	s25 =	sor.u32 $0x1A, s6;
	v3 =	vld.idx.msk [tilespmem:v3+s1+$0x0], $0xffff;
	v4 =	vbroadcast v4, $0x0  }
0x1bd: {  	s26 =	sshll.u32 s16, $0x4;
	s16 =	sor.u32 $0x2A, s6;
	v5 =	vshll.u32 v50, v1;
	v51 =	vld [tilespmem:s11+$0xD310];
	v52 =	vmov s25;
	[tilespmem:s10+$0xD310] =	vst v6;
	v7 =	vmul.f32 v46, v7  }
0x1be: {  	v54 =	vmov s16;
	v5 =	vadd.s32 $0x2, v5;
	s10 =	sand.u32 $0x3FFFFF90, s26;
	v6 =	vshrl.u32 v52, $0x3;
	v8 =	vld.idx.msk [tilespmem:v8+s1+$0x0], $0xffff  }
0x1bf: {  	s12 =	sshll.u32 s12, $0x4;
	v5 =	vbroadcast v5, $0x0;
	v53 =	vld [tilespmem:s10+$0xD310];
	v6 =	vshll.u32 v6, v1;
	[tilespmem:s9+$0xD310] =	vst v7;
	v10 =	vmul.f32 v49, v10  }
0x1c0: {  	v6 =	vadd.s32 $0x2, v6;
	s9 =	sand.u32 $0x3FFFFF90, s12;
	v7 =	vshrl.u32 v54, $0x3;
	s12 =	sor.u32 $0x3A, s6;
	v9 =	vld.idx.msk [tilespmem:v9+s1+$0x0], $0xffff  }
0x1c1: {  	s26 =	sshll.u32 s14, $0x4;
	v6 =	vbroadcast v6, $0x0;
	v55 =	vld [tilespmem:s9+$0xD310];
	v7 =	vshll.u32 v7, v1;
	v56 =	vmov s12;
	[tilespmem:s7+$0xD310] =	vst v10  }
0x1c2: {  	v3 =	vmul.f32 v51, v3;
	v7 =	vadd.s32 $0x2, v7;
	s7 =	sand.u32 $0x3FFFFF90, s26;
	v10 =	vshrl.u32 v56, $0x3;
	v4 =	vld.idx.msk [tilespmem:v4+s1+$0x0], $0xffff  }
0x1c3: {  	s14 =	sor.u32 $0xB, s6;
	v7 =	vbroadcast v7, $0x0;
	v58 =	vld [tilespmem:s7+$0xD310];
	v10 =	vshll.u32 v10, v1  }
0x1c4: {  	s15 =	sshll.u32 s15, $0x4;
	v57 =	vmov s14;
	[tilespmem:s11+$0xD310] =	vst v3;
	v8 =	vmul.f32 v53, v8;
	v10 =	vadd.s32 $0x2, v10  }
0x1c5: {  	v3 =	vshrl.u32 v57, $0x3;
	s11 =	sand.u32 $0x3FFFFFA0, s15;
	s15 =	sor.u32 $0x1B, s6;
	v5 =	vld.idx.msk [tilespmem:v5+s1+$0x0], $0xffff;
	v10 =	vbroadcast v10, $0x0  }
0x1c6: {  	s26 =	sshll.u32 s25, $0x4;
	s25 =	sor.u32 $0x2B, s6;
	v3 =	vshll.u32 v3, v1;
	v59 =	vld [tilespmem:s11+$0xD310];
	v60 =	vmov s15;
	[tilespmem:s10+$0xD310] =	vst v8;
	v9 =	vmul.f32 v55, v9  }
0x1c7: {  	v62 =	vmov s25;
	v3 =	vadd.s32 $0x3, v3;
	s10 =	sand.u32 $0x3FFFFFA0, s26;
	v8 =	vshrl.u32 v60, $0x3;
	v6 =	vld.idx.msk [tilespmem:v6+s1+$0x0], $0xffff  }
0x1c8: {  	s16 =	sshll.u32 s16, $0x4;
	v3 =	vbroadcast v3, $0x0;
	v61 =	vld [tilespmem:s10+$0xD310];
	v8 =	vshll.u32 v8, v1;
	[tilespmem:s9+$0xD310] =	vst v9;
	v4 =	vmul.f32 v58, v4  }
0x1c9: {  	v8 =	vadd.s32 $0x3, v8;
	s9 =	sand.u32 $0x3FFFFFA0, s16;
	v9 =	vshrl.u32 v62, $0x3;
	s16 =	sor.u32 $0x3B, s6;
	v7 =	vld.idx.msk [tilespmem:v7+s1+$0x0], $0xffff  }
0x1ca: {  	s26 =	sshll.u32 s12, $0x4;
	v8 =	vbroadcast v8, $0x0;
	v63 =	vld [tilespmem:s9+$0xD310];
	v9 =	vshll.u32 v9, v1;
	v15 =	vmov s16;
	[tilespmem:s7+$0xD310] =	vst v4  }
0x1cb: {  	s12 =	sor.u32 $0xC, s6;
	v5 =	vmul.f32 v59, v5;
	v9 =	vadd.s32 $0x3, v9;
	s7 =	sand.u32 $0x3FFFFFA0, s26;
	v4 =	vshrl.u32 v15, $0x3;
	v10 =	vld.idx.msk [tilespmem:v10+s1+$0x0], $0xffff  }
0x1cc: {  	v16 =	vmov s12;
	v9 =	vbroadcast v9, $0x0;
	v17 =	vld [tilespmem:s7+$0xD310];
	v4 =	vshll.u32 v4, v1  }
0x1cd: {  	s14 =	sshll.u32 s14, $0x4;
	v18 =	vshrl.u32 v16, $0x3;
	[tilespmem:s11+$0xD310] =	vst v5;
	v6 =	vmul.f32 v61, v6;
	v4 =	vadd.s32 $0x3, v4  }
0x1ce: {  	s11 =	sand.u32 $0x3FFFFFB0, s14;
	v5 =	vshll.u32 v18, v1;
	s14 =	sor.u32 $0x1C, s6;
	v3 =	vld.idx.msk [tilespmem:v3+s1+$0x0], $0xffff;
	v4 =	vbroadcast v4, $0x0  }
0x1cf: {  	s15 =	sshll.u32 s15, $0x4;
	v19 =	vld [tilespmem:s11+$0xD310];
	v5 =	vadd.s32 $0x4, v5;
	v20 =	vmov s14;
	[tilespmem:s10+$0xD310] =	vst v6;
	v7 =	vmul.f32 v63, v7  }
0x1d0: {  	v5 =	vbroadcast v5, $0x0;
	s10 =	sand.u32 $0x3FFFFFB0, s15;
	v6 =	vshrl.u32 v20, $0x3;
	s15 =	sor.u32 $0x2C, s6;
	v8 =	vld.idx.msk [tilespmem:v8+s1+$0x0], $0xffff  }
0x1d1: {  	s25 =	sshll.u32 s25, $0x4;
	v21 =	vld [tilespmem:s10+$0xD310];
	v6 =	vshll.u32 v6, v1;
	v22 =	vmov s15;
	[tilespmem:s9+$0xD310] =	vst v7;
	v10 =	vmul.f32 v17, v10  }
0x1d2: {  	v6 =	vadd.s32 $0x4, v6;
	s9 =	sand.u32 $0x3FFFFFB0, s25;
	v7 =	vshrl.u32 v22, $0x3;
	s25 =	sor.u32 $0x3C, s6;
	v9 =	vld.idx.msk [tilespmem:v9+s1+$0x0], $0xffff  }
0x1d3: {  	s26 =	sshll.u32 s16, $0x4;
	v6 =	vbroadcast v6, $0x0;
	v23 =	vld [tilespmem:s9+$0xD310];
	v7 =	vshll.u32 v7, v1;
	v24 =	vmov s25;
	[tilespmem:s7+$0xD310] =	vst v10  }
0x1d4: {  	s16 =	sor.u32 $0xD, s6;
	v3 =	vmul.f32 v19, v3;
	v7 =	vadd.s32 $0x4, v7;
	s7 =	sand.u32 $0x3FFFFFB0, s26;
	v10 =	vshrl.u32 v24, $0x3;
	v4 =	vld.idx.msk [tilespmem:v4+s1+$0x0], $0xffff  }
0x1d5: {  	v25 =	vmov s16;
	v7 =	vbroadcast v7, $0x0;
	v26 =	vld [tilespmem:s7+$0xD310];
	v10 =	vshll.u32 v10, v1  }
0x1d6: {  	s12 =	sshll.u32 s12, $0x4;
	[tilespmem:s11+$0xD310] =	vst v3;
	v3 =	vshrl.u32 v25, $0x3;
	v8 =	vmul.f32 v21, v8;
	v10 =	vadd.s32 $0x4, v10  }
0x1d7: {  	s11 =	sand.u32 $0x3FFFFFC0, s12;
	s12 =	sor.u32 $0x1D, s6;
	v5 =	vld.idx.msk [tilespmem:v5+s1+$0x0], $0xffff;
	v3 =	vshll.u32 v3, v1;
	v10 =	vbroadcast v10, $0x0  }
0x1d8: {  	s14 =	sshll.u32 s14, $0x4;
	v27 =	vld [tilespmem:s11+$0xD310];
	v28 =	vmov s12;
	v3 =	vadd.s32 $0x5, v3;
	[tilespmem:s10+$0xD310] =	vst v8;
	v9 =	vmul.f32 v23, v9  }
0x1d9: {  	s10 =	sand.u32 $0x3FFFFFC0, s14;
	v8 =	vshrl.u32 v28, $0x3;
	s14 =	sor.u32 $0x2D, s6;
	v3 =	vbroadcast v3, $0x0;
	v6 =	vld.idx.msk [tilespmem:v6+s1+$0x0], $0xffff  }
0x1da: {  	s15 =	sshll.u32 s15, $0x4;
	v29 =	vld [tilespmem:s10+$0xD310];
	v8 =	vshll.u32 v8, v1;
	v30 =	vmov s14;
	[tilespmem:s9+$0xD310] =	vst v9;
	v4 =	vmul.f32 v26, v4  }
0x1db: {  	v8 =	vadd.s32 $0x5, v8;
	s9 =	sand.u32 $0x3FFFFFC0, s15;
	v9 =	vshrl.u32 v30, $0x3;
	s15 =	sor.u32 $0x3D, s6;
	v7 =	vld.idx.msk [tilespmem:v7+s1+$0x0], $0xffff  }
0x1dc: {  	s26 =	sshll.u32 s25, $0x4;
	v8 =	vbroadcast v8, $0x0;
	v31 =	vld [tilespmem:s9+$0xD310];
	v9 =	vshll.u32 v9, v1;
	v32 =	vmov s15;
	[tilespmem:s7+$0xD310] =	vst v4  }
0x1dd: {  	s25 =	sor.u32 $0xE, s6;
	v5 =	vmul.f32 v27, v5;
	v9 =	vadd.s32 $0x5, v9;
	s7 =	sand.u32 $0x3FFFFFC0, s26;
	v4 =	vshrl.u32 v32, $0x3;
	v10 =	vld.idx.msk [tilespmem:v10+s1+$0x0], $0xffff  }
0x1de: {  	v33 =	vmov s25;
	v9 =	vbroadcast v9, $0x0;
	v34 =	vld [tilespmem:s7+$0xD310];
	v4 =	vshll.u32 v4, v1  }
0x1df: {  	v35 =	vshrl.u32 v33, $0x3;
	s26 =	sshll.u32 s16, $0x4;
	[tilespmem:s11+$0xD310] =	vst v5;
	v6 =	vmul.f32 v29, v6;
	v4 =	vadd.s32 $0x5, v4  }
0x1e0: {  	s16 =	sor.u32 $0x1E, s6;
	s11 =	sand.u32 $0x3FFFFFD0, s26;
	v5 =	vshll.u32 v35, v1;
	v3 =	vld.idx.msk [tilespmem:v3+s1+$0x0], $0xffff;
	v4 =	vbroadcast v4, $0x0  }
0x1e1: {  	s12 =	sshll.u32 s12, $0x4;
	v37 =	vmov s16;
	v36 =	vld [tilespmem:s11+$0xD310];
	v5 =	vadd.s32 $0x6, v5;
	[tilespmem:s10+$0xD310] =	vst v6;
	v7 =	vmul.f32 v31, v7  }
0x1e2: {  	v5 =	vbroadcast v5, $0x0;
	s10 =	sand.u32 $0x3FFFFFD0, s12;
	v6 =	vshrl.u32 v37, $0x3;
	s12 =	sor.u32 $0x2E, s6;
	v8 =	vld.idx.msk [tilespmem:v8+s1+$0x0], $0xffff  }
0x1e3: {  	s14 =	sshll.u32 s14, $0x4;
	v38 =	vld [tilespmem:s10+$0xD310];
	v6 =	vshll.u32 v6, v1;
	v39 =	vmov s12;
	[tilespmem:s9+$0xD310] =	vst v7;
	v10 =	vmul.f32 v34, v10  }
0x1e4: {  	v6 =	vadd.s32 $0x6, v6;
	s9 =	sand.u32 $0x3FFFFFD0, s14;
	v7 =	vshrl.u32 v39, $0x3;
	s14 =	sor.u32 $0x3E, s6;
	v9 =	vld.idx.msk [tilespmem:v9+s1+$0x0], $0xffff  }
0x1e5: {  	s26 =	sshll.u32 s15, $0x4;
	v6 =	vbroadcast v6, $0x0;
	v40 =	vld [tilespmem:s9+$0xD310];
	v7 =	vshll.u32 v7, v1;
	v41 =	vmov s14;
	[tilespmem:s7+$0xD310] =	vst v10  }
0x1e6: {  	v3 =	vmul.f32 v36, v3;
	v7 =	vadd.s32 $0x6, v7;
	s7 =	sand.u32 $0x3FFFFFD0, s26;
	v42 =	vshrl.u32 v41, $0x3;
	v4 =	vld.idx.msk [tilespmem:v4+s1+$0x0], $0xffff  }
0x1e7: {  	s15 =	sshllo.u32 s24, $0x4;
	v7 =	vbroadcast v7, $0x0;
	v44 =	vld [tilespmem:s7+$0xD310];
	v11 =	vshll.u32 v42, v1  }
0x1e8: {  	s24 =	sshll.u32 s25, $0x4;
	v43 =	vmov s15;
	[tilespmem:s11+$0xD310] =	vst v3;
	v8 =	vmul.f32 v38, v8;
	v11 =	vadd.s32 $0x6, v11  }
0x1e9: {  	v3 =	vshrl.u32 v43, $0x3;
	s11 =	sand.u32 $0x3FFFFFE0, s24;
	s24 =	sor.u32 $0x1F, s6;
	v5 =	vld.idx.msk [tilespmem:v5+s1+$0x0], $0xffff;
	v11 =	vbroadcast v11, $0x0  }
0x1ea: {  	s25 =	sshll.u32 s16, $0x4;
	s26 =	sor.u32 $0x2F, s6;
	v3 =	vshll.u32 v3, v1;
	v45 =	vld [tilespmem:s11+$0xD310];
	v46 =	vmov s24;
	[tilespmem:s10+$0xD310] =	vst v8;
	v9 =	vmul.f32 v40, v9  }
0x1eb: {  	v48 =	vmov s26;
	v3 =	vadd.s32 $0x7, v3;
	s10 =	sand.u32 $0x3FFFFFE0, s25;
	v8 =	vshrl.u32 v46, $0x3;
	v6 =	vld.idx.msk [tilespmem:v6+s1+$0x0], $0xffff  }
0x1ec: {  	s12 =	sshll.u32 s12, $0x4;
	v3 =	vbroadcast v3, $0x0;
	v47 =	vld [tilespmem:s10+$0xD310];
	v8 =	vshll.u32 v8, v1;
	[tilespmem:s9+$0xD310] =	vst v9;
	v4 =	vmul.f32 v44, v4  }
0x1ed: {  	v10 =	vshrl.u32 v48, $0x3;
	s6 =	sor.u32 $0x3F, s6;
	v8 =	vadd.s32 $0x7, v8;
	s9 =	sand.u32 $0x3FFFFFE0, s12;
	v7 =	vld.idx.msk [tilespmem:v7+s1+$0x0], $0xffff  }
0x1ee: {  	s14 =	sshll.u32 s14, $0x4;
	v10 =	vshll.u32 v10, v1;
	v51 =	vmov s6;
	v49 =	vbroadcast v8, $0x0;
	v50 =	vld [tilespmem:s9+$0xD310];
	[tilespmem:s7+$0xD310] =	vst v4  }
0x1ef: {  	v10 =	vadd.s32 $0x7, v10;
	v52 =	vshrl.u32 v51, $0x3;
	v5 =	vmul.f32 v45, v5;
	s7 =	sand.u32 $0x3FFFFFE0, s14;
	v11 =	vld.idx.msk [tilespmem:v11+s1+$0x0], $0xffff  }
0x1f0: {  	v10 =	vbroadcast v10, $0x0;
	v12 =	vshll.u32 v52, v1;
	v53 =	vld [tilespmem:s7+$0xD310]  }
0x1f1: {  	s15 =	sshll.u32 s15, $0x4;
	v55 =	vadd.s32 $0x7, v12;
	[tilespmem:s11+$0xD310] =	vst v5;
	v54 =	vmul.f32 v47, v6  }
0x1f2: {  	s11 =	sand.u32 $0x3FFFFFF0, s15;
	v6 =	vbroadcast v55, $0x0;
	v3 =	vld.idx.msk [tilespmem:v3+s1+$0x0], $0xffff  }
0x1f3: {  	s25 =	sshll.u32 s24, $0x4;
	v57 =	vld [tilespmem:s11+$0xD310];
	[tilespmem:s10+$0xD310] =	vst v54;
	v56 =	vmul.f32 v50, v7  }
0x1f4: {  	s10 =	sand.u32 $0x3FFFFFF0, s25;
	v4 =	vld.idx.msk [tilespmem:v49+s1+$0x0], $0xffff  }
0x1f5: {  	s26 =	sshll.u32 s26, $0x4;
	v58 =	vld [tilespmem:s10+$0xD310];
	[tilespmem:s9+$0xD310] =	vst v56;
	v59 =	vmul.f32 v53, v11  }
0x1f6: {  	s9 =	sand.u32 $0x3FFFFFF0, s26;
	v60 =	vld.idx.msk [tilespmem:v10+s1+$0x0], $0xffff  }
0x1f7: {  	s6 =	sshll.u32 s6, $0x4;
	v61 =	vld [tilespmem:s9+$0xD310];
	[tilespmem:s7+$0xD310] =	vst v59  }
0x1f8: {  	s6 =	sand.u32 $0x3FFFFFF0, s6;
	v6 =	vld.idx.msk [tilespmem:v6+s1+$0x0], $0xffff  }
0x1f9: {  	v62 =	vld [tilespmem:s6+$0xD310];
	_ =	sdelay $0x1  }
0x1fa: {  	p1 =	por p0, p0;
	v3 =	vmul.f32 v57, v3  }
.Ltmp2:
0x1fb: {  	v4 =	vmul.f32 v58, v4;
	(pc) =	sbr.rel @p1 .LBB2_7-.Ltmp2, $4  }
0x1fc: {  	[tilespmem:s11+$0xD310] =	vst v3;
	v3 =	vmul.f32 v61, v60  }
0x1fd: {  	[tilespmem:s10+$0xD310] =	vst v4;
	v63 =	vmul.f32 v62, v6  }
0x1fe: {  	[tilespmem:s9+$0xD310] =	vst v3  }
0x1ff: {  	p0 =	por $0x0, $0x0;
	s24 =	simm.s32 $0x4;
	[tilespmem:s6+$0xD310] =	vst v63  }
0x200: {  	s6 =	sadd.s32 $0x2900, s20  }
0x201: {  	[spmem:s3] =	stream.indirect.scatter.add.f32 [tilespmem:s28], [sflag:$0x3], $0x10, s6, s18, $0xb8;
	[tilespmem:$0x13110] =	vst v63  }
0x202: {  	s2 =	sadd.s32 $0x1, s2;
	_ =	swait.ge [sflag:s17], $0x800  }
0x203: {  	p0 =	sne.s32 s2, $0x29;
	[sflag:s17] =	ssyncset.done $0x0  }
.Ltmp3:
0x204: {  	[sflag:s17] =	ssyncadd.s32 $0xFFFFF800;
	(pc) =	sbr.rel @p0 .LBB2_4-.Ltmp3, $4  }
0x205: {  	[spmem:s4] =	stream.indirect.scatter.add.f32 [tilespmem:s1], [sflag:$0x3], $0x1, s6, s18, $0xb8;
	[tilespmem:$0x13110] =	vst v63  }
0x206: {  	_ =	swait.ge [sflag:s17], $0x80  }
0x207: {  	[sflag:s17] =	ssyncset.done $0x0  }
0x208: {  	[sflag:s17] =	ssyncadd.s32 $0xFFFFFF80  }
0x209: {  	[bflag:$0x0] =	sbarrier.arrive $0xFFFF;
	s7 =	simm.s32 $0xDE90  }
0x20a: {  	[tilespmem:s7], [sflag:$0x3] =	stream.linear.gather [spmem:s13], $0x2800, $0x38;
	[tilespmem:$0x13110] =	vst v63  }
0x20b: {  	_ =	swait.ge [sflag:s17], $0x2800  }
0x20c: {  	[sflag:s17] =	ssyncset.done $0x0  }
0x20d: {  	s2 =	rddreg [dreg:$0xb];
	[sflag:s17] =	ssyncadd.s32 $0xFFFFD800  }
0x20e: {  	[hbm4b:s2+s5] =	stream.linear.scatter [tilespmem:s7], [sflag:$0x3], $0x2800, $0x38;
	[tilespmem:$0x13110] =	vst v63  }
0x20f: {  	_ =	swait.ge [sflag:s17], $0x2800  }
0x210: {  	[sflag:s17] =	ssyncset.done $0x0  }
0x211: {  	s11 =	simm.s32 $0xDC10;
	s9 =	rddreg [dreg:$0xa];
	[sflag:s17] =	ssyncadd.s32 $0xFFFFD800  }
0x212: {  	[tilespmem:s11], [sflag:$0x3] =	stream.linear.gather [spmem:s9], $0x280, $0x38;
	[tilespmem:$0x13110] =	vst v63  }
0x213: {  	_ =	swait.ge [sflag:s17], $0x280  }
0x214: {  	[sflag:s17] =	ssyncset.done $0x0  }
0x215: {  	s25 =	rddreg [dreg:$0xc];
	[sflag:s17] =	ssyncadd.s32 $0xFFFFFD80  }
0x216: {  	[hbm4b:s25+s5] =	stream.linear.scatter [tilespmem:s11], [sflag:$0x3], $0x280, $0x38;
	[tilespmem:$0x13110] =	vst v63  }
0x217: {  	_ =	swait.ge [sflag:s17], $0x280  }
0x218: {  	s0 =	sadd.s32 $0x1, s0;
	s26 =	rddreg [dreg:$0xd]  }
0x219: {  	p0 =	sne.s32 s0, s26  }
.Ltmp4:
0x21a: {  	_ = 	snop;
	(pc) =	sbr.rel @p0 .LBB2_1-.Ltmp4, $3  }
0x21b: {  	_ =	sdelay $0x1  }
0x21c: {  	[sflag:s17] =	ssyncset.done $0x0  }
0x21d: {  	s10 =	smov.u32 s13;
	[sflag:s17] =	ssyncadd.s32 $0xFFFFFD80  }
0x21e: {  	_ =	sfence.sel $0x180000  }
0x21f: {  	[bflag:$0x0] =	sbarrier.arrive $0xFFFF  }
0x220: {  	_ =	strace $0x90000047  }
0x221: {  	s0 =	stileid.u32;
	[bflag:$0x2] =	sbarrier.arrive $0xFFFF  }
0x222: {  	p0 =	sne.s32 s0, $0x0;
	s0 =	rddreg [dreg:$0x4]  }
0x223: {  	s0 =	sadd.s32 @!p0 $0x100000, s0  }
0x224: {  	[sflag:s0] =	ssyncadd.tile.s32 @!p0 $0x1;
	_ =	shalt  }
.Lfunc_end2:
_tile_overlayer_lowered:
.L_overlay_start_2:
0x225: {  	(tag) =	ssettag $0x2  }
0x226: {  	s0 =	rddreg [dreg:$0x0];
	s2 =	stileid.u32  }
0x227: {  	s1 =	rddreg [dreg:$0x1];
	p0 =	sne.s32 s2, $0x0  }
0x228: {  	s3 =	rddreg [dreg:$0x2];
	[bflag:$0x3] =	sbarrier.arrive $0xFFFF;
	s2 =	simm.s32 @!p0 $0x1C03  }
0x229: {  	[timem:s3], [sflag:s2] =	dma.local @!p0 [hbm:s0], s1  }
0x22a: {  	s0 =	simm.s32 @!p0 $0x3  }
0x22b: {  	_ =	swait.ge @!p0 [sflag:s0], s1  }
0x22c: {  	s1 =	ssub.s32 @!p0 $0x0, s1;
	[sflag:s0] =	ssyncset.done @!p0 $0x0  }
0x22d: {  	[sflag:s0] =	ssyncadd.s32 @!p0 s1  }
0x22e: {  	[bflag:$0x3] =	sbarrier.arrive $0xFFFF  }
0x22f: {  	_ =	shalt  }

</sc_bundles>
